<compile_context>
chip_gen: v7x
topology: tpu7x:2x2x1
jax: 0.10.2.dev20260603
libtpu: 0.0.44.dev20260713+nightly
codegen_flags: <defaults>
</compile_context>

<pallas_src>
import functools

import jax
import jax.numpy as jnp
from jax import lax
from jax.experimental import pallas as pl
from jax.experimental.pallas import tpu as pltpu
from jax.experimental.pallas import tpu_sc as plsc

N_NODES = 10000
D = 128
NEG_SLOPE = 0.2

NC, NS, L = 2, 16, 16
NW = NC * NS
N_PAD = 10240
E_REAL = N_NODES + 320000
CHUNK = 128
N_CHUNKS = 81
EPT = CHUNK * N_CHUNKS
E_PAD = NW * EPT
ROWS_2D = NW * N_CHUNKS
STRIPE = N_PAD // NS
C0, C1 = 100, 62

_mesh = plsc.VectorSubcoreMesh(core_axis_name="c", subcore_axis_name="s")
_sc_params = pltpu.CompilerParams(use_tc_tiling_on_sc=False,
                                  needs_layout_passes=False)


def _pre_body(x_ref, w_ref, asv_ref, adv_ref, h_ref, as_ref, ad_ref):
    h = jnp.dot(x_ref[...], w_ref[...], preferred_element_type=jnp.float32)
    h_ref[...] = h
    as_ref[...] = jnp.dot(h, asv_ref[...], preferred_element_type=jnp.float32)
    ad_ref[...] = jnp.dot(h, adv_ref[...], preferred_element_type=jnp.float32)


def _pre(x, w, as_vec, ad_vec):
    blk = 1000
    grid = N_NODES // blk
    return pl.pallas_call(
        _pre_body,
        grid=(grid,),
        in_specs=[
            pl.BlockSpec((blk, D), lambda i: (i, 0)),
            pl.BlockSpec((D, D), lambda i: (0, 0)),
            pl.BlockSpec((D, 1), lambda i: (0, 0)),
            pl.BlockSpec((D, 1), lambda i: (0, 0)),
        ],
        out_specs=[
            pl.BlockSpec((blk, D), lambda i: (i, 0)),
            pl.BlockSpec((blk, 1), lambda i: (i, 0)),
            pl.BlockSpec((blk, 1), lambda i: (i, 0)),
        ],
        out_shape=[
            jax.ShapeDtypeStruct((N_PAD, D), jnp.float32),
            jax.ShapeDtypeStruct((N_PAD, 1), jnp.float32),
            jax.ShapeDtypeStruct((N_PAD, 1), jnp.float32),
        ],
    )(x, w, as_vec, ad_vec)


@functools.partial(
    pl.kernel,
    out_type=[
        jax.ShapeDtypeStruct((NC, N_PAD), jnp.float32),
        jax.ShapeDtypeStruct((NC, N_PAD, D), jnp.float32),
    ],
    mesh=_mesh,
    scratch_types=[
        pltpu.VMEM((2, 2, CHUNK), jnp.int32),
        pltpu.VMEM((2, CHUNK), jnp.float32),
        pltpu.VMEM((2, CHUNK), jnp.float32),
        pltpu.VMEM((2, CHUNK), jnp.float32),
        pltpu.VMEM((STRIPE,), jnp.float32),
        pltpu.VMEM((2, CHUNK, D), jnp.float32),
        pltpu.VMEM_SHARED((N_PAD, D), jnp.float32),
        pltpu.VMEM_SHARED((N_PAD,), jnp.float32),
        pltpu.SemaphoreType.DMA,
        pltpu.SemaphoreType.DMA,
        pltpu.SemaphoreType.DMA,
        pltpu.SemaphoreType.DMA,
    ],
    compiler_params=_sc_params,
)
def _edge_pass(h_hbm, asrc_hbm, adst_hbm, ei_hbm, denom_hbm, out_hbm,
               idx_v, asb_v, adb_v, wv_v, dstage_v, rowb_v, out_sh, denom_sh,
               gsem, lsem, ssem, dsem):
    cid = lax.axis_index("c")
    sid = lax.axis_index("s")
    nch = jnp.where(cid == 0, C0, C1)
    base = cid * NS * C0 + sid * nch

    def zrow(j, _):
        for v in range(D // L):
            rowb_v[0, j, pl.ds(v * L, L)] = jnp.zeros((L,), jnp.float32)
        return _
    lax.fori_loop(0, CHUNK, zrow, None)
    for t in range(STRIPE // CHUNK):
        pltpu.sync_copy(rowb_v.at[0],
                        out_sh.at[pl.ds(sid * STRIPE + t * CHUNK, CHUNK)])
    def zden(k, _):
        dstage_v[pl.ds(k * L, L)] = jnp.zeros((L,), jnp.float32)
        return _
    lax.fori_loop(0, STRIPE // L, zden, None)
    pltpu.sync_copy(dstage_v, denom_sh.at[pl.ds(sid * STRIPE, STRIPE)])
    plsc.subcore_barrier()

    def fetch(c, slot):
        row = base + c
        pltpu.sync_copy(ei_hbm.at[row], idx_v.at[slot])
        pltpu.async_copy(asrc_hbm.at[idx_v.at[slot, 0]], asb_v.at[slot], lsem)
        pltpu.async_copy(adst_hbm.at[idx_v.at[slot, 1]], adb_v.at[slot], lsem)
        pltpu.async_copy(h_hbm.at[idx_v.at[slot, 0]], rowb_v.at[slot], gsem)

    fetch(0, 0)

    def chunk_body(c, _):
        slot = lax.rem(c, 2)
        nslot = lax.rem(c + 1, 2)

        @pl.when(c + 1 < nch)
        def _prefetch():
            @pl.when(c >= 1)
            def _drain_scatters():
                pltpu.make_async_copy(
                    rowb_v.at[nslot], out_sh.at[idx_v.at[nslot, 1]], ssem).wait()
                pltpu.make_async_copy(
                    wv_v.at[nslot], denom_sh.at[idx_v.at[nslot, 1]], dsem).wait()
            fetch(c + 1, nslot)

        pltpu.make_async_copy(
            asrc_hbm.at[idx_v.at[slot, 0]], asb_v.at[slot], lsem).wait()
        pltpu.make_async_copy(
            adst_hbm.at[idx_v.at[slot, 1]], adb_v.at[slot], lsem).wait()
        pltpu.make_async_copy(
            h_hbm.at[idx_v.at[slot, 0]], rowb_v.at[slot], gsem).wait()

        for k in range(CHUNK // L):
            e = asb_v[slot, pl.ds(k * L, L)] + adb_v[slot, pl.ds(k * L, L)]
            e = jnp.where(e >= 0.0, e, e * NEG_SLOPE)
            w = jnp.exp(e)
            gidx = (base + c) * CHUNK + k * L + lax.iota(jnp.int32, L)
            wv_v[slot, pl.ds(k * L, L)] = jnp.where(gidx < E_REAL, w, 0.0)

        pltpu.async_copy(wv_v.at[slot], denom_sh.at[idx_v.at[slot, 1]], dsem,
                         add=True)

        @plsc.parallel_loop(0, CHUNK, step=1, unroll=4)
        def scale(j):
            a = plsc.load_gather(
                wv_v, [jnp.full((L,), slot, jnp.int32),
                       jnp.full((L,), j, jnp.int32)])
            for v in range(D // L):
                rowb_v[slot, j, pl.ds(v * L, L)] = (
                    rowb_v[slot, j, pl.ds(v * L, L)] * a)

        pltpu.async_copy(rowb_v.at[slot], out_sh.at[idx_v.at[slot, 1]], ssem,
                         add=True)
        return _
    lax.fori_loop(0, nch, chunk_body, None)

    for s in range(2):
        pltpu.make_async_copy(
            rowb_v.at[s], out_sh.at[idx_v.at[s, 1]], ssem).wait()
        pltpu.make_async_copy(
            wv_v.at[s], denom_sh.at[idx_v.at[s, 1]], dsem).wait()

    plsc.subcore_barrier()
    pltpu.sync_copy(denom_sh.at[pl.ds(sid * STRIPE, STRIPE)], dstage_v)
    pltpu.sync_copy(dstage_v, denom_hbm.at[cid].at[pl.ds(sid * STRIPE, STRIPE)])
    for t in range(STRIPE // CHUNK):
        base = sid * STRIPE + t * CHUNK
        pltpu.sync_copy(out_sh.at[pl.ds(base, CHUNK)], rowb_v.at[0])
        pltpu.sync_copy(rowb_v.at[0], out_hbm.at[cid].at[pl.ds(base, CHUNK)])


@functools.partial(
    pl.kernel,
    out_type=jax.ShapeDtypeStruct((ROWS_2D, CHUNK), jnp.float32),
    mesh=_mesh,
    scratch_types=[
        pltpu.VMEM((N_PAD,), jnp.float32),
        pltpu.VMEM((N_PAD,), jnp.float32),
        pltpu.VMEM((N_PAD,), jnp.float32),
        pltpu.VMEM((N_PAD,), jnp.float32),
        pltpu.VMEM((N_CHUNKS, 2, CHUNK), jnp.int32),
        pltpu.VMEM((N_CHUNKS, CHUNK), jnp.float32),
    ],
    compiler_params=_sc_params,
)
def _alpha_pass(asrc_hbm, adst_hbm, ei_hbm, denom_hbm, alpha_hbm,
                asrc_v, adst_v, den_v, den1_v, ei_v, al_v):
    cid = lax.axis_index("c")
    sid = lax.axis_index("s")
    wid = sid * NC + cid

    pltpu.sync_copy(asrc_hbm, asrc_v)
    pltpu.sync_copy(adst_hbm, adst_v)
    pltpu.sync_copy(denom_hbm.at[0], den_v)
    pltpu.sync_copy(denom_hbm.at[1], den1_v)
    pltpu.sync_copy(ei_hbm.at[pl.ds(wid * N_CHUNKS, N_CHUNKS)], ei_v)
    def dsum(k, _):
        den_v[pl.ds(k * L, L)] = den_v[pl.ds(k * L, L)] + den1_v[pl.ds(k * L, L)]
        return _
    lax.fori_loop(0, N_PAD // L, dsum, None)

    def chunk_body(c, _):
        for k in range(CHUNK // L):
            s_idx = ei_v[c, 0, pl.ds(k * L, L)]
            d_idx = ei_v[c, 1, pl.ds(k * L, L)]
            e = plsc.load_gather(asrc_v, [s_idx]) + plsc.load_gather(adst_v, [d_idx])
            e = jnp.where(e >= 0.0, e, e * NEG_SLOPE)
            w = jnp.exp(e)
            gidx = wid * EPT + c * CHUNK + k * L + lax.iota(jnp.int32, L)
            w = jnp.where(gidx < E_REAL, w, 0.0)
            den = plsc.load_gather(den_v, [d_idx])
            al_v[c, pl.ds(k * L, L)] = w / (den + 1e-16)
        return _
    lax.fori_loop(0, N_CHUNKS, chunk_body, None)
    pltpu.sync_copy(al_v, alpha_hbm.at[pl.ds(wid * N_CHUNKS, N_CHUNKS)])


def _post_body(op_ref, den_ref, bias_ref, g_ref, b_ref, out_ref):
    d = den_ref[0] + den_ref[1] + 1e-16
    o = (op_ref[0] + op_ref[1]) / d + bias_ref[...]
    mu = jnp.mean(o, axis=-1, keepdims=True)
    var = jnp.mean((o - mu) * (o - mu), axis=-1, keepdims=True)
    out_ref[...] = (o - mu) * lax.rsqrt(var + 1e-5) * g_ref[...] + b_ref[...]


def _post(out_partials, denom_partials, bias, gamma, beta):
    blk = 1000
    grid = N_NODES // blk
    return pl.pallas_call(
        _post_body,
        grid=(grid,),
        in_specs=[
            pl.BlockSpec((NC, blk, D), lambda i: (0, i, 0)),
            pl.BlockSpec((NC, blk, 1), lambda i: (0, i, 0)),
            pl.BlockSpec((1, D), lambda i: (0, 0)),
            pl.BlockSpec((1, D), lambda i: (0, 0)),
            pl.BlockSpec((1, D), lambda i: (0, 0)),
        ],
        out_specs=pl.BlockSpec((blk, D), lambda i: (i, 0)),
        out_shape=jax.ShapeDtypeStruct((N_NODES, D), jnp.float32),
    )(out_partials, denom_partials, bias, gamma, beta)


def kernel(X, edge_index, edge_attr, W, att_src, att_dst, bias, ln_gamma, ln_beta):
    N = X.shape[0]
    loops = jnp.arange(N, dtype=edge_index.dtype)
    ei = jnp.concatenate([edge_index, jnp.stack([loops, loops], axis=0)], axis=1)

    pad = E_PAD - E_REAL
    src = jnp.concatenate([ei[0], jnp.zeros((pad,), ei.dtype)]).astype(jnp.int32)
    dst = jnp.concatenate([ei[1], jnp.zeros((pad,), ei.dtype)]).astype(jnp.int32)
    src2d = src.reshape(ROWS_2D, CHUNK)
    dst2d = dst.reshape(ROWS_2D, CHUNK)
    ei3 = jnp.stack([src2d, dst2d], axis=1)

    as_vec = att_src.reshape(D, 1)
    ad_vec = att_dst.reshape(D, 1)

    h, a_s, a_d = _pre(X, W, as_vec, ad_vec)
    a_s = a_s.reshape(N_PAD)
    a_d = a_d.reshape(N_PAD)

    denom_p, out_p = _edge_pass(h, a_s, a_d, ei3)
    alpha2d = _alpha_pass(a_s, a_d, ei3, denom_p)
    h_norm = _post(out_p, denom_p.reshape(NC, N_PAD, 1), bias.reshape(1, D),
                   ln_gamma.reshape(1, D), ln_beta.reshape(1, D))

    alpha = alpha2d.reshape(E_PAD)[:E_REAL].reshape(E_REAL, 1)
    return (h_norm, edge_index, edge_attr, ei, alpha)

# --- scband reference (transcript-rebuilt; emitter-appended) ---
"""Pipeline reference for scband-gat-layer-32401233281690 (READ-ONLY COPY).

The authoritative reference and input builder live on the scoring server;
editing this copy changes nothing except your own understanding.
"""

import jax, jax.numpy as jnp
import numpy as np

N_NODES = 10000
N_EDGES = 320000
D_IN = 128
D_OUT = 128
HEADS = 1
NEG_SLOPE = 0.2

def setup_inputs(seed: int = 0) -> dict:
    key = jax.random.key(seed)
    ks = jax.random.split(key, 10)
    X = jax.random.normal(ks[0], (N_NODES, D_IN), dtype=jnp.float32)
    edge_index = jax.random.randint(ks[1], (2, N_EDGES), 0, N_NODES, dtype=jnp.int64 if jax.config.jax_enable_x64 else jnp.int32).astype(jnp.int32)
    edge_attr = jax.random.normal(ks[2], (N_EDGES, 16), dtype=jnp.float32)
    # GATConv params (glorot init), heads=1, concat=False
    fan = D_IN + HEADS * D_OUT
    lim = float(np.sqrt(6.0 / fan))
    W = jax.random.uniform(ks[3], (D_IN, HEADS * D_OUT), minval=-lim, maxval=lim, dtype=jnp.float32)
    lim_a = float(np.sqrt(6.0 / (HEADS * D_OUT + 1)))
    att_src = jax.random.uniform(ks[4], (1, HEADS, D_OUT), minval=-lim_a, maxval=lim_a, dtype=jnp.float32)
    att_dst = jax.random.uniform(ks[5], (1, HEADS, D_OUT), minval=-lim_a, maxval=lim_a, dtype=jnp.float32)
    bias = jnp.zeros((D_OUT,), dtype=jnp.float32)
    ln_gamma = jnp.ones((D_OUT,), dtype=jnp.float32)
    ln_beta = jnp.zeros((D_OUT,), dtype=jnp.float32)
    return {"X": X, "edge_index": edge_index, "edge_attr": edge_attr, "W": W, "att_src": att_src, "att_dst": att_dst, "bias": bias, "ln_gamma": ln_gamma, "ln_beta": ln_beta}

def reference(X, edge_index, edge_attr, W, att_src, att_dst, bias, ln_gamma, ln_beta):
    N = X.shape[0]
    # PyG GATConv default add_self_loops=True
    loops = jnp.arange(N, dtype=edge_index.dtype)
    ei = jnp.concatenate([edge_index, jnp.stack([loops, loops], axis=0)], axis=1)
    src, dst = ei[0], ei[1]
    # linear transform
    h = (X @ W).reshape(N, HEADS, D_OUT)
    alpha_src = (h * att_src).sum(axis=-1)  # [N, H]
    alpha_dst = (h * att_dst).sum(axis=-1)  # [N, H]
    e = alpha_src[src] + alpha_dst[dst]      # [E, H]  (gather)
    e = jax.nn.leaky_relu(e, NEG_SLOPE)
    # segment softmax over destination nodes
    m = jax.ops.segment_max(e, dst, num_segments=N)
    m = jnp.where(jnp.isfinite(m), m, 0.0)
    e = jnp.exp(e - m[dst])
    denom = jax.ops.segment_sum(e, dst, num_segments=N)
    alpha = e / (denom[dst] + 1e-16)         # attention weights [E, H]
    msg = h[src] * alpha[:, :, None]          # gather + weight
    out = jax.ops.segment_sum(msg, dst, num_segments=N)  # scatter-add [N, H, C]
    out = out.mean(axis=1) + bias             # concat=False -> mean over heads
    # LayerNorm (self.act_norm)
    mu = out.mean(axis=-1, keepdims=True)
    var = out.var(axis=-1, keepdims=True)
    H_norm = (out - mu) / jnp.sqrt(var + 1e-5) * ln_gamma + ln_beta
    # original returns (H_norm, E, attr, attention_list) with attention_list appended (edge_index, weights)
    return (H_norm, edge_index, edge_attr, ei, alpha)

if __name__ == "__main__":
    import jax
    _d = setup_inputs()
    print(jax.jit(kernel)(*tuple(_d.values())))

</pallas_src>

<mosaic_0001>
#map = affine_map<(d0, d1) -> (0, 0)>
#map1 = affine_map<(d0, d1) -> (0)>
#map2 = affine_map<(d0, d1) -> (0, 0, 0)>
module attributes {stable_mosaic.version = 14 : i64} {
  func.func @_edge_pass(%arg0: i32, %arg1: i32, %arg2: memref<10240x128xf32, #tpu.memory_space<hbm>>, %arg3: memref<10240xf32, #tpu.memory_space<hbm>>, %arg4: memref<10240xf32, #tpu.memory_space<hbm>>, %arg5: memref<2592x2x128xi32, #tpu.memory_space<hbm>>, %arg6: memref<2x10240xf32, #tpu.memory_space<hbm>>, %arg7: memref<2x10240x128xf32, #tpu.memory_space<hbm>>, %arg8: memref<2x2x128xi32, #tpu.memory_space<vmem>>, %arg9: memref<2x128xf32, #tpu.memory_space<vmem>>, %arg10: memref<2x128xf32, #tpu.memory_space<vmem>>, %arg11: memref<2x128xf32, #tpu.memory_space<vmem>>, %arg12: memref<640xf32, #tpu.memory_space<vmem>>, %arg13: memref<2x128x128xf32, #tpu.memory_space<vmem>>, %arg14: memref<10240x128xf32, #tpu.memory_space<vmem_shared>>, %arg15: memref<10240xf32, #tpu.memory_space<vmem_shared>>, %arg16: memref<!tpu.dma_semaphore, #tpu.memory_space<semaphore_mem>>, %arg17: memref<!tpu.dma_semaphore, #tpu.memory_space<semaphore_mem>>, %arg18: memref<!tpu.dma_semaphore, #tpu.memory_space<semaphore_mem>>, %arg19: memref<!tpu.dma_semaphore, #tpu.memory_space<semaphore_mem>>) attributes {dimension_semantics = [#tpu.dimension_semantics<core_parallel>, #tpu.dimension_semantics<subcore_parallel>], iteration_bounds = array<i64: 2, 16>, scalar_prefetch = 0 : i64, scratch_operands = 12 : i64, tpu.core_type = #tpu.core_type<sc_vector_subcore>, window_params = [{transform_indices = #map}, {transform_indices = #map1}, {transform_indices = #map1}, {transform_indices = #map2}, {transform_indices = #map}, {transform_indices = #map2}]} {
    %eq3A = arith.constant 0 : i32
    %eq3A_0 = arith.cmpi eq, %arg0, %eq3A : i32
    %jit3A = arith.constant 100 : i32
    %jit3A_1 = arith.constant 62 : i32
    %select_n3A = arith.select %eq3A_0, %jit3A, %jit3A_1 : i32
    %mul3A = arith.constant 16 : i32
    %mul3A_2 = arith.muli %arg0, %mul3A : i32
    %mul3A_3 = arith.constant 100 : i32
    %mul3A_4 = arith.muli %mul3A_2, %mul3A_3 : i32
    %mul3A_5 = arith.muli %arg1, %select_n3A : i32
    %add3A = arith.addi %mul3A_4, %mul3A_5 : i32
    %scan3A = arith.constant 0 : i32
    %scan3A_6 = arith.constant 128 : i32
    %scan3A_7 = arith.addi %scan3A, %scan3A_6 : i32
    %scan3A_8 = arith.constant 1 : i32
    scf.for %scan3A_168 = %scan3A to %scan3A_7 step %scan3A_8  : i32 {
      %broadcast_in_dim3A = arith.constant 0.000000e+00 : f32
      %broadcast_in_dim3A_169 = vector.broadcast %broadcast_in_dim3A : f32 to vector<16xf32>
      %swap3A = arith.constant 0 : i32
      %swap3A_170 = arith.index_cast %swap3A : i32 to index
      %swap3A_171 = arith.index_cast %scan3A_168 : i32 to index
      %swap3A_172 = arith.constant 0 : index
      %swap3A_173 = tpu.vector_load %arg13[%swap3A_170, %swap3A_171, %swap3A_172] {strides = array<i32>} : memref<2x128x128xf32, #tpu.memory_space<vmem>>, vector<16xf32>,
      tpu.vector_store %arg13[%swap3A_170, %swap3A_171, %swap3A_172], %broadcast_in_dim3A_169 {strides = array<i32>} : memref<2x128x128xf32, #tpu.memory_space<vmem>>, vector<16xf32>,
      %broadcast_in_dim3A_174 = arith.constant 0.000000e+00 : f32
      %broadcast_in_dim3A_175 = vector.broadcast %broadcast_in_dim3A_174 : f32 to vector<16xf32>
      %swap3A_176 = arith.constant 0 : i32
      %swap3A_177 = arith.index_cast %swap3A_176 : i32 to index
      %swap3A_178 = arith.index_cast %scan3A_168 : i32 to index
      %swap3A_179 = arith.constant 16 : index
      %swap3A_180 = tpu.vector_load %arg13[%swap3A_177, %swap3A_178, %swap3A_179] {strides = array<i32>} : memref<2x128x128xf32, #tpu.memory_space<vmem>>, vector<16xf32>,
      tpu.vector_store %arg13[%swap3A_177, %swap3A_178, %swap3A_179], %broadcast_in_dim3A_175 {strides = array<i32>} : memref<2x128x128xf32, #tpu.memory_space<vmem>>, vector<16xf32>,
      %broadcast_in_dim3A_181 = arith.constant 0.000000e+00 : f32
      %broadcast_in_dim3A_182 = vector.broadcast %broadcast_in_dim3A_181 : f32 to vector<16xf32>
      %swap3A_183 = arith.constant 0 : i32
      %swap3A_184 = arith.index_cast %swap3A_183 : i32 to index
      %swap3A_185 = arith.index_cast %scan3A_168 : i32 to index
      %swap3A_186 = arith.constant 32 : index
      %swap3A_187 = tpu.vector_load %arg13[%swap3A_184, %swap3A_185, %swap3A_186] {strides = array<i32>} : memref<2x128x128xf32, #tpu.memory_space<vmem>>, vector<16xf32>,
      tpu.vector_store %arg13[%swap3A_184, %swap3A_185, %swap3A_186], %broadcast_in_dim3A_182 {strides = array<i32>} : memref<2x128x128xf32, #tpu.memory_space<vmem>>, vector<16xf32>,
      %broadcast_in_dim3A_188 = arith.constant 0.000000e+00 : f32
      %broadcast_in_dim3A_189 = vector.broadcast %broadcast_in_dim3A_188 : f32 to vector<16xf32>
      %swap3A_190 = arith.constant 0 : i32
      %swap3A_191 = arith.index_cast %swap3A_190 : i32 to index
      %swap3A_192 = arith.index_cast %scan3A_168 : i32 to index
      %swap3A_193 = arith.constant 48 : index
      %swap3A_194 = tpu.vector_load %arg13[%swap3A_191, %swap3A_192, %swap3A_193] {strides = array<i32>} : memref<2x128x128xf32, #tpu.memory_space<vmem>>, vector<16xf32>,
      tpu.vector_store %arg13[%swap3A_191, %swap3A_192, %swap3A_193], %broadcast_in_dim3A_189 {strides = array<i32>} : memref<2x128x128xf32, #tpu.memory_space<vmem>>, vector<16xf32>,
      %broadcast_in_dim3A_195 = arith.constant 0.000000e+00 : f32
      %broadcast_in_dim3A_196 = vector.broadcast %broadcast_in_dim3A_195 : f32 to vector<16xf32>
      %swap3A_197 = arith.constant 0 : i32
      %swap3A_198 = arith.index_cast %swap3A_197 : i32 to index
      %swap3A_199 = arith.index_cast %scan3A_168 : i32 to index
      %swap3A_200 = arith.constant 64 : index
      %swap3A_201 = tpu.vector_load %arg13[%swap3A_198, %swap3A_199, %swap3A_200] {strides = array<i32>} : memref<2x128x128xf32, #tpu.memory_space<vmem>>, vector<16xf32>,
      tpu.vector_store %arg13[%swap3A_198, %swap3A_199, %swap3A_200], %broadcast_in_dim3A_196 {strides = array<i32>} : memref<2x128x128xf32, #tpu.memory_space<vmem>>, vector<16xf32>,
      %broadcast_in_dim3A_202 = arith.constant 0.000000e+00 : f32
      %broadcast_in_dim3A_203 = vector.broadcast %broadcast_in_dim3A_202 : f32 to vector<16xf32>
      %swap3A_204 = arith.constant 0 : i32
      %swap3A_205 = arith.index_cast %swap3A_204 : i32 to index
      %swap3A_206 = arith.index_cast %scan3A_168 : i32 to index
      %swap3A_207 = arith.constant 80 : index
      %swap3A_208 = tpu.vector_load %arg13[%swap3A_205, %swap3A_206, %swap3A_207] {strides = array<i32>} : memref<2x128x128xf32, #tpu.memory_space<vmem>>, vector<16xf32>,
      tpu.vector_store %arg13[%swap3A_205, %swap3A_206, %swap3A_207], %broadcast_in_dim3A_203 {strides = array<i32>} : memref<2x128x128xf32, #tpu.memory_space<vmem>>, vector<16xf32>,
      %broadcast_in_dim3A_209 = arith.constant 0.000000e+00 : f32
      %broadcast_in_dim3A_210 = vector.broadcast %broadcast_in_dim3A_209 : f32 to vector<16xf32>
      %swap3A_211 = arith.constant 0 : i32
      %swap3A_212 = arith.index_cast %swap3A_211 : i32 to index
      %swap3A_213 = arith.index_cast %scan3A_168 : i32 to index
      %swap3A_214 = arith.constant 96 : index
      %swap3A_215 = tpu.vector_load %arg13[%swap3A_212, %swap3A_213, %swap3A_214] {strides = array<i32>} : memref<2x128x128xf32, #tpu.memory_space<vmem>>, vector<16xf32>,
      tpu.vector_store %arg13[%swap3A_212, %swap3A_213, %swap3A_214], %broadcast_in_dim3A_210 {strides = array<i32>} : memref<2x128x128xf32, #tpu.memory_space<vmem>>, vector<16xf32>,
      %broadcast_in_dim3A_216 = arith.constant 0.000000e+00 : f32
      %broadcast_in_dim3A_217 = vector.broadcast %broadcast_in_dim3A_216 : f32 to vector<16xf32>
      %swap3A_218 = arith.constant 0 : i32
      %swap3A_219 = arith.index_cast %swap3A_218 : i32 to index
      %swap3A_220 = arith.index_cast %scan3A_168 : i32 to index
      %swap3A_221 = arith.constant 112 : index
      %swap3A_222 = tpu.vector_load %arg13[%swap3A_219, %swap3A_220, %swap3A_221] {strides = array<i32>} : memref<2x128x128xf32, #tpu.memory_space<vmem>>, vector<16xf32>,
      tpu.vector_store %arg13[%swap3A_219, %swap3A_220, %swap3A_221], %broadcast_in_dim3A_217 {strides = array<i32>} : memref<2x128x128xf32, #tpu.memory_space<vmem>>, vector<16xf32>,
    }
    %scan3A_9 = arith.constant 128 : i32
    %mul3A_10 = arith.constant 640 : i32
    %mul3A_11 = arith.muli %arg1, %mul3A_10 : i32
    %add3A_12 = arith.constant 0 : i32
    %add3A_13 = arith.addi %mul3A_11, %add3A_12 : i32
    %run_scoped3A = arith.constant 0 : i32
    "tpu.region"() ({
      %run_scoped3A_168 = tpu.sem_alloc : memref<!tpu.dma_semaphore, #tpu.memory_space<semaphore_mem>>
      %dma_start3A_169 = arith.constant 0 : i32
      %dma_start3A_170 = arith.constant 0 : i32
      %dma_start3A_171 = tpu.memref_slice %arg13[%run_scoped3A, %dma_start3A_169, %dma_start3A_170] : memref<2x128x128xf32, #tpu.memory_space<vmem>> -> memref<1x128x128xf32, #tpu.memory_space<vmem>>
      %dma_start3A_172 = tpu.memref_squeeze %dma_start3A_171 : memref<1x128x128xf32, #tpu.memory_space<vmem>> -> memref<128x128xf32, #tpu.memory_space<vmem>>
      %dma_start3A_173 = arith.constant 0 : i32
      %dma_start3A_174 = tpu.memref_slice %arg14[%add3A_13, %dma_start3A_173] : memref<10240x128xf32, #tpu.memory_space<vmem_shared>> -> memref<128x128xf32, #tpu.memory_space<vmem_shared>>
      %dma_start3A_175 = arith.constant 0 : i32
      %dma_start3A_176 = tpu.memref_slice %arg14[%add3A_13, %dma_start3A_175] : memref<10240x128xf32, #tpu.memory_space<vmem_shared>> -> memref<128x128xf32, #tpu.memory_space<vmem_shared>>
      %dma_start3A_177 = arith.constant 0 : i32
      %dma_start3A_178 = arith.constant 0 : i32
      %dma_start3A_179 = tpu.memref_slice %arg13[%run_scoped3A, %dma_start3A_177, %dma_start3A_178] : memref<2x128x128xf32, #tpu.memory_space<vmem>> -> memref<1x128x128xf32, #tpu.memory_space<vmem>>
      %dma_start3A_180 = tpu.memref_squeeze %dma_start3A_179 : memref<1x128x128xf32, #tpu.memory_space<vmem>> -> memref<128x128xf32, #tpu.memory_space<vmem>>
      tpu.enqueue_dma source(%dma_start3A_180 : memref<128x128xf32, #tpu.memory_space<vmem>>) target(%dma_start3A_176 : memref<128x128xf32, #tpu.memory_space<vmem_shared>>) target_semaphore(%run_scoped3A_168 : memref<!tpu.dma_semaphore, #tpu.memory_space<semaphore_mem>>)
      %dma_wait3A_181 = arith.constant 0 : i32
      %dma_wait3A_182 = arith.constant 0 : i32
      %dma_wait3A_183 = tpu.memref_slice %arg13[%run_scoped3A, %dma_wait3A_181, %dma_wait3A_182] : memref<2x128x128xf32, #tpu.memory_space<vmem>> -> memref<1x128x128xf32, #tpu.memory_space<vmem>>
      %dma_wait3A_184 = tpu.memref_squeeze %dma_wait3A_183 : memref<1x128x128xf32, #tpu.memory_space<vmem>> -> memref<128x128xf32, #tpu.memory_space<vmem>>
      %dma_wait3A_185 = arith.constant 0 : i32
      %dma_wait3A_186 = tpu.memref_slice %arg14[%add3A_13, %dma_wait3A_185] : memref<10240x128xf32, #tpu.memory_space<vmem_shared>> -> memref<128x128xf32, #tpu.memory_space<vmem_shared>>
      %dma_wait3A_187 = arith.constant 0 : i32
      %dma_wait3A_188 = tpu.memref_slice %arg14[%add3A_13, %dma_wait3A_187] : memref<10240x128xf32, #tpu.memory_space<vmem_shared>> -> memref<128x128xf32, #tpu.memory_space<vmem_shared>>
      %dma_wait3A_189 = arith.constant 0 : i32
      %dma_wait3A_190 = arith.constant 0 : i32
      %dma_wait3A_191 = tpu.memref_slice %arg13[%run_scoped3A, %dma_wait3A_189, %dma_wait3A_190] : memref<2x128x128xf32, #tpu.memory_space<vmem>> -> memref<1x128x128xf32, #tpu.memory_space<vmem>>
      %dma_wait3A_192 = tpu.memref_squeeze %dma_wait3A_191 : memref<1x128x128xf32, #tpu.memory_space<vmem>> -> memref<128x128xf32, #tpu.memory_space<vmem>>
      tpu.wait_dma2 semaphore(%run_scoped3A_168 : memref<!tpu.dma_semaphore, #tpu.memory_space<semaphore_mem>>) src(%dma_wait3A_192 : memref<128x128xf32, #tpu.memory_space<vmem>>) dst(%dma_wait3A_188 : memref<128x128xf32, #tpu.memory_space<vmem_shared>>)
      tpu.yield
    }) : () -> ()
    %mul3A_14 = arith.constant 640 : i32
    %mul3A_15 = arith.muli %arg1, %mul3A_14 : i32
    %add3A_16 = arith.constant 128 : i32
    %add3A_17 = arith.addi %mul3A_15, %add3A_16 : i32
    %run_scoped3A_18 = arith.constant 0 : i32
    "tpu.region"() ({
      %run_scoped3A_168 = tpu.sem_alloc : memref<!tpu.dma_semaphore, #tpu.memory_space<semaphore_mem>>
      %dma_start3A_169 = arith.constant 0 : i32
      %dma_start3A_170 = arith.constant 0 : i32
      %dma_start3A_171 = tpu.memref_slice %arg13[%run_scoped3A_18, %dma_start3A_169, %dma_start3A_170] : memref<2x128x128xf32, #tpu.memory_space<vmem>> -> memref<1x128x128xf32, #tpu.memory_space<vmem>>
      %dma_start3A_172 = tpu.memref_squeeze %dma_start3A_171 : memref<1x128x128xf32, #tpu.memory_space<vmem>> -> memref<128x128xf32, #tpu.memory_space<vmem>>
      %dma_start3A_173 = arith.constant 0 : i32
      %dma_start3A_174 = tpu.memref_slice %arg14[%add3A_17, %dma_start3A_173] : memref<10240x128xf32, #tpu.memory_space<vmem_shared>> -> memref<128x128xf32, #tpu.memory_space<vmem_shared>>
      %dma_start3A_175 = arith.constant 0 : i32
      %dma_start3A_176 = tpu.memref_slice %arg14[%add3A_17, %dma_start3A_175] : memref<10240x128xf32, #tpu.memory_space<vmem_shared>> -> memref<128x128xf32, #tpu.memory_space<vmem_shared>>
      %dma_start3A_177 = arith.constant 0 : i32
      %dma_start3A_178 = arith.constant 0 : i32
      %dma_start3A_179 = tpu.memref_slice %arg13[%run_scoped3A_18, %dma_start3A_177, %dma_start3A_178] : memref<2x128x128xf32, #tpu.memory_space<vmem>> -> memref<1x128x128xf32, #tpu.memory_space<vmem>>
      %dma_start3A_180 = tpu.memref_squeeze %dma_start3A_179 : memref<1x128x128xf32, #tpu.memory_space<vmem>> -> memref<128x128xf32, #tpu.memory_space<vmem>>
      tpu.enqueue_dma source(%dma_start3A_180 : memref<128x128xf32, #tpu.memory_space<vmem>>) target(%dma_start3A_176 : memref<128x128xf32, #tpu.memory_space<vmem_shared>>) target_semaphore(%run_scoped3A_168 : memref<!tpu.dma_semaphore, #tpu.memory_space<semaphore_mem>>)
      %dma_wait3A_181 = arith.constant 0 : i32
      %dma_wait3A_182 = arith.constant 0 : i32
      %dma_wait3A_183 = tpu.memref_slice %arg13[%run_scoped3A_18, %dma_wait3A_181, %dma_wait3A_182] : memref<2x128x128xf32, #tpu.memory_space<vmem>> -> memref<1x128x128xf32, #tpu.memory_space<vmem>>
      %dma_wait3A_184 = tpu.memref_squeeze %dma_wait3A_183 : memref<1x128x128xf32, #tpu.memory_space<vmem>> -> memref<128x128xf32, #tpu.memory_space<vmem>>
      %dma_wait3A_185 = arith.constant 0 : i32
      %dma_wait3A_186 = tpu.memref_slice %arg14[%add3A_17, %dma_wait3A_185] : memref<10240x128xf32, #tpu.memory_space<vmem_shared>> -> memref<128x128xf32, #tpu.memory_space<vmem_shared>>
      %dma_wait3A_187 = arith.constant 0 : i32
      %dma_wait3A_188 = tpu.memref_slice %arg14[%add3A_17, %dma_wait3A_187] : memref<10240x128xf32, #tpu.memory_space<vmem_shared>> -> memref<128x128xf32, #tpu.memory_space<vmem_shared>>
      %dma_wait3A_189 = arith.constant 0 : i32
      %dma_wait3A_190 = arith.constant 0 : i32
      %dma_wait3A_191 = tpu.memref_slice %arg13[%run_scoped3A_18, %dma_wait3A_189, %dma_wait3A_190] : memref<2x128x128xf32, #tpu.memory_space<vmem>> -> memref<1x128x128xf32, #tpu.memory_space<vmem>>
      %dma_wait3A_192 = tpu.memref_squeeze %dma_wait3A_191 : memref<1x128x128xf32, #tpu.memory_space<vmem>> -> memref<128x128xf32, #tpu.memory_space<vmem>>
      tpu.wait_dma2 semaphore(%run_scoped3A_168 : memref<!tpu.dma_semaphore, #tpu.memory_space<semaphore_mem>>) src(%dma_wait3A_192 : memref<128x128xf32, #tpu.memory_space<vmem>>) dst(%dma_wait3A_188 : memref<128x128xf32, #tpu.memory_space<vmem_shared>>)
      tpu.yield
    }) : () -> ()
    %mul3A_19 = arith.constant 640 : i32
    %mul3A_20 = arith.muli %arg1, %mul3A_19 : i32
    %add3A_21 = arith.constant 256 : i32
    %add3A_22 = arith.addi %mul3A_20, %add3A_21 : i32
    %run_scoped3A_23 = arith.constant 0 : i32
    "tpu.region"() ({
      %run_scoped3A_168 = tpu.sem_alloc : memref<!tpu.dma_semaphore, #tpu.memory_space<semaphore_mem>>
      %dma_start3A_169 = arith.constant 0 : i32
      %dma_start3A_170 = arith.constant 0 : i32
      %dma_start3A_171 = tpu.memref_slice %arg13[%run_scoped3A_23, %dma_start3A_169, %dma_start3A_170] : memref<2x128x128xf32, #tpu.memory_space<vmem>> -> memref<1x128x128xf32, #tpu.memory_space<vmem>>
      %dma_start3A_172 = tpu.memref_squeeze %dma_start3A_171 : memref<1x128x128xf32, #tpu.memory_space<vmem>> -> memref<128x128xf32, #tpu.memory_space<vmem>>
      %dma_start3A_173 = arith.constant 0 : i32
      %dma_start3A_174 = tpu.memref_slice %arg14[%add3A_22, %dma_start3A_173] : memref<10240x128xf32, #tpu.memory_space<vmem_shared>> -> memref<128x128xf32, #tpu.memory_space<vmem_shared>>
      %dma_start3A_175 = arith.constant 0 : i32
      %dma_start3A_176 = tpu.memref_slice %arg14[%add3A_22, %dma_start3A_175] : memref<10240x128xf32, #tpu.memory_space<vmem_shared>> -> memref<128x128xf32, #tpu.memory_space<vmem_shared>>
      %dma_start3A_177 = arith.constant 0 : i32
      %dma_start3A_178 = arith.constant 0 : i32
      %dma_start3A_179 = tpu.memref_slice %arg13[%run_scoped3A_23, %dma_start3A_177, %dma_start3A_178] : memref<2x128x128xf32, #tpu.memory_space<vmem>> -> memref<1x128x128xf32, #tpu.memory_space<vmem>>
      %dma_start3A_180 = tpu.memref_squeeze %dma_start3A_179 : memref<1x128x128xf32, #tpu.memory_space<vmem>> -> memref<128x128xf32, #tpu.memory_space<vmem>>
      tpu.enqueue_dma source(%dma_start3A_180 : memref<128x128xf32, #tpu.memory_space<vmem>>) target(%dma_start3A_176 : memref<128x128xf32, #tpu.memory_space<vmem_shared>>) target_semaphore(%run_scoped3A_168 : memref<!tpu.dma_semaphore, #tpu.memory_space<semaphore_mem>>)
      %dma_wait3A_181 = arith.constant 0 : i32
      %dma_wait3A_182 = arith.constant 0 : i32
      %dma_wait3A_183 = tpu.memref_slice %arg13[%run_scoped3A_23, %dma_wait3A_181, %dma_wait3A_182] : memref<2x128x128xf32, #tpu.memory_space<vmem>> -> memref<1x128x128xf32, #tpu.memory_space<vmem>>
      %dma_wait3A_184 = tpu.memref_squeeze %dma_wait3A_183 : memref<1x128x128xf32, #tpu.memory_space<vmem>> -> memref<128x128xf32, #tpu.memory_space<vmem>>
      %dma_wait3A_185 = arith.constant 0 : i32
      %dma_wait3A_186 = tpu.memref_slice %arg14[%add3A_22, %dma_wait3A_185] : memref<10240x128xf32, #tpu.memory_space<vmem_shared>> -> memref<128x128xf32, #tpu.memory_space<vmem_shared>>
      %dma_wait3A_187 = arith.constant 0 : i32
      %dma_wait3A_188 = tpu.memref_slice %arg14[%add3A_22, %dma_wait3A_187] : memref<10240x128xf32, #tpu.memory_space<vmem_shared>> -> memref<128x128xf32, #tpu.memory_space<vmem_shared>>
      %dma_wait3A_189 = arith.constant 0 : i32
      %dma_wait3A_190 = arith.constant 0 : i32
      %dma_wait3A_191 = tpu.memref_slice %arg13[%run_scoped3A_23, %dma_wait3A_189, %dma_wait3A_190] : memref<2x128x128xf32, #tpu.memory_space<vmem>> -> memref<1x128x128xf32, #tpu.memory_space<vmem>>
      %dma_wait3A_192 = tpu.memref_squeeze %dma_wait3A_191 : memref<1x128x128xf32, #tpu.memory_space<vmem>> -> memref<128x128xf32, #tpu.memory_space<vmem>>
      tpu.wait_dma2 semaphore(%run_scoped3A_168 : memref<!tpu.dma_semaphore, #tpu.memory_space<semaphore_mem>>) src(%dma_wait3A_192 : memref<128x128xf32, #tpu.memory_space<vmem>>) dst(%dma_wait3A_188 : memref<128x128xf32, #tpu.memory_space<vmem_shared>>)
      tpu.yield
    }) : () -> ()
    %mul3A_24 = arith.constant 640 : i32
    %mul3A_25 = arith.muli %arg1, %mul3A_24 : i32
    %add3A_26 = arith.constant 384 : i32
    %add3A_27 = arith.addi %mul3A_25, %add3A_26 : i32
    %run_scoped3A_28 = arith.constant 0 : i32
    "tpu.region"() ({
      %run_scoped3A_168 = tpu.sem_alloc : memref<!tpu.dma_semaphore, #tpu.memory_space<semaphore_mem>>
      %dma_start3A_169 = arith.constant 0 : i32
      %dma_start3A_170 = arith.constant 0 : i32
      %dma_start3A_171 = tpu.memref_slice %arg13[%run_scoped3A_28, %dma_start3A_169, %dma_start3A_170] : memref<2x128x128xf32, #tpu.memory_space<vmem>> -> memref<1x128x128xf32, #tpu.memory_space<vmem>>
      %dma_start3A_172 = tpu.memref_squeeze %dma_start3A_171 : memref<1x128x128xf32, #tpu.memory_space<vmem>> -> memref<128x128xf32, #tpu.memory_space<vmem>>
      %dma_start3A_173 = arith.constant 0 : i32
      %dma_start3A_174 = tpu.memref_slice %arg14[%add3A_27, %dma_start3A_173] : memref<10240x128xf32, #tpu.memory_space<vmem_shared>> -> memref<128x128xf32, #tpu.memory_space<vmem_shared>>
      %dma_start3A_175 = arith.constant 0 : i32
      %dma_start3A_176 = tpu.memref_slice %arg14[%add3A_27, %dma_start3A_175] : memref<10240x128xf32, #tpu.memory_space<vmem_shared>> -> memref<128x128xf32, #tpu.memory_space<vmem_shared>>
      %dma_start3A_177 = arith.constant 0 : i32
      %dma_start3A_178 = arith.constant 0 : i32
      %dma_start3A_179 = tpu.memref_slice %arg13[%run_scoped3A_28, %dma_start3A_177, %dma_start3A_178] : memref<2x128x128xf32, #tpu.memory_space<vmem>> -> memref<1x128x128xf32, #tpu.memory_space<vmem>>
      %dma_start3A_180 = tpu.memref_squeeze %dma_start3A_179 : memref<1x128x128xf32, #tpu.memory_space<vmem>> -> memref<128x128xf32, #tpu.memory_space<vmem>>
      tpu.enqueue_dma source(%dma_start3A_180 : memref<128x128xf32, #tpu.memory_space<vmem>>) target(%dma_start3A_176 : memref<128x128xf32, #tpu.memory_space<vmem_shared>>) target_semaphore(%run_scoped3A_168 : memref<!tpu.dma_semaphore, #tpu.memory_space<semaphore_mem>>)
      %dma_wait3A_181 = arith.constant 0 : i32
      %dma_wait3A_182 = arith.constant 0 : i32
      %dma_wait3A_183 = tpu.memref_slice %arg13[%run_scoped3A_28, %dma_wait3A_181, %dma_wait3A_182] : memref<2x128x128xf32, #tpu.memory_space<vmem>> -> memref<1x128x128xf32, #tpu.memory_space<vmem>>
      %dma_wait3A_184 = tpu.memref_squeeze %dma_wait3A_183 : memref<1x128x128xf32, #tpu.memory_space<vmem>> -> memref<128x128xf32, #tpu.memory_space<vmem>>
      %dma_wait3A_185 = arith.constant 0 : i32
      %dma_wait3A_186 = tpu.memref_slice %arg14[%add3A_27, %dma_wait3A_185] : memref<10240x128xf32, #tpu.memory_space<vmem_shared>> -> memref<128x128xf32, #tpu.memory_space<vmem_shared>>
      %dma_wait3A_187 = arith.constant 0 : i32
      %dma_wait3A_188 = tpu.memref_slice %arg14[%add3A_27, %dma_wait3A_187] : memref<10240x128xf32, #tpu.memory_space<vmem_shared>> -> memref<128x128xf32, #tpu.memory_space<vmem_shared>>
      %dma_wait3A_189 = arith.constant 0 : i32
      %dma_wait3A_190 = arith.constant 0 : i32
      %dma_wait3A_191 = tpu.memref_slice %arg13[%run_scoped3A_28, %dma_wait3A_189, %dma_wait3A_190] : memref<2x128x128xf32, #tpu.memory_space<vmem>> -> memref<1x128x128xf32, #tpu.memory_space<vmem>>
      %dma_wait3A_192 = tpu.memref_squeeze %dma_wait3A_191 : memref<1x128x128xf32, #tpu.memory_space<vmem>> -> memref<128x128xf32, #tpu.memory_space<vmem>>
      tpu.wait_dma2 semaphore(%run_scoped3A_168 : memref<!tpu.dma_semaphore, #tpu.memory_space<semaphore_mem>>) src(%dma_wait3A_192 : memref<128x128xf32, #tpu.memory_space<vmem>>) dst(%dma_wait3A_188 : memref<128x128xf32, #tpu.memory_space<vmem_shared>>)
      tpu.yield
    }) : () -> ()
    %mul3A_29 = arith.constant 640 : i32
    %mul3A_30 = arith.muli %arg1, %mul3A_29 : i32
    %add3A_31 = arith.constant 512 : i32
    %add3A_32 = arith.addi %mul3A_30, %add3A_31 : i32
    %run_scoped3A_33 = arith.constant 0 : i32
    "tpu.region"() ({
      %run_scoped3A_168 = tpu.sem_alloc : memref<!tpu.dma_semaphore, #tpu.memory_space<semaphore_mem>>
      %dma_start3A_169 = arith.constant 0 : i32
      %dma_start3A_170 = arith.constant 0 : i32
      %dma_start3A_171 = tpu.memref_slice %arg13[%run_scoped3A_33, %dma_start3A_169, %dma_start3A_170] : memref<2x128x128xf32, #tpu.memory_space<vmem>> -> memref<1x128x128xf32, #tpu.memory_space<vmem>>
      %dma_start3A_172 = tpu.memref_squeeze %dma_start3A_171 : memref<1x128x128xf32, #tpu.memory_space<vmem>> -> memref<128x128xf32, #tpu.memory_space<vmem>>
      %dma_start3A_173 = arith.constant 0 : i32
      %dma_start3A_174 = tpu.memref_slice %arg14[%add3A_32, %dma_start3A_173] : memref<10240x128xf32, #tpu.memory_space<vmem_shared>> -> memref<128x128xf32, #tpu.memory_space<vmem_shared>>
      %dma_start3A_175 = arith.constant 0 : i32
      %dma_start3A_176 = tpu.memref_slice %arg14[%add3A_32, %dma_start3A_175] : memref<10240x128xf32, #tpu.memory_space<vmem_shared>> -> memref<128x128xf32, #tpu.memory_space<vmem_shared>>
      %dma_start3A_177 = arith.constant 0 : i32
      %dma_start3A_178 = arith.constant 0 : i32
      %dma_start3A_179 = tpu.memref_slice %arg13[%run_scoped3A_33, %dma_start3A_177, %dma_start3A_178] : memref<2x128x128xf32, #tpu.memory_space<vmem>> -> memref<1x128x128xf32, #tpu.memory_space<vmem>>
      %dma_start3A_180 = tpu.memref_squeeze %dma_start3A_179 : memref<1x128x128xf32, #tpu.memory_space<vmem>> -> memref<128x128xf32, #tpu.memory_space<vmem>>
      tpu.enqueue_dma source(%dma_start3A_180 : memref<128x128xf32, #tpu.memory_space<vmem>>) target(%dma_start3A_176 : memref<128x128xf32, #tpu.memory_space<vmem_shared>>) target_semaphore(%run_scoped3A_168 : memref<!tpu.dma_semaphore, #tpu.memory_space<semaphore_mem>>)
      %dma_wait3A_181 = arith.constant 0 : i32
      %dma_wait3A_182 = arith.constant 0 : i32
      %dma_wait3A_183 = tpu.memref_slice %arg13[%run_scoped3A_33, %dma_wait3A_181, %dma_wait3A_182] : memref<2x128x128xf32, #tpu.memory_space<vmem>> -> memref<1x128x128xf32, #tpu.memory_space<vmem>>
      %dma_wait3A_184 = tpu.memref_squeeze %dma_wait3A_183 : memref<1x128x128xf32, #tpu.memory_space<vmem>> -> memref<128x128xf32, #tpu.memory_space<vmem>>
      %dma_wait3A_185 = arith.constant 0 : i32
      %dma_wait3A_186 = tpu.memref_slice %arg14[%add3A_32, %dma_wait3A_185] : memref<10240x128xf32, #tpu.memory_space<vmem_shared>> -> memref<128x128xf32, #tpu.memory_space<vmem_shared>>
      %dma_wait3A_187 = arith.constant 0 : i32
      %dma_wait3A_188 = tpu.memref_slice %arg14[%add3A_32, %dma_wait3A_187] : memref<10240x128xf32, #tpu.memory_space<vmem_shared>> -> memref<128x128xf32, #tpu.memory_space<vmem_shared>>
      %dma_wait3A_189 = arith.constant 0 : i32
      %dma_wait3A_190 = arith.constant 0 : i32
      %dma_wait3A_191 = tpu.memref_slice %arg13[%run_scoped3A_33, %dma_wait3A_189, %dma_wait3A_190] : memref<2x128x128xf32, #tpu.memory_space<vmem>> -> memref<1x128x128xf32, #tpu.memory_space<vmem>>
      %dma_wait3A_192 = tpu.memref_squeeze %dma_wait3A_191 : memref<1x128x128xf32, #tpu.memory_space<vmem>> -> memref<128x128xf32, #tpu.memory_space<vmem>>
      tpu.wait_dma2 semaphore(%run_scoped3A_168 : memref<!tpu.dma_semaphore, #tpu.memory_space<semaphore_mem>>) src(%dma_wait3A_192 : memref<128x128xf32, #tpu.memory_space<vmem>>) dst(%dma_wait3A_188 : memref<128x128xf32, #tpu.memory_space<vmem_shared>>)
      tpu.yield
    }) : () -> ()
    %scan3A_34 = arith.constant 0 : i32
    %scan3A_35 = arith.constant 40 : i32
    %scan3A_36 = arith.addi %scan3A_34, %scan3A_35 : i32
    %scan3A_37 = arith.constant 1 : i32
    scf.for %scan3A_168 = %scan3A_34 to %scan3A_36 step %scan3A_37  : i32 {
      %broadcast_in_dim3A = arith.constant 0.000000e+00 : f32
      %broadcast_in_dim3A_169 = vector.broadcast %broadcast_in_dim3A : f32 to vector<16xf32>
      %mul3A_170 = arith.constant 16 : i32
      %mul3A_171 = arith.muli %scan3A_168, %mul3A_170 : i32
      %swap3A = arith.index_cast %mul3A_171 : i32 to index
      %swap3A_172 = tpu.vector_load %arg12[%swap3A] {strides = array<i32>} : memref<640xf32, #tpu.memory_space<vmem>>, vector<16xf32>,
      tpu.vector_store %arg12[%swap3A], %broadcast_in_dim3A_169 {strides = array<i32>} : memref<640xf32, #tpu.memory_space<vmem>>, vector<16xf32>,
    }
    %scan3A_38 = arith.constant 40 : i32
    %mul3A_39 = arith.constant 640 : i32
    %mul3A_40 = arith.muli %arg1, %mul3A_39 : i32
    "tpu.region"() ({
      %run_scoped3A_168 = tpu.sem_alloc : memref<!tpu.dma_semaphore, #tpu.memory_space<semaphore_mem>>
      %dma_start3A_169 = tpu.memref_slice %arg15[%mul3A_40] : memref<10240xf32, #tpu.memory_space<vmem_shared>> -> memref<640xf32, #tpu.memory_space<vmem_shared>>
      %dma_start3A_170 = tpu.memref_slice %arg15[%mul3A_40] : memref<10240xf32, #tpu.memory_space<vmem_shared>> -> memref<640xf32, #tpu.memory_space<vmem_shared>>
      tpu.enqueue_dma source(%arg12 : memref<640xf32, #tpu.memory_space<vmem>>) target(%dma_start3A_170 : memref<640xf32, #tpu.memory_space<vmem_shared>>) target_semaphore(%run_scoped3A_168 : memref<!tpu.dma_semaphore, #tpu.memory_space<semaphore_mem>>)
      %dma_wait3A_171 = tpu.memref_slice %arg15[%mul3A_40] : memref<10240xf32, #tpu.memory_space<vmem_shared>> -> memref<640xf32, #tpu.memory_space<vmem_shared>>
      %dma_wait3A_172 = tpu.memref_slice %arg15[%mul3A_40] : memref<10240xf32, #tpu.memory_space<vmem_shared>> -> memref<640xf32, #tpu.memory_space<vmem_shared>>
      tpu.wait_dma2 semaphore(%run_scoped3A_168 : memref<!tpu.dma_semaphore, #tpu.memory_space<semaphore_mem>>) src(%arg12 : memref<640xf32, #tpu.memory_space<vmem>>) dst(%dma_wait3A_172 : memref<640xf32, #tpu.memory_space<vmem_shared>>)
      tpu.yield
    }) : () -> ()
    %barrier3A = arith.constant 0 : index
    tpu.barrier barrier_id(%barrier3A)
    %add3A_41 = arith.constant 0 : i32
    %add3A_42 = arith.addi %add3A, %add3A_41 : i32
    %run_scoped3A_43 = arith.constant 0 : i32
    "tpu.region"() ({
      %run_scoped3A_168 = tpu.sem_alloc : memref<!tpu.dma_semaphore, #tpu.memory_space<semaphore_mem>>
      %dma_start3A_169 = arith.constant 0 : i32
      %dma_start3A_170 = arith.constant 0 : i32
      %dma_start3A_171 = tpu.memref_slice %arg8[%run_scoped3A_43, %dma_start3A_169, %dma_start3A_170] : memref<2x2x128xi32, #tpu.memory_space<vmem>> -> memref<1x2x128xi32, #tpu.memory_space<vmem>>
      %dma_start3A_172 = tpu.memref_squeeze %dma_start3A_171 : memref<1x2x128xi32, #tpu.memory_space<vmem>> -> memref<2x128xi32, #tpu.memory_space<vmem>>
      %dma_start3A_173 = arith.constant 0 : i32
      %dma_start3A_174 = arith.constant 0 : i32
      %dma_start3A_175 = tpu.memref_slice %arg5[%add3A_42, %dma_start3A_173, %dma_start3A_174] : memref<2592x2x128xi32, #tpu.memory_space<hbm>> -> memref<1x2x128xi32, #tpu.memory_space<hbm>>
      %dma_start3A_176 = tpu.memref_squeeze %dma_start3A_175 : memref<1x2x128xi32, #tpu.memory_space<hbm>> -> memref<2x128xi32, #tpu.memory_space<hbm>>
      %dma_start3A_177 = arith.constant 0 : i32
      %dma_start3A_178 = arith.constant 0 : i32
      %dma_start3A_179 = tpu.memref_slice %arg8[%run_scoped3A_43, %dma_start3A_177, %dma_start3A_178] : memref<2x2x128xi32, #tpu.memory_space<vmem>> -> memref<1x2x128xi32, #tpu.memory_space<vmem>>
      %dma_start3A_180 = tpu.memref_squeeze %dma_start3A_179 : memref<1x2x128xi32, #tpu.memory_space<vmem>> -> memref<2x128xi32, #tpu.memory_space<vmem>>
      %dma_start3A_181 = arith.constant 0 : i32
      %dma_start3A_182 = arith.constant 0 : i32
      %dma_start3A_183 = tpu.memref_slice %arg5[%add3A_42, %dma_start3A_181, %dma_start3A_182] : memref<2592x2x128xi32, #tpu.memory_space<hbm>> -> memref<1x2x128xi32, #tpu.memory_space<hbm>>
      %dma_start3A_184 = tpu.memref_squeeze %dma_start3A_183 : memref<1x2x128xi32, #tpu.memory_space<hbm>> -> memref<2x128xi32, #tpu.memory_space<hbm>>
      tpu.enqueue_dma source(%dma_start3A_184 : memref<2x128xi32, #tpu.memory_space<hbm>>) target(%dma_start3A_180 : memref<2x128xi32, #tpu.memory_space<vmem>>) target_semaphore(%run_scoped3A_168 : memref<!tpu.dma_semaphore, #tpu.memory_space<semaphore_mem>>)
      %dma_wait3A_185 = arith.constant 0 : i32
      %dma_wait3A_186 = arith.constant 0 : i32
      %dma_wait3A_187 = tpu.memref_slice %arg8[%run_scoped3A_43, %dma_wait3A_185, %dma_wait3A_186] : memref<2x2x128xi32, #tpu.memory_space<vmem>> -> memref<1x2x128xi32, #tpu.memory_space<vmem>>
      %dma_wait3A_188 = tpu.memref_squeeze %dma_wait3A_187 : memref<1x2x128xi32, #tpu.memory_space<vmem>> -> memref<2x128xi32, #tpu.memory_space<vmem>>
      %dma_wait3A_189 = arith.constant 0 : i32
      %dma_wait3A_190 = arith.constant 0 : i32
      %dma_wait3A_191 = tpu.memref_slice %arg5[%add3A_42, %dma_wait3A_189, %dma_wait3A_190] : memref<2592x2x128xi32, #tpu.memory_space<hbm>> -> memref<1x2x128xi32, #tpu.memory_space<hbm>>
      %dma_wait3A_192 = tpu.memref_squeeze %dma_wait3A_191 : memref<1x2x128xi32, #tpu.memory_space<hbm>> -> memref<2x128xi32, #tpu.memory_space<hbm>>
      %dma_wait3A_193 = arith.constant 0 : i32
      %dma_wait3A_194 = arith.constant 0 : i32
      %dma_wait3A_195 = tpu.memref_slice %arg8[%run_scoped3A_43, %dma_wait3A_193, %dma_wait3A_194] : memref<2x2x128xi32, #tpu.memory_space<vmem>> -> memref<1x2x128xi32, #tpu.memory_space<vmem>>
      %dma_wait3A_196 = tpu.memref_squeeze %dma_wait3A_195 : memref<1x2x128xi32, #tpu.memory_space<vmem>> -> memref<2x128xi32, #tpu.memory_space<vmem>>
      %dma_wait3A_197 = arith.constant 0 : i32
      %dma_wait3A_198 = arith.constant 0 : i32
      %dma_wait3A_199 = tpu.memref_slice %arg5[%add3A_42, %dma_wait3A_197, %dma_wait3A_198] : memref<2592x2x128xi32, #tpu.memory_space<hbm>> -> memref<1x2x128xi32, #tpu.memory_space<hbm>>
      %dma_wait3A_200 = tpu.memref_squeeze %dma_wait3A_199 : memref<1x2x128xi32, #tpu.memory_space<hbm>> -> memref<2x128xi32, #tpu.memory_space<hbm>>
      tpu.wait_dma2 semaphore(%run_scoped3A_168 : memref<!tpu.dma_semaphore, #tpu.memory_space<semaphore_mem>>) src(%dma_wait3A_200 : memref<2x128xi32, #tpu.memory_space<hbm>>) dst(%dma_wait3A_196 : memref<2x128xi32, #tpu.memory_space<vmem>>)
      tpu.yield
    }) : () -> ()
    %dma_start3A = arith.constant 0 : i32
    %dma_start3A_44 = arith.constant 0 : i32
    %dma_start3A_45 = arith.constant 0 : i32
    %dma_start3A_46 = arith.constant 0 : i32
    %dma_start3A_47 = tpu.memref_slice %arg9[%dma_start3A_45, %dma_start3A_46] : memref<2x128xf32, #tpu.memory_space<vmem>> -> memref<1x128xf32, #tpu.memory_space<vmem>>
    %dma_start3A_48 = tpu.memref_squeeze %dma_start3A_47 : memref<1x128xf32, #tpu.memory_space<vmem>> -> memref<128xf32, #tpu.memory_space<vmem>>
    %dma_start3A_49 = arith.constant 0 : i32
    %dma_start3A_50 = tpu.memref_slice %arg8[%dma_start3A, %dma_start3A_44, %dma_start3A_49] : memref<2x2x128xi32, #tpu.memory_space<vmem>> -> memref<1x1x128xi32, #tpu.memory_space<vmem>>
    %dma_start3A_51 = tpu.memref_squeeze %dma_start3A_50 : memref<1x1x128xi32, #tpu.memory_space<vmem>> -> memref<128xi32, #tpu.memory_space<vmem>>
    %dma_start3A_52 = arith.constant 0 : i32
    %dma_start3A_53 = tpu.memref_slice %arg3[%dma_start3A_52] : memref<10240xf32, #tpu.memory_space<hbm>> -> memref<10240xf32, #tpu.memory_space<hbm>>
    tpu.enqueue_indirect_dma source(%dma_start3A_53 : memref<10240xf32, #tpu.memory_space<hbm>>) target(%dma_start3A_48 : memref<128xf32, #tpu.memory_space<vmem>>) offsets(%dma_start3A_51 : memref<128xi32, #tpu.memory_space<vmem>>) semaphore(%arg17 : memref<!tpu.dma_semaphore, #tpu.memory_space<semaphore_mem>>)
    %dma_start3A_54 = arith.constant 0 : i32
    %dma_start3A_55 = arith.constant 1 : i32
    %dma_start3A_56 = arith.constant 0 : i32
    %dma_start3A_57 = arith.constant 0 : i32
    %dma_start3A_58 = tpu.memref_slice %arg10[%dma_start3A_56, %dma_start3A_57] : memref<2x128xf32, #tpu.memory_space<vmem>> -> memref<1x128xf32, #tpu.memory_space<vmem>>
    %dma_start3A_59 = tpu.memref_squeeze %dma_start3A_58 : memref<1x128xf32, #tpu.memory_space<vmem>> -> memref<128xf32, #tpu.memory_space<vmem>>
    %dma_start3A_60 = arith.constant 0 : i32
    %dma_start3A_61 = tpu.memref_slice %arg8[%dma_start3A_54, %dma_start3A_55, %dma_start3A_60] : memref<2x2x128xi32, #tpu.memory_space<vmem>> -> memref<1x1x128xi32, #tpu.memory_space<vmem>>
    %dma_start3A_62 = tpu.memref_squeeze %dma_start3A_61 : memref<1x1x128xi32, #tpu.memory_space<vmem>> -> memref<128xi32, #tpu.memory_space<vmem>>
    %dma_start3A_63 = arith.constant 0 : i32
    %dma_start3A_64 = tpu.memref_slice %arg4[%dma_start3A_63] : memref<10240xf32, #tpu.memory_space<hbm>> -> memref<10240xf32, #tpu.memory_space<hbm>>
    tpu.enqueue_indirect_dma source(%dma_start3A_64 : memref<10240xf32, #tpu.memory_space<hbm>>) target(%dma_start3A_59 : memref<128xf32, #tpu.memory_space<vmem>>) offsets(%dma_start3A_62 : memref<128xi32, #tpu.memory_space<vmem>>) semaphore(%arg17 : memref<!tpu.dma_semaphore, #tpu.memory_space<semaphore_mem>>)
    %dma_start3A_65 = arith.constant 0 : i32
    %dma_start3A_66 = arith.constant 0 : i32
    %dma_start3A_67 = arith.constant 0 : i32
    %dma_start3A_68 = arith.constant 0 : i32
    %dma_start3A_69 = arith.constant 0 : i32
    %dma_start3A_70 = tpu.memref_slice %arg13[%dma_start3A_67, %dma_start3A_68, %dma_start3A_69] : memref<2x128x128xf32, #tpu.memory_space<vmem>> -> memref<1x128x128xf32, #tpu.memory_space<vmem>>
    %dma_start3A_71 = tpu.memref_squeeze %dma_start3A_70 : memref<1x128x128xf32, #tpu.memory_space<vmem>> -> memref<128x128xf32, #tpu.memory_space<vmem>>
    %dma_start3A_72 = arith.constant 0 : i32
    %dma_start3A_73 = tpu.memref_slice %arg8[%dma_start3A_65, %dma_start3A_66, %dma_start3A_72] : memref<2x2x128xi32, #tpu.memory_space<vmem>> -> memref<1x1x128xi32, #tpu.memory_space<vmem>>
    %dma_start3A_74 = tpu.memref_squeeze %dma_start3A_73 : memref<1x1x128xi32, #tpu.memory_space<vmem>> -> memref<128xi32, #tpu.memory_space<vmem>>
    %dma_start3A_75 = arith.constant 0 : i32
    %dma_start3A_76 = arith.constant 0 : i32
    %dma_start3A_77 = tpu.memref_slice %arg2[%dma_start3A_75, %dma_start3A_76] : memref<10240x128xf32, #tpu.memory_space<hbm>> -> memref<10240x128xf32, #tpu.memory_space<hbm>>
    tpu.enqueue_indirect_dma source(%dma_start3A_77 : memref<10240x128xf32, #tpu.memory_space<hbm>>) target(%dma_start3A_71 : memref<128x128xf32, #tpu.memory_space<vmem>>) offsets(%dma_start3A_74 : memref<128xi32, #tpu.memory_space<vmem>>) semaphore(%arg16 : memref<!tpu.dma_semaphore, #tpu.memory_space<semaphore_mem>>)
    %while3A = arith.constant 0 : i32
    %while3A_78 = arith.subi %select_n3A, %while3A : i32
    %while3A_79 = arith.addi %while3A, %while3A_78 : i32
    %while3A_80 = arith.constant 1 : i32
    %while3A_81 = arith.divsi %while3A_78, %while3A_80 : i32
    %while3A_82 = arith.muli %while3A_81, %while3A_80 : i32
    %while3A_83 = arith.addi %while3A, %while3A_82 : i32
    %while3A_84 = arith.constant 1 : i32
    scf.for %while3A_168 = %while3A to %while3A_83 step %while3A_84  : i32 {
      %rem3A = arith.constant 2 : i32
      %rem3A_169 = arith.remsi %while3A_168, %rem3A : i32
      %add3A_170 = arith.constant 1 : i32
      %add3A_171 = arith.addi %while3A_168, %add3A_170 : i32
      %rem3A_172 = arith.constant 2 : i32
      %rem3A_173 = arith.remsi %add3A_171, %rem3A_172 : i32
      %add3A_174 = arith.constant 1 : i32
      %add3A_175 = arith.addi %while3A_168, %add3A_174 : i32
      %lt3A = arith.cmpi slt, %add3A_175, %select_n3A : i32
      %convert_element_type3A = arith.extui %lt3A : i1 to i32
      %cond3A = arith.constant 0 : i32
      %cond3A_176 = arith.cmpi ne, %convert_element_type3A, %cond3A : i32
      scf.if %cond3A_176 {
        %ge3A_478 = arith.constant 1 : i32
        %ge3A_479 = arith.cmpi sge, %while3A_168, %ge3A_478 : i32
        %convert_element_type3A_480 = arith.extui %ge3A_479 : i1 to i32
        %cond3A_481 = arith.constant 0 : i32
        %cond3A_482 = arith.cmpi ne, %convert_element_type3A_480, %cond3A_481 : i32
        scf.if %cond3A_482 {
          %dma_wait3A_515 = arith.constant 1 : i32
          %dma_wait3A_516 = arith.constant 0 : i32
          %dma_wait3A_517 = arith.constant 0 : i32
          %dma_wait3A_518 = tpu.memref_slice %arg13[%rem3A_173, %dma_wait3A_516, %dma_wait3A_517] : memref<2x128x128xf32, #tpu.memory_space<vmem>> -> memref<1x128x128xf32, #tpu.memory_space<vmem>>
          %dma_wait3A_519 = tpu.memref_squeeze %dma_wait3A_518 : memref<1x128x128xf32, #tpu.memory_space<vmem>> -> memref<128x128xf32, #tpu.memory_space<vmem>>
          %dma_wait3A_520 = arith.constant 0 : i32
          %dma_wait3A_521 = tpu.memref_slice %arg8[%rem3A_173, %dma_wait3A_515, %dma_wait3A_520] : memref<2x2x128xi32, #tpu.memory_space<vmem>> -> memref<1x1x128xi32, #tpu.memory_space<vmem>>
          %dma_wait3A_522 = tpu.memref_squeeze %dma_wait3A_521 : memref<1x1x128xi32, #tpu.memory_space<vmem>> -> memref<128xi32, #tpu.memory_space<vmem>>
          %dma_wait3A_523 = arith.constant 0 : i32
          %dma_wait3A_524 = arith.constant 0 : i32
          %dma_wait3A_525 = tpu.memref_slice %arg14[%dma_wait3A_523, %dma_wait3A_524] : memref<10240x128xf32, #tpu.memory_space<vmem_shared>> -> memref<10240x128xf32, #tpu.memory_space<vmem_shared>>
          tpu.wait_indirect_dma semaphore(%arg18 : memref<!tpu.dma_semaphore, #tpu.memory_space<semaphore_mem>>) src(%dma_wait3A_519 : memref<128x128xf32, #tpu.memory_space<vmem>>) dst(%dma_wait3A_525 : memref<10240x128xf32, #tpu.memory_space<vmem_shared>>)
          %dma_wait3A_526 = arith.constant 1 : i32
          %dma_wait3A_527 = arith.constant 0 : i32
          %dma_wait3A_528 = tpu.memref_slice %arg11[%rem3A_173, %dma_wait3A_527] : memref<2x128xf32, #tpu.memory_space<vmem>> -> memref<1x128xf32, #tpu.memory_space<vmem>>
          %dma_wait3A_529 = tpu.memref_squeeze %dma_wait3A_528 : memref<1x128xf32, #tpu.memory_space<vmem>> -> memref<128xf32, #tpu.memory_space<vmem>>
          %dma_wait3A_530 = arith.constant 0 : i32
          %dma_wait3A_531 = tpu.memref_slice %arg8[%rem3A_173, %dma_wait3A_526, %dma_wait3A_530] : memref<2x2x128xi32, #tpu.memory_space<vmem>> -> memref<1x1x128xi32, #tpu.memory_space<vmem>>
          %dma_wait3A_532 = tpu.memref_squeeze %dma_wait3A_531 : memref<1x1x128xi32, #tpu.memory_space<vmem>> -> memref<128xi32, #tpu.memory_space<vmem>>
          %dma_wait3A_533 = arith.constant 0 : i32
          %dma_wait3A_534 = tpu.memref_slice %arg15[%dma_wait3A_533] : memref<10240xf32, #tpu.memory_space<vmem_shared>> -> memref<10240xf32, #tpu.memory_space<vmem_shared>>
          tpu.wait_indirect_dma semaphore(%arg19 : memref<!tpu.dma_semaphore, #tpu.memory_space<semaphore_mem>>) src(%dma_wait3A_529 : memref<128xf32, #tpu.memory_space<vmem>>) dst(%dma_wait3A_534 : memref<10240xf32, #tpu.memory_space<vmem_shared>>)
        } else {
        }
        %add3A_483 = arith.constant 1 : i32
        %add3A_484 = arith.addi %while3A_168, %add3A_483 : i32
        %add3A_485 = arith.addi %add3A, %add3A_484 : i32
        "tpu.region"() ({
          %run_scoped3A_515 = tpu.sem_alloc : memref<!tpu.dma_semaphore, #tpu.memory_space<semaphore_mem>>
          %dma_start3A_516 = arith.constant 0 : i32
          %dma_start3A_517 = arith.constant 0 : i32
          %dma_start3A_518 = tpu.memref_slice %arg8[%rem3A_173, %dma_start3A_516, %dma_start3A_517] : memref<2x2x128xi32, #tpu.memory_space<vmem>> -> memref<1x2x128xi32, #tpu.memory_space<vmem>>
          %dma_start3A_519 = tpu.memref_squeeze %dma_start3A_518 : memref<1x2x128xi32, #tpu.memory_space<vmem>> -> memref<2x128xi32, #tpu.memory_space<vmem>>
          %dma_start3A_520 = arith.constant 0 : i32
          %dma_start3A_521 = arith.constant 0 : i32
          %dma_start3A_522 = tpu.memref_slice %arg5[%add3A_485, %dma_start3A_520, %dma_start3A_521] : memref<2592x2x128xi32, #tpu.memory_space<hbm>> -> memref<1x2x128xi32, #tpu.memory_space<hbm>>
          %dma_start3A_523 = tpu.memref_squeeze %dma_start3A_522 : memref<1x2x128xi32, #tpu.memory_space<hbm>> -> memref<2x128xi32, #tpu.memory_space<hbm>>
          %dma_start3A_524 = arith.constant 0 : i32
          %dma_start3A_525 = arith.constant 0 : i32
          %dma_start3A_526 = tpu.memref_slice %arg8[%rem3A_173, %dma_start3A_524, %dma_start3A_525] : memref<2x2x128xi32, #tpu.memory_space<vmem>> -> memref<1x2x128xi32, #tpu.memory_space<vmem>>
          %dma_start3A_527 = tpu.memref_squeeze %dma_start3A_526 : memref<1x2x128xi32, #tpu.memory_space<vmem>> -> memref<2x128xi32, #tpu.memory_space<vmem>>
          %dma_start3A_528 = arith.constant 0 : i32
          %dma_start3A_529 = arith.constant 0 : i32
          %dma_start3A_530 = tpu.memref_slice %arg5[%add3A_485, %dma_start3A_528, %dma_start3A_529] : memref<2592x2x128xi32, #tpu.memory_space<hbm>> -> memref<1x2x128xi32, #tpu.memory_space<hbm>>
          %dma_start3A_531 = tpu.memref_squeeze %dma_start3A_530 : memref<1x2x128xi32, #tpu.memory_space<hbm>> -> memref<2x128xi32, #tpu.memory_space<hbm>>
          tpu.enqueue_dma source(%dma_start3A_531 : memref<2x128xi32, #tpu.memory_space<hbm>>) target(%dma_start3A_527 : memref<2x128xi32, #tpu.memory_space<vmem>>) target_semaphore(%run_scoped3A_515 : memref<!tpu.dma_semaphore, #tpu.memory_space<semaphore_mem>>)
          %dma_wait3A_532 = arith.constant 0 : i32
          %dma_wait3A_533 = arith.constant 0 : i32
          %dma_wait3A_534 = tpu.memref_slice %arg8[%rem3A_173, %dma_wait3A_532, %dma_wait3A_533] : memref<2x2x128xi32, #tpu.memory_space<vmem>> -> memref<1x2x128xi32, #tpu.memory_space<vmem>>
          %dma_wait3A_535 = tpu.memref_squeeze %dma_wait3A_534 : memref<1x2x128xi32, #tpu.memory_space<vmem>> -> memref<2x128xi32, #tpu.memory_space<vmem>>
          %dma_wait3A_536 = arith.constant 0 : i32
          %dma_wait3A_537 = arith.constant 0 : i32
          %dma_wait3A_538 = tpu.memref_slice %arg5[%add3A_485, %dma_wait3A_536, %dma_wait3A_537] : memref<2592x2x128xi32, #tpu.memory_space<hbm>> -> memref<1x2x128xi32, #tpu.memory_space<hbm>>
          %dma_wait3A_539 = tpu.memref_squeeze %dma_wait3A_538 : memref<1x2x128xi32, #tpu.memory_space<hbm>> -> memref<2x128xi32, #tpu.memory_space<hbm>>
          %dma_wait3A_540 = arith.constant 0 : i32
          %dma_wait3A_541 = arith.constant 0 : i32
          %dma_wait3A_542 = tpu.memref_slice %arg8[%rem3A_173, %dma_wait3A_540, %dma_wait3A_541] : memref<2x2x128xi32, #tpu.memory_space<vmem>> -> memref<1x2x128xi32, #tpu.memory_space<vmem>>
          %dma_wait3A_543 = tpu.memref_squeeze %dma_wait3A_542 : memref<1x2x128xi32, #tpu.memory_space<vmem>> -> memref<2x128xi32, #tpu.memory_space<vmem>>
          %dma_wait3A_544 = arith.constant 0 : i32
          %dma_wait3A_545 = arith.constant 0 : i32
          %dma_wait3A_546 = tpu.memref_slice %arg5[%add3A_485, %dma_wait3A_544, %dma_wait3A_545] : memref<2592x2x128xi32, #tpu.memory_space<hbm>> -> memref<1x2x128xi32, #tpu.memory_space<hbm>>
          %dma_wait3A_547 = tpu.memref_squeeze %dma_wait3A_546 : memref<1x2x128xi32, #tpu.memory_space<hbm>> -> memref<2x128xi32, #tpu.memory_space<hbm>>
          tpu.wait_dma2 semaphore(%run_scoped3A_515 : memref<!tpu.dma_semaphore, #tpu.memory_space<semaphore_mem>>) src(%dma_wait3A_547 : memref<2x128xi32, #tpu.memory_space<hbm>>) dst(%dma_wait3A_543 : memref<2x128xi32, #tpu.memory_space<vmem>>)
          tpu.yield
        }) : () -> ()
        %dma_start3A_486 = arith.constant 0 : i32
        %dma_start3A_487 = arith.constant 0 : i32
        %dma_start3A_488 = tpu.memref_slice %arg9[%rem3A_173, %dma_start3A_487] : memref<2x128xf32, #tpu.memory_space<vmem>> -> memref<1x128xf32, #tpu.memory_space<vmem>>
        %dma_start3A_489 = tpu.memref_squeeze %dma_start3A_488 : memref<1x128xf32, #tpu.memory_space<vmem>> -> memref<128xf32, #tpu.memory_space<vmem>>
        %dma_start3A_490 = arith.constant 0 : i32
        %dma_start3A_491 = tpu.memref_slice %arg8[%rem3A_173, %dma_start3A_486, %dma_start3A_490] : memref<2x2x128xi32, #tpu.memory_space<vmem>> -> memref<1x1x128xi32, #tpu.memory_space<vmem>>
        %dma_start3A_492 = tpu.memref_squeeze %dma_start3A_491 : memref<1x1x128xi32, #tpu.memory_space<vmem>> -> memref<128xi32, #tpu.memory_space<vmem>>
        %dma_start3A_493 = arith.constant 0 : i32
        %dma_start3A_494 = tpu.memref_slice %arg3[%dma_start3A_493] : memref<10240xf32, #tpu.memory_space<hbm>> -> memref<10240xf32, #tpu.memory_space<hbm>>
        tpu.enqueue_indirect_dma source(%dma_start3A_494 : memref<10240xf32, #tpu.memory_space<hbm>>) target(%dma_start3A_489 : memref<128xf32, #tpu.memory_space<vmem>>) offsets(%dma_start3A_492 : memref<128xi32, #tpu.memory_space<vmem>>) semaphore(%arg17 : memref<!tpu.dma_semaphore, #tpu.memory_space<semaphore_mem>>)
        %dma_start3A_495 = arith.constant 1 : i32
        %dma_start3A_496 = arith.constant 0 : i32
        %dma_start3A_497 = tpu.memref_slice %arg10[%rem3A_173, %dma_start3A_496] : memref<2x128xf32, #tpu.memory_space<vmem>> -> memref<1x128xf32, #tpu.memory_space<vmem>>
        %dma_start3A_498 = tpu.memref_squeeze %dma_start3A_497 : memref<1x128xf32, #tpu.memory_space<vmem>> -> memref<128xf32, #tpu.memory_space<vmem>>
        %dma_start3A_499 = arith.constant 0 : i32
        %dma_start3A_500 = tpu.memref_slice %arg8[%rem3A_173, %dma_start3A_495, %dma_start3A_499] : memref<2x2x128xi32, #tpu.memory_space<vmem>> -> memref<1x1x128xi32, #tpu.memory_space<vmem>>
        %dma_start3A_501 = tpu.memref_squeeze %dma_start3A_500 : memref<1x1x128xi32, #tpu.memory_space<vmem>> -> memref<128xi32, #tpu.memory_space<vmem>>
        %dma_start3A_502 = arith.constant 0 : i32
        %dma_start3A_503 = tpu.memref_slice %arg4[%dma_start3A_502] : memref<10240xf32, #tpu.memory_space<hbm>> -> memref<10240xf32, #tpu.memory_space<hbm>>
        tpu.enqueue_indirect_dma source(%dma_start3A_503 : memref<10240xf32, #tpu.memory_space<hbm>>) target(%dma_start3A_498 : memref<128xf32, #tpu.memory_space<vmem>>) offsets(%dma_start3A_501 : memref<128xi32, #tpu.memory_space<vmem>>) semaphore(%arg17 : memref<!tpu.dma_semaphore, #tpu.memory_space<semaphore_mem>>)
        %dma_start3A_504 = arith.constant 0 : i32
        %dma_start3A_505 = arith.constant 0 : i32
        %dma_start3A_506 = arith.constant 0 : i32
        %dma_start3A_507 = tpu.memref_slice %arg13[%rem3A_173, %dma_start3A_505, %dma_start3A_506] : memref<2x128x128xf32, #tpu.memory_space<vmem>> -> memref<1x128x128xf32, #tpu.memory_space<vmem>>
        %dma_start3A_508 = tpu.memref_squeeze %dma_start3A_507 : memref<1x128x128xf32, #tpu.memory_space<vmem>> -> memref<128x128xf32, #tpu.memory_space<vmem>>
        %dma_start3A_509 = arith.constant 0 : i32
        %dma_start3A_510 = tpu.memref_slice %arg8[%rem3A_173, %dma_start3A_504, %dma_start3A_509] : memref<2x2x128xi32, #tpu.memory_space<vmem>> -> memref<1x1x128xi32, #tpu.memory_space<vmem>>
        %dma_start3A_511 = tpu.memref_squeeze %dma_start3A_510 : memref<1x1x128xi32, #tpu.memory_space<vmem>> -> memref<128xi32, #tpu.memory_space<vmem>>
        %dma_start3A_512 = arith.constant 0 : i32
        %dma_start3A_513 = arith.constant 0 : i32
        %dma_start3A_514 = tpu.memref_slice %arg2[%dma_start3A_512, %dma_start3A_513] : memref<10240x128xf32, #tpu.memory_space<hbm>> -> memref<10240x128xf32, #tpu.memory_space<hbm>>
        tpu.enqueue_indirect_dma source(%dma_start3A_514 : memref<10240x128xf32, #tpu.memory_space<hbm>>) target(%dma_start3A_508 : memref<128x128xf32, #tpu.memory_space<vmem>>) offsets(%dma_start3A_511 : memref<128xi32, #tpu.memory_space<vmem>>) semaphore(%arg16 : memref<!tpu.dma_semaphore, #tpu.memory_space<semaphore_mem>>)
      } else {
      }
      %dma_wait3A_177 = arith.constant 0 : i32
      %dma_wait3A_178 = arith.constant 0 : i32
      %dma_wait3A_179 = tpu.memref_slice %arg9[%rem3A_169, %dma_wait3A_178] : memref<2x128xf32, #tpu.memory_space<vmem>> -> memref<1x128xf32, #tpu.memory_space<vmem>>
      %dma_wait3A_180 = tpu.memref_squeeze %dma_wait3A_179 : memref<1x128xf32, #tpu.memory_space<vmem>> -> memref<128xf32, #tpu.memory_space<vmem>>
      %dma_wait3A_181 = arith.constant 0 : i32
      %dma_wait3A_182 = tpu.memref_slice %arg8[%rem3A_169, %dma_wait3A_177, %dma_wait3A_181] : memref<2x2x128xi32, #tpu.memory_space<vmem>> -> memref<1x1x128xi32, #tpu.memory_space<vmem>>
      %dma_wait3A_183 = tpu.memref_squeeze %dma_wait3A_182 : memref<1x1x128xi32, #tpu.memory_space<vmem>> -> memref<128xi32, #tpu.memory_space<vmem>>
      %dma_wait3A_184 = arith.constant 0 : i32
      %dma_wait3A_185 = tpu.memref_slice %arg3[%dma_wait3A_184] : memref<10240xf32, #tpu.memory_space<hbm>> -> memref<10240xf32, #tpu.memory_space<hbm>>
      tpu.wait_indirect_dma semaphore(%arg17 : memref<!tpu.dma_semaphore, #tpu.memory_space<semaphore_mem>>) src(%dma_wait3A_185 : memref<10240xf32, #tpu.memory_space<hbm>>) dst(%dma_wait3A_180 : memref<128xf32, #tpu.memory_space<vmem>>)
      %dma_wait3A_186 = arith.constant 1 : i32
      %dma_wait3A_187 = arith.constant 0 : i32
      %dma_wait3A_188 = tpu.memref_slice %arg10[%rem3A_169, %dma_wait3A_187] : memref<2x128xf32, #tpu.memory_space<vmem>> -> memref<1x128xf32, #tpu.memory_space<vmem>>
      %dma_wait3A_189 = tpu.memref_squeeze %dma_wait3A_188 : memref<1x128xf32, #tpu.memory_space<vmem>> -> memref<128xf32, #tpu.memory_space<vmem>>
      %dma_wait3A_190 = arith.constant 0 : i32
      %dma_wait3A_191 = tpu.memref_slice %arg8[%rem3A_169, %dma_wait3A_186, %dma_wait3A_190] : memref<2x2x128xi32, #tpu.memory_space<vmem>> -> memref<1x1x128xi32, #tpu.memory_space<vmem>>
      %dma_wait3A_192 = tpu.memref_squeeze %dma_wait3A_191 : memref<1x1x128xi32, #tpu.memory_space<vmem>> -> memref<128xi32, #tpu.memory_space<vmem>>
      %dma_wait3A_193 = arith.constant 0 : i32
      %dma_wait3A_194 = tpu.memref_slice %arg4[%dma_wait3A_193] : memref<10240xf32, #tpu.memory_space<hbm>> -> memref<10240xf32, #tpu.memory_space<hbm>>
      tpu.wait_indirect_dma semaphore(%arg17 : memref<!tpu.dma_semaphore, #tpu.memory_space<semaphore_mem>>) src(%dma_wait3A_194 : memref<10240xf32, #tpu.memory_space<hbm>>) dst(%dma_wait3A_189 : memref<128xf32, #tpu.memory_space<vmem>>)
      %dma_wait3A_195 = arith.constant 0 : i32
      %dma_wait3A_196 = arith.constant 0 : i32
      %dma_wait3A_197 = arith.constant 0 : i32
      %dma_wait3A_198 = tpu.memref_slice %arg13[%rem3A_169, %dma_wait3A_196, %dma_wait3A_197] : memref<2x128x128xf32, #tpu.memory_space<vmem>> -> memref<1x128x128xf32, #tpu.memory_space<vmem>>
      %dma_wait3A_199 = tpu.memref_squeeze %dma_wait3A_198 : memref<1x128x128xf32, #tpu.memory_space<vmem>> -> memref<128x128xf32, #tpu.memory_space<vmem>>
      %dma_wait3A_200 = arith.constant 0 : i32
      %dma_wait3A_201 = tpu.memref_slice %arg8[%rem3A_169, %dma_wait3A_195, %dma_wait3A_200] : memref<2x2x128xi32, #tpu.memory_space<vmem>> -> memref<1x1x128xi32, #tpu.memory_space<vmem>>
      %dma_wait3A_202 = tpu.memref_squeeze %dma_wait3A_201 : memref<1x1x128xi32, #tpu.memory_space<vmem>> -> memref<128xi32, #tpu.memory_space<vmem>>
      %dma_wait3A_203 = arith.constant 0 : i32
      %dma_wait3A_204 = arith.constant 0 : i32
      %dma_wait3A_205 = tpu.memref_slice %arg2[%dma_wait3A_203, %dma_wait3A_204] : memref<10240x128xf32, #tpu.memory_space<hbm>> -> memref<10240x128xf32, #tpu.memory_space<hbm>>
      tpu.wait_indirect_dma semaphore(%arg16 : memref<!tpu.dma_semaphore, #tpu.memory_space<semaphore_mem>>) src(%dma_wait3A_205 : memref<10240x128xf32, #tpu.memory_space<hbm>>) dst(%dma_wait3A_199 : memref<128x128xf32, #tpu.memory_space<vmem>>)
      %get3A = arith.index_cast %rem3A_169 : i32 to index
      %get3A_206 = arith.constant 0 : index
      %get3A_207 = tpu.vector_load %arg9[%get3A, %get3A_206] {strides = array<i32>} : memref<2x128xf32, #tpu.memory_space<vmem>>, vector<16xf32>,
      %get3A_208 = arith.index_cast %rem3A_169 : i32 to index
      %get3A_209 = arith.constant 0 : index
      %get3A_210 = tpu.vector_load %arg10[%get3A_208, %get3A_209] {strides = array<i32>} : memref<2x128xf32, #tpu.memory_space<vmem>>, vector<16xf32>,
      %add3A_211 = arith.addf %get3A_207, %get3A_210 : vector<16xf32>
      %ge3A = arith.constant 0.000000e+00 : f32
      %ge3A_212 = vector.broadcast %ge3A : f32 to vector<16xf32>
      %ge3A_213 = arith.cmpf oge, %add3A_211, %ge3A_212 : vector<16xf32>
      %mul3A_214 = arith.constant 2.000000e-01 : f32
      %mul3A_215 = vector.broadcast %mul3A_214 : f32 to vector<16xf32>
      %mul3A_216 = arith.mulf %add3A_211, %mul3A_215 : vector<16xf32>
      %select_n3A_217 = arith.select %ge3A_213, %add3A_211, %mul3A_216 : vector<16xi1>, vector<16xf32>
      %exp3A = math.exp %select_n3A_217 : vector<16xf32>
      %add3A_218 = arith.addi %add3A, %while3A_168 : i32
      %mul3A_219 = arith.constant 128 : i32
      %mul3A_220 = arith.muli %add3A_218, %mul3A_219 : i32
      %add3A_221 = arith.constant 0 : i32
      %add3A_222 = arith.addi %mul3A_220, %add3A_221 : i32
      %iota3A = tpu.iota {dimensions = array<i32: 0>} : vector<16xi32>
      %add3A_223 = vector.broadcast %add3A_222 : i32 to vector<16xi32>
      %add3A_224 = arith.addi %add3A_223, %iota3A : vector<16xi32>
      %lt3A_225 = arith.constant 330000 : i32
      %lt3A_226 = vector.broadcast %lt3A_225 : i32 to vector<16xi32>
      %lt3A_227 = arith.cmpi slt, %add3A_224, %lt3A_226 : vector<16xi32>
      %jit3A_228 = arith.constant 0.000000e+00 : f32
      %broadcast_in_dim3A = vector.broadcast %jit3A_228 : f32 to vector<16xf32>
      %select_n3A_229 = arith.select %lt3A_227, %exp3A, %broadcast_in_dim3A : vector<16xi1>, vector<16xf32>
      %swap3A = arith.index_cast %rem3A_169 : i32 to index
      %swap3A_230 = arith.constant 0 : index
      %swap3A_231 = tpu.vector_load %arg11[%swap3A, %swap3A_230] {strides = array<i32>} : memref<2x128xf32, #tpu.memory_space<vmem>>, vector<16xf32>,
      tpu.vector_store %arg11[%swap3A, %swap3A_230], %select_n3A_229 {strides = array<i32>} : memref<2x128xf32, #tpu.memory_space<vmem>>, vector<16xf32>,
      %get3A_232 = arith.index_cast %rem3A_169 : i32 to index
      %get3A_233 = arith.constant 16 : index
      %get3A_234 = tpu.vector_load %arg9[%get3A_232, %get3A_233] {strides = array<i32>} : memref<2x128xf32, #tpu.memory_space<vmem>>, vector<16xf32>,
      %get3A_235 = arith.index_cast %rem3A_169 : i32 to index
      %get3A_236 = arith.constant 16 : index
      %get3A_237 = tpu.vector_load %arg10[%get3A_235, %get3A_236] {strides = array<i32>} : memref<2x128xf32, #tpu.memory_space<vmem>>, vector<16xf32>,
      %add3A_238 = arith.addf %get3A_234, %get3A_237 : vector<16xf32>
      %ge3A_239 = arith.constant 0.000000e+00 : f32
      %ge3A_240 = vector.broadcast %ge3A_239 : f32 to vector<16xf32>
      %ge3A_241 = arith.cmpf oge, %add3A_238, %ge3A_240 : vector<16xf32>
      %mul3A_242 = arith.constant 2.000000e-01 : f32
      %mul3A_243 = vector.broadcast %mul3A_242 : f32 to vector<16xf32>
      %mul3A_244 = arith.mulf %add3A_238, %mul3A_243 : vector<16xf32>
      %select_n3A_245 = arith.select %ge3A_241, %add3A_238, %mul3A_244 : vector<16xi1>, vector<16xf32>
      %exp3A_246 = math.exp %select_n3A_245 : vector<16xf32>
      %add3A_247 = arith.addi %add3A, %while3A_168 : i32
      %mul3A_248 = arith.constant 128 : i32
      %mul3A_249 = arith.muli %add3A_247, %mul3A_248 : i32
      %add3A_250 = arith.constant 16 : i32
      %add3A_251 = arith.addi %mul3A_249, %add3A_250 : i32
      %iota3A_252 = tpu.iota {dimensions = array<i32: 0>} : vector<16xi32>
      %add3A_253 = vector.broadcast %add3A_251 : i32 to vector<16xi32>
      %add3A_254 = arith.addi %add3A_253, %iota3A_252 : vector<16xi32>
      %lt3A_255 = arith.constant 330000 : i32
      %lt3A_256 = vector.broadcast %lt3A_255 : i32 to vector<16xi32>
      %lt3A_257 = arith.cmpi slt, %add3A_254, %lt3A_256 : vector<16xi32>
      %jit3A_258 = arith.constant 0.000000e+00 : f32
      %broadcast_in_dim3A_259 = vector.broadcast %jit3A_258 : f32 to vector<16xf32>
      %select_n3A_260 = arith.select %lt3A_257, %exp3A_246, %broadcast_in_dim3A_259 : vector<16xi1>, vector<16xf32>
      %swap3A_261 = arith.index_cast %rem3A_169 : i32 to index
      %swap3A_262 = arith.constant 16 : index
      %swap3A_263 = tpu.vector_load %arg11[%swap3A_261, %swap3A_262] {strides = array<i32>} : memref<2x128xf32, #tpu.memory_space<vmem>>, vector<16xf32>,
      tpu.vector_store %arg11[%swap3A_261, %swap3A_262], %select_n3A_260 {strides = array<i32>} : memref<2x128xf32, #tpu.memory_space<vmem>>, vector<16xf32>,
      %get3A_264 = arith.index_cast %rem3A_169 : i32 to index
      %get3A_265 = arith.constant 32 : index
      %get3A_266 = tpu.vector_load %arg9[%get3A_264, %get3A_265] {strides = array<i32>} : memref<2x128xf32, #tpu.memory_space<vmem>>, vector<16xf32>,
      %get3A_267 = arith.index_cast %rem3A_169 : i32 to index
      %get3A_268 = arith.constant 32 : index
      %get3A_269 = tpu.vector_load %arg10[%get3A_267, %get3A_268] {strides = array<i32>} : memref<2x128xf32, #tpu.memory_space<vmem>>, vector<16xf32>,
      %add3A_270 = arith.addf %get3A_266, %get3A_269 : vector<16xf32>
      %ge3A_271 = arith.constant 0.000000e+00 : f32
      %ge3A_272 = vector.broadcast %ge3A_271 : f32 to vector<16xf32>
      %ge3A_273 = arith.cmpf oge, %add3A_270, %ge3A_272 : vector<16xf32>
      %mul3A_274 = arith.constant 2.000000e-01 : f32
      %mul3A_275 = vector.broadcast %mul3A_274 : f32 to vector<16xf32>
      %mul3A_276 = arith.mulf %add3A_270, %mul3A_275 : vector<16xf32>
      %select_n3A_277 = arith.select %ge3A_273, %add3A_270, %mul3A_276 : vector<16xi1>, vector<16xf32>
      %exp3A_278 = math.exp %select_n3A_277 : vector<16xf32>
      %add3A_279 = arith.addi %add3A, %while3A_168 : i32
      %mul3A_280 = arith.constant 128 : i32
      %mul3A_281 = arith.muli %add3A_279, %mul3A_280 : i32
      %add3A_282 = arith.constant 32 : i32
      %add3A_283 = arith.addi %mul3A_281, %add3A_282 : i32
      %iota3A_284 = tpu.iota {dimensions = array<i32: 0>} : vector<16xi32>
      %add3A_285 = vector.broadcast %add3A_283 : i32 to vector<16xi32>
      %add3A_286 = arith.addi %add3A_285, %iota3A_284 : vector<16xi32>
      %lt3A_287 = arith.constant 330000 : i32
      %lt3A_288 = vector.broadcast %lt3A_287 : i32 to vector<16xi32>
      %lt3A_289 = arith.cmpi slt, %add3A_286, %lt3A_288 : vector<16xi32>
      %jit3A_290 = arith.constant 0.000000e+00 : f32
      %broadcast_in_dim3A_291 = vector.broadcast %jit3A_290 : f32 to vector<16xf32>
      %select_n3A_292 = arith.select %lt3A_289, %exp3A_278, %broadcast_in_dim3A_291 : vector<16xi1>, vector<16xf32>
      %swap3A_293 = arith.index_cast %rem3A_169 : i32 to index
      %swap3A_294 = arith.constant 32 : index
      %swap3A_295 = tpu.vector_load %arg11[%swap3A_293, %swap3A_294] {strides = array<i32>} : memref<2x128xf32, #tpu.memory_space<vmem>>, vector<16xf32>,
      tpu.vector_store %arg11[%swap3A_293, %swap3A_294], %select_n3A_292 {strides = array<i32>} : memref<2x128xf32, #tpu.memory_space<vmem>>, vector<16xf32>,
      %get3A_296 = arith.index_cast %rem3A_169 : i32 to index
      %get3A_297 = arith.constant 48 : index
      %get3A_298 = tpu.vector_load %arg9[%get3A_296, %get3A_297] {strides = array<i32>} : memref<2x128xf32, #tpu.memory_space<vmem>>, vector<16xf32>,
      %get3A_299 = arith.index_cast %rem3A_169 : i32 to index
      %get3A_300 = arith.constant 48 : index
      %get3A_301 = tpu.vector_load %arg10[%get3A_299, %get3A_300] {strides = array<i32>} : memref<2x128xf32, #tpu.memory_space<vmem>>, vector<16xf32>,
      %add3A_302 = arith.addf %get3A_298, %get3A_301 : vector<16xf32>
      %ge3A_303 = arith.constant 0.000000e+00 : f32
      %ge3A_304 = vector.broadcast %ge3A_303 : f32 to vector<16xf32>
      %ge3A_305 = arith.cmpf oge, %add3A_302, %ge3A_304 : vector<16xf32>
      %mul3A_306 = arith.constant 2.000000e-01 : f32
      %mul3A_307 = vector.broadcast %mul3A_306 : f32 to vector<16xf32>
      %mul3A_308 = arith.mulf %add3A_302, %mul3A_307 : vector<16xf32>
      %select_n3A_309 = arith.select %ge3A_305, %add3A_302, %mul3A_308 : vector<16xi1>, vector<16xf32>
      %exp3A_310 = math.exp %select_n3A_309 : vector<16xf32>
      %add3A_311 = arith.addi %add3A, %while3A_168 : i32
      %mul3A_312 = arith.constant 128 : i32
      %mul3A_313 = arith.muli %add3A_311, %mul3A_312 : i32
      %add3A_314 = arith.constant 48 : i32
      %add3A_315 = arith.addi %mul3A_313, %add3A_314 : i32
      %iota3A_316 = tpu.iota {dimensions = array<i32: 0>} : vector<16xi32>
      %add3A_317 = vector.broadcast %add3A_315 : i32 to vector<16xi32>
      %add3A_318 = arith.addi %add3A_317, %iota3A_316 : vector<16xi32>
      %lt3A_319 = arith.constant 330000 : i32
      %lt3A_320 = vector.broadcast %lt3A_319 : i32 to vector<16xi32>
      %lt3A_321 = arith.cmpi slt, %add3A_318, %lt3A_320 : vector<16xi32>
      %jit3A_322 = arith.constant 0.000000e+00 : f32
      %broadcast_in_dim3A_323 = vector.broadcast %jit3A_322 : f32 to vector<16xf32>
      %select_n3A_324 = arith.select %lt3A_321, %exp3A_310, %broadcast_in_dim3A_323 : vector<16xi1>, vector<16xf32>
      %swap3A_325 = arith.index_cast %rem3A_169 : i32 to index
      %swap3A_326 = arith.constant 48 : index
      %swap3A_327 = tpu.vector_load %arg11[%swap3A_325, %swap3A_326] {strides = array<i32>} : memref<2x128xf32, #tpu.memory_space<vmem>>, vector<16xf32>,
      tpu.vector_store %arg11[%swap3A_325, %swap3A_326], %select_n3A_324 {strides = array<i32>} : memref<2x128xf32, #tpu.memory_space<vmem>>, vector<16xf32>,
      %get3A_328 = arith.index_cast %rem3A_169 : i32 to index
      %get3A_329 = arith.constant 64 : index
      %get3A_330 = tpu.vector_load %arg9[%get3A_328, %get3A_329] {strides = array<i32>} : memref<2x128xf32, #tpu.memory_space<vmem>>, vector<16xf32>,
      %get3A_331 = arith.index_cast %rem3A_169 : i32 to index
      %get3A_332 = arith.constant 64 : index
      %get3A_333 = tpu.vector_load %arg10[%get3A_331, %get3A_332] {strides = array<i32>} : memref<2x128xf32, #tpu.memory_space<vmem>>, vector<16xf32>,
      %add3A_334 = arith.addf %get3A_330, %get3A_333 : vector<16xf32>
      %ge3A_335 = arith.constant 0.000000e+00 : f32
      %ge3A_336 = vector.broadcast %ge3A_335 : f32 to vector<16xf32>
      %ge3A_337 = arith.cmpf oge, %add3A_334, %ge3A_336 : vector<16xf32>
      %mul3A_338 = arith.constant 2.000000e-01 : f32
      %mul3A_339 = vector.broadcast %mul3A_338 : f32 to vector<16xf32>
      %mul3A_340 = arith.mulf %add3A_334, %mul3A_339 : vector<16xf32>
      %select_n3A_341 = arith.select %ge3A_337, %add3A_334, %mul3A_340 : vector<16xi1>, vector<16xf32>
      %exp3A_342 = math.exp %select_n3A_341 : vector<16xf32>
      %add3A_343 = arith.addi %add3A, %while3A_168 : i32
      %mul3A_344 = arith.constant 128 : i32
      %mul3A_345 = arith.muli %add3A_343, %mul3A_344 : i32
      %add3A_346 = arith.constant 64 : i32
      %add3A_347 = arith.addi %mul3A_345, %add3A_346 : i32
      %iota3A_348 = tpu.iota {dimensions = array<i32: 0>} : vector<16xi32>
      %add3A_349 = vector.broadcast %add3A_347 : i32 to vector<16xi32>
      %add3A_350 = arith.addi %add3A_349, %iota3A_348 : vector<16xi32>
      %lt3A_351 = arith.constant 330000 : i32
      %lt3A_352 = vector.broadcast %lt3A_351 : i32 to vector<16xi32>
      %lt3A_353 = arith.cmpi slt, %add3A_350, %lt3A_352 : vector<16xi32>
      %jit3A_354 = arith.constant 0.000000e+00 : f32
      %broadcast_in_dim3A_355 = vector.broadcast %jit3A_354 : f32 to vector<16xf32>
      %select_n3A_356 = arith.select %lt3A_353, %exp3A_342, %broadcast_in_dim3A_355 : vector<16xi1>, vector<16xf32>
      %swap3A_357 = arith.index_cast %rem3A_169 : i32 to index
      %swap3A_358 = arith.constant 64 : index
      %swap3A_359 = tpu.vector_load %arg11[%swap3A_357, %swap3A_358] {strides = array<i32>} : memref<2x128xf32, #tpu.memory_space<vmem>>, vector<16xf32>,
      tpu.vector_store %arg11[%swap3A_357, %swap3A_358], %select_n3A_356 {strides = array<i32>} : memref<2x128xf32, #tpu.memory_space<vmem>>, vector<16xf32>,
      %get3A_360 = arith.index_cast %rem3A_169 : i32 to index
      %get3A_361 = arith.constant 80 : index
      %get3A_362 = tpu.vector_load %arg9[%get3A_360, %get3A_361] {strides = array<i32>} : memref<2x128xf32, #tpu.memory_space<vmem>>, vector<16xf32>,
      %get3A_363 = arith.index_cast %rem3A_169 : i32 to index
      %get3A_364 = arith.constant 80 : index
      %get3A_365 = tpu.vector_load %arg10[%get3A_363, %get3A_364] {strides = array<i32>} : memref<2x128xf32, #tpu.memory_space<vmem>>, vector<16xf32>,
      %add3A_366 = arith.addf %get3A_362, %get3A_365 : vector<16xf32>
      %ge3A_367 = arith.constant 0.000000e+00 : f32
      %ge3A_368 = vector.broadcast %ge3A_367 : f32 to vector<16xf32>
      %ge3A_369 = arith.cmpf oge, %add3A_366, %ge3A_368 : vector<16xf32>
      %mul3A_370 = arith.constant 2.000000e-01 : f32
      %mul3A_371 = vector.broadcast %mul3A_370 : f32 to vector<16xf32>
      %mul3A_372 = arith.mulf %add3A_366, %mul3A_371 : vector<16xf32>
      %select_n3A_373 = arith.select %ge3A_369, %add3A_366, %mul3A_372 : vector<16xi1>, vector<16xf32>
      %exp3A_374 = math.exp %select_n3A_373 : vector<16xf32>
      %add3A_375 = arith.addi %add3A, %while3A_168 : i32
      %mul3A_376 = arith.constant 128 : i32
      %mul3A_377 = arith.muli %add3A_375, %mul3A_376 : i32
      %add3A_378 = arith.constant 80 : i32
      %add3A_379 = arith.addi %mul3A_377, %add3A_378 : i32
      %iota3A_380 = tpu.iota {dimensions = array<i32: 0>} : vector<16xi32>
      %add3A_381 = vector.broadcast %add3A_379 : i32 to vector<16xi32>
      %add3A_382 = arith.addi %add3A_381, %iota3A_380 : vector<16xi32>
      %lt3A_383 = arith.constant 330000 : i32
      %lt3A_384 = vector.broadcast %lt3A_383 : i32 to vector<16xi32>
      %lt3A_385 = arith.cmpi slt, %add3A_382, %lt3A_384 : vector<16xi32>
      %jit3A_386 = arith.constant 0.000000e+00 : f32
      %broadcast_in_dim3A_387 = vector.broadcast %jit3A_386 : f32 to vector<16xf32>
      %select_n3A_388 = arith.select %lt3A_385, %exp3A_374, %broadcast_in_dim3A_387 : vector<16xi1>, vector<16xf32>
      %swap3A_389 = arith.index_cast %rem3A_169 : i32 to index
      %swap3A_390 = arith.constant 80 : index
      %swap3A_391 = tpu.vector_load %arg11[%swap3A_389, %swap3A_390] {strides = array<i32>} : memref<2x128xf32, #tpu.memory_space<vmem>>, vector<16xf32>,
      tpu.vector_store %arg11[%swap3A_389, %swap3A_390], %select_n3A_388 {strides = array<i32>} : memref<2x128xf32, #tpu.memory_space<vmem>>, vector<16xf32>,
      %get3A_392 = arith.index_cast %rem3A_169 : i32 to index
      %get3A_393 = arith.constant 96 : index
      %get3A_394 = tpu.vector_load %arg9[%get3A_392, %get3A_393] {strides = array<i32>} : memref<2x128xf32, #tpu.memory_space<vmem>>, vector<16xf32>,
      %get3A_395 = arith.index_cast %rem3A_169 : i32 to index
      %get3A_396 = arith.constant 96 : index
      %get3A_397 = tpu.vector_load %arg10[%get3A_395, %get3A_396] {strides = array<i32>} : memref<2x128xf32, #tpu.memory_space<vmem>>, vector<16xf32>,
      %add3A_398 = arith.addf %get3A_394, %get3A_397 : vector<16xf32>
      %ge3A_399 = arith.constant 0.000000e+00 : f32
      %ge3A_400 = vector.broadcast %ge3A_399 : f32 to vector<16xf32>
      %ge3A_401 = arith.cmpf oge, %add3A_398, %ge3A_400 : vector<16xf32>
      %mul3A_402 = arith.constant 2.000000e-01 : f32
      %mul3A_403 = vector.broadcast %mul3A_402 : f32 to vector<16xf32>
      %mul3A_404 = arith.mulf %add3A_398, %mul3A_403 : vector<16xf32>
      %select_n3A_405 = arith.select %ge3A_401, %add3A_398, %mul3A_404 : vector<16xi1>, vector<16xf32>
      %exp3A_406 = math.exp %select_n3A_405 : vector<16xf32>
      %add3A_407 = arith.addi %add3A, %while3A_168 : i32
      %mul3A_408 = arith.constant 128 : i32
      %mul3A_409 = arith.muli %add3A_407, %mul3A_408 : i32
      %add3A_410 = arith.constant 96 : i32
      %add3A_411 = arith.addi %mul3A_409, %add3A_410 : i32
      %iota3A_412 = tpu.iota {dimensions = array<i32: 0>} : vector<16xi32>
      %add3A_413 = vector.broadcast %add3A_411 : i32 to vector<16xi32>
      %add3A_414 = arith.addi %add3A_413, %iota3A_412 : vector<16xi32>
      %lt3A_415 = arith.constant 330000 : i32
      %lt3A_416 = vector.broadcast %lt3A_415 : i32 to vector<16xi32>
      %lt3A_417 = arith.cmpi slt, %add3A_414, %lt3A_416 : vector<16xi32>
      %jit3A_418 = arith.constant 0.000000e+00 : f32
      %broadcast_in_dim3A_419 = vector.broadcast %jit3A_418 : f32 to vector<16xf32>
      %select_n3A_420 = arith.select %lt3A_417, %exp3A_406, %broadcast_in_dim3A_419 : vector<16xi1>, vector<16xf32>
      %swap3A_421 = arith.index_cast %rem3A_169 : i32 to index
      %swap3A_422 = arith.constant 96 : index
      %swap3A_423 = tpu.vector_load %arg11[%swap3A_421, %swap3A_422] {strides = array<i32>} : memref<2x128xf32, #tpu.memory_space<vmem>>, vector<16xf32>,
      tpu.vector_store %arg11[%swap3A_421, %swap3A_422], %select_n3A_420 {strides = array<i32>} : memref<2x128xf32, #tpu.memory_space<vmem>>, vector<16xf32>,
      %get3A_424 = arith.index_cast %rem3A_169 : i32 to index
      %get3A_425 = arith.constant 112 : index
      %get3A_426 = tpu.vector_load %arg9[%get3A_424, %get3A_425] {strides = array<i32>} : memref<2x128xf32, #tpu.memory_space<vmem>>, vector<16xf32>,
      %get3A_427 = arith.index_cast %rem3A_169 : i32 to index
      %get3A_428 = arith.constant 112 : index
      %get3A_429 = tpu.vector_load %arg10[%get3A_427, %get3A_428] {strides = array<i32>} : memref<2x128xf32, #tpu.memory_space<vmem>>, vector<16xf32>,
      %add3A_430 = arith.addf %get3A_426, %get3A_429 : vector<16xf32>
      %ge3A_431 = arith.constant 0.000000e+00 : f32
      %ge3A_432 = vector.broadcast %ge3A_431 : f32 to vector<16xf32>
      %ge3A_433 = arith.cmpf oge, %add3A_430, %ge3A_432 : vector<16xf32>
      %mul3A_434 = arith.constant 2.000000e-01 : f32
      %mul3A_435 = vector.broadcast %mul3A_434 : f32 to vector<16xf32>
      %mul3A_436 = arith.mulf %add3A_430, %mul3A_435 : vector<16xf32>
      %select_n3A_437 = arith.select %ge3A_433, %add3A_430, %mul3A_436 : vector<16xi1>, vector<16xf32>
      %exp3A_438 = math.exp %select_n3A_437 : vector<16xf32>
      %add3A_439 = arith.addi %add3A, %while3A_168 : i32
      %mul3A_440 = arith.constant 128 : i32
      %mul3A_441 = arith.muli %add3A_439, %mul3A_440 : i32
      %add3A_442 = arith.constant 112 : i32
      %add3A_443 = arith.addi %mul3A_441, %add3A_442 : i32
      %iota3A_444 = tpu.iota {dimensions = array<i32: 0>} : vector<16xi32>
      %add3A_445 = vector.broadcast %add3A_443 : i32 to vector<16xi32>
      %add3A_446 = arith.addi %add3A_445, %iota3A_444 : vector<16xi32>
      %lt3A_447 = arith.constant 330000 : i32
      %lt3A_448 = vector.broadcast %lt3A_447 : i32 to vector<16xi32>
      %lt3A_449 = arith.cmpi slt, %add3A_446, %lt3A_448 : vector<16xi32>
      %jit3A_450 = arith.constant 0.000000e+00 : f32
      %broadcast_in_dim3A_451 = vector.broadcast %jit3A_450 : f32 to vector<16xf32>
      %select_n3A_452 = arith.select %lt3A_449, %exp3A_438, %broadcast_in_dim3A_451 : vector<16xi1>, vector<16xf32>
      %swap3A_453 = arith.index_cast %rem3A_169 : i32 to index
      %swap3A_454 = arith.constant 112 : index
      %swap3A_455 = tpu.vector_load %arg11[%swap3A_453, %swap3A_454] {strides = array<i32>} : memref<2x128xf32, #tpu.memory_space<vmem>>, vector<16xf32>,
      tpu.vector_store %arg11[%swap3A_453, %swap3A_454], %select_n3A_452 {strides = array<i32>} : memref<2x128xf32, #tpu.memory_space<vmem>>, vector<16xf32>,
      %dma_start3A_456 = arith.constant 1 : i32
      %dma_start3A_457 = arith.constant 0 : i32
      %dma_start3A_458 = tpu.memref_slice %arg11[%rem3A_169, %dma_start3A_457] : memref<2x128xf32, #tpu.memory_space<vmem>> -> memref<1x128xf32, #tpu.memory_space<vmem>>
      %dma_start3A_459 = tpu.memref_squeeze %dma_start3A_458 : memref<1x128xf32, #tpu.memory_space<vmem>> -> memref<128xf32, #tpu.memory_space<vmem>>
      %dma_start3A_460 = arith.constant 0 : i32
      %dma_start3A_461 = tpu.memref_slice %arg8[%rem3A_169, %dma_start3A_456, %dma_start3A_460] : memref<2x2x128xi32, #tpu.memory_space<vmem>> -> memref<1x1x128xi32, #tpu.memory_space<vmem>>
      %dma_start3A_462 = tpu.memref_squeeze %dma_start3A_461 : memref<1x1x128xi32, #tpu.memory_space<vmem>> -> memref<128xi32, #tpu.memory_space<vmem>>
      %dma_start3A_463 = arith.constant 0 : i32
      %dma_start3A_464 = tpu.memref_slice %arg15[%dma_start3A_463] : memref<10240xf32, #tpu.memory_space<vmem_shared>> -> memref<10240xf32, #tpu.memory_space<vmem_shared>>
      tpu.enqueue_indirect_dma source(%dma_start3A_459 : memref<128xf32, #tpu.memory_space<vmem>>) target(%dma_start3A_464 : memref<10240xf32, #tpu.memory_space<vmem_shared>>) offsets(%dma_start3A_462 : memref<128xi32, #tpu.memory_space<vmem>>) semaphore(%arg19 : memref<!tpu.dma_semaphore, #tpu.memory_space<semaphore_mem>>) {add = true}
      %parallel_loop3A = arith.constant 0 : i32
      %parallel_loop3A_465 = arith.constant 128 : i32
      %parallel_loop3A_466 = arith.constant 1 : i32
      scf.for %parallel_loop3A_478 = %parallel_loop3A to %parallel_loop3A_465 step %parallel_loop3A_466  : i32 {
        %parallel_loop3A_479 = vector.broadcast %rem3A_169 : i32 to vector<16xi32>
        %parallel_loop3A_480 = vector.broadcast %parallel_loop3A_478 : i32 to vector<16xi32>
        %parallel_loop3A_481 = tpu.vector_load_idx %arg11[%parallel_loop3A_479, %parallel_loop3A_480] : memref<2x128xf32, #tpu.memory_space<vmem>>[vector<16xi32>, vector<16xi32>], vector<16xf32>,
        %parallel_loop3A_482 = arith.index_cast %rem3A_169 : i32 to index
        %parallel_loop3A_483 = arith.index_cast %parallel_loop3A_478 : i32 to index
        %parallel_loop3A_484 = arith.constant 0 : index
        %parallel_loop3A_485 = tpu.vector_load %arg13[%parallel_loop3A_482, %parallel_loop3A_483, %parallel_loop3A_484] {strides = array<i32>} : memref<2x128x128xf32, #tpu.memory_space<vmem>>, vector<16xf32>,
        %parallel_loop3A_486 = arith.mulf %parallel_loop3A_485, %parallel_loop3A_481 : vector<16xf32>
        %parallel_loop3A_487 = arith.index_cast %rem3A_169 : i32 to index
        %parallel_loop3A_488 = arith.index_cast %parallel_loop3A_478 : i32 to index
        %parallel_loop3A_489 = arith.constant 0 : index
        %parallel_loop3A_490 = tpu.vector_load %arg13[%parallel_loop3A_487, %parallel_loop3A_488, %parallel_loop3A_489] {strides = array<i32>} : memref<2x128x128xf32, #tpu.memory_space<vmem>>, vector<16xf32>,
        tpu.vector_store %arg13[%parallel_loop3A_487, %parallel_loop3A_488, %parallel_loop3A_489], %parallel_loop3A_486 {strides = array<i32>} : memref<2x128x128xf32, #tpu.memory_space<vmem>>, vector<16xf32>,
        %parallel_loop3A_491 = arith.index_cast %rem3A_169 : i32 to index
        %parallel_loop3A_492 = arith.index_cast %parallel_loop3A_478 : i32 to index
        %parallel_loop3A_493 = arith.constant 16 : index
        %parallel_loop3A_494 = tpu.vector_load %arg13[%parallel_loop3A_491, %parallel_loop3A_492, %parallel_loop3A_493] {strides = array<i32>} : memref<2x128x128xf32, #tpu.memory_space<vmem>>, vector<16xf32>,
        %parallel_loop3A_495 = arith.mulf %parallel_loop3A_494, %parallel_loop3A_481 : vector<16xf32>
        %parallel_loop3A_496 = arith.index_cast %rem3A_169 : i32 to index
        %parallel_loop3A_497 = arith.index_cast %parallel_loop3A_478 : i32 to index
        %parallel_loop3A_498 = arith.constant 16 : index
        %parallel_loop3A_499 = tpu.vector_load %arg13[%parallel_loop3A_496, %parallel_loop3A_497, %parallel_loop3A_498] {strides = array<i32>} : memref<2x128x128xf32, #tpu.memory_space<vmem>>, vector<16xf32>,
        tpu.vector_store %arg13[%parallel_loop3A_496, %parallel_loop3A_497, %parallel_loop3A_498], %parallel_loop3A_495 {strides = array<i32>} : memref<2x128x128xf32, #tpu.memory_space<vmem>>, vector<16xf32>,
        %parallel_loop3A_500 = arith.index_cast %rem3A_169 : i32 to index
        %parallel_loop3A_501 = arith.index_cast %parallel_loop3A_478 : i32 to index
        %parallel_loop3A_502 = arith.constant 32 : index
        %parallel_loop3A_503 = tpu.vector_load %arg13[%parallel_loop3A_500, %parallel_loop3A_501, %parallel_loop3A_502] {strides = array<i32>} : memref<2x128x128xf32, #tpu.memory_space<vmem>>, vector<16xf32>,
        %parallel_loop3A_504 = arith.mulf %parallel_loop3A_503, %parallel_loop3A_481 : vector<16xf32>
        %parallel_loop3A_505 = arith.index_cast %rem3A_169 : i32 to index
        %parallel_loop3A_506 = arith.index_cast %parallel_loop3A_478 : i32 to index
        %parallel_loop3A_507 = arith.constant 32 : index
        %parallel_loop3A_508 = tpu.vector_load %arg13[%parallel_loop3A_505, %parallel_loop3A_506, %parallel_loop3A_507] {strides = array<i32>} : memref<2x128x128xf32, #tpu.memory_space<vmem>>, vector<16xf32>,
        tpu.vector_store %arg13[%parallel_loop3A_505, %parallel_loop3A_506, %parallel_loop3A_507], %parallel_loop3A_504 {strides = array<i32>} : memref<2x128x128xf32, #tpu.memory_space<vmem>>, vector<16xf32>,
        %parallel_loop3A_509 = arith.index_cast %rem3A_169 : i32 to index
        %parallel_loop3A_510 = arith.index_cast %parallel_loop3A_478 : i32 to index
        %parallel_loop3A_511 = arith.constant 48 : index
        %parallel_loop3A_512 = tpu.vector_load %arg13[%parallel_loop3A_509, %parallel_loop3A_510, %parallel_loop3A_511] {strides = array<i32>} : memref<2x128x128xf32, #tpu.memory_space<vmem>>, vector<16xf32>,
        %parallel_loop3A_513 = arith.mulf %parallel_loop3A_512, %parallel_loop3A_481 : vector<16xf32>
        %parallel_loop3A_514 = arith.index_cast %rem3A_169 : i32 to index
        %parallel_loop3A_515 = arith.index_cast %parallel_loop3A_478 : i32 to index
        %parallel_loop3A_516 = arith.constant 48 : index
        %parallel_loop3A_517 = tpu.vector_load %arg13[%parallel_loop3A_514, %parallel_loop3A_515, %parallel_loop3A_516] {strides = array<i32>} : memref<2x128x128xf32, #tpu.memory_space<vmem>>, vector<16xf32>,
        tpu.vector_store %arg13[%parallel_loop3A_514, %parallel_loop3A_515, %parallel_loop3A_516], %parallel_loop3A_513 {strides = array<i32>} : memref<2x128x128xf32, #tpu.memory_space<vmem>>, vector<16xf32>,
        %parallel_loop3A_518 = arith.index_cast %rem3A_169 : i32 to index
        %parallel_loop3A_519 = arith.index_cast %parallel_loop3A_478 : i32 to index
        %parallel_loop3A_520 = arith.constant 64 : index
        %parallel_loop3A_521 = tpu.vector_load %arg13[%parallel_loop3A_518, %parallel_loop3A_519, %parallel_loop3A_520] {strides = array<i32>} : memref<2x128x128xf32, #tpu.memory_space<vmem>>, vector<16xf32>,
        %parallel_loop3A_522 = arith.mulf %parallel_loop3A_521, %parallel_loop3A_481 : vector<16xf32>
        %parallel_loop3A_523 = arith.index_cast %rem3A_169 : i32 to index
        %parallel_loop3A_524 = arith.index_cast %parallel_loop3A_478 : i32 to index
        %parallel_loop3A_525 = arith.constant 64 : index
        %parallel_loop3A_526 = tpu.vector_load %arg13[%parallel_loop3A_523, %parallel_loop3A_524, %parallel_loop3A_525] {strides = array<i32>} : memref<2x128x128xf32, #tpu.memory_space<vmem>>, vector<16xf32>,
        tpu.vector_store %arg13[%parallel_loop3A_523, %parallel_loop3A_524, %parallel_loop3A_525], %parallel_loop3A_522 {strides = array<i32>} : memref<2x128x128xf32, #tpu.memory_space<vmem>>, vector<16xf32>,
        %parallel_loop3A_527 = arith.index_cast %rem3A_169 : i32 to index
        %parallel_loop3A_528 = arith.index_cast %parallel_loop3A_478 : i32 to index
        %parallel_loop3A_529 = arith.constant 80 : index
        %parallel_loop3A_530 = tpu.vector_load %arg13[%parallel_loop3A_527, %parallel_loop3A_528, %parallel_loop3A_529] {strides = array<i32>} : memref<2x128x128xf32, #tpu.memory_space<vmem>>, vector<16xf32>,
        %parallel_loop3A_531 = arith.mulf %parallel_loop3A_530, %parallel_loop3A_481 : vector<16xf32>
        %parallel_loop3A_532 = arith.index_cast %rem3A_169 : i32 to index
        %parallel_loop3A_533 = arith.index_cast %parallel_loop3A_478 : i32 to index
        %parallel_loop3A_534 = arith.constant 80 : index
        %parallel_loop3A_535 = tpu.vector_load %arg13[%parallel_loop3A_532, %parallel_loop3A_533, %parallel_loop3A_534] {strides = array<i32>} : memref<2x128x128xf32, #tpu.memory_space<vmem>>, vector<16xf32>,
        tpu.vector_store %arg13[%parallel_loop3A_532, %parallel_loop3A_533, %parallel_loop3A_534], %parallel_loop3A_531 {strides = array<i32>} : memref<2x128x128xf32, #tpu.memory_space<vmem>>, vector<16xf32>,
        %parallel_loop3A_536 = arith.index_cast %rem3A_169 : i32 to index
        %parallel_loop3A_537 = arith.index_cast %parallel_loop3A_478 : i32 to index
        %parallel_loop3A_538 = arith.constant 96 : index
        %parallel_loop3A_539 = tpu.vector_load %arg13[%parallel_loop3A_536, %parallel_loop3A_537, %parallel_loop3A_538] {strides = array<i32>} : memref<2x128x128xf32, #tpu.memory_space<vmem>>, vector<16xf32>,
        %parallel_loop3A_540 = arith.mulf %parallel_loop3A_539, %parallel_loop3A_481 : vector<16xf32>
        %parallel_loop3A_541 = arith.index_cast %rem3A_169 : i32 to index
        %parallel_loop3A_542 = arith.index_cast %parallel_loop3A_478 : i32 to index
        %parallel_loop3A_543 = arith.constant 96 : index
        %parallel_loop3A_544 = tpu.vector_load %arg13[%parallel_loop3A_541, %parallel_loop3A_542, %parallel_loop3A_543] {strides = array<i32>} : memref<2x128x128xf32, #tpu.memory_space<vmem>>, vector<16xf32>,
        tpu.vector_store %arg13[%parallel_loop3A_541, %parallel_loop3A_542, %parallel_loop3A_543], %parallel_loop3A_540 {strides = array<i32>} : memref<2x128x128xf32, #tpu.memory_space<vmem>>, vector<16xf32>,
        %parallel_loop3A_545 = arith.index_cast %rem3A_169 : i32 to index
        %parallel_loop3A_546 = arith.index_cast %parallel_loop3A_478 : i32 to index
        %parallel_loop3A_547 = arith.constant 112 : index
        %parallel_loop3A_548 = tpu.vector_load %arg13[%parallel_loop3A_545, %parallel_loop3A_546, %parallel_loop3A_547] {strides = array<i32>} : memref<2x128x128xf32, #tpu.memory_space<vmem>>, vector<16xf32>,
        %parallel_loop3A_549 = arith.mulf %parallel_loop3A_548, %parallel_loop3A_481 : vector<16xf32>
        %parallel_loop3A_550 = arith.index_cast %rem3A_169 : i32 to index
        %parallel_loop3A_551 = arith.index_cast %parallel_loop3A_478 : i32 to index
        %parallel_loop3A_552 = arith.constant 112 : index
        %parallel_loop3A_553 = tpu.vector_load %arg13[%parallel_loop3A_550, %parallel_loop3A_551, %parallel_loop3A_552] {strides = array<i32>} : memref<2x128x128xf32, #tpu.memory_space<vmem>>, vector<16xf32>,
        tpu.vector_store %arg13[%parallel_loop3A_550, %parallel_loop3A_551, %parallel_loop3A_552], %parallel_loop3A_549 {strides = array<i32>} : memref<2x128x128xf32, #tpu.memory_space<vmem>>, vector<16xf32>,
      } {sc.loop_unroll_factor = 4 : i64, sc.parallel_access}
      %dma_start3A_467 = arith.constant 1 : i32
      %dma_start3A_468 = arith.constant 0 : i32
      %dma_start3A_469 = arith.constant 0 : i32
      %dma_start3A_470 = tpu.memref_slice %arg13[%rem3A_169, %dma_start3A_468, %dma_start3A_469] : memref<2x128x128xf32, #tpu.memory_space<vmem>> -> memref<1x128x128xf32, #tpu.memory_space<vmem>>
      %dma_start3A_471 = tpu.memref_squeeze %dma_start3A_470 : memref<1x128x128xf32, #tpu.memory_space<vmem>> -> memref<128x128xf32, #tpu.memory_space<vmem>>
      %dma_start3A_472 = arith.constant 0 : i32
      %dma_start3A_473 = tpu.memref_slice %arg8[%rem3A_169, %dma_start3A_467, %dma_start3A_472] : memref<2x2x128xi32, #tpu.memory_space<vmem>> -> memref<1x1x128xi32, #tpu.memory_space<vmem>>
      %dma_start3A_474 = tpu.memref_squeeze %dma_start3A_473 : memref<1x1x128xi32, #tpu.memory_space<vmem>> -> memref<128xi32, #tpu.memory_space<vmem>>
      %dma_start3A_475 = arith.constant 0 : i32
      %dma_start3A_476 = arith.constant 0 : i32
      %dma_start3A_477 = tpu.memref_slice %arg14[%dma_start3A_475, %dma_start3A_476] : memref<10240x128xf32, #tpu.memory_space<vmem_shared>> -> memref<10240x128xf32, #tpu.memory_space<vmem_shared>>
      tpu.enqueue_indirect_dma source(%dma_start3A_471 : memref<128x128xf32, #tpu.memory_space<vmem>>) target(%dma_start3A_477 : memref<10240x128xf32, #tpu.memory_space<vmem_shared>>) offsets(%dma_start3A_474 : memref<128xi32, #tpu.memory_space<vmem>>) semaphore(%arg18 : memref<!tpu.dma_semaphore, #tpu.memory_space<semaphore_mem>>) {add = true}
    }
    %while3A_85 = arith.constant 1 : i32
    scf.for %while3A_168 = %while3A_83 to %while3A_79 step %while3A_85  : i32 {
      %rem3A = arith.constant 2 : i32
      %rem3A_169 = arith.remsi %while3A_168, %rem3A : i32
      %add3A_170 = arith.constant 1 : i32
      %add3A_171 = arith.addi %while3A_168, %add3A_170 : i32
      %rem3A_172 = arith.constant 2 : i32
      %rem3A_173 = arith.remsi %add3A_171, %rem3A_172 : i32
      %add3A_174 = arith.constant 1 : i32
      %add3A_175 = arith.addi %while3A_168, %add3A_174 : i32
      %lt3A = arith.cmpi slt, %add3A_175, %select_n3A : i32
      %convert_element_type3A = arith.extui %lt3A : i1 to i32
      %cond3A = arith.constant 0 : i32
      %cond3A_176 = arith.cmpi ne, %convert_element_type3A, %cond3A : i32
      scf.if %cond3A_176 {
        %ge3A_478 = arith.constant 1 : i32
        %ge3A_479 = arith.cmpi sge, %while3A_168, %ge3A_478 : i32
        %convert_element_type3A_480 = arith.extui %ge3A_479 : i1 to i32
        %cond3A_481 = arith.constant 0 : i32
        %cond3A_482 = arith.cmpi ne, %convert_element_type3A_480, %cond3A_481 : i32
        scf.if %cond3A_482 {
          %dma_wait3A_515 = arith.constant 1 : i32
          %dma_wait3A_516 = arith.constant 0 : i32
          %dma_wait3A_517 = arith.constant 0 : i32
          %dma_wait3A_518 = tpu.memref_slice %arg13[%rem3A_173, %dma_wait3A_516, %dma_wait3A_517] : memref<2x128x128xf32, #tpu.memory_space<vmem>> -> memref<1x128x128xf32, #tpu.memory_space<vmem>>
          %dma_wait3A_519 = tpu.memref_squeeze %dma_wait3A_518 : memref<1x128x128xf32, #tpu.memory_space<vmem>> -> memref<128x128xf32, #tpu.memory_space<vmem>>
          %dma_wait3A_520 = arith.constant 0 : i32
          %dma_wait3A_521 = tpu.memref_slice %arg8[%rem3A_173, %dma_wait3A_515, %dma_wait3A_520] : memref<2x2x128xi32, #tpu.memory_space<vmem>> -> memref<1x1x128xi32, #tpu.memory_space<vmem>>
          %dma_wait3A_522 = tpu.memref_squeeze %dma_wait3A_521 : memref<1x1x128xi32, #tpu.memory_space<vmem>> -> memref<128xi32, #tpu.memory_space<vmem>>
          %dma_wait3A_523 = arith.constant 0 : i32
          %dma_wait3A_524 = arith.constant 0 : i32
          %dma_wait3A_525 = tpu.memref_slice %arg14[%dma_wait3A_523, %dma_wait3A_524] : memref<10240x128xf32, #tpu.memory_space<vmem_shared>> -> memref<10240x128xf32, #tpu.memory_space<vmem_shared>>
          tpu.wait_indirect_dma semaphore(%arg18 : memref<!tpu.dma_semaphore, #tpu.memory_space<semaphore_mem>>) src(%dma_wait3A_519 : memref<128x128xf32, #tpu.memory_space<vmem>>) dst(%dma_wait3A_525 : memref<10240x128xf32, #tpu.memory_space<vmem_shared>>)
          %dma_wait3A_526 = arith.constant 1 : i32
          %dma_wait3A_527 = arith.constant 0 : i32
          %dma_wait3A_528 = tpu.memref_slice %arg11[%rem3A_173, %dma_wait3A_527] : memref<2x128xf32, #tpu.memory_space<vmem>> -> memref<1x128xf32, #tpu.memory_space<vmem>>
          %dma_wait3A_529 = tpu.memref_squeeze %dma_wait3A_528 : memref<1x128xf32, #tpu.memory_space<vmem>> -> memref<128xf32, #tpu.memory_space<vmem>>
          %dma_wait3A_530 = arith.constant 0 : i32
          %dma_wait3A_531 = tpu.memref_slice %arg8[%rem3A_173, %dma_wait3A_526, %dma_wait3A_530] : memref<2x2x128xi32, #tpu.memory_space<vmem>> -> memref<1x1x128xi32, #tpu.memory_space<vmem>>
          %dma_wait3A_532 = tpu.memref_squeeze %dma_wait3A_531 : memref<1x1x128xi32, #tpu.memory_space<vmem>> -> memref<128xi32, #tpu.memory_space<vmem>>
          %dma_wait3A_533 = arith.constant 0 : i32
          %dma_wait3A_534 = tpu.memref_slice %arg15[%dma_wait3A_533] : memref<10240xf32, #tpu.memory_space<vmem_shared>> -> memref<10240xf32, #tpu.memory_space<vmem_shared>>
          tpu.wait_indirect_dma semaphore(%arg19 : memref<!tpu.dma_semaphore, #tpu.memory_space<semaphore_mem>>) src(%dma_wait3A_529 : memref<128xf32, #tpu.memory_space<vmem>>) dst(%dma_wait3A_534 : memref<10240xf32, #tpu.memory_space<vmem_shared>>)
        } else {
        }
        %add3A_483 = arith.constant 1 : i32
        %add3A_484 = arith.addi %while3A_168, %add3A_483 : i32
        %add3A_485 = arith.addi %add3A, %add3A_484 : i32
        "tpu.region"() ({
          %run_scoped3A_515 = tpu.sem_alloc : memref<!tpu.dma_semaphore, #tpu.memory_space<semaphore_mem>>
          %dma_start3A_516 = arith.constant 0 : i32
          %dma_start3A_517 = arith.constant 0 : i32
          %dma_start3A_518 = tpu.memref_slice %arg8[%rem3A_173, %dma_start3A_516, %dma_start3A_517] : memref<2x2x128xi32, #tpu.memory_space<vmem>> -> memref<1x2x128xi32, #tpu.memory_space<vmem>>
          %dma_start3A_519 = tpu.memref_squeeze %dma_start3A_518 : memref<1x2x128xi32, #tpu.memory_space<vmem>> -> memref<2x128xi32, #tpu.memory_space<vmem>>
          %dma_start3A_520 = arith.constant 0 : i32
          %dma_start3A_521 = arith.constant 0 : i32
          %dma_start3A_522 = tpu.memref_slice %arg5[%add3A_485, %dma_start3A_520, %dma_start3A_521] : memref<2592x2x128xi32, #tpu.memory_space<hbm>> -> memref<1x2x128xi32, #tpu.memory_space<hbm>>
          %dma_start3A_523 = tpu.memref_squeeze %dma_start3A_522 : memref<1x2x128xi32, #tpu.memory_space<hbm>> -> memref<2x128xi32, #tpu.memory_space<hbm>>
          %dma_start3A_524 = arith.constant 0 : i32
          %dma_start3A_525 = arith.constant 0 : i32
          %dma_start3A_526 = tpu.memref_slice %arg8[%rem3A_173, %dma_start3A_524, %dma_start3A_525] : memref<2x2x128xi32, #tpu.memory_space<vmem>> -> memref<1x2x128xi32, #tpu.memory_space<vmem>>
          %dma_start3A_527 = tpu.memref_squeeze %dma_start3A_526 : memref<1x2x128xi32, #tpu.memory_space<vmem>> -> memref<2x128xi32, #tpu.memory_space<vmem>>
          %dma_start3A_528 = arith.constant 0 : i32
          %dma_start3A_529 = arith.constant 0 : i32
          %dma_start3A_530 = tpu.memref_slice %arg5[%add3A_485, %dma_start3A_528, %dma_start3A_529] : memref<2592x2x128xi32, #tpu.memory_space<hbm>> -> memref<1x2x128xi32, #tpu.memory_space<hbm>>
          %dma_start3A_531 = tpu.memref_squeeze %dma_start3A_530 : memref<1x2x128xi32, #tpu.memory_space<hbm>> -> memref<2x128xi32, #tpu.memory_space<hbm>>
          tpu.enqueue_dma source(%dma_start3A_531 : memref<2x128xi32, #tpu.memory_space<hbm>>) target(%dma_start3A_527 : memref<2x128xi32, #tpu.memory_space<vmem>>) target_semaphore(%run_scoped3A_515 : memref<!tpu.dma_semaphore, #tpu.memory_space<semaphore_mem>>)
          %dma_wait3A_532 = arith.constant 0 : i32
          %dma_wait3A_533 = arith.constant 0 : i32
          %dma_wait3A_534 = tpu.memref_slice %arg8[%rem3A_173, %dma_wait3A_532, %dma_wait3A_533] : memref<2x2x128xi32, #tpu.memory_space<vmem>> -> memref<1x2x128xi32, #tpu.memory_space<vmem>>
          %dma_wait3A_535 = tpu.memref_squeeze %dma_wait3A_534 : memref<1x2x128xi32, #tpu.memory_space<vmem>> -> memref<2x128xi32, #tpu.memory_space<vmem>>
          %dma_wait3A_536 = arith.constant 0 : i32
          %dma_wait3A_537 = arith.constant 0 : i32
          %dma_wait3A_538 = tpu.memref_slice %arg5[%add3A_485, %dma_wait3A_536, %dma_wait3A_537] : memref<2592x2x128xi32, #tpu.memory_space<hbm>> -> memref<1x2x128xi32, #tpu.memory_space<hbm>>
          %dma_wait3A_539 = tpu.memref_squeeze %dma_wait3A_538 : memref<1x2x128xi32, #tpu.memory_space<hbm>> -> memref<2x128xi32, #tpu.memory_space<hbm>>
          %dma_wait3A_540 = arith.constant 0 : i32
          %dma_wait3A_541 = arith.constant 0 : i32
          %dma_wait3A_542 = tpu.memref_slice %arg8[%rem3A_173, %dma_wait3A_540, %dma_wait3A_541] : memref<2x2x128xi32, #tpu.memory_space<vmem>> -> memref<1x2x128xi32, #tpu.memory_space<vmem>>
          %dma_wait3A_543 = tpu.memref_squeeze %dma_wait3A_542 : memref<1x2x128xi32, #tpu.memory_space<vmem>> -> memref<2x128xi32, #tpu.memory_space<vmem>>
          %dma_wait3A_544 = arith.constant 0 : i32
          %dma_wait3A_545 = arith.constant 0 : i32
          %dma_wait3A_546 = tpu.memref_slice %arg5[%add3A_485, %dma_wait3A_544, %dma_wait3A_545] : memref<2592x2x128xi32, #tpu.memory_space<hbm>> -> memref<1x2x128xi32, #tpu.memory_space<hbm>>
          %dma_wait3A_547 = tpu.memref_squeeze %dma_wait3A_546 : memref<1x2x128xi32, #tpu.memory_space<hbm>> -> memref<2x128xi32, #tpu.memory_space<hbm>>
          tpu.wait_dma2 semaphore(%run_scoped3A_515 : memref<!tpu.dma_semaphore, #tpu.memory_space<semaphore_mem>>) src(%dma_wait3A_547 : memref<2x128xi32, #tpu.memory_space<hbm>>) dst(%dma_wait3A_543 : memref<2x128xi32, #tpu.memory_space<vmem>>)
          tpu.yield
        }) : () -> ()
        %dma_start3A_486 = arith.constant 0 : i32
        %dma_start3A_487 = arith.constant 0 : i32
        %dma_start3A_488 = tpu.memref_slice %arg9[%rem3A_173, %dma_start3A_487] : memref<2x128xf32, #tpu.memory_space<vmem>> -> memref<1x128xf32, #tpu.memory_space<vmem>>
        %dma_start3A_489 = tpu.memref_squeeze %dma_start3A_488 : memref<1x128xf32, #tpu.memory_space<vmem>> -> memref<128xf32, #tpu.memory_space<vmem>>
        %dma_start3A_490 = arith.constant 0 : i32
        %dma_start3A_491 = tpu.memref_slice %arg8[%rem3A_173, %dma_start3A_486, %dma_start3A_490] : memref<2x2x128xi32, #tpu.memory_space<vmem>> -> memref<1x1x128xi32, #tpu.memory_space<vmem>>
        %dma_start3A_492 = tpu.memref_squeeze %dma_start3A_491 : memref<1x1x128xi32, #tpu.memory_space<vmem>> -> memref<128xi32, #tpu.memory_space<vmem>>
        %dma_start3A_493 = arith.constant 0 : i32
        %dma_start3A_494 = tpu.memref_slice %arg3[%dma_start3A_493] : memref<10240xf32, #tpu.memory_space<hbm>> -> memref<10240xf32, #tpu.memory_space<hbm>>
        tpu.enqueue_indirect_dma source(%dma_start3A_494 : memref<10240xf32, #tpu.memory_space<hbm>>) target(%dma_start3A_489 : memref<128xf32, #tpu.memory_space<vmem>>) offsets(%dma_start3A_492 : memref<128xi32, #tpu.memory_space<vmem>>) semaphore(%arg17 : memref<!tpu.dma_semaphore, #tpu.memory_space<semaphore_mem>>)
        %dma_start3A_495 = arith.constant 1 : i32
        %dma_start3A_496 = arith.constant 0 : i32
        %dma_start3A_497 = tpu.memref_slice %arg10[%rem3A_173, %dma_start3A_496] : memref<2x128xf32, #tpu.memory_space<vmem>> -> memref<1x128xf32, #tpu.memory_space<vmem>>
        %dma_start3A_498 = tpu.memref_squeeze %dma_start3A_497 : memref<1x128xf32, #tpu.memory_space<vmem>> -> memref<128xf32, #tpu.memory_space<vmem>>
        %dma_start3A_499 = arith.constant 0 : i32
        %dma_start3A_500 = tpu.memref_slice %arg8[%rem3A_173, %dma_start3A_495, %dma_start3A_499] : memref<2x2x128xi32, #tpu.memory_space<vmem>> -> memref<1x1x128xi32, #tpu.memory_space<vmem>>
        %dma_start3A_501 = tpu.memref_squeeze %dma_start3A_500 : memref<1x1x128xi32, #tpu.memory_space<vmem>> -> memref<128xi32, #tpu.memory_space<vmem>>
        %dma_start3A_502 = arith.constant 0 : i32
        %dma_start3A_503 = tpu.memref_slice %arg4[%dma_start3A_502] : memref<10240xf32, #tpu.memory_space<hbm>> -> memref<10240xf32, #tpu.memory_space<hbm>>
        tpu.enqueue_indirect_dma source(%dma_start3A_503 : memref<10240xf32, #tpu.memory_space<hbm>>) target(%dma_start3A_498 : memref<128xf32, #tpu.memory_space<vmem>>) offsets(%dma_start3A_501 : memref<128xi32, #tpu.memory_space<vmem>>) semaphore(%arg17 : memref<!tpu.dma_semaphore, #tpu.memory_space<semaphore_mem>>)
        %dma_start3A_504 = arith.constant 0 : i32
        %dma_start3A_505 = arith.constant 0 : i32
        %dma_start3A_506 = arith.constant 0 : i32
        %dma_start3A_507 = tpu.memref_slice %arg13[%rem3A_173, %dma_start3A_505, %dma_start3A_506] : memref<2x128x128xf32, #tpu.memory_space<vmem>> -> memref<1x128x128xf32, #tpu.memory_space<vmem>>
        %dma_start3A_508 = tpu.memref_squeeze %dma_start3A_507 : memref<1x128x128xf32, #tpu.memory_space<vmem>> -> memref<128x128xf32, #tpu.memory_space<vmem>>
        %dma_start3A_509 = arith.constant 0 : i32
        %dma_start3A_510 = tpu.memref_slice %arg8[%rem3A_173, %dma_start3A_504, %dma_start3A_509] : memref<2x2x128xi32, #tpu.memory_space<vmem>> -> memref<1x1x128xi32, #tpu.memory_space<vmem>>
        %dma_start3A_511 = tpu.memref_squeeze %dma_start3A_510 : memref<1x1x128xi32, #tpu.memory_space<vmem>> -> memref<128xi32, #tpu.memory_space<vmem>>
        %dma_start3A_512 = arith.constant 0 : i32
        %dma_start3A_513 = arith.constant 0 : i32
        %dma_start3A_514 = tpu.memref_slice %arg2[%dma_start3A_512, %dma_start3A_513] : memref<10240x128xf32, #tpu.memory_space<hbm>> -> memref<10240x128xf32, #tpu.memory_space<hbm>>
        tpu.enqueue_indirect_dma source(%dma_start3A_514 : memref<10240x128xf32, #tpu.memory_space<hbm>>) target(%dma_start3A_508 : memref<128x128xf32, #tpu.memory_space<vmem>>) offsets(%dma_start3A_511 : memref<128xi32, #tpu.memory_space<vmem>>) semaphore(%arg16 : memref<!tpu.dma_semaphore, #tpu.memory_space<semaphore_mem>>)
      } else {
      }
      %dma_wait3A_177 = arith.constant 0 : i32
      %dma_wait3A_178 = arith.constant 0 : i32
      %dma_wait3A_179 = tpu.memref_slice %arg9[%rem3A_169, %dma_wait3A_178] : memref<2x128xf32, #tpu.memory_space<vmem>> -> memref<1x128xf32, #tpu.memory_space<vmem>>
      %dma_wait3A_180 = tpu.memref_squeeze %dma_wait3A_179 : memref<1x128xf32, #tpu.memory_space<vmem>> -> memref<128xf32, #tpu.memory_space<vmem>>
      %dma_wait3A_181 = arith.constant 0 : i32
      %dma_wait3A_182 = tpu.memref_slice %arg8[%rem3A_169, %dma_wait3A_177, %dma_wait3A_181] : memref<2x2x128xi32, #tpu.memory_space<vmem>> -> memref<1x1x128xi32, #tpu.memory_space<vmem>>
      %dma_wait3A_183 = tpu.memref_squeeze %dma_wait3A_182 : memref<1x1x128xi32, #tpu.memory_space<vmem>> -> memref<128xi32, #tpu.memory_space<vmem>>
      %dma_wait3A_184 = arith.constant 0 : i32
      %dma_wait3A_185 = tpu.memref_slice %arg3[%dma_wait3A_184] : memref<10240xf32, #tpu.memory_space<hbm>> -> memref<10240xf32, #tpu.memory_space<hbm>>
      tpu.wait_indirect_dma semaphore(%arg17 : memref<!tpu.dma_semaphore, #tpu.memory_space<semaphore_mem>>) src(%dma_wait3A_185 : memref<10240xf32, #tpu.memory_space<hbm>>) dst(%dma_wait3A_180 : memref<128xf32, #tpu.memory_space<vmem>>)
      %dma_wait3A_186 = arith.constant 1 : i32
      %dma_wait3A_187 = arith.constant 0 : i32
      %dma_wait3A_188 = tpu.memref_slice %arg10[%rem3A_169, %dma_wait3A_187] : memref<2x128xf32, #tpu.memory_space<vmem>> -> memref<1x128xf32, #tpu.memory_space<vmem>>
      %dma_wait3A_189 = tpu.memref_squeeze %dma_wait3A_188 : memref<1x128xf32, #tpu.memory_space<vmem>> -> memref<128xf32, #tpu.memory_space<vmem>>
      %dma_wait3A_190 = arith.constant 0 : i32
      %dma_wait3A_191 = tpu.memref_slice %arg8[%rem3A_169, %dma_wait3A_186, %dma_wait3A_190] : memref<2x2x128xi32, #tpu.memory_space<vmem>> -> memref<1x1x128xi32, #tpu.memory_space<vmem>>
      %dma_wait3A_192 = tpu.memref_squeeze %dma_wait3A_191 : memref<1x1x128xi32, #tpu.memory_space<vmem>> -> memref<128xi32, #tpu.memory_space<vmem>>
      %dma_wait3A_193 = arith.constant 0 : i32
      %dma_wait3A_194 = tpu.memref_slice %arg4[%dma_wait3A_193] : memref<10240xf32, #tpu.memory_space<hbm>> -> memref<10240xf32, #tpu.memory_space<hbm>>
      tpu.wait_indirect_dma semaphore(%arg17 : memref<!tpu.dma_semaphore, #tpu.memory_space<semaphore_mem>>) src(%dma_wait3A_194 : memref<10240xf32, #tpu.memory_space<hbm>>) dst(%dma_wait3A_189 : memref<128xf32, #tpu.memory_space<vmem>>)
      %dma_wait3A_195 = arith.constant 0 : i32
      %dma_wait3A_196 = arith.constant 0 : i32
      %dma_wait3A_197 = arith.constant 0 : i32
      %dma_wait3A_198 = tpu.memref_slice %arg13[%rem3A_169, %dma_wait3A_196, %dma_wait3A_197] : memref<2x128x128xf32, #tpu.memory_space<vmem>> -> memref<1x128x128xf32, #tpu.memory_space<vmem>>
      %dma_wait3A_199 = tpu.memref_squeeze %dma_wait3A_198 : memref<1x128x128xf32, #tpu.memory_space<vmem>> -> memref<128x128xf32, #tpu.memory_space<vmem>>
      %dma_wait3A_200 = arith.constant 0 : i32
      %dma_wait3A_201 = tpu.memref_slice %arg8[%rem3A_169, %dma_wait3A_195, %dma_wait3A_200] : memref<2x2x128xi32, #tpu.memory_space<vmem>> -> memref<1x1x128xi32, #tpu.memory_space<vmem>>
      %dma_wait3A_202 = tpu.memref_squeeze %dma_wait3A_201 : memref<1x1x128xi32, #tpu.memory_space<vmem>> -> memref<128xi32, #tpu.memory_space<vmem>>
      %dma_wait3A_203 = arith.constant 0 : i32
      %dma_wait3A_204 = arith.constant 0 : i32
      %dma_wait3A_205 = tpu.memref_slice %arg2[%dma_wait3A_203, %dma_wait3A_204] : memref<10240x128xf32, #tpu.memory_space<hbm>> -> memref<10240x128xf32, #tpu.memory_space<hbm>>
      tpu.wait_indirect_dma semaphore(%arg16 : memref<!tpu.dma_semaphore, #tpu.memory_space<semaphore_mem>>) src(%dma_wait3A_205 : memref<10240x128xf32, #tpu.memory_space<hbm>>) dst(%dma_wait3A_199 : memref<128x128xf32, #tpu.memory_space<vmem>>)
      %get3A = arith.index_cast %rem3A_169 : i32 to index
      %get3A_206 = arith.constant 0 : index
      %get3A_207 = tpu.vector_load %arg9[%get3A, %get3A_206] {strides = array<i32>} : memref<2x128xf32, #tpu.memory_space<vmem>>, vector<16xf32>,
      %get3A_208 = arith.index_cast %rem3A_169 : i32 to index
      %get3A_209 = arith.constant 0 : index
      %get3A_210 = tpu.vector_load %arg10[%get3A_208, %get3A_209] {strides = array<i32>} : memref<2x128xf32, #tpu.memory_space<vmem>>, vector<16xf32>,
      %add3A_211 = arith.addf %get3A_207, %get3A_210 : vector<16xf32>
      %ge3A = arith.constant 0.000000e+00 : f32
      %ge3A_212 = vector.broadcast %ge3A : f32 to vector<16xf32>
      %ge3A_213 = arith.cmpf oge, %add3A_211, %ge3A_212 : vector<16xf32>
      %mul3A_214 = arith.constant 2.000000e-01 : f32
      %mul3A_215 = vector.broadcast %mul3A_214 : f32 to vector<16xf32>
      %mul3A_216 = arith.mulf %add3A_211, %mul3A_215 : vector<16xf32>
      %select_n3A_217 = arith.select %ge3A_213, %add3A_211, %mul3A_216 : vector<16xi1>, vector<16xf32>
      %exp3A = math.exp %select_n3A_217 : vector<16xf32>
      %add3A_218 = arith.addi %add3A, %while3A_168 : i32
      %mul3A_219 = arith.constant 128 : i32
      %mul3A_220 = arith.muli %add3A_218, %mul3A_219 : i32
      %add3A_221 = arith.constant 0 : i32
      %add3A_222 = arith.addi %mul3A_220, %add3A_221 : i32
      %iota3A = tpu.iota {dimensions = array<i32: 0>} : vector<16xi32>
      %add3A_223 = vector.broadcast %add3A_222 : i32 to vector<16xi32>
      %add3A_224 = arith.addi %add3A_223, %iota3A : vector<16xi32>
      %lt3A_225 = arith.constant 330000 : i32
      %lt3A_226 = vector.broadcast %lt3A_225 : i32 to vector<16xi32>
      %lt3A_227 = arith.cmpi slt, %add3A_224, %lt3A_226 : vector<16xi32>
      %jit3A_228 = arith.constant 0.000000e+00 : f32
      %broadcast_in_dim3A = vector.broadcast %jit3A_228 : f32 to vector<16xf32>
      %select_n3A_229 = arith.select %lt3A_227, %exp3A, %broadcast_in_dim3A : vector<16xi1>, vector<16xf32>
      %swap3A = arith.index_cast %rem3A_169 : i32 to index
      %swap3A_230 = arith.constant 0 : index
      %swap3A_231 = tpu.vector_load %arg11[%swap3A, %swap3A_230] {strides = array<i32>} : memref<2x128xf32, #tpu.memory_space<vmem>>, vector<16xf32>,
      tpu.vector_store %arg11[%swap3A, %swap3A_230], %select_n3A_229 {strides = array<i32>} : memref<2x128xf32, #tpu.memory_space<vmem>>, vector<16xf32>,
      %get3A_232 = arith.index_cast %rem3A_169 : i32 to index
      %get3A_233 = arith.constant 16 : index
      %get3A_234 = tpu.vector_load %arg9[%get3A_232, %get3A_233] {strides = array<i32>} : memref<2x128xf32, #tpu.memory_space<vmem>>, vector<16xf32>,
      %get3A_235 = arith.index_cast %rem3A_169 : i32 to index
      %get3A_236 = arith.constant 16 : index
      %get3A_237 = tpu.vector_load %arg10[%get3A_235, %get3A_236] {strides = array<i32>} : memref<2x128xf32, #tpu.memory_space<vmem>>, vector<16xf32>,
      %add3A_238 = arith.addf %get3A_234, %get3A_237 : vector<16xf32>
      %ge3A_239 = arith.constant 0.000000e+00 : f32
      %ge3A_240 = vector.broadcast %ge3A_239 : f32 to vector<16xf32>
      %ge3A_241 = arith.cmpf oge, %add3A_238, %ge3A_240 : vector<16xf32>
      %mul3A_242 = arith.constant 2.000000e-01 : f32
      %mul3A_243 = vector.broadcast %mul3A_242 : f32 to vector<16xf32>
      %mul3A_244 = arith.mulf %add3A_238, %mul3A_243 : vector<16xf32>
      %select_n3A_245 = arith.select %ge3A_241, %add3A_238, %mul3A_244 : vector<16xi1>, vector<16xf32>
      %exp3A_246 = math.exp %select_n3A_245 : vector<16xf32>
      %add3A_247 = arith.addi %add3A, %while3A_168 : i32
      %mul3A_248 = arith.constant 128 : i32
      %mul3A_249 = arith.muli %add3A_247, %mul3A_248 : i32
      %add3A_250 = arith.constant 16 : i32
      %add3A_251 = arith.addi %mul3A_249, %add3A_250 : i32
      %iota3A_252 = tpu.iota {dimensions = array<i32: 0>} : vector<16xi32>
      %add3A_253 = vector.broadcast %add3A_251 : i32 to vector<16xi32>
      %add3A_254 = arith.addi %add3A_253, %iota3A_252 : vector<16xi32>
      %lt3A_255 = arith.constant 330000 : i32
      %lt3A_256 = vector.broadcast %lt3A_255 : i32 to vector<16xi32>
      %lt3A_257 = arith.cmpi slt, %add3A_254, %lt3A_256 : vector<16xi32>
      %jit3A_258 = arith.constant 0.000000e+00 : f32
      %broadcast_in_dim3A_259 = vector.broadcast %jit3A_258 : f32 to vector<16xf32>
      %select_n3A_260 = arith.select %lt3A_257, %exp3A_246, %broadcast_in_dim3A_259 : vector<16xi1>, vector<16xf32>
      %swap3A_261 = arith.index_cast %rem3A_169 : i32 to index
      %swap3A_262 = arith.constant 16 : index
      %swap3A_263 = tpu.vector_load %arg11[%swap3A_261, %swap3A_262] {strides = array<i32>} : memref<2x128xf32, #tpu.memory_space<vmem>>, vector<16xf32>,
      tpu.vector_store %arg11[%swap3A_261, %swap3A_262], %select_n3A_260 {strides = array<i32>} : memref<2x128xf32, #tpu.memory_space<vmem>>, vector<16xf32>,
      %get3A_264 = arith.index_cast %rem3A_169 : i32 to index
      %get3A_265 = arith.constant 32 : index
      %get3A_266 = tpu.vector_load %arg9[%get3A_264, %get3A_265] {strides = array<i32>} : memref<2x128xf32, #tpu.memory_space<vmem>>, vector<16xf32>,
      %get3A_267 = arith.index_cast %rem3A_169 : i32 to index
      %get3A_268 = arith.constant 32 : index
      %get3A_269 = tpu.vector_load %arg10[%get3A_267, %get3A_268] {strides = array<i32>} : memref<2x128xf32, #tpu.memory_space<vmem>>, vector<16xf32>,
      %add3A_270 = arith.addf %get3A_266, %get3A_269 : vector<16xf32>
      %ge3A_271 = arith.constant 0.000000e+00 : f32
      %ge3A_272 = vector.broadcast %ge3A_271 : f32 to vector<16xf32>
      %ge3A_273 = arith.cmpf oge, %add3A_270, %ge3A_272 : vector<16xf32>
      %mul3A_274 = arith.constant 2.000000e-01 : f32
      %mul3A_275 = vector.broadcast %mul3A_274 : f32 to vector<16xf32>
      %mul3A_276 = arith.mulf %add3A_270, %mul3A_275 : vector<16xf32>
      %select_n3A_277 = arith.select %ge3A_273, %add3A_270, %mul3A_276 : vector<16xi1>, vector<16xf32>
      %exp3A_278 = math.exp %select_n3A_277 : vector<16xf32>
      %add3A_279 = arith.addi %add3A, %while3A_168 : i32
      %mul3A_280 = arith.constant 128 : i32
      %mul3A_281 = arith.muli %add3A_279, %mul3A_280 : i32
      %add3A_282 = arith.constant 32 : i32
      %add3A_283 = arith.addi %mul3A_281, %add3A_282 : i32
      %iota3A_284 = tpu.iota {dimensions = array<i32: 0>} : vector<16xi32>
      %add3A_285 = vector.broadcast %add3A_283 : i32 to vector<16xi32>
      %add3A_286 = arith.addi %add3A_285, %iota3A_284 : vector<16xi32>
      %lt3A_287 = arith.constant 330000 : i32
      %lt3A_288 = vector.broadcast %lt3A_287 : i32 to vector<16xi32>
      %lt3A_289 = arith.cmpi slt, %add3A_286, %lt3A_288 : vector<16xi32>
      %jit3A_290 = arith.constant 0.000000e+00 : f32
      %broadcast_in_dim3A_291 = vector.broadcast %jit3A_290 : f32 to vector<16xf32>
      %select_n3A_292 = arith.select %lt3A_289, %exp3A_278, %broadcast_in_dim3A_291 : vector<16xi1>, vector<16xf32>
      %swap3A_293 = arith.index_cast %rem3A_169 : i32 to index
      %swap3A_294 = arith.constant 32 : index
      %swap3A_295 = tpu.vector_load %arg11[%swap3A_293, %swap3A_294] {strides = array<i32>} : memref<2x128xf32, #tpu.memory_space<vmem>>, vector<16xf32>,
      tpu.vector_store %arg11[%swap3A_293, %swap3A_294], %select_n3A_292 {strides = array<i32>} : memref<2x128xf32, #tpu.memory_space<vmem>>, vector<16xf32>,
      %get3A_296 = arith.index_cast %rem3A_169 : i32 to index
      %get3A_297 = arith.constant 48 : index
      %get3A_298 = tpu.vector_load %arg9[%get3A_296, %get3A_297] {strides = array<i32>} : memref<2x128xf32, #tpu.memory_space<vmem>>, vector<16xf32>,
      %get3A_299 = arith.index_cast %rem3A_169 : i32 to index
      %get3A_300 = arith.constant 48 : index
      %get3A_301 = tpu.vector_load %arg10[%get3A_299, %get3A_300] {strides = array<i32>} : memref<2x128xf32, #tpu.memory_space<vmem>>, vector<16xf32>,
      %add3A_302 = arith.addf %get3A_298, %get3A_301 : vector<16xf32>
      %ge3A_303 = arith.constant 0.000000e+00 : f32
      %ge3A_304 = vector.broadcast %ge3A_303 : f32 to vector<16xf32>
      %ge3A_305 = arith.cmpf oge, %add3A_302, %ge3A_304 : vector<16xf32>
      %mul3A_306 = arith.constant 2.000000e-01 : f32
      %mul3A_307 = vector.broadcast %mul3A_306 : f32 to vector<16xf32>
      %mul3A_308 = arith.mulf %add3A_302, %mul3A_307 : vector<16xf32>
      %select_n3A_309 = arith.select %ge3A_305, %add3A_302, %mul3A_308 : vector<16xi1>, vector<16xf32>
      %exp3A_310 = math.exp %select_n3A_309 : vector<16xf32>
      %add3A_311 = arith.addi %add3A, %while3A_168 : i32
      %mul3A_312 = arith.constant 128 : i32
      %mul3A_313 = arith.muli %add3A_311, %mul3A_312 : i32
      %add3A_314 = arith.constant 48 : i32
      %add3A_315 = arith.addi %mul3A_313, %add3A_314 : i32
      %iota3A_316 = tpu.iota {dimensions = array<i32: 0>} : vector<16xi32>
      %add3A_317 = vector.broadcast %add3A_315 : i32 to vector<16xi32>
      %add3A_318 = arith.addi %add3A_317, %iota3A_316 : vector<16xi32>
      %lt3A_319 = arith.constant 330000 : i32
      %lt3A_320 = vector.broadcast %lt3A_319 : i32 to vector<16xi32>
      %lt3A_321 = arith.cmpi slt, %add3A_318, %lt3A_320 : vector<16xi32>
      %jit3A_322 = arith.constant 0.000000e+00 : f32
      %broadcast_in_dim3A_323 = vector.broadcast %jit3A_322 : f32 to vector<16xf32>
      %select_n3A_324 = arith.select %lt3A_321, %exp3A_310, %broadcast_in_dim3A_323 : vector<16xi1>, vector<16xf32>
      %swap3A_325 = arith.index_cast %rem3A_169 : i32 to index
      %swap3A_326 = arith.constant 48 : index
      %swap3A_327 = tpu.vector_load %arg11[%swap3A_325, %swap3A_326] {strides = array<i32>} : memref<2x128xf32, #tpu.memory_space<vmem>>, vector<16xf32>,
      tpu.vector_store %arg11[%swap3A_325, %swap3A_326], %select_n3A_324 {strides = array<i32>} : memref<2x128xf32, #tpu.memory_space<vmem>>, vector<16xf32>,
      %get3A_328 = arith.index_cast %rem3A_169 : i32 to index
      %get3A_329 = arith.constant 64 : index
      %get3A_330 = tpu.vector_load %arg9[%get3A_328, %get3A_329] {strides = array<i32>} : memref<2x128xf32, #tpu.memory_space<vmem>>, vector<16xf32>,
      %get3A_331 = arith.index_cast %rem3A_169 : i32 to index
      %get3A_332 = arith.constant 64 : index
      %get3A_333 = tpu.vector_load %arg10[%get3A_331, %get3A_332] {strides = array<i32>} : memref<2x128xf32, #tpu.memory_space<vmem>>, vector<16xf32>,
      %add3A_334 = arith.addf %get3A_330, %get3A_333 : vector<16xf32>
      %ge3A_335 = arith.constant 0.000000e+00 : f32
      %ge3A_336 = vector.broadcast %ge3A_335 : f32 to vector<16xf32>
      %ge3A_337 = arith.cmpf oge, %add3A_334, %ge3A_336 : vector<16xf32>
      %mul3A_338 = arith.constant 2.000000e-01 : f32
      %mul3A_339 = vector.broadcast %mul3A_338 : f32 to vector<16xf32>
      %mul3A_340 = arith.mulf %add3A_334, %mul3A_339 : vector<16xf32>
      %select_n3A_341 = arith.select %ge3A_337, %add3A_334, %mul3A_340 : vector<16xi1>, vector<16xf32>
      %exp3A_342 = math.exp %select_n3A_341 : vector<16xf32>
      %add3A_343 = arith.addi %add3A, %while3A_168 : i32
      %mul3A_344 = arith.constant 128 : i32
      %mul3A_345 = arith.muli %add3A_343, %mul3A_344 : i32
      %add3A_346 = arith.constant 64 : i32
      %add3A_347 = arith.addi %mul3A_345, %add3A_346 : i32
      %iota3A_348 = tpu.iota {dimensions = array<i32: 0>} : vector<16xi32>
      %add3A_349 = vector.broadcast %add3A_347 : i32 to vector<16xi32>
      %add3A_350 = arith.addi %add3A_349, %iota3A_348 : vector<16xi32>
      %lt3A_351 = arith.constant 330000 : i32
      %lt3A_352 = vector.broadcast %lt3A_351 : i32 to vector<16xi32>
      %lt3A_353 = arith.cmpi slt, %add3A_350, %lt3A_352 : vector<16xi32>
      %jit3A_354 = arith.constant 0.000000e+00 : f32
      %broadcast_in_dim3A_355 = vector.broadcast %jit3A_354 : f32 to vector<16xf32>
      %select_n3A_356 = arith.select %lt3A_353, %exp3A_342, %broadcast_in_dim3A_355 : vector<16xi1>, vector<16xf32>
      %swap3A_357 = arith.index_cast %rem3A_169 : i32 to index
      %swap3A_358 = arith.constant 64 : index
      %swap3A_359 = tpu.vector_load %arg11[%swap3A_357, %swap3A_358] {strides = array<i32>} : memref<2x128xf32, #tpu.memory_space<vmem>>, vector<16xf32>,
      tpu.vector_store %arg11[%swap3A_357, %swap3A_358], %select_n3A_356 {strides = array<i32>} : memref<2x128xf32, #tpu.memory_space<vmem>>, vector<16xf32>,
      %get3A_360 = arith.index_cast %rem3A_169 : i32 to index
      %get3A_361 = arith.constant 80 : index
      %get3A_362 = tpu.vector_load %arg9[%get3A_360, %get3A_361] {strides = array<i32>} : memref<2x128xf32, #tpu.memory_space<vmem>>, vector<16xf32>,
      %get3A_363 = arith.index_cast %rem3A_169 : i32 to index
      %get3A_364 = arith.constant 80 : index
      %get3A_365 = tpu.vector_load %arg10[%get3A_363, %get3A_364] {strides = array<i32>} : memref<2x128xf32, #tpu.memory_space<vmem>>, vector<16xf32>,
      %add3A_366 = arith.addf %get3A_362, %get3A_365 : vector<16xf32>
      %ge3A_367 = arith.constant 0.000000e+00 : f32
      %ge3A_368 = vector.broadcast %ge3A_367 : f32 to vector<16xf32>
      %ge3A_369 = arith.cmpf oge, %add3A_366, %ge3A_368 : vector<16xf32>
      %mul3A_370 = arith.constant 2.000000e-01 : f32
      %mul3A_371 = vector.broadcast %mul3A_370 : f32 to vector<16xf32>
      %mul3A_372 = arith.mulf %add3A_366, %mul3A_371 : vector<16xf32>
      %select_n3A_373 = arith.select %ge3A_369, %add3A_366, %mul3A_372 : vector<16xi1>, vector<16xf32>
      %exp3A_374 = math.exp %select_n3A_373 : vector<16xf32>
      %add3A_375 = arith.addi %add3A, %while3A_168 : i32
      %mul3A_376 = arith.constant 128 : i32
      %mul3A_377 = arith.muli %add3A_375, %mul3A_376 : i32
      %add3A_378 = arith.constant 80 : i32
      %add3A_379 = arith.addi %mul3A_377, %add3A_378 : i32
      %iota3A_380 = tpu.iota {dimensions = array<i32: 0>} : vector<16xi32>
      %add3A_381 = vector.broadcast %add3A_379 : i32 to vector<16xi32>
      %add3A_382 = arith.addi %add3A_381, %iota3A_380 : vector<16xi32>
      %lt3A_383 = arith.constant 330000 : i32
      %lt3A_384 = vector.broadcast %lt3A_383 : i32 to vector<16xi32>
      %lt3A_385 = arith.cmpi slt, %add3A_382, %lt3A_384 : vector<16xi32>
      %jit3A_386 = arith.constant 0.000000e+00 : f32
      %broadcast_in_dim3A_387 = vector.broadcast %jit3A_386 : f32 to vector<16xf32>
      %select_n3A_388 = arith.select %lt3A_385, %exp3A_374, %broadcast_in_dim3A_387 : vector<16xi1>, vector<16xf32>
      %swap3A_389 = arith.index_cast %rem3A_169 : i32 to index
      %swap3A_390 = arith.constant 80 : index
      %swap3A_391 = tpu.vector_load %arg11[%swap3A_389, %swap3A_390] {strides = array<i32>} : memref<2x128xf32, #tpu.memory_space<vmem>>, vector<16xf32>,
      tpu.vector_store %arg11[%swap3A_389, %swap3A_390], %select_n3A_388 {strides = array<i32>} : memref<2x128xf32, #tpu.memory_space<vmem>>, vector<16xf32>,
      %get3A_392 = arith.index_cast %rem3A_169 : i32 to index
      %get3A_393 = arith.constant 96 : index
      %get3A_394 = tpu.vector_load %arg9[%get3A_392, %get3A_393] {strides = array<i32>} : memref<2x128xf32, #tpu.memory_space<vmem>>, vector<16xf32>,
      %get3A_395 = arith.index_cast %rem3A_169 : i32 to index
      %get3A_396 = arith.constant 96 : index
      %get3A_397 = tpu.vector_load %arg10[%get3A_395, %get3A_396] {strides = array<i32>} : memref<2x128xf32, #tpu.memory_space<vmem>>, vector<16xf32>,
      %add3A_398 = arith.addf %get3A_394, %get3A_397 : vector<16xf32>
      %ge3A_399 = arith.constant 0.000000e+00 : f32
      %ge3A_400 = vector.broadcast %ge3A_399 : f32 to vector<16xf32>
      %ge3A_401 = arith.cmpf oge, %add3A_398, %ge3A_400 : vector<16xf32>
      %mul3A_402 = arith.constant 2.000000e-01 : f32
      %mul3A_403 = vector.broadcast %mul3A_402 : f32 to vector<16xf32>
      %mul3A_404 = arith.mulf %add3A_398, %mul3A_403 : vector<16xf32>
      %select_n3A_405 = arith.select %ge3A_401, %add3A_398, %mul3A_404 : vector<16xi1>, vector<16xf32>
      %exp3A_406 = math.exp %select_n3A_405 : vector<16xf32>
      %add3A_407 = arith.addi %add3A, %while3A_168 : i32
      %mul3A_408 = arith.constant 128 : i32
      %mul3A_409 = arith.muli %add3A_407, %mul3A_408 : i32
      %add3A_410 = arith.constant 96 : i32
      %add3A_411 = arith.addi %mul3A_409, %add3A_410 : i32
      %iota3A_412 = tpu.iota {dimensions = array<i32: 0>} : vector<16xi32>
      %add3A_413 = vector.broadcast %add3A_411 : i32 to vector<16xi32>
      %add3A_414 = arith.addi %add3A_413, %iota3A_412 : vector<16xi32>
      %lt3A_415 = arith.constant 330000 : i32
      %lt3A_416 = vector.broadcast %lt3A_415 : i32 to vector<16xi32>
      %lt3A_417 = arith.cmpi slt, %add3A_414, %lt3A_416 : vector<16xi32>
      %jit3A_418 = arith.constant 0.000000e+00 : f32
      %broadcast_in_dim3A_419 = vector.broadcast %jit3A_418 : f32 to vector<16xf32>
      %select_n3A_420 = arith.select %lt3A_417, %exp3A_406, %broadcast_in_dim3A_419 : vector<16xi1>, vector<16xf32>
      %swap3A_421 = arith.index_cast %rem3A_169 : i32 to index
      %swap3A_422 = arith.constant 96 : index
      %swap3A_423 = tpu.vector_load %arg11[%swap3A_421, %swap3A_422] {strides = array<i32>} : memref<2x128xf32, #tpu.memory_space<vmem>>, vector<16xf32>,
      tpu.vector_store %arg11[%swap3A_421, %swap3A_422], %select_n3A_420 {strides = array<i32>} : memref<2x128xf32, #tpu.memory_space<vmem>>, vector<16xf32>,
      %get3A_424 = arith.index_cast %rem3A_169 : i32 to index
      %get3A_425 = arith.constant 112 : index
      %get3A_426 = tpu.vector_load %arg9[%get3A_424, %get3A_425] {strides = array<i32>} : memref<2x128xf32, #tpu.memory_space<vmem>>, vector<16xf32>,
      %get3A_427 = arith.index_cast %rem3A_169 : i32 to index
      %get3A_428 = arith.constant 112 : index
      %get3A_429 = tpu.vector_load %arg10[%get3A_427, %get3A_428] {strides = array<i32>} : memref<2x128xf32, #tpu.memory_space<vmem>>, vector<16xf32>,
      %add3A_430 = arith.addf %get3A_426, %get3A_429 : vector<16xf32>
      %ge3A_431 = arith.constant 0.000000e+00 : f32
      %ge3A_432 = vector.broadcast %ge3A_431 : f32 to vector<16xf32>
      %ge3A_433 = arith.cmpf oge, %add3A_430, %ge3A_432 : vector<16xf32>
      %mul3A_434 = arith.constant 2.000000e-01 : f32
      %mul3A_435 = vector.broadcast %mul3A_434 : f32 to vector<16xf32>
      %mul3A_436 = arith.mulf %add3A_430, %mul3A_435 : vector<16xf32>
      %select_n3A_437 = arith.select %ge3A_433, %add3A_430, %mul3A_436 : vector<16xi1>, vector<16xf32>
      %exp3A_438 = math.exp %select_n3A_437 : vector<16xf32>
      %add3A_439 = arith.addi %add3A, %while3A_168 : i32
      %mul3A_440 = arith.constant 128 : i32
      %mul3A_441 = arith.muli %add3A_439, %mul3A_440 : i32
      %add3A_442 = arith.constant 112 : i32
      %add3A_443 = arith.addi %mul3A_441, %add3A_442 : i32
      %iota3A_444 = tpu.iota {dimensions = array<i32: 0>} : vector<16xi32>
      %add3A_445 = vector.broadcast %add3A_443 : i32 to vector<16xi32>
      %add3A_446 = arith.addi %add3A_445, %iota3A_444 : vector<16xi32>
      %lt3A_447 = arith.constant 330000 : i32
      %lt3A_448 = vector.broadcast %lt3A_447 : i32 to vector<16xi32>
      %lt3A_449 = arith.cmpi slt, %add3A_446, %lt3A_448 : vector<16xi32>
      %jit3A_450 = arith.constant 0.000000e+00 : f32
      %broadcast_in_dim3A_451 = vector.broadcast %jit3A_450 : f32 to vector<16xf32>
      %select_n3A_452 = arith.select %lt3A_449, %exp3A_438, %broadcast_in_dim3A_451 : vector<16xi1>, vector<16xf32>
      %swap3A_453 = arith.index_cast %rem3A_169 : i32 to index
      %swap3A_454 = arith.constant 112 : index
      %swap3A_455 = tpu.vector_load %arg11[%swap3A_453, %swap3A_454] {strides = array<i32>} : memref<2x128xf32, #tpu.memory_space<vmem>>, vector<16xf32>,
      tpu.vector_store %arg11[%swap3A_453, %swap3A_454], %select_n3A_452 {strides = array<i32>} : memref<2x128xf32, #tpu.memory_space<vmem>>, vector<16xf32>,
      %dma_start3A_456 = arith.constant 1 : i32
      %dma_start3A_457 = arith.constant 0 : i32
      %dma_start3A_458 = tpu.memref_slice %arg11[%rem3A_169, %dma_start3A_457] : memref<2x128xf32, #tpu.memory_space<vmem>> -> memref<1x128xf32, #tpu.memory_space<vmem>>
      %dma_start3A_459 = tpu.memref_squeeze %dma_start3A_458 : memref<1x128xf32, #tpu.memory_space<vmem>> -> memref<128xf32, #tpu.memory_space<vmem>>
      %dma_start3A_460 = arith.constant 0 : i32
      %dma_start3A_461 = tpu.memref_slice %arg8[%rem3A_169, %dma_start3A_456, %dma_start3A_460] : memref<2x2x128xi32, #tpu.memory_space<vmem>> -> memref<1x1x128xi32, #tpu.memory_space<vmem>>
      %dma_start3A_462 = tpu.memref_squeeze %dma_start3A_461 : memref<1x1x128xi32, #tpu.memory_space<vmem>> -> memref<128xi32, #tpu.memory_space<vmem>>
      %dma_start3A_463 = arith.constant 0 : i32
      %dma_start3A_464 = tpu.memref_slice %arg15[%dma_start3A_463] : memref<10240xf32, #tpu.memory_space<vmem_shared>> -> memref<10240xf32, #tpu.memory_space<vmem_shared>>
      tpu.enqueue_indirect_dma source(%dma_start3A_459 : memref<128xf32, #tpu.memory_space<vmem>>) target(%dma_start3A_464 : memref<10240xf32, #tpu.memory_space<vmem_shared>>) offsets(%dma_start3A_462 : memref<128xi32, #tpu.memory_space<vmem>>) semaphore(%arg19 : memref<!tpu.dma_semaphore, #tpu.memory_space<semaphore_mem>>) {add = true}
      %parallel_loop3A = arith.constant 0 : i32
      %parallel_loop3A_465 = arith.constant 128 : i32
      %parallel_loop3A_466 = arith.constant 1 : i32
      scf.for %parallel_loop3A_478 = %parallel_loop3A to %parallel_loop3A_465 step %parallel_loop3A_466  : i32 {
        %parallel_loop3A_479 = vector.broadcast %rem3A_169 : i32 to vector<16xi32>
        %parallel_loop3A_480 = vector.broadcast %parallel_loop3A_478 : i32 to vector<16xi32>
        %parallel_loop3A_481 = tpu.vector_load_idx %arg11[%parallel_loop3A_479, %parallel_loop3A_480] : memref<2x128xf32, #tpu.memory_space<vmem>>[vector<16xi32>, vector<16xi32>], vector<16xf32>,
        %parallel_loop3A_482 = arith.index_cast %rem3A_169 : i32 to index
        %parallel_loop3A_483 = arith.index_cast %parallel_loop3A_478 : i32 to index
        %parallel_loop3A_484 = arith.constant 0 : index
        %parallel_loop3A_485 = tpu.vector_load %arg13[%parallel_loop3A_482, %parallel_loop3A_483, %parallel_loop3A_484] {strides = array<i32>} : memref<2x128x128xf32, #tpu.memory_space<vmem>>, vector<16xf32>,
        %parallel_loop3A_486 = arith.mulf %parallel_loop3A_485, %parallel_loop3A_481 : vector<16xf32>
        %parallel_loop3A_487 = arith.index_cast %rem3A_169 : i32 to index
        %parallel_loop3A_488 = arith.index_cast %parallel_loop3A_478 : i32 to index
        %parallel_loop3A_489 = arith.constant 0 : index
        %parallel_loop3A_490 = tpu.vector_load %arg13[%parallel_loop3A_487, %parallel_loop3A_488, %parallel_loop3A_489] {strides = array<i32>} : memref<2x128x128xf32, #tpu.memory_space<vmem>>, vector<16xf32>,
        tpu.vector_store %arg13[%parallel_loop3A_487, %parallel_loop3A_488, %parallel_loop3A_489], %parallel_loop3A_486 {strides = array<i32>} : memref<2x128x128xf32, #tpu.memory_space<vmem>>, vector<16xf32>,
        %parallel_loop3A_491 = arith.index_cast %rem3A_169 : i32 to index
        %parallel_loop3A_492 = arith.index_cast %parallel_loop3A_478 : i32 to index
        %parallel_loop3A_493 = arith.constant 16 : index
        %parallel_loop3A_494 = tpu.vector_load %arg13[%parallel_loop3A_491, %parallel_loop3A_492, %parallel_loop3A_493] {strides = array<i32>} : memref<2x128x128xf32, #tpu.memory_space<vmem>>, vector<16xf32>,
        %parallel_loop3A_495 = arith.mulf %parallel_loop3A_494, %parallel_loop3A_481 : vector<16xf32>
        %parallel_loop3A_496 = arith.index_cast %rem3A_169 : i32 to index
        %parallel_loop3A_497 = arith.index_cast %parallel_loop3A_478 : i32 to index
        %parallel_loop3A_498 = arith.constant 16 : index
        %parallel_loop3A_499 = tpu.vector_load %arg13[%parallel_loop3A_496, %parallel_loop3A_497, %parallel_loop3A_498] {strides = array<i32>} : memref<2x128x128xf32, #tpu.memory_space<vmem>>, vector<16xf32>,
        tpu.vector_store %arg13[%parallel_loop3A_496, %parallel_loop3A_497, %parallel_loop3A_498], %parallel_loop3A_495 {strides = array<i32>} : memref<2x128x128xf32, #tpu.memory_space<vmem>>, vector<16xf32>,
        %parallel_loop3A_500 = arith.index_cast %rem3A_169 : i32 to index
        %parallel_loop3A_501 = arith.index_cast %parallel_loop3A_478 : i32 to index
        %parallel_loop3A_502 = arith.constant 32 : index
        %parallel_loop3A_503 = tpu.vector_load %arg13[%parallel_loop3A_500, %parallel_loop3A_501, %parallel_loop3A_502] {strides = array<i32>} : memref<2x128x128xf32, #tpu.memory_space<vmem>>, vector<16xf32>,
        %parallel_loop3A_504 = arith.mulf %parallel_loop3A_503, %parallel_loop3A_481 : vector<16xf32>
        %parallel_loop3A_505 = arith.index_cast %rem3A_169 : i32 to index
        %parallel_loop3A_506 = arith.index_cast %parallel_loop3A_478 : i32 to index
        %parallel_loop3A_507 = arith.constant 32 : index
        %parallel_loop3A_508 = tpu.vector_load %arg13[%parallel_loop3A_505, %parallel_loop3A_506, %parallel_loop3A_507] {strides = array<i32>} : memref<2x128x128xf32, #tpu.memory_space<vmem>>, vector<16xf32>,
        tpu.vector_store %arg13[%parallel_loop3A_505, %parallel_loop3A_506, %parallel_loop3A_507], %parallel_loop3A_504 {strides = array<i32>} : memref<2x128x128xf32, #tpu.memory_space<vmem>>, vector<16xf32>,
        %parallel_loop3A_509 = arith.index_cast %rem3A_169 : i32 to index
        %parallel_loop3A_510 = arith.index_cast %parallel_loop3A_478 : i32 to index
        %parallel_loop3A_511 = arith.constant 48 : index
        %parallel_loop3A_512 = tpu.vector_load %arg13[%parallel_loop3A_509, %parallel_loop3A_510, %parallel_loop3A_511] {strides = array<i32>} : memref<2x128x128xf32, #tpu.memory_space<vmem>>, vector<16xf32>,
        %parallel_loop3A_513 = arith.mulf %parallel_loop3A_512, %parallel_loop3A_481 : vector<16xf32>
        %parallel_loop3A_514 = arith.index_cast %rem3A_169 : i32 to index
        %parallel_loop3A_515 = arith.index_cast %parallel_loop3A_478 : i32 to index
        %parallel_loop3A_516 = arith.constant 48 : index
        %parallel_loop3A_517 = tpu.vector_load %arg13[%parallel_loop3A_514, %parallel_loop3A_515, %parallel_loop3A_516] {strides = array<i32>} : memref<2x128x128xf32, #tpu.memory_space<vmem>>, vector<16xf32>,
        tpu.vector_store %arg13[%parallel_loop3A_514, %parallel_loop3A_515, %parallel_loop3A_516], %parallel_loop3A_513 {strides = array<i32>} : memref<2x128x128xf32, #tpu.memory_space<vmem>>, vector<16xf32>,
        %parallel_loop3A_518 = arith.index_cast %rem3A_169 : i32 to index
        %parallel_loop3A_519 = arith.index_cast %parallel_loop3A_478 : i32 to index
        %parallel_loop3A_520 = arith.constant 64 : index
        %parallel_loop3A_521 = tpu.vector_load %arg13[%parallel_loop3A_518, %parallel_loop3A_519, %parallel_loop3A_520] {strides = array<i32>} : memref<2x128x128xf32, #tpu.memory_space<vmem>>, vector<16xf32>,
        %parallel_loop3A_522 = arith.mulf %parallel_loop3A_521, %parallel_loop3A_481 : vector<16xf32>
        %parallel_loop3A_523 = arith.index_cast %rem3A_169 : i32 to index
        %parallel_loop3A_524 = arith.index_cast %parallel_loop3A_478 : i32 to index
        %parallel_loop3A_525 = arith.constant 64 : index
        %parallel_loop3A_526 = tpu.vector_load %arg13[%parallel_loop3A_523, %parallel_loop3A_524, %parallel_loop3A_525] {strides = array<i32>} : memref<2x128x128xf32, #tpu.memory_space<vmem>>, vector<16xf32>,
        tpu.vector_store %arg13[%parallel_loop3A_523, %parallel_loop3A_524, %parallel_loop3A_525], %parallel_loop3A_522 {strides = array<i32>} : memref<2x128x128xf32, #tpu.memory_space<vmem>>, vector<16xf32>,
        %parallel_loop3A_527 = arith.index_cast %rem3A_169 : i32 to index
        %parallel_loop3A_528 = arith.index_cast %parallel_loop3A_478 : i32 to index
        %parallel_loop3A_529 = arith.constant 80 : index
        %parallel_loop3A_530 = tpu.vector_load %arg13[%parallel_loop3A_527, %parallel_loop3A_528, %parallel_loop3A_529] {strides = array<i32>} : memref<2x128x128xf32, #tpu.memory_space<vmem>>, vector<16xf32>,
        %parallel_loop3A_531 = arith.mulf %parallel_loop3A_530, %parallel_loop3A_481 : vector<16xf32>
        %parallel_loop3A_532 = arith.index_cast %rem3A_169 : i32 to index
        %parallel_loop3A_533 = arith.index_cast %parallel_loop3A_478 : i32 to index
        %parallel_loop3A_534 = arith.constant 80 : index
        %parallel_loop3A_535 = tpu.vector_load %arg13[%parallel_loop3A_532, %parallel_loop3A_533, %parallel_loop3A_534] {strides = array<i32>} : memref<2x128x128xf32, #tpu.memory_space<vmem>>, vector<16xf32>,
        tpu.vector_store %arg13[%parallel_loop3A_532, %parallel_loop3A_533, %parallel_loop3A_534], %parallel_loop3A_531 {strides = array<i32>} : memref<2x128x128xf32, #tpu.memory_space<vmem>>, vector<16xf32>,
        %parallel_loop3A_536 = arith.index_cast %rem3A_169 : i32 to index
        %parallel_loop3A_537 = arith.index_cast %parallel_loop3A_478 : i32 to index
        %parallel_loop3A_538 = arith.constant 96 : index
        %parallel_loop3A_539 = tpu.vector_load %arg13[%parallel_loop3A_536, %parallel_loop3A_537, %parallel_loop3A_538] {strides = array<i32>} : memref<2x128x128xf32, #tpu.memory_space<vmem>>, vector<16xf32>,
        %parallel_loop3A_540 = arith.mulf %parallel_loop3A_539, %parallel_loop3A_481 : vector<16xf32>
        %parallel_loop3A_541 = arith.index_cast %rem3A_169 : i32 to index
        %parallel_loop3A_542 = arith.index_cast %parallel_loop3A_478 : i32 to index
        %parallel_loop3A_543 = arith.constant 96 : index
        %parallel_loop3A_544 = tpu.vector_load %arg13[%parallel_loop3A_541, %parallel_loop3A_542, %parallel_loop3A_543] {strides = array<i32>} : memref<2x128x128xf32, #tpu.memory_space<vmem>>, vector<16xf32>,
        tpu.vector_store %arg13[%parallel_loop3A_541, %parallel_loop3A_542, %parallel_loop3A_543], %parallel_loop3A_540 {strides = array<i32>} : memref<2x128x128xf32, #tpu.memory_space<vmem>>, vector<16xf32>,
        %parallel_loop3A_545 = arith.index_cast %rem3A_169 : i32 to index
        %parallel_loop3A_546 = arith.index_cast %parallel_loop3A_478 : i32 to index
        %parallel_loop3A_547 = arith.constant 112 : index
        %parallel_loop3A_548 = tpu.vector_load %arg13[%parallel_loop3A_545, %parallel_loop3A_546, %parallel_loop3A_547] {strides = array<i32>} : memref<2x128x128xf32, #tpu.memory_space<vmem>>, vector<16xf32>,
        %parallel_loop3A_549 = arith.mulf %parallel_loop3A_548, %parallel_loop3A_481 : vector<16xf32>
        %parallel_loop3A_550 = arith.index_cast %rem3A_169 : i32 to index
        %parallel_loop3A_551 = arith.index_cast %parallel_loop3A_478 : i32 to index
        %parallel_loop3A_552 = arith.constant 112 : index
        %parallel_loop3A_553 = tpu.vector_load %arg13[%parallel_loop3A_550, %parallel_loop3A_551, %parallel_loop3A_552] {strides = array<i32>} : memref<2x128x128xf32, #tpu.memory_space<vmem>>, vector<16xf32>,
        tpu.vector_store %arg13[%parallel_loop3A_550, %parallel_loop3A_551, %parallel_loop3A_552], %parallel_loop3A_549 {strides = array<i32>} : memref<2x128x128xf32, #tpu.memory_space<vmem>>, vector<16xf32>,
      } {sc.loop_unroll_factor = 4 : i64, sc.parallel_access}
      %dma_start3A_467 = arith.constant 1 : i32
      %dma_start3A_468 = arith.constant 0 : i32
      %dma_start3A_469 = arith.constant 0 : i32
      %dma_start3A_470 = tpu.memref_slice %arg13[%rem3A_169, %dma_start3A_468, %dma_start3A_469] : memref<2x128x128xf32, #tpu.memory_space<vmem>> -> memref<1x128x128xf32, #tpu.memory_space<vmem>>
      %dma_start3A_471 = tpu.memref_squeeze %dma_start3A_470 : memref<1x128x128xf32, #tpu.memory_space<vmem>> -> memref<128x128xf32, #tpu.memory_space<vmem>>
      %dma_start3A_472 = arith.constant 0 : i32
      %dma_start3A_473 = tpu.memref_slice %arg8[%rem3A_169, %dma_start3A_467, %dma_start3A_472] : memref<2x2x128xi32, #tpu.memory_space<vmem>> -> memref<1x1x128xi32, #tpu.memory_space<vmem>>
      %dma_start3A_474 = tpu.memref_squeeze %dma_start3A_473 : memref<1x1x128xi32, #tpu.memory_space<vmem>> -> memref<128xi32, #tpu.memory_space<vmem>>
      %dma_start3A_475 = arith.constant 0 : i32
      %dma_start3A_476 = arith.constant 0 : i32
      %dma_start3A_477 = tpu.memref_slice %arg14[%dma_start3A_475, %dma_start3A_476] : memref<10240x128xf32, #tpu.memory_space<vmem_shared>> -> memref<10240x128xf32, #tpu.memory_space<vmem_shared>>
      tpu.enqueue_indirect_dma source(%dma_start3A_471 : memref<128x128xf32, #tpu.memory_space<vmem>>) target(%dma_start3A_477 : memref<10240x128xf32, #tpu.memory_space<vmem_shared>>) offsets(%dma_start3A_474 : memref<128xi32, #tpu.memory_space<vmem>>) semaphore(%arg18 : memref<!tpu.dma_semaphore, #tpu.memory_space<semaphore_mem>>) {add = true}
    }
    %dma_wait3A = arith.constant 0 : i32
    %dma_wait3A_86 = arith.constant 0 : i32
    %dma_wait3A_87 = arith.constant 1 : i32
    %dma_wait3A_88 = arith.constant 0 : i32
    %dma_wait3A_89 = arith.constant 0 : i32
    %dma_wait3A_90 = tpu.memref_slice %arg13[%dma_wait3A, %dma_wait3A_88, %dma_wait3A_89] : memref<2x128x128xf32, #tpu.memory_space<vmem>> -> memref<1x128x128xf32, #tpu.memory_space<vmem>>
    %dma_wait3A_91 = tpu.memref_squeeze %dma_wait3A_90 : memref<1x128x128xf32, #tpu.memory_space<vmem>> -> memref<128x128xf32, #tpu.memory_space<vmem>>
    %dma_wait3A_92 = arith.constant 0 : i32
    %dma_wait3A_93 = tpu.memref_slice %arg8[%dma_wait3A_86, %dma_wait3A_87, %dma_wait3A_92] : memref<2x2x128xi32, #tpu.memory_space<vmem>> -> memref<1x1x128xi32, #tpu.memory_space<vmem>>
    %dma_wait3A_94 = tpu.memref_squeeze %dma_wait3A_93 : memref<1x1x128xi32, #tpu.memory_space<vmem>> -> memref<128xi32, #tpu.memory_space<vmem>>
    %dma_wait3A_95 = arith.constant 0 : i32
    %dma_wait3A_96 = arith.constant 0 : i32
    %dma_wait3A_97 = tpu.memref_slice %arg14[%dma_wait3A_95, %dma_wait3A_96] : memref<10240x128xf32, #tpu.memory_space<vmem_shared>> -> memref<10240x128xf32, #tpu.memory_space<vmem_shared>>
    tpu.wait_indirect_dma semaphore(%arg18 : memref<!tpu.dma_semaphore, #tpu.memory_space<semaphore_mem>>) src(%dma_wait3A_91 : memref<128x128xf32, #tpu.memory_space<vmem>>) dst(%dma_wait3A_97 : memref<10240x128xf32, #tpu.memory_space<vmem_shared>>)
    %dma_wait3A_98 = arith.constant 0 : i32
    %dma_wait3A_99 = arith.constant 0 : i32
    %dma_wait3A_100 = arith.constant 1 : i32
    %dma_wait3A_101 = arith.constant 0 : i32
    %dma_wait3A_102 = tpu.memref_slice %arg11[%dma_wait3A_98, %dma_wait3A_101] : memref<2x128xf32, #tpu.memory_space<vmem>> -> memref<1x128xf32, #tpu.memory_space<vmem>>
    %dma_wait3A_103 = tpu.memref_squeeze %dma_wait3A_102 : memref<1x128xf32, #tpu.memory_space<vmem>> -> memref<128xf32, #tpu.memory_space<vmem>>
    %dma_wait3A_104 = arith.constant 0 : i32
    %dma_wait3A_105 = tpu.memref_slice %arg8[%dma_wait3A_99, %dma_wait3A_100, %dma_wait3A_104] : memref<2x2x128xi32, #tpu.memory_space<vmem>> -> memref<1x1x128xi32, #tpu.memory_space<vmem>>
    %dma_wait3A_106 = tpu.memref_squeeze %dma_wait3A_105 : memref<1x1x128xi32, #tpu.memory_space<vmem>> -> memref<128xi32, #tpu.memory_space<vmem>>
    %dma_wait3A_107 = arith.constant 0 : i32
    %dma_wait3A_108 = tpu.memref_slice %arg15[%dma_wait3A_107] : memref<10240xf32, #tpu.memory_space<vmem_shared>> -> memref<10240xf32, #tpu.memory_space<vmem_shared>>
    tpu.wait_indirect_dma semaphore(%arg19 : memref<!tpu.dma_semaphore, #tpu.memory_space<semaphore_mem>>) src(%dma_wait3A_103 : memref<128xf32, #tpu.memory_space<vmem>>) dst(%dma_wait3A_108 : memref<10240xf32, #tpu.memory_space<vmem_shared>>)
    %dma_wait3A_109 = arith.constant 1 : i32
    %dma_wait3A_110 = arith.constant 1 : i32
    %dma_wait3A_111 = arith.constant 1 : i32
    %dma_wait3A_112 = arith.constant 0 : i32
    %dma_wait3A_113 = arith.constant 0 : i32
    %dma_wait3A_114 = tpu.memref_slice %arg13[%dma_wait3A_109, %dma_wait3A_112, %dma_wait3A_113] : memref<2x128x128xf32, #tpu.memory_space<vmem>> -> memref<1x128x128xf32, #tpu.memory_space<vmem>>
    %dma_wait3A_115 = tpu.memref_squeeze %dma_wait3A_114 : memref<1x128x128xf32, #tpu.memory_space<vmem>> -> memref<128x128xf32, #tpu.memory_space<vmem>>
    %dma_wait3A_116 = arith.constant 0 : i32
    %dma_wait3A_117 = tpu.memref_slice %arg8[%dma_wait3A_110, %dma_wait3A_111, %dma_wait3A_116] : memref<2x2x128xi32, #tpu.memory_space<vmem>> -> memref<1x1x128xi32, #tpu.memory_space<vmem>>
    %dma_wait3A_118 = tpu.memref_squeeze %dma_wait3A_117 : memref<1x1x128xi32, #tpu.memory_space<vmem>> -> memref<128xi32, #tpu.memory_space<vmem>>
    %dma_wait3A_119 = arith.constant 0 : i32
    %dma_wait3A_120 = arith.constant 0 : i32
    %dma_wait3A_121 = tpu.memref_slice %arg14[%dma_wait3A_119, %dma_wait3A_120] : memref<10240x128xf32, #tpu.memory_space<vmem_shared>> -> memref<10240x128xf32, #tpu.memory_space<vmem_shared>>
    tpu.wait_indirect_dma semaphore(%arg18 : memref<!tpu.dma_semaphore, #tpu.memory_space<semaphore_mem>>) src(%dma_wait3A_115 : memref<128x128xf32, #tpu.memory_space<vmem>>) dst(%dma_wait3A_121 : memref<10240x128xf32, #tpu.memory_space<vmem_shared>>)
    %dma_wait3A_122 = arith.constant 1 : i32
    %dma_wait3A_123 = arith.constant 1 : i32
    %dma_wait3A_124 = arith.constant 1 : i32
    %dma_wait3A_125 = arith.constant 0 : i32
    %dma_wait3A_126 = tpu.memref_slice %arg11[%dma_wait3A_122, %dma_wait3A_125] : memref<2x128xf32, #tpu.memory_space<vmem>> -> memref<1x128xf32, #tpu.memory_space<vmem>>
    %dma_wait3A_127 = tpu.memref_squeeze %dma_wait3A_126 : memref<1x128xf32, #tpu.memory_space<vmem>> -> memref<128xf32, #tpu.memory_space<vmem>>
    %dma_wait3A_128 = arith.constant 0 : i32
    %dma_wait3A_129 = tpu.memref_slice %arg8[%dma_wait3A_123, %dma_wait3A_124, %dma_wait3A_128] : memref<2x2x128xi32, #tpu.memory_space<vmem>> -> memref<1x1x128xi32, #tpu.memory_space<vmem>>
    %dma_wait3A_130 = tpu.memref_squeeze %dma_wait3A_129 : memref<1x1x128xi32, #tpu.memory_space<vmem>> -> memref<128xi32, #tpu.memory_space<vmem>>
    %dma_wait3A_131 = arith.constant 0 : i32
    %dma_wait3A_132 = tpu.memref_slice %arg15[%dma_wait3A_131] : memref<10240xf32, #tpu.memory_space<vmem_shared>> -> memref<10240xf32, #tpu.memory_space<vmem_shared>>
    tpu.wait_indirect_dma semaphore(%arg19 : memref<!tpu.dma_semaphore, #tpu.memory_space<semaphore_mem>>) src(%dma_wait3A_127 : memref<128xf32, #tpu.memory_space<vmem>>) dst(%dma_wait3A_132 : memref<10240xf32, #tpu.memory_space<vmem_shared>>)
    %barrier3A_133 = arith.constant 0 : index
    tpu.barrier barrier_id(%barrier3A_133)
    %mul3A_134 = arith.constant 640 : i32
    %mul3A_135 = arith.muli %arg1, %mul3A_134 : i32
    "tpu.region"() ({
      %run_scoped3A_168 = tpu.sem_alloc : memref<!tpu.dma_semaphore, #tpu.memory_space<semaphore_mem>>
      %dma_start3A_169 = tpu.memref_slice %arg15[%mul3A_135] : memref<10240xf32, #tpu.memory_space<vmem_shared>> -> memref<640xf32, #tpu.memory_space<vmem_shared>>
      %dma_start3A_170 = tpu.memref_slice %arg15[%mul3A_135] : memref<10240xf32, #tpu.memory_space<vmem_shared>> -> memref<640xf32, #tpu.memory_space<vmem_shared>>
      tpu.enqueue_dma source(%dma_start3A_170 : memref<640xf32, #tpu.memory_space<vmem_shared>>) target(%arg12 : memref<640xf32, #tpu.memory_space<vmem>>) target_semaphore(%run_scoped3A_168 : memref<!tpu.dma_semaphore, #tpu.memory_space<semaphore_mem>>)
      %dma_wait3A_171 = tpu.memref_slice %arg15[%mul3A_135] : memref<10240xf32, #tpu.memory_space<vmem_shared>> -> memref<640xf32, #tpu.memory_space<vmem_shared>>
      %dma_wait3A_172 = tpu.memref_slice %arg15[%mul3A_135] : memref<10240xf32, #tpu.memory_space<vmem_shared>> -> memref<640xf32, #tpu.memory_space<vmem_shared>>
      tpu.wait_dma2 semaphore(%run_scoped3A_168 : memref<!tpu.dma_semaphore, #tpu.memory_space<semaphore_mem>>) src(%dma_wait3A_172 : memref<640xf32, #tpu.memory_space<vmem_shared>>) dst(%arg12 : memref<640xf32, #tpu.memory_space<vmem>>)
      tpu.yield
    }) : () -> ()
    %mul3A_136 = arith.constant 640 : i32
    %mul3A_137 = arith.muli %arg1, %mul3A_136 : i32
    "tpu.region"() ({
      %run_scoped3A_168 = tpu.sem_alloc : memref<!tpu.dma_semaphore, #tpu.memory_space<semaphore_mem>>
      %dma_start3A_169 = arith.constant 0 : i32
      %dma_start3A_170 = tpu.memref_slice %arg6[%arg0, %dma_start3A_169] : memref<2x10240xf32, #tpu.memory_space<hbm>> -> memref<1x10240xf32, #tpu.memory_space<hbm>>
      %dma_start3A_171 = tpu.memref_squeeze %dma_start3A_170 : memref<1x10240xf32, #tpu.memory_space<hbm>> -> memref<10240xf32, #tpu.memory_space<hbm>>
      %dma_start3A_172 = tpu.memref_slice %dma_start3A_171[%mul3A_137] : memref<10240xf32, #tpu.memory_space<hbm>> -> memref<640xf32, #tpu.memory_space<hbm>>
      %dma_start3A_173 = arith.constant 0 : i32
      %dma_start3A_174 = tpu.memref_slice %arg6[%arg0, %dma_start3A_173] : memref<2x10240xf32, #tpu.memory_space<hbm>> -> memref<1x10240xf32, #tpu.memory_space<hbm>>
      %dma_start3A_175 = tpu.memref_squeeze %dma_start3A_174 : memref<1x10240xf32, #tpu.memory_space<hbm>> -> memref<10240xf32, #tpu.memory_space<hbm>>
      %dma_start3A_176 = tpu.memref_slice %dma_start3A_175[%mul3A_137] : memref<10240xf32, #tpu.memory_space<hbm>> -> memref<640xf32, #tpu.memory_space<hbm>>
      tpu.enqueue_dma source(%arg12 : memref<640xf32, #tpu.memory_space<vmem>>) target(%dma_start3A_176 : memref<640xf32, #tpu.memory_space<hbm>>) target_semaphore(%run_scoped3A_168 : memref<!tpu.dma_semaphore, #tpu.memory_space<semaphore_mem>>)
      %dma_wait3A_177 = arith.constant 0 : i32
      %dma_wait3A_178 = tpu.memref_slice %arg6[%arg0, %dma_wait3A_177] : memref<2x10240xf32, #tpu.memory_space<hbm>> -> memref<1x10240xf32, #tpu.memory_space<hbm>>
      %dma_wait3A_179 = tpu.memref_squeeze %dma_wait3A_178 : memref<1x10240xf32, #tpu.memory_space<hbm>> -> memref<10240xf32, #tpu.memory_space<hbm>>
      %dma_wait3A_180 = tpu.memref_slice %dma_wait3A_179[%mul3A_137] : memref<10240xf32, #tpu.memory_space<hbm>> -> memref<640xf32, #tpu.memory_space<hbm>>
      %dma_wait3A_181 = arith.constant 0 : i32
      %dma_wait3A_182 = tpu.memref_slice %arg6[%arg0, %dma_wait3A_181] : memref<2x10240xf32, #tpu.memory_space<hbm>> -> memref<1x10240xf32, #tpu.memory_space<hbm>>
      %dma_wait3A_183 = tpu.memref_squeeze %dma_wait3A_182 : memref<1x10240xf32, #tpu.memory_space<hbm>> -> memref<10240xf32, #tpu.memory_space<hbm>>
      %dma_wait3A_184 = tpu.memref_slice %dma_wait3A_183[%mul3A_137] : memref<10240xf32, #tpu.memory_space<hbm>> -> memref<640xf32, #tpu.memory_space<hbm>>
      tpu.wait_dma2 semaphore(%run_scoped3A_168 : memref<!tpu.dma_semaphore, #tpu.memory_space<semaphore_mem>>) src(%arg12 : memref<640xf32, #tpu.memory_space<vmem>>) dst(%dma_wait3A_184 : memref<640xf32, #tpu.memory_space<hbm>>)
      tpu.yield
    }) : () -> ()
    %mul3A_138 = arith.constant 640 : i32
    %mul3A_139 = arith.muli %arg1, %mul3A_138 : i32
    %add3A_140 = arith.constant 0 : i32
    %add3A_141 = arith.addi %mul3A_139, %add3A_140 : i32
    %run_scoped3A_142 = arith.constant 0 : i32
    "tpu.region"() ({
      %run_scoped3A_168 = tpu.sem_alloc : memref<!tpu.dma_semaphore, #tpu.memory_space<semaphore_mem>>
      %dma_start3A_169 = arith.constant 0 : i32
      %dma_start3A_170 = arith.constant 0 : i32
      %dma_start3A_171 = tpu.memref_slice %arg13[%run_scoped3A_142, %dma_start3A_169, %dma_start3A_170] : memref<2x128x128xf32, #tpu.memory_space<vmem>> -> memref<1x128x128xf32, #tpu.memory_space<vmem>>
      %dma_start3A_172 = tpu.memref_squeeze %dma_start3A_171 : memref<1x128x128xf32, #tpu.memory_space<vmem>> -> memref<128x128xf32, #tpu.memory_space<vmem>>
      %dma_start3A_173 = arith.constant 0 : i32
      %dma_start3A_174 = tpu.memref_slice %arg14[%add3A_141, %dma_start3A_173] : memref<10240x128xf32, #tpu.memory_space<vmem_shared>> -> memref<128x128xf32, #tpu.memory_space<vmem_shared>>
      %dma_start3A_175 = arith.constant 0 : i32
      %dma_start3A_176 = arith.constant 0 : i32
      %dma_start3A_177 = tpu.memref_slice %arg13[%run_scoped3A_142, %dma_start3A_175, %dma_start3A_176] : memref<2x128x128xf32, #tpu.memory_space<vmem>> -> memref<1x128x128xf32, #tpu.memory_space<vmem>>
      %dma_start3A_178 = tpu.memref_squeeze %dma_start3A_177 : memref<1x128x128xf32, #tpu.memory_space<vmem>> -> memref<128x128xf32, #tpu.memory_space<vmem>>
      %dma_start3A_179 = arith.constant 0 : i32
      %dma_start3A_180 = tpu.memref_slice %arg14[%add3A_141, %dma_start3A_179] : memref<10240x128xf32, #tpu.memory_space<vmem_shared>> -> memref<128x128xf32, #tpu.memory_space<vmem_shared>>
      tpu.enqueue_dma source(%dma_start3A_180 : memref<128x128xf32, #tpu.memory_space<vmem_shared>>) target(%dma_start3A_178 : memref<128x128xf32, #tpu.memory_space<vmem>>) target_semaphore(%run_scoped3A_168 : memref<!tpu.dma_semaphore, #tpu.memory_space<semaphore_mem>>)
      %dma_wait3A_181 = arith.constant 0 : i32
      %dma_wait3A_182 = arith.constant 0 : i32
      %dma_wait3A_183 = tpu.memref_slice %arg13[%run_scoped3A_142, %dma_wait3A_181, %dma_wait3A_182] : memref<2x128x128xf32, #tpu.memory_space<vmem>> -> memref<1x128x128xf32, #tpu.memory_space<vmem>>
      %dma_wait3A_184 = tpu.memref_squeeze %dma_wait3A_183 : memref<1x128x128xf32, #tpu.memory_space<vmem>> -> memref<128x128xf32, #tpu.memory_space<vmem>>
      %dma_wait3A_185 = arith.constant 0 : i32
      %dma_wait3A_186 = tpu.memref_slice %arg14[%add3A_141, %dma_wait3A_185] : memref<10240x128xf32, #tpu.memory_space<vmem_shared>> -> memref<128x128xf32, #tpu.memory_space<vmem_shared>>
      %dma_wait3A_187 = arith.constant 0 : i32
      %dma_wait3A_188 = arith.constant 0 : i32
      %dma_wait3A_189 = tpu.memref_slice %arg13[%run_scoped3A_142, %dma_wait3A_187, %dma_wait3A_188] : memref<2x128x128xf32, #tpu.memory_space<vmem>> -> memref<1x128x128xf32, #tpu.memory_space<vmem>>
      %dma_wait3A_190 = tpu.memref_squeeze %dma_wait3A_189 : memref<1x128x128xf32, #tpu.memory_space<vmem>> -> memref<128x128xf32, #tpu.memory_space<vmem>>
      %dma_wait3A_191 = arith.constant 0 : i32
      %dma_wait3A_192 = tpu.memref_slice %arg14[%add3A_141, %dma_wait3A_191] : memref<10240x128xf32, #tpu.memory_space<vmem_shared>> -> memref<128x128xf32, #tpu.memory_space<vmem_shared>>
      tpu.wait_dma2 semaphore(%run_scoped3A_168 : memref<!tpu.dma_semaphore, #tpu.memory_space<semaphore_mem>>) src(%dma_wait3A_192 : memref<128x128xf32, #tpu.memory_space<vmem_shared>>) dst(%dma_wait3A_190 : memref<128x128xf32, #tpu.memory_space<vmem>>)
      tpu.yield
    }) : () -> ()
    %run_scoped3A_143 = arith.constant 0 : i32
    "tpu.region"() ({
      %run_scoped3A_168 = tpu.sem_alloc : memref<!tpu.dma_semaphore, #tpu.memory_space<semaphore_mem>>
      %dma_start3A_169 = arith.constant 0 : i32
      %dma_start3A_170 = arith.constant 0 : i32
      %dma_start3A_171 = tpu.memref_slice %arg13[%run_scoped3A_143, %dma_start3A_169, %dma_start3A_170] : memref<2x128x128xf32, #tpu.memory_space<vmem>> -> memref<1x128x128xf32, #tpu.memory_space<vmem>>
      %dma_start3A_172 = tpu.memref_squeeze %dma_start3A_171 : memref<1x128x128xf32, #tpu.memory_space<vmem>> -> memref<128x128xf32, #tpu.memory_space<vmem>>
      %dma_start3A_173 = arith.constant 0 : i32
      %dma_start3A_174 = arith.constant 0 : i32
      %dma_start3A_175 = tpu.memref_slice %arg7[%arg0, %dma_start3A_173, %dma_start3A_174] : memref<2x10240x128xf32, #tpu.memory_space<hbm>> -> memref<1x10240x128xf32, #tpu.memory_space<hbm>>
      %dma_start3A_176 = tpu.memref_squeeze %dma_start3A_175 : memref<1x10240x128xf32, #tpu.memory_space<hbm>> -> memref<10240x128xf32, #tpu.memory_space<hbm>>
      %dma_start3A_177 = arith.constant 0 : i32
      %dma_start3A_178 = tpu.memref_slice %dma_start3A_176[%add3A_141, %dma_start3A_177] : memref<10240x128xf32, #tpu.memory_space<hbm>> -> memref<128x128xf32, #tpu.memory_space<hbm>>
      %dma_start3A_179 = arith.constant 0 : i32
      %dma_start3A_180 = arith.constant 0 : i32
      %dma_start3A_181 = tpu.memref_slice %arg7[%arg0, %dma_start3A_179, %dma_start3A_180] : memref<2x10240x128xf32, #tpu.memory_space<hbm>> -> memref<1x10240x128xf32, #tpu.memory_space<hbm>>
      %dma_start3A_182 = tpu.memref_squeeze %dma_start3A_181 : memref<1x10240x128xf32, #tpu.memory_space<hbm>> -> memref<10240x128xf32, #tpu.memory_space<hbm>>
      %dma_start3A_183 = arith.constant 0 : i32
      %dma_start3A_184 = tpu.memref_slice %dma_start3A_182[%add3A_141, %dma_start3A_183] : memref<10240x128xf32, #tpu.memory_space<hbm>> -> memref<128x128xf32, #tpu.memory_space<hbm>>
      %dma_start3A_185 = arith.constant 0 : i32
      %dma_start3A_186 = arith.constant 0 : i32
      %dma_start3A_187 = tpu.memref_slice %arg13[%run_scoped3A_143, %dma_start3A_185, %dma_start3A_186] : memref<2x128x128xf32, #tpu.memory_space<vmem>> -> memref<1x128x128xf32, #tpu.memory_space<vmem>>
      %dma_start3A_188 = tpu.memref_squeeze %dma_start3A_187 : memref<1x128x128xf32, #tpu.memory_space<vmem>> -> memref<128x128xf32, #tpu.memory_space<vmem>>
      tpu.enqueue_dma source(%dma_start3A_188 : memref<128x128xf32, #tpu.memory_space<vmem>>) target(%dma_start3A_184 : memref<128x128xf32, #tpu.memory_space<hbm>>) target_semaphore(%run_scoped3A_168 : memref<!tpu.dma_semaphore, #tpu.memory_space<semaphore_mem>>)
      %dma_wait3A_189 = arith.constant 0 : i32
      %dma_wait3A_190 = arith.constant 0 : i32
      %dma_wait3A_191 = tpu.memref_slice %arg13[%run_scoped3A_143, %dma_wait3A_189, %dma_wait3A_190] : memref<2x128x128xf32, #tpu.memory_space<vmem>> -> memref<1x128x128xf32, #tpu.memory_space<vmem>>
      %dma_wait3A_192 = tpu.memref_squeeze %dma_wait3A_191 : memref<1x128x128xf32, #tpu.memory_space<vmem>> -> memref<128x128xf32, #tpu.memory_space<vmem>>
      %dma_wait3A_193 = arith.constant 0 : i32
      %dma_wait3A_194 = arith.constant 0 : i32
      %dma_wait3A_195 = tpu.memref_slice %arg7[%arg0, %dma_wait3A_193, %dma_wait3A_194] : memref<2x10240x128xf32, #tpu.memory_space<hbm>> -> memref<1x10240x128xf32, #tpu.memory_space<hbm>>
      %dma_wait3A_196 = tpu.memref_squeeze %dma_wait3A_195 : memref<1x10240x128xf32, #tpu.memory_space<hbm>> -> memref<10240x128xf32, #tpu.memory_space<hbm>>
      %dma_wait3A_197 = arith.constant 0 : i32
      %dma_wait3A_198 = tpu.memref_slice %dma_wait3A_196[%add3A_141, %dma_wait3A_197] : memref<10240x128xf32, #tpu.memory_space<hbm>> -> memref<128x128xf32, #tpu.memory_space<hbm>>
      %dma_wait3A_199 = arith.constant 0 : i32
      %dma_wait3A_200 = arith.constant 0 : i32
      %dma_wait3A_201 = tpu.memref_slice %arg7[%arg0, %dma_wait3A_199, %dma_wait3A_200] : memref<2x10240x128xf32, #tpu.memory_space<hbm>> -> memref<1x10240x128xf32, #tpu.memory_space<hbm>>
      %dma_wait3A_202 = tpu.memref_squeeze %dma_wait3A_201 : memref<1x10240x128xf32, #tpu.memory_space<hbm>> -> memref<10240x128xf32, #tpu.memory_space<hbm>>
      %dma_wait3A_203 = arith.constant 0 : i32
      %dma_wait3A_204 = tpu.memref_slice %dma_wait3A_202[%add3A_141, %dma_wait3A_203] : memref<10240x128xf32, #tpu.memory_space<hbm>> -> memref<128x128xf32, #tpu.memory_space<hbm>>
      %dma_wait3A_205 = arith.constant 0 : i32
      %dma_wait3A_206 = arith.constant 0 : i32
      %dma_wait3A_207 = tpu.memref_slice %arg13[%run_scoped3A_143, %dma_wait3A_205, %dma_wait3A_206] : memref<2x128x128xf32, #tpu.memory_space<vmem>> -> memref<1x128x128xf32, #tpu.memory_space<vmem>>
      %dma_wait3A_208 = tpu.memref_squeeze %dma_wait3A_207 : memref<1x128x128xf32, #tpu.memory_space<vmem>> -> memref<128x128xf32, #tpu.memory_space<vmem>>
      tpu.wait_dma2 semaphore(%run_scoped3A_168 : memref<!tpu.dma_semaphore, #tpu.memory_space<semaphore_mem>>) src(%dma_wait3A_208 : memref<128x128xf32, #tpu.memory_space<vmem>>) dst(%dma_wait3A_204 : memref<128x128xf32, #tpu.memory_space<hbm>>)
      tpu.yield
    }) : () -> ()
    %mul3A_144 = arith.constant 640 : i32
    %mul3A_145 = arith.muli %arg1, %mul3A_144 : i32
    %add3A_146 = arith.constant 128 : i32
    %add3A_147 = arith.addi %mul3A_145, %add3A_146 : i32
    %run_scoped3A_148 = arith.constant 0 : i32
    "tpu.region"() ({
      %run_scoped3A_168 = tpu.sem_alloc : memref<!tpu.dma_semaphore, #tpu.memory_space<semaphore_mem>>
      %dma_start3A_169 = arith.constant 0 : i32
      %dma_start3A_170 = arith.constant 0 : i32
      %dma_start3A_171 = tpu.memref_slice %arg13[%run_scoped3A_148, %dma_start3A_169, %dma_start3A_170] : memref<2x128x128xf32, #tpu.memory_space<vmem>> -> memref<1x128x128xf32, #tpu.memory_space<vmem>>
      %dma_start3A_172 = tpu.memref_squeeze %dma_start3A_171 : memref<1x128x128xf32, #tpu.memory_space<vmem>> -> memref<128x128xf32, #tpu.memory_space<vmem>>
      %dma_start3A_173 = arith.constant 0 : i32
      %dma_start3A_174 = tpu.memref_slice %arg14[%add3A_147, %dma_start3A_173] : memref<10240x128xf32, #tpu.memory_space<vmem_shared>> -> memref<128x128xf32, #tpu.memory_space<vmem_shared>>
      %dma_start3A_175 = arith.constant 0 : i32
      %dma_start3A_176 = arith.constant 0 : i32
      %dma_start3A_177 = tpu.memref_slice %arg13[%run_scoped3A_148, %dma_start3A_175, %dma_start3A_176] : memref<2x128x128xf32, #tpu.memory_space<vmem>> -> memref<1x128x128xf32, #tpu.memory_space<vmem>>
      %dma_start3A_178 = tpu.memref_squeeze %dma_start3A_177 : memref<1x128x128xf32, #tpu.memory_space<vmem>> -> memref<128x128xf32, #tpu.memory_space<vmem>>
      %dma_start3A_179 = arith.constant 0 : i32
      %dma_start3A_180 = tpu.memref_slice %arg14[%add3A_147, %dma_start3A_179] : memref<10240x128xf32, #tpu.memory_space<vmem_shared>> -> memref<128x128xf32, #tpu.memory_space<vmem_shared>>
      tpu.enqueue_dma source(%dma_start3A_180 : memref<128x128xf32, #tpu.memory_space<vmem_shared>>) target(%dma_start3A_178 : memref<128x128xf32, #tpu.memory_space<vmem>>) target_semaphore(%run_scoped3A_168 : memref<!tpu.dma_semaphore, #tpu.memory_space<semaphore_mem>>)
      %dma_wait3A_181 = arith.constant 0 : i32
      %dma_wait3A_182 = arith.constant 0 : i32
      %dma_wait3A_183 = tpu.memref_slice %arg13[%run_scoped3A_148, %dma_wait3A_181, %dma_wait3A_182] : memref<2x128x128xf32, #tpu.memory_space<vmem>> -> memref<1x128x128xf32, #tpu.memory_space<vmem>>
      %dma_wait3A_184 = tpu.memref_squeeze %dma_wait3A_183 : memref<1x128x128xf32, #tpu.memory_space<vmem>> -> memref<128x128xf32, #tpu.memory_space<vmem>>
      %dma_wait3A_185 = arith.constant 0 : i32
      %dma_wait3A_186 = tpu.memref_slice %arg14[%add3A_147, %dma_wait3A_185] : memref<10240x128xf32, #tpu.memory_space<vmem_shared>> -> memref<128x128xf32, #tpu.memory_space<vmem_shared>>
      %dma_wait3A_187 = arith.constant 0 : i32
      %dma_wait3A_188 = arith.constant 0 : i32
      %dma_wait3A_189 = tpu.memref_slice %arg13[%run_scoped3A_148, %dma_wait3A_187, %dma_wait3A_188] : memref<2x128x128xf32, #tpu.memory_space<vmem>> -> memref<1x128x128xf32, #tpu.memory_space<vmem>>
      %dma_wait3A_190 = tpu.memref_squeeze %dma_wait3A_189 : memref<1x128x128xf32, #tpu.memory_space<vmem>> -> memref<128x128xf32, #tpu.memory_space<vmem>>
      %dma_wait3A_191 = arith.constant 0 : i32
      %dma_wait3A_192 = tpu.memref_slice %arg14[%add3A_147, %dma_wait3A_191] : memref<10240x128xf32, #tpu.memory_space<vmem_shared>> -> memref<128x128xf32, #tpu.memory_space<vmem_shared>>
      tpu.wait_dma2 semaphore(%run_scoped3A_168 : memref<!tpu.dma_semaphore, #tpu.memory_space<semaphore_mem>>) src(%dma_wait3A_192 : memref<128x128xf32, #tpu.memory_space<vmem_shared>>) dst(%dma_wait3A_190 : memref<128x128xf32, #tpu.memory_space<vmem>>)
      tpu.yield
    }) : () -> ()
    %run_scoped3A_149 = arith.constant 0 : i32
    "tpu.region"() ({
      %run_scoped3A_168 = tpu.sem_alloc : memref<!tpu.dma_semaphore, #tpu.memory_space<semaphore_mem>>
      %dma_start3A_169 = arith.constant 0 : i32
      %dma_start3A_170 = arith.constant 0 : i32
      %dma_start3A_171 = tpu.memref_slice %arg13[%run_scoped3A_149, %dma_start3A_169, %dma_start3A_170] : memref<2x128x128xf32, #tpu.memory_space<vmem>> -> memref<1x128x128xf32, #tpu.memory_space<vmem>>
      %dma_start3A_172 = tpu.memref_squeeze %dma_start3A_171 : memref<1x128x128xf32, #tpu.memory_space<vmem>> -> memref<128x128xf32, #tpu.memory_space<vmem>>
      %dma_start3A_173 = arith.constant 0 : i32
      %dma_start3A_174 = arith.constant 0 : i32
      %dma_start3A_175 = tpu.memref_slice %arg7[%arg0, %dma_start3A_173, %dma_start3A_174] : memref<2x10240x128xf32, #tpu.memory_space<hbm>> -> memref<1x10240x128xf32, #tpu.memory_space<hbm>>
      %dma_start3A_176 = tpu.memref_squeeze %dma_start3A_175 : memref<1x10240x128xf32, #tpu.memory_space<hbm>> -> memref<10240x128xf32, #tpu.memory_space<hbm>>
      %dma_start3A_177 = arith.constant 0 : i32
      %dma_start3A_178 = tpu.memref_slice %dma_start3A_176[%add3A_147, %dma_start3A_177] : memref<10240x128xf32, #tpu.memory_space<hbm>> -> memref<128x128xf32, #tpu.memory_space<hbm>>
      %dma_start3A_179 = arith.constant 0 : i32
      %dma_start3A_180 = arith.constant 0 : i32
      %dma_start3A_181 = tpu.memref_slice %arg7[%arg0, %dma_start3A_179, %dma_start3A_180] : memref<2x10240x128xf32, #tpu.memory_space<hbm>> -> memref<1x10240x128xf32, #tpu.memory_space<hbm>>
      %dma_start3A_182 = tpu.memref_squeeze %dma_start3A_181 : memref<1x10240x128xf32, #tpu.memory_space<hbm>> -> memref<10240x128xf32, #tpu.memory_space<hbm>>
      %dma_start3A_183 = arith.constant 0 : i32
      %dma_start3A_184 = tpu.memref_slice %dma_start3A_182[%add3A_147, %dma_start3A_183] : memref<10240x128xf32, #tpu.memory_space<hbm>> -> memref<128x128xf32, #tpu.memory_space<hbm>>
      %dma_start3A_185 = arith.constant 0 : i32
      %dma_start3A_186 = arith.constant 0 : i32
      %dma_start3A_187 = tpu.memref_slice %arg13[%run_scoped3A_149, %dma_start3A_185, %dma_start3A_186] : memref<2x128x128xf32, #tpu.memory_space<vmem>> -> memref<1x128x128xf32, #tpu.memory_space<vmem>>
      %dma_start3A_188 = tpu.memref_squeeze %dma_start3A_187 : memref<1x128x128xf32, #tpu.memory_space<vmem>> -> memref<128x128xf32, #tpu.memory_space<vmem>>
      tpu.enqueue_dma source(%dma_start3A_188 : memref<128x128xf32, #tpu.memory_space<vmem>>) target(%dma_start3A_184 : memref<128x128xf32, #tpu.memory_space<hbm>>) target_semaphore(%run_scoped3A_168 : memref<!tpu.dma_semaphore, #tpu.memory_space<semaphore_mem>>)
      %dma_wait3A_189 = arith.constant 0 : i32
      %dma_wait3A_190 = arith.constant 0 : i32
      %dma_wait3A_191 = tpu.memref_slice %arg13[%run_scoped3A_149, %dma_wait3A_189, %dma_wait3A_190] : memref<2x128x128xf32, #tpu.memory_space<vmem>> -> memref<1x128x128xf32, #tpu.memory_space<vmem>>
      %dma_wait3A_192 = tpu.memref_squeeze %dma_wait3A_191 : memref<1x128x128xf32, #tpu.memory_space<vmem>> -> memref<128x128xf32, #tpu.memory_space<vmem>>
      %dma_wait3A_193 = arith.constant 0 : i32
      %dma_wait3A_194 = arith.constant 0 : i32
      %dma_wait3A_195 = tpu.memref_slice %arg7[%arg0, %dma_wait3A_193, %dma_wait3A_194] : memref<2x10240x128xf32, #tpu.memory_space<hbm>> -> memref<1x10240x128xf32, #tpu.memory_space<hbm>>
      %dma_wait3A_196 = tpu.memref_squeeze %dma_wait3A_195 : memref<1x10240x128xf32, #tpu.memory_space<hbm>> -> memref<10240x128xf32, #tpu.memory_space<hbm>>
      %dma_wait3A_197 = arith.constant 0 : i32
      %dma_wait3A_198 = tpu.memref_slice %dma_wait3A_196[%add3A_147, %dma_wait3A_197] : memref<10240x128xf32, #tpu.memory_space<hbm>> -> memref<128x128xf32, #tpu.memory_space<hbm>>
      %dma_wait3A_199 = arith.constant 0 : i32
      %dma_wait3A_200 = arith.constant 0 : i32
      %dma_wait3A_201 = tpu.memref_slice %arg7[%arg0, %dma_wait3A_199, %dma_wait3A_200] : memref<2x10240x128xf32, #tpu.memory_space<hbm>> -> memref<1x10240x128xf32, #tpu.memory_space<hbm>>
      %dma_wait3A_202 = tpu.memref_squeeze %dma_wait3A_201 : memref<1x10240x128xf32, #tpu.memory_space<hbm>> -> memref<10240x128xf32, #tpu.memory_space<hbm>>
      %dma_wait3A_203 = arith.constant 0 : i32
      %dma_wait3A_204 = tpu.memref_slice %dma_wait3A_202[%add3A_147, %dma_wait3A_203] : memref<10240x128xf32, #tpu.memory_space<hbm>> -> memref<128x128xf32, #tpu.memory_space<hbm>>
      %dma_wait3A_205 = arith.constant 0 : i32
      %dma_wait3A_206 = arith.constant 0 : i32
      %dma_wait3A_207 = tpu.memref_slice %arg13[%run_scoped3A_149, %dma_wait3A_205, %dma_wait3A_206] : memref<2x128x128xf32, #tpu.memory_space<vmem>> -> memref<1x128x128xf32, #tpu.memory_space<vmem>>
      %dma_wait3A_208 = tpu.memref_squeeze %dma_wait3A_207 : memref<1x128x128xf32, #tpu.memory_space<vmem>> -> memref<128x128xf32, #tpu.memory_space<vmem>>
      tpu.wait_dma2 semaphore(%run_scoped3A_168 : memref<!tpu.dma_semaphore, #tpu.memory_space<semaphore_mem>>) src(%dma_wait3A_208 : memref<128x128xf32, #tpu.memory_space<vmem>>) dst(%dma_wait3A_204 : memref<128x128xf32, #tpu.memory_space<hbm>>)
      tpu.yield
    }) : () -> ()
    %mul3A_150 = arith.constant 640 : i32
    %mul3A_151 = arith.muli %arg1, %mul3A_150 : i32
    %add3A_152 = arith.constant 256 : i32
    %add3A_153 = arith.addi %mul3A_151, %add3A_152 : i32
    %run_scoped3A_154 = arith.constant 0 : i32
    "tpu.region"() ({
      %run_scoped3A_168 = tpu.sem_alloc : memref<!tpu.dma_semaphore, #tpu.memory_space<semaphore_mem>>
      %dma_start3A_169 = arith.constant 0 : i32
      %dma_start3A_170 = arith.constant 0 : i32
      %dma_start3A_171 = tpu.memref_slice %arg13[%run_scoped3A_154, %dma_start3A_169, %dma_start3A_170] : memref<2x128x128xf32, #tpu.memory_space<vmem>> -> memref<1x128x128xf32, #tpu.memory_space<vmem>>
      %dma_start3A_172 = tpu.memref_squeeze %dma_start3A_171 : memref<1x128x128xf32, #tpu.memory_space<vmem>> -> memref<128x128xf32, #tpu.memory_space<vmem>>
      %dma_start3A_173 = arith.constant 0 : i32
      %dma_start3A_174 = tpu.memref_slice %arg14[%add3A_153, %dma_start3A_173] : memref<10240x128xf32, #tpu.memory_space<vmem_shared>> -> memref<128x128xf32, #tpu.memory_space<vmem_shared>>
      %dma_start3A_175 = arith.constant 0 : i32
      %dma_start3A_176 = arith.constant 0 : i32
      %dma_start3A_177 = tpu.memref_slice %arg13[%run_scoped3A_154, %dma_start3A_175, %dma_start3A_176] : memref<2x128x128xf32, #tpu.memory_space<vmem>> -> memref<1x128x128xf32, #tpu.memory_space<vmem>>
      %dma_start3A_178 = tpu.memref_squeeze %dma_start3A_177 : memref<1x128x128xf32, #tpu.memory_space<vmem>> -> memref<128x128xf32, #tpu.memory_space<vmem>>
      %dma_start3A_179 = arith.constant 0 : i32
      %dma_start3A_180 = tpu.memref_slice %arg14[%add3A_153, %dma_start3A_179] : memref<10240x128xf32, #tpu.memory_space<vmem_shared>> -> memref<128x128xf32, #tpu.memory_space<vmem_shared>>
      tpu.enqueue_dma source(%dma_start3A_180 : memref<128x128xf32, #tpu.memory_space<vmem_shared>>) target(%dma_start3A_178 : memref<128x128xf32, #tpu.memory_space<vmem>>) target_semaphore(%run_scoped3A_168 : memref<!tpu.dma_semaphore, #tpu.memory_space<semaphore_mem>>)
      %dma_wait3A_181 = arith.constant 0 : i32
      %dma_wait3A_182 = arith.constant 0 : i32
      %dma_wait3A_183 = tpu.memref_slice %arg13[%run_scoped3A_154, %dma_wait3A_181, %dma_wait3A_182] : memref<2x128x128xf32, #tpu.memory_space<vmem>> -> memref<1x128x128xf32, #tpu.memory_space<vmem>>
      %dma_wait3A_184 = tpu.memref_squeeze %dma_wait3A_183 : memref<1x128x128xf32, #tpu.memory_space<vmem>> -> memref<128x128xf32, #tpu.memory_space<vmem>>
      %dma_wait3A_185 = arith.constant 0 : i32
      %dma_wait3A_186 = tpu.memref_slice %arg14[%add3A_153, %dma_wait3A_185] : memref<10240x128xf32, #tpu.memory_space<vmem_shared>> -> memref<128x128xf32, #tpu.memory_space<vmem_shared>>
      %dma_wait3A_187 = arith.constant 0 : i32
      %dma_wait3A_188 = arith.constant 0 : i32
      %dma_wait3A_189 = tpu.memref_slice %arg13[%run_scoped3A_154, %dma_wait3A_187, %dma_wait3A_188] : memref<2x128x128xf32, #tpu.memory_space<vmem>> -> memref<1x128x128xf32, #tpu.memory_space<vmem>>
      %dma_wait3A_190 = tpu.memref_squeeze %dma_wait3A_189 : memref<1x128x128xf32, #tpu.memory_space<vmem>> -> memref<128x128xf32, #tpu.memory_space<vmem>>
      %dma_wait3A_191 = arith.constant 0 : i32
      %dma_wait3A_192 = tpu.memref_slice %arg14[%add3A_153, %dma_wait3A_191] : memref<10240x128xf32, #tpu.memory_space<vmem_shared>> -> memref<128x128xf32, #tpu.memory_space<vmem_shared>>
      tpu.wait_dma2 semaphore(%run_scoped3A_168 : memref<!tpu.dma_semaphore, #tpu.memory_space<semaphore_mem>>) src(%dma_wait3A_192 : memref<128x128xf32, #tpu.memory_space<vmem_shared>>) dst(%dma_wait3A_190 : memref<128x128xf32, #tpu.memory_space<vmem>>)
      tpu.yield
    }) : () -> ()
    %run_scoped3A_155 = arith.constant 0 : i32
    "tpu.region"() ({
      %run_scoped3A_168 = tpu.sem_alloc : memref<!tpu.dma_semaphore, #tpu.memory_space<semaphore_mem>>
      %dma_start3A_169 = arith.constant 0 : i32
      %dma_start3A_170 = arith.constant 0 : i32
      %dma_start3A_171 = tpu.memref_slice %arg13[%run_scoped3A_155, %dma_start3A_169, %dma_start3A_170] : memref<2x128x128xf32, #tpu.memory_space<vmem>> -> memref<1x128x128xf32, #tpu.memory_space<vmem>>
      %dma_start3A_172 = tpu.memref_squeeze %dma_start3A_171 : memref<1x128x128xf32, #tpu.memory_space<vmem>> -> memref<128x128xf32, #tpu.memory_space<vmem>>
      %dma_start3A_173 = arith.constant 0 : i32
      %dma_start3A_174 = arith.constant 0 : i32
      %dma_start3A_175 = tpu.memref_slice %arg7[%arg0, %dma_start3A_173, %dma_start3A_174] : memref<2x10240x128xf32, #tpu.memory_space<hbm>> -> memref<1x10240x128xf32, #tpu.memory_space<hbm>>
      %dma_start3A_176 = tpu.memref_squeeze %dma_start3A_175 : memref<1x10240x128xf32, #tpu.memory_space<hbm>> -> memref<10240x128xf32, #tpu.memory_space<hbm>>
      %dma_start3A_177 = arith.constant 0 : i32
      %dma_start3A_178 = tpu.memref_slice %dma_start3A_176[%add3A_153, %dma_start3A_177] : memref<10240x128xf32, #tpu.memory_space<hbm>> -> memref<128x128xf32, #tpu.memory_space<hbm>>
      %dma_start3A_179 = arith.constant 0 : i32
      %dma_start3A_180 = arith.constant 0 : i32
      %dma_start3A_181 = tpu.memref_slice %arg7[%arg0, %dma_start3A_179, %dma_start3A_180] : memref<2x10240x128xf32, #tpu.memory_space<hbm>> -> memref<1x10240x128xf32, #tpu.memory_space<hbm>>
      %dma_start3A_182 = tpu.memref_squeeze %dma_start3A_181 : memref<1x10240x128xf32, #tpu.memory_space<hbm>> -> memref<10240x128xf32, #tpu.memory_space<hbm>>
      %dma_start3A_183 = arith.constant 0 : i32
      %dma_start3A_184 = tpu.memref_slice %dma_start3A_182[%add3A_153, %dma_start3A_183] : memref<10240x128xf32, #tpu.memory_space<hbm>> -> memref<128x128xf32, #tpu.memory_space<hbm>>
      %dma_start3A_185 = arith.constant 0 : i32
      %dma_start3A_186 = arith.constant 0 : i32
      %dma_start3A_187 = tpu.memref_slice %arg13[%run_scoped3A_155, %dma_start3A_185, %dma_start3A_186] : memref<2x128x128xf32, #tpu.memory_space<vmem>> -> memref<1x128x128xf32, #tpu.memory_space<vmem>>
      %dma_start3A_188 = tpu.memref_squeeze %dma_start3A_187 : memref<1x128x128xf32, #tpu.memory_space<vmem>> -> memref<128x128xf32, #tpu.memory_space<vmem>>
      tpu.enqueue_dma source(%dma_start3A_188 : memref<128x128xf32, #tpu.memory_space<vmem>>) target(%dma_start3A_184 : memref<128x128xf32, #tpu.memory_space<hbm>>) target_semaphore(%run_scoped3A_168 : memref<!tpu.dma_semaphore, #tpu.memory_space<semaphore_mem>>)
      %dma_wait3A_189 = arith.constant 0 : i32
      %dma_wait3A_190 = arith.constant 0 : i32
      %dma_wait3A_191 = tpu.memref_slice %arg13[%run_scoped3A_155, %dma_wait3A_189, %dma_wait3A_190] : memref<2x128x128xf32, #tpu.memory_space<vmem>> -> memref<1x128x128xf32, #tpu.memory_space<vmem>>
      %dma_wait3A_192 = tpu.memref_squeeze %dma_wait3A_191 : memref<1x128x128xf32, #tpu.memory_space<vmem>> -> memref<128x128xf32, #tpu.memory_space<vmem>>
      %dma_wait3A_193 = arith.constant 0 : i32
      %dma_wait3A_194 = arith.constant 0 : i32
      %dma_wait3A_195 = tpu.memref_slice %arg7[%arg0, %dma_wait3A_193, %dma_wait3A_194] : memref<2x10240x128xf32, #tpu.memory_space<hbm>> -> memref<1x10240x128xf32, #tpu.memory_space<hbm>>
      %dma_wait3A_196 = tpu.memref_squeeze %dma_wait3A_195 : memref<1x10240x128xf32, #tpu.memory_space<hbm>> -> memref<10240x128xf32, #tpu.memory_space<hbm>>
      %dma_wait3A_197 = arith.constant 0 : i32
      %dma_wait3A_198 = tpu.memref_slice %dma_wait3A_196[%add3A_153, %dma_wait3A_197] : memref<10240x128xf32, #tpu.memory_space<hbm>> -> memref<128x128xf32, #tpu.memory_space<hbm>>
      %dma_wait3A_199 = arith.constant 0 : i32
      %dma_wait3A_200 = arith.constant 0 : i32
      %dma_wait3A_201 = tpu.memref_slice %arg7[%arg0, %dma_wait3A_199, %dma_wait3A_200] : memref<2x10240x128xf32, #tpu.memory_space<hbm>> -> memref<1x10240x128xf32, #tpu.memory_space<hbm>>
      %dma_wait3A_202 = tpu.memref_squeeze %dma_wait3A_201 : memref<1x10240x128xf32, #tpu.memory_space<hbm>> -> memref<10240x128xf32, #tpu.memory_space<hbm>>
      %dma_wait3A_203 = arith.constant 0 : i32
      %dma_wait3A_204 = tpu.memref_slice %dma_wait3A_202[%add3A_153, %dma_wait3A_203] : memref<10240x128xf32, #tpu.memory_space<hbm>> -> memref<128x128xf32, #tpu.memory_space<hbm>>
      %dma_wait3A_205 = arith.constant 0 : i32
      %dma_wait3A_206 = arith.constant 0 : i32
      %dma_wait3A_207 = tpu.memref_slice %arg13[%run_scoped3A_155, %dma_wait3A_205, %dma_wait3A_206] : memref<2x128x128xf32, #tpu.memory_space<vmem>> -> memref<1x128x128xf32, #tpu.memory_space<vmem>>
      %dma_wait3A_208 = tpu.memref_squeeze %dma_wait3A_207 : memref<1x128x128xf32, #tpu.memory_space<vmem>> -> memref<128x128xf32, #tpu.memory_space<vmem>>
      tpu.wait_dma2 semaphore(%run_scoped3A_168 : memref<!tpu.dma_semaphore, #tpu.memory_space<semaphore_mem>>) src(%dma_wait3A_208 : memref<128x128xf32, #tpu.memory_space<vmem>>) dst(%dma_wait3A_204 : memref<128x128xf32, #tpu.memory_space<hbm>>)
      tpu.yield
    }) : () -> ()
    %mul3A_156 = arith.constant 640 : i32
    %mul3A_157 = arith.muli %arg1, %mul3A_156 : i32
    %add3A_158 = arith.constant 384 : i32
    %add3A_159 = arith.addi %mul3A_157, %add3A_158 : i32
    %run_scoped3A_160 = arith.constant 0 : i32
    "tpu.region"() ({
      %run_scoped3A_168 = tpu.sem_alloc : memref<!tpu.dma_semaphore, #tpu.memory_space<semaphore_mem>>
      %dma_start3A_169 = arith.constant 0 : i32
      %dma_start3A_170 = arith.constant 0 : i32
      %dma_start3A_171 = tpu.memref_slice %arg13[%run_scoped3A_160, %dma_start3A_169, %dma_start3A_170] : memref<2x128x128xf32, #tpu.memory_space<vmem>> -> memref<1x128x128xf32, #tpu.memory_space<vmem>>
      %dma_start3A_172 = tpu.memref_squeeze %dma_start3A_171 : memref<1x128x128xf32, #tpu.memory_space<vmem>> -> memref<128x128xf32, #tpu.memory_space<vmem>>
      %dma_start3A_173 = arith.constant 0 : i32
      %dma_start3A_174 = tpu.memref_slice %arg14[%add3A_159, %dma_start3A_173] : memref<10240x128xf32, #tpu.memory_space<vmem_shared>> -> memref<128x128xf32, #tpu.memory_space<vmem_shared>>
      %dma_start3A_175 = arith.constant 0 : i32
      %dma_start3A_176 = arith.constant 0 : i32
      %dma_start3A_177 = tpu.memref_slice %arg13[%run_scoped3A_160, %dma_start3A_175, %dma_start3A_176] : memref<2x128x128xf32, #tpu.memory_space<vmem>> -> memref<1x128x128xf32, #tpu.memory_space<vmem>>
      %dma_start3A_178 = tpu.memref_squeeze %dma_start3A_177 : memref<1x128x128xf32, #tpu.memory_space<vmem>> -> memref<128x128xf32, #tpu.memory_space<vmem>>
      %dma_start3A_179 = arith.constant 0 : i32
      %dma_start3A_180 = tpu.memref_slice %arg14[%add3A_159, %dma_start3A_179] : memref<10240x128xf32, #tpu.memory_space<vmem_shared>> -> memref<128x128xf32, #tpu.memory_space<vmem_shared>>
      tpu.enqueue_dma source(%dma_start3A_180 : memref<128x128xf32, #tpu.memory_space<vmem_shared>>) target(%dma_start3A_178 : memref<128x128xf32, #tpu.memory_space<vmem>>) target_semaphore(%run_scoped3A_168 : memref<!tpu.dma_semaphore, #tpu.memory_space<semaphore_mem>>)
      %dma_wait3A_181 = arith.constant 0 : i32
      %dma_wait3A_182 = arith.constant 0 : i32
      %dma_wait3A_183 = tpu.memref_slice %arg13[%run_scoped3A_160, %dma_wait3A_181, %dma_wait3A_182] : memref<2x128x128xf32, #tpu.memory_space<vmem>> -> memref<1x128x128xf32, #tpu.memory_space<vmem>>
      %dma_wait3A_184 = tpu.memref_squeeze %dma_wait3A_183 : memref<1x128x128xf32, #tpu.memory_space<vmem>> -> memref<128x128xf32, #tpu.memory_space<vmem>>
      %dma_wait3A_185 = arith.constant 0 : i32
      %dma_wait3A_186 = tpu.memref_slice %arg14[%add3A_159, %dma_wait3A_185] : memref<10240x128xf32, #tpu.memory_space<vmem_shared>> -> memref<128x128xf32, #tpu.memory_space<vmem_shared>>
      %dma_wait3A_187 = arith.constant 0 : i32
      %dma_wait3A_188 = arith.constant 0 : i32
      %dma_wait3A_189 = tpu.memref_slice %arg13[%run_scoped3A_160, %dma_wait3A_187, %dma_wait3A_188] : memref<2x128x128xf32, #tpu.memory_space<vmem>> -> memref<1x128x128xf32, #tpu.memory_space<vmem>>
      %dma_wait3A_190 = tpu.memref_squeeze %dma_wait3A_189 : memref<1x128x128xf32, #tpu.memory_space<vmem>> -> memref<128x128xf32, #tpu.memory_space<vmem>>
      %dma_wait3A_191 = arith.constant 0 : i32
      %dma_wait3A_192 = tpu.memref_slice %arg14[%add3A_159, %dma_wait3A_191] : memref<10240x128xf32, #tpu.memory_space<vmem_shared>> -> memref<128x128xf32, #tpu.memory_space<vmem_shared>>
      tpu.wait_dma2 semaphore(%run_scoped3A_168 : memref<!tpu.dma_semaphore, #tpu.memory_space<semaphore_mem>>) src(%dma_wait3A_192 : memref<128x128xf32, #tpu.memory_space<vmem_shared>>) dst(%dma_wait3A_190 : memref<128x128xf32, #tpu.memory_space<vmem>>)
      tpu.yield
    }) : () -> ()
    %run_scoped3A_161 = arith.constant 0 : i32
    "tpu.region"() ({
      %run_scoped3A_168 = tpu.sem_alloc : memref<!tpu.dma_semaphore, #tpu.memory_space<semaphore_mem>>
      %dma_start3A_169 = arith.constant 0 : i32
      %dma_start3A_170 = arith.constant 0 : i32
      %dma_start3A_171 = tpu.memref_slice %arg13[%run_scoped3A_161, %dma_start3A_169, %dma_start3A_170] : memref<2x128x128xf32, #tpu.memory_space<vmem>> -> memref<1x128x128xf32, #tpu.memory_space<vmem>>
      %dma_start3A_172 = tpu.memref_squeeze %dma_start3A_171 : memref<1x128x128xf32, #tpu.memory_space<vmem>> -> memref<128x128xf32, #tpu.memory_space<vmem>>
      %dma_start3A_173 = arith.constant 0 : i32
      %dma_start3A_174 = arith.constant 0 : i32
      %dma_start3A_175 = tpu.memref_slice %arg7[%arg0, %dma_start3A_173, %dma_start3A_174] : memref<2x10240x128xf32, #tpu.memory_space<hbm>> -> memref<1x10240x128xf32, #tpu.memory_space<hbm>>
      %dma_start3A_176 = tpu.memref_squeeze %dma_start3A_175 : memref<1x10240x128xf32, #tpu.memory_space<hbm>> -> memref<10240x128xf32, #tpu.memory_space<hbm>>
      %dma_start3A_177 = arith.constant 0 : i32
      %dma_start3A_178 = tpu.memref_slice %dma_start3A_176[%add3A_159, %dma_start3A_177] : memref<10240x128xf32, #tpu.memory_space<hbm>> -> memref<128x128xf32, #tpu.memory_space<hbm>>
      %dma_start3A_179 = arith.constant 0 : i32
      %dma_start3A_180 = arith.constant 0 : i32
      %dma_start3A_181 = tpu.memref_slice %arg7[%arg0, %dma_start3A_179, %dma_start3A_180] : memref<2x10240x128xf32, #tpu.memory_space<hbm>> -> memref<1x10240x128xf32, #tpu.memory_space<hbm>>
      %dma_start3A_182 = tpu.memref_squeeze %dma_start3A_181 : memref<1x10240x128xf32, #tpu.memory_space<hbm>> -> memref<10240x128xf32, #tpu.memory_space<hbm>>
      %dma_start3A_183 = arith.constant 0 : i32
      %dma_start3A_184 = tpu.memref_slice %dma_start3A_182[%add3A_159, %dma_start3A_183] : memref<10240x128xf32, #tpu.memory_space<hbm>> -> memref<128x128xf32, #tpu.memory_space<hbm>>
      %dma_start3A_185 = arith.constant 0 : i32
      %dma_start3A_186 = arith.constant 0 : i32
      %dma_start3A_187 = tpu.memref_slice %arg13[%run_scoped3A_161, %dma_start3A_185, %dma_start3A_186] : memref<2x128x128xf32, #tpu.memory_space<vmem>> -> memref<1x128x128xf32, #tpu.memory_space<vmem>>
      %dma_start3A_188 = tpu.memref_squeeze %dma_start3A_187 : memref<1x128x128xf32, #tpu.memory_space<vmem>> -> memref<128x128xf32, #tpu.memory_space<vmem>>
      tpu.enqueue_dma source(%dma_start3A_188 : memref<128x128xf32, #tpu.memory_space<vmem>>) target(%dma_start3A_184 : memref<128x128xf32, #tpu.memory_space<hbm>>) target_semaphore(%run_scoped3A_168 : memref<!tpu.dma_semaphore, #tpu.memory_space<semaphore_mem>>)
      %dma_wait3A_189 = arith.constant 0 : i32
      %dma_wait3A_190 = arith.constant 0 : i32
      %dma_wait3A_191 = tpu.memref_slice %arg13[%run_scoped3A_161, %dma_wait3A_189, %dma_wait3A_190] : memref<2x128x128xf32, #tpu.memory_space<vmem>> -> memref<1x128x128xf32, #tpu.memory_space<vmem>>
      %dma_wait3A_192 = tpu.memref_squeeze %dma_wait3A_191 : memref<1x128x128xf32, #tpu.memory_space<vmem>> -> memref<128x128xf32, #tpu.memory_space<vmem>>
      %dma_wait3A_193 = arith.constant 0 : i32
      %dma_wait3A_194 = arith.constant 0 : i32
      %dma_wait3A_195 = tpu.memref_slice %arg7[%arg0, %dma_wait3A_193, %dma_wait3A_194] : memref<2x10240x128xf32, #tpu.memory_space<hbm>> -> memref<1x10240x128xf32, #tpu.memory_space<hbm>>
      %dma_wait3A_196 = tpu.memref_squeeze %dma_wait3A_195 : memref<1x10240x128xf32, #tpu.memory_space<hbm>> -> memref<10240x128xf32, #tpu.memory_space<hbm>>
      %dma_wait3A_197 = arith.constant 0 : i32
      %dma_wait3A_198 = tpu.memref_slice %dma_wait3A_196[%add3A_159, %dma_wait3A_197] : memref<10240x128xf32, #tpu.memory_space<hbm>> -> memref<128x128xf32, #tpu.memory_space<hbm>>
      %dma_wait3A_199 = arith.constant 0 : i32
      %dma_wait3A_200 = arith.constant 0 : i32
      %dma_wait3A_201 = tpu.memref_slice %arg7[%arg0, %dma_wait3A_199, %dma_wait3A_200] : memref<2x10240x128xf32, #tpu.memory_space<hbm>> -> memref<1x10240x128xf32, #tpu.memory_space<hbm>>
      %dma_wait3A_202 = tpu.memref_squeeze %dma_wait3A_201 : memref<1x10240x128xf32, #tpu.memory_space<hbm>> -> memref<10240x128xf32, #tpu.memory_space<hbm>>
      %dma_wait3A_203 = arith.constant 0 : i32
      %dma_wait3A_204 = tpu.memref_slice %dma_wait3A_202[%add3A_159, %dma_wait3A_203] : memref<10240x128xf32, #tpu.memory_space<hbm>> -> memref<128x128xf32, #tpu.memory_space<hbm>>
      %dma_wait3A_205 = arith.constant 0 : i32
      %dma_wait3A_206 = arith.constant 0 : i32
      %dma_wait3A_207 = tpu.memref_slice %arg13[%run_scoped3A_161, %dma_wait3A_205, %dma_wait3A_206] : memref<2x128x128xf32, #tpu.memory_space<vmem>> -> memref<1x128x128xf32, #tpu.memory_space<vmem>>
      %dma_wait3A_208 = tpu.memref_squeeze %dma_wait3A_207 : memref<1x128x128xf32, #tpu.memory_space<vmem>> -> memref<128x128xf32, #tpu.memory_space<vmem>>
      tpu.wait_dma2 semaphore(%run_scoped3A_168 : memref<!tpu.dma_semaphore, #tpu.memory_space<semaphore_mem>>) src(%dma_wait3A_208 : memref<128x128xf32, #tpu.memory_space<vmem>>) dst(%dma_wait3A_204 : memref<128x128xf32, #tpu.memory_space<hbm>>)
      tpu.yield
    }) : () -> ()
    %mul3A_162 = arith.constant 640 : i32
    %mul3A_163 = arith.muli %arg1, %mul3A_162 : i32
    %add3A_164 = arith.constant 512 : i32
    %add3A_165 = arith.addi %mul3A_163, %add3A_164 : i32
    %run_scoped3A_166 = arith.constant 0 : i32
    "tpu.region"() ({
      %run_scoped3A_168 = tpu.sem_alloc : memref<!tpu.dma_semaphore, #tpu.memory_space<semaphore_mem>>
      %dma_start3A_169 = arith.constant 0 : i32
      %dma_start3A_170 = arith.constant 0 : i32
      %dma_start3A_171 = tpu.memref_slice %arg13[%run_scoped3A_166, %dma_start3A_169, %dma_start3A_170] : memref<2x128x128xf32, #tpu.memory_space<vmem>> -> memref<1x128x128xf32, #tpu.memory_space<vmem>>
      %dma_start3A_172 = tpu.memref_squeeze %dma_start3A_171 : memref<1x128x128xf32, #tpu.memory_space<vmem>> -> memref<128x128xf32, #tpu.memory_space<vmem>>
      %dma_start3A_173 = arith.constant 0 : i32
      %dma_start3A_174 = tpu.memref_slice %arg14[%add3A_165, %dma_start3A_173] : memref<10240x128xf32, #tpu.memory_space<vmem_shared>> -> memref<128x128xf32, #tpu.memory_space<vmem_shared>>
      %dma_start3A_175 = arith.constant 0 : i32
      %dma_start3A_176 = arith.constant 0 : i32
      %dma_start3A_177 = tpu.memref_slice %arg13[%run_scoped3A_166, %dma_start3A_175, %dma_start3A_176] : memref<2x128x128xf32, #tpu.memory_space<vmem>> -> memref<1x128x128xf32, #tpu.memory_space<vmem>>
      %dma_start3A_178 = tpu.memref_squeeze %dma_start3A_177 : memref<1x128x128xf32, #tpu.memory_space<vmem>> -> memref<128x128xf32, #tpu.memory_space<vmem>>
      %dma_start3A_179 = arith.constant 0 : i32
      %dma_start3A_180 = tpu.memref_slice %arg14[%add3A_165, %dma_start3A_179] : memref<10240x128xf32, #tpu.memory_space<vmem_shared>> -> memref<128x128xf32, #tpu.memory_space<vmem_shared>>
      tpu.enqueue_dma source(%dma_start3A_180 : memref<128x128xf32, #tpu.memory_space<vmem_shared>>) target(%dma_start3A_178 : memref<128x128xf32, #tpu.memory_space<vmem>>) target_semaphore(%run_scoped3A_168 : memref<!tpu.dma_semaphore, #tpu.memory_space<semaphore_mem>>)
      %dma_wait3A_181 = arith.constant 0 : i32
      %dma_wait3A_182 = arith.constant 0 : i32
      %dma_wait3A_183 = tpu.memref_slice %arg13[%run_scoped3A_166, %dma_wait3A_181, %dma_wait3A_182] : memref<2x128x128xf32, #tpu.memory_space<vmem>> -> memref<1x128x128xf32, #tpu.memory_space<vmem>>
      %dma_wait3A_184 = tpu.memref_squeeze %dma_wait3A_183 : memref<1x128x128xf32, #tpu.memory_space<vmem>> -> memref<128x128xf32, #tpu.memory_space<vmem>>
      %dma_wait3A_185 = arith.constant 0 : i32
      %dma_wait3A_186 = tpu.memref_slice %arg14[%add3A_165, %dma_wait3A_185] : memref<10240x128xf32, #tpu.memory_space<vmem_shared>> -> memref<128x128xf32, #tpu.memory_space<vmem_shared>>
      %dma_wait3A_187 = arith.constant 0 : i32
      %dma_wait3A_188 = arith.constant 0 : i32
      %dma_wait3A_189 = tpu.memref_slice %arg13[%run_scoped3A_166, %dma_wait3A_187, %dma_wait3A_188] : memref<2x128x128xf32, #tpu.memory_space<vmem>> -> memref<1x128x128xf32, #tpu.memory_space<vmem>>
      %dma_wait3A_190 = tpu.memref_squeeze %dma_wait3A_189 : memref<1x128x128xf32, #tpu.memory_space<vmem>> -> memref<128x128xf32, #tpu.memory_space<vmem>>
      %dma_wait3A_191 = arith.constant 0 : i32
      %dma_wait3A_192 = tpu.memref_slice %arg14[%add3A_165, %dma_wait3A_191] : memref<10240x128xf32, #tpu.memory_space<vmem_shared>> -> memref<128x128xf32, #tpu.memory_space<vmem_shared>>
      tpu.wait_dma2 semaphore(%run_scoped3A_168 : memref<!tpu.dma_semaphore, #tpu.memory_space<semaphore_mem>>) src(%dma_wait3A_192 : memref<128x128xf32, #tpu.memory_space<vmem_shared>>) dst(%dma_wait3A_190 : memref<128x128xf32, #tpu.memory_space<vmem>>)
      tpu.yield
    }) : () -> ()
    %run_scoped3A_167 = arith.constant 0 : i32
    "tpu.region"() ({
      %run_scoped3A_168 = tpu.sem_alloc : memref<!tpu.dma_semaphore, #tpu.memory_space<semaphore_mem>>
      %dma_start3A_169 = arith.constant 0 : i32
      %dma_start3A_170 = arith.constant 0 : i32
      %dma_start3A_171 = tpu.memref_slice %arg13[%run_scoped3A_167, %dma_start3A_169, %dma_start3A_170] : memref<2x128x128xf32, #tpu.memory_space<vmem>> -> memref<1x128x128xf32, #tpu.memory_space<vmem>>
      %dma_start3A_172 = tpu.memref_squeeze %dma_start3A_171 : memref<1x128x128xf32, #tpu.memory_space<vmem>> -> memref<128x128xf32, #tpu.memory_space<vmem>>
      %dma_start3A_173 = arith.constant 0 : i32
      %dma_start3A_174 = arith.constant 0 : i32
      %dma_start3A_175 = tpu.memref_slice %arg7[%arg0, %dma_start3A_173, %dma_start3A_174] : memref<2x10240x128xf32, #tpu.memory_space<hbm>> -> memref<1x10240x128xf32, #tpu.memory_space<hbm>>
      %dma_start3A_176 = tpu.memref_squeeze %dma_start3A_175 : memref<1x10240x128xf32, #tpu.memory_space<hbm>> -> memref<10240x128xf32, #tpu.memory_space<hbm>>
      %dma_start3A_177 = arith.constant 0 : i32
      %dma_start3A_178 = tpu.memref_slice %dma_start3A_176[%add3A_165, %dma_start3A_177] : memref<10240x128xf32, #tpu.memory_space<hbm>> -> memref<128x128xf32, #tpu.memory_space<hbm>>
      %dma_start3A_179 = arith.constant 0 : i32
      %dma_start3A_180 = arith.constant 0 : i32
      %dma_start3A_181 = tpu.memref_slice %arg7[%arg0, %dma_start3A_179, %dma_start3A_180] : memref<2x10240x128xf32, #tpu.memory_space<hbm>> -> memref<1x10240x128xf32, #tpu.memory_space<hbm>>
      %dma_start3A_182 = tpu.memref_squeeze %dma_start3A_181 : memref<1x10240x128xf32, #tpu.memory_space<hbm>> -> memref<10240x128xf32, #tpu.memory_space<hbm>>
      %dma_start3A_183 = arith.constant 0 : i32
      %dma_start3A_184 = tpu.memref_slice %dma_start3A_182[%add3A_165, %dma_start3A_183] : memref<10240x128xf32, #tpu.memory_space<hbm>> -> memref<128x128xf32, #tpu.memory_space<hbm>>
      %dma_start3A_185 = arith.constant 0 : i32
      %dma_start3A_186 = arith.constant 0 : i32
      %dma_start3A_187 = tpu.memref_slice %arg13[%run_scoped3A_167, %dma_start3A_185, %dma_start3A_186] : memref<2x128x128xf32, #tpu.memory_space<vmem>> -> memref<1x128x128xf32, #tpu.memory_space<vmem>>
      %dma_start3A_188 = tpu.memref_squeeze %dma_start3A_187 : memref<1x128x128xf32, #tpu.memory_space<vmem>> -> memref<128x128xf32, #tpu.memory_space<vmem>>
      tpu.enqueue_dma source(%dma_start3A_188 : memref<128x128xf32, #tpu.memory_space<vmem>>) target(%dma_start3A_184 : memref<128x128xf32, #tpu.memory_space<hbm>>) target_semaphore(%run_scoped3A_168 : memref<!tpu.dma_semaphore, #tpu.memory_space<semaphore_mem>>)
      %dma_wait3A_189 = arith.constant 0 : i32
      %dma_wait3A_190 = arith.constant 0 : i32
      %dma_wait3A_191 = tpu.memref_slice %arg13[%run_scoped3A_167, %dma_wait3A_189, %dma_wait3A_190] : memref<2x128x128xf32, #tpu.memory_space<vmem>> -> memref<1x128x128xf32, #tpu.memory_space<vmem>>
      %dma_wait3A_192 = tpu.memref_squeeze %dma_wait3A_191 : memref<1x128x128xf32, #tpu.memory_space<vmem>> -> memref<128x128xf32, #tpu.memory_space<vmem>>
      %dma_wait3A_193 = arith.constant 0 : i32
      %dma_wait3A_194 = arith.constant 0 : i32
      %dma_wait3A_195 = tpu.memref_slice %arg7[%arg0, %dma_wait3A_193, %dma_wait3A_194] : memref<2x10240x128xf32, #tpu.memory_space<hbm>> -> memref<1x10240x128xf32, #tpu.memory_space<hbm>>
      %dma_wait3A_196 = tpu.memref_squeeze %dma_wait3A_195 : memref<1x10240x128xf32, #tpu.memory_space<hbm>> -> memref<10240x128xf32, #tpu.memory_space<hbm>>
      %dma_wait3A_197 = arith.constant 0 : i32
      %dma_wait3A_198 = tpu.memref_slice %dma_wait3A_196[%add3A_165, %dma_wait3A_197] : memref<10240x128xf32, #tpu.memory_space<hbm>> -> memref<128x128xf32, #tpu.memory_space<hbm>>
      %dma_wait3A_199 = arith.constant 0 : i32
      %dma_wait3A_200 = arith.constant 0 : i32
      %dma_wait3A_201 = tpu.memref_slice %arg7[%arg0, %dma_wait3A_199, %dma_wait3A_200] : memref<2x10240x128xf32, #tpu.memory_space<hbm>> -> memref<1x10240x128xf32, #tpu.memory_space<hbm>>
      %dma_wait3A_202 = tpu.memref_squeeze %dma_wait3A_201 : memref<1x10240x128xf32, #tpu.memory_space<hbm>> -> memref<10240x128xf32, #tpu.memory_space<hbm>>
      %dma_wait3A_203 = arith.constant 0 : i32
      %dma_wait3A_204 = tpu.memref_slice %dma_wait3A_202[%add3A_165, %dma_wait3A_203] : memref<10240x128xf32, #tpu.memory_space<hbm>> -> memref<128x128xf32, #tpu.memory_space<hbm>>
      %dma_wait3A_205 = arith.constant 0 : i32
      %dma_wait3A_206 = arith.constant 0 : i32
      %dma_wait3A_207 = tpu.memref_slice %arg13[%run_scoped3A_167, %dma_wait3A_205, %dma_wait3A_206] : memref<2x128x128xf32, #tpu.memory_space<vmem>> -> memref<1x128x128xf32, #tpu.memory_space<vmem>>
      %dma_wait3A_208 = tpu.memref_squeeze %dma_wait3A_207 : memref<1x128x128xf32, #tpu.memory_space<vmem>> -> memref<128x128xf32, #tpu.memory_space<vmem>>
      tpu.wait_dma2 semaphore(%run_scoped3A_168 : memref<!tpu.dma_semaphore, #tpu.memory_space<semaphore_mem>>) src(%dma_wait3A_208 : memref<128x128xf32, #tpu.memory_space<vmem>>) dst(%dma_wait3A_204 : memref<128x128xf32, #tpu.memory_space<hbm>>)
      tpu.yield
    }) : () -> ()
    return
  }
}

#map = affine_map<(d0, d1) -> (0)>
#map1 = affine_map<(d0, d1) -> (0, 0, 0)>
#map2 = affine_map<(d0, d1) -> (0, 0)>
module attributes {stable_mosaic.version = 14 : i64} {
  func.func @_alpha_pass(%arg0: i32, %arg1: i32, %arg2: memref<10240xf32, #tpu.memory_space<hbm>>, %arg3: memref<10240xf32, #tpu.memory_space<hbm>>, %arg4: memref<2592x2x128xi32, #tpu.memory_space<hbm>>, %arg5: memref<2x10240xf32, #tpu.memory_space<hbm>>, %arg6: memref<2592x128xf32, #tpu.memory_space<hbm>>, %arg7: memref<10240xf32, #tpu.memory_space<vmem>>, %arg8: memref<10240xf32, #tpu.memory_space<vmem>>, %arg9: memref<10240xf32, #tpu.memory_space<vmem>>, %arg10: memref<10240xf32, #tpu.memory_space<vmem>>, %arg11: memref<81x2x128xi32, #tpu.memory_space<vmem>>, %arg12: memref<81x128xf32, #tpu.memory_space<vmem>>) attributes {dimension_semantics = [#tpu.dimension_semantics<core_parallel>, #tpu.dimension_semantics<subcore_parallel>], iteration_bounds = array<i64: 2, 16>, scalar_prefetch = 0 : i64, scratch_operands = 6 : i64, tpu.core_type = #tpu.core_type<sc_vector_subcore>, window_params = [{transform_indices = #map}, {transform_indices = #map}, {transform_indices = #map1}, {transform_indices = #map2}, {transform_indices = #map2}]} {
    %mul3A = arith.constant 2 : i32
    %mul3A_0 = arith.muli %arg1, %mul3A : i32
    %add3A = arith.addi %mul3A_0, %arg0 : i32
    "tpu.region"() ({
      %run_scoped3A_15 = tpu.sem_alloc : memref<!tpu.dma_semaphore, #tpu.memory_space<semaphore_mem>>
      tpu.enqueue_dma source(%arg2 : memref<10240xf32, #tpu.memory_space<hbm>>) target(%arg7 : memref<10240xf32, #tpu.memory_space<vmem>>) target_semaphore(%run_scoped3A_15 : memref<!tpu.dma_semaphore, #tpu.memory_space<semaphore_mem>>)
      tpu.wait_dma2 semaphore(%run_scoped3A_15 : memref<!tpu.dma_semaphore, #tpu.memory_space<semaphore_mem>>) src(%arg2 : memref<10240xf32, #tpu.memory_space<hbm>>) dst(%arg7 : memref<10240xf32, #tpu.memory_space<vmem>>)
      tpu.yield
    }) : () -> ()
    "tpu.region"() ({
      %run_scoped3A_15 = tpu.sem_alloc : memref<!tpu.dma_semaphore, #tpu.memory_space<semaphore_mem>>
      tpu.enqueue_dma source(%arg3 : memref<10240xf32, #tpu.memory_space<hbm>>) target(%arg8 : memref<10240xf32, #tpu.memory_space<vmem>>) target_semaphore(%run_scoped3A_15 : memref<!tpu.dma_semaphore, #tpu.memory_space<semaphore_mem>>)
      tpu.wait_dma2 semaphore(%run_scoped3A_15 : memref<!tpu.dma_semaphore, #tpu.memory_space<semaphore_mem>>) src(%arg3 : memref<10240xf32, #tpu.memory_space<hbm>>) dst(%arg8 : memref<10240xf32, #tpu.memory_space<vmem>>)
      tpu.yield
    }) : () -> ()
    %run_scoped3A = arith.constant 0 : i32
    "tpu.region"() ({
      %run_scoped3A_15 = tpu.sem_alloc : memref<!tpu.dma_semaphore, #tpu.memory_space<semaphore_mem>>
      %dma_start3A = arith.constant 0 : i32
      %dma_start3A_16 = tpu.memref_slice %arg5[%run_scoped3A, %dma_start3A] : memref<2x10240xf32, #tpu.memory_space<hbm>> -> memref<1x10240xf32, #tpu.memory_space<hbm>>
      %dma_start3A_17 = tpu.memref_squeeze %dma_start3A_16 : memref<1x10240xf32, #tpu.memory_space<hbm>> -> memref<10240xf32, #tpu.memory_space<hbm>>
      %dma_start3A_18 = arith.constant 0 : i32
      %dma_start3A_19 = tpu.memref_slice %arg5[%run_scoped3A, %dma_start3A_18] : memref<2x10240xf32, #tpu.memory_space<hbm>> -> memref<1x10240xf32, #tpu.memory_space<hbm>>
      %dma_start3A_20 = tpu.memref_squeeze %dma_start3A_19 : memref<1x10240xf32, #tpu.memory_space<hbm>> -> memref<10240xf32, #tpu.memory_space<hbm>>
      tpu.enqueue_dma source(%dma_start3A_20 : memref<10240xf32, #tpu.memory_space<hbm>>) target(%arg9 : memref<10240xf32, #tpu.memory_space<vmem>>) target_semaphore(%run_scoped3A_15 : memref<!tpu.dma_semaphore, #tpu.memory_space<semaphore_mem>>)
      %dma_wait3A = arith.constant 0 : i32
      %dma_wait3A_21 = tpu.memref_slice %arg5[%run_scoped3A, %dma_wait3A] : memref<2x10240xf32, #tpu.memory_space<hbm>> -> memref<1x10240xf32, #tpu.memory_space<hbm>>
      %dma_wait3A_22 = tpu.memref_squeeze %dma_wait3A_21 : memref<1x10240xf32, #tpu.memory_space<hbm>> -> memref<10240xf32, #tpu.memory_space<hbm>>
      %dma_wait3A_23 = arith.constant 0 : i32
      %dma_wait3A_24 = tpu.memref_slice %arg5[%run_scoped3A, %dma_wait3A_23] : memref<2x10240xf32, #tpu.memory_space<hbm>> -> memref<1x10240xf32, #tpu.memory_space<hbm>>
      %dma_wait3A_25 = tpu.memref_squeeze %dma_wait3A_24 : memref<1x10240xf32, #tpu.memory_space<hbm>> -> memref<10240xf32, #tpu.memory_space<hbm>>
      tpu.wait_dma2 semaphore(%run_scoped3A_15 : memref<!tpu.dma_semaphore, #tpu.memory_space<semaphore_mem>>) src(%dma_wait3A_25 : memref<10240xf32, #tpu.memory_space<hbm>>) dst(%arg9 : memref<10240xf32, #tpu.memory_space<vmem>>)
      tpu.yield
    }) : () -> ()
    %run_scoped3A_1 = arith.constant 1 : i32
    "tpu.region"() ({
      %run_scoped3A_15 = tpu.sem_alloc : memref<!tpu.dma_semaphore, #tpu.memory_space<semaphore_mem>>
      %dma_start3A = arith.constant 0 : i32
      %dma_start3A_16 = tpu.memref_slice %arg5[%run_scoped3A_1, %dma_start3A] : memref<2x10240xf32, #tpu.memory_space<hbm>> -> memref<1x10240xf32, #tpu.memory_space<hbm>>
      %dma_start3A_17 = tpu.memref_squeeze %dma_start3A_16 : memref<1x10240xf32, #tpu.memory_space<hbm>> -> memref<10240xf32, #tpu.memory_space<hbm>>
      %dma_start3A_18 = arith.constant 0 : i32
      %dma_start3A_19 = tpu.memref_slice %arg5[%run_scoped3A_1, %dma_start3A_18] : memref<2x10240xf32, #tpu.memory_space<hbm>> -> memref<1x10240xf32, #tpu.memory_space<hbm>>
      %dma_start3A_20 = tpu.memref_squeeze %dma_start3A_19 : memref<1x10240xf32, #tpu.memory_space<hbm>> -> memref<10240xf32, #tpu.memory_space<hbm>>
      tpu.enqueue_dma source(%dma_start3A_20 : memref<10240xf32, #tpu.memory_space<hbm>>) target(%arg10 : memref<10240xf32, #tpu.memory_space<vmem>>) target_semaphore(%run_scoped3A_15 : memref<!tpu.dma_semaphore, #tpu.memory_space<semaphore_mem>>)
      %dma_wait3A = arith.constant 0 : i32
      %dma_wait3A_21 = tpu.memref_slice %arg5[%run_scoped3A_1, %dma_wait3A] : memref<2x10240xf32, #tpu.memory_space<hbm>> -> memref<1x10240xf32, #tpu.memory_space<hbm>>
      %dma_wait3A_22 = tpu.memref_squeeze %dma_wait3A_21 : memref<1x10240xf32, #tpu.memory_space<hbm>> -> memref<10240xf32, #tpu.memory_space<hbm>>
      %dma_wait3A_23 = arith.constant 0 : i32
      %dma_wait3A_24 = tpu.memref_slice %arg5[%run_scoped3A_1, %dma_wait3A_23] : memref<2x10240xf32, #tpu.memory_space<hbm>> -> memref<1x10240xf32, #tpu.memory_space<hbm>>
      %dma_wait3A_25 = tpu.memref_squeeze %dma_wait3A_24 : memref<1x10240xf32, #tpu.memory_space<hbm>> -> memref<10240xf32, #tpu.memory_space<hbm>>
      tpu.wait_dma2 semaphore(%run_scoped3A_15 : memref<!tpu.dma_semaphore, #tpu.memory_space<semaphore_mem>>) src(%dma_wait3A_25 : memref<10240xf32, #tpu.memory_space<hbm>>) dst(%arg10 : memref<10240xf32, #tpu.memory_space<vmem>>)
      tpu.yield
    }) : () -> ()
    %mul3A_2 = arith.constant 81 : i32
    %mul3A_3 = arith.muli %add3A, %mul3A_2 : i32
    "tpu.region"() ({
      %run_scoped3A_15 = tpu.sem_alloc : memref<!tpu.dma_semaphore, #tpu.memory_space<semaphore_mem>>
      %dma_start3A = arith.constant 0 : i32
      %dma_start3A_16 = arith.constant 0 : i32
      %dma_start3A_17 = tpu.memref_slice %arg4[%mul3A_3, %dma_start3A, %dma_start3A_16] : memref<2592x2x128xi32, #tpu.memory_space<hbm>> -> memref<81x2x128xi32, #tpu.memory_space<hbm>>
      %dma_start3A_18 = arith.constant 0 : i32
      %dma_start3A_19 = arith.constant 0 : i32
      %dma_start3A_20 = tpu.memref_slice %arg4[%mul3A_3, %dma_start3A_18, %dma_start3A_19] : memref<2592x2x128xi32, #tpu.memory_space<hbm>> -> memref<81x2x128xi32, #tpu.memory_space<hbm>>
      tpu.enqueue_dma source(%dma_start3A_20 : memref<81x2x128xi32, #tpu.memory_space<hbm>>) target(%arg11 : memref<81x2x128xi32, #tpu.memory_space<vmem>>) target_semaphore(%run_scoped3A_15 : memref<!tpu.dma_semaphore, #tpu.memory_space<semaphore_mem>>)
      %dma_wait3A = arith.constant 0 : i32
      %dma_wait3A_21 = arith.constant 0 : i32
      %dma_wait3A_22 = tpu.memref_slice %arg4[%mul3A_3, %dma_wait3A, %dma_wait3A_21] : memref<2592x2x128xi32, #tpu.memory_space<hbm>> -> memref<81x2x128xi32, #tpu.memory_space<hbm>>
      %dma_wait3A_23 = arith.constant 0 : i32
      %dma_wait3A_24 = arith.constant 0 : i32
      %dma_wait3A_25 = tpu.memref_slice %arg4[%mul3A_3, %dma_wait3A_23, %dma_wait3A_24] : memref<2592x2x128xi32, #tpu.memory_space<hbm>> -> memref<81x2x128xi32, #tpu.memory_space<hbm>>
      tpu.wait_dma2 semaphore(%run_scoped3A_15 : memref<!tpu.dma_semaphore, #tpu.memory_space<semaphore_mem>>) src(%dma_wait3A_25 : memref<81x2x128xi32, #tpu.memory_space<hbm>>) dst(%arg11 : memref<81x2x128xi32, #tpu.memory_space<vmem>>)
      tpu.yield
    }) : () -> ()
    %scan3A = arith.constant 0 : i32
    %scan3A_4 = arith.constant 640 : i32
    %scan3A_5 = arith.addi %scan3A, %scan3A_4 : i32
    %scan3A_6 = arith.constant 1 : i32
    scf.for %scan3A_15 = %scan3A to %scan3A_5 step %scan3A_6  : i32 {
      %mul3A_16 = arith.constant 16 : i32
      %mul3A_17 = arith.muli %scan3A_15, %mul3A_16 : i32
      %get3A = arith.index_cast %mul3A_17 : i32 to index
      %get3A_18 = tpu.vector_load %arg9[%get3A] {strides = array<i32>} : memref<10240xf32, #tpu.memory_space<vmem>>, vector<16xf32>,
      %mul3A_19 = arith.constant 16 : i32
      %mul3A_20 = arith.muli %scan3A_15, %mul3A_19 : i32
      %get3A_21 = arith.index_cast %mul3A_20 : i32 to index
      %get3A_22 = tpu.vector_load %arg10[%get3A_21] {strides = array<i32>} : memref<10240xf32, #tpu.memory_space<vmem>>, vector<16xf32>,
      %add3A_23 = arith.addf %get3A_18, %get3A_22 : vector<16xf32>
      %mul3A_24 = arith.constant 16 : i32
      %mul3A_25 = arith.muli %scan3A_15, %mul3A_24 : i32
      %swap3A = arith.index_cast %mul3A_25 : i32 to index
      %swap3A_26 = tpu.vector_load %arg9[%swap3A] {strides = array<i32>} : memref<10240xf32, #tpu.memory_space<vmem>>, vector<16xf32>,
      tpu.vector_store %arg9[%swap3A], %add3A_23 {strides = array<i32>} : memref<10240xf32, #tpu.memory_space<vmem>>, vector<16xf32>,
    }
    %scan3A_7 = arith.constant 640 : i32
    %scan3A_8 = arith.constant 0 : i32
    %scan3A_9 = arith.constant 81 : i32
    %scan3A_10 = arith.addi %scan3A_8, %scan3A_9 : i32
    %scan3A_11 = arith.constant 1 : i32
    scf.for %scan3A_15 = %scan3A_8 to %scan3A_10 step %scan3A_11  : i32 {
      %get3A = arith.constant 0 : i32
      %get3A_16 = arith.index_cast %scan3A_15 : i32 to index
      %get3A_17 = arith.index_cast %get3A : i32 to index
      %get3A_18 = arith.constant 0 : index
      %get3A_19 = tpu.vector_load %arg11[%get3A_16, %get3A_17, %get3A_18] {strides = array<i32>} : memref<81x2x128xi32, #tpu.memory_space<vmem>>, vector<16xi32>,
      %get3A_20 = arith.constant 1 : i32
      %get3A_21 = arith.index_cast %scan3A_15 : i32 to index
      %get3A_22 = arith.index_cast %get3A_20 : i32 to index
      %get3A_23 = arith.constant 0 : index
      %get3A_24 = tpu.vector_load %arg11[%get3A_21, %get3A_22, %get3A_23] {strides = array<i32>} : memref<81x2x128xi32, #tpu.memory_space<vmem>>, vector<16xi32>,
      %gather3A = tpu.vector_load_idx %arg7[%get3A_19] : memref<10240xf32, #tpu.memory_space<vmem>>[vector<16xi32>], vector<16xf32>,
      %gather3A_25 = tpu.vector_load_idx %arg8[%get3A_24] : memref<10240xf32, #tpu.memory_space<vmem>>[vector<16xi32>], vector<16xf32>,
      %add3A_26 = arith.addf %gather3A, %gather3A_25 : vector<16xf32>
      %ge3A = arith.constant 0.000000e+00 : f32
      %ge3A_27 = vector.broadcast %ge3A : f32 to vector<16xf32>
      %ge3A_28 = arith.cmpf oge, %add3A_26, %ge3A_27 : vector<16xf32>
      %mul3A_29 = arith.constant 2.000000e-01 : f32
      %mul3A_30 = vector.broadcast %mul3A_29 : f32 to vector<16xf32>
      %mul3A_31 = arith.mulf %add3A_26, %mul3A_30 : vector<16xf32>
      %select_n3A = arith.select %ge3A_28, %add3A_26, %mul3A_31 : vector<16xi1>, vector<16xf32>
      %exp3A = math.exp %select_n3A : vector<16xf32>
      %mul3A_32 = arith.constant 10368 : i32
      %mul3A_33 = arith.muli %add3A, %mul3A_32 : i32
      %mul3A_34 = arith.constant 128 : i32
      %mul3A_35 = arith.muli %scan3A_15, %mul3A_34 : i32
      %add3A_36 = arith.addi %mul3A_33, %mul3A_35 : i32
      %add3A_37 = arith.constant 0 : i32
      %add3A_38 = arith.addi %add3A_36, %add3A_37 : i32
      %iota3A = tpu.iota {dimensions = array<i32: 0>} : vector<16xi32>
      %add3A_39 = vector.broadcast %add3A_38 : i32 to vector<16xi32>
      %add3A_40 = arith.addi %add3A_39, %iota3A : vector<16xi32>
      %lt3A = arith.constant 330000 : i32
      %lt3A_41 = vector.broadcast %lt3A : i32 to vector<16xi32>
      %lt3A_42 = arith.cmpi slt, %add3A_40, %lt3A_41 : vector<16xi32>
      %jit3A = arith.constant 0.000000e+00 : f32
      %broadcast_in_dim3A = vector.broadcast %jit3A : f32 to vector<16xf32>
      %select_n3A_43 = arith.select %lt3A_42, %exp3A, %broadcast_in_dim3A : vector<16xi1>, vector<16xf32>
      %gather3A_44 = tpu.vector_load_idx %arg9[%get3A_24] : memref<10240xf32, #tpu.memory_space<vmem>>[vector<16xi32>], vector<16xf32>,
      %add3A_45 = arith.constant 1.000000e-16 : f32
      %add3A_46 = vector.broadcast %add3A_45 : f32 to vector<16xf32>
      %add3A_47 = arith.addf %gather3A_44, %add3A_46 : vector<16xf32>
      %div3A = arith.divf %select_n3A_43, %add3A_47 : vector<16xf32>
      %swap3A = arith.index_cast %scan3A_15 : i32 to index
      %swap3A_48 = arith.constant 0 : index
      %swap3A_49 = tpu.vector_load %arg12[%swap3A, %swap3A_48] {strides = array<i32>} : memref<81x128xf32, #tpu.memory_space<vmem>>, vector<16xf32>,
      tpu.vector_store %arg12[%swap3A, %swap3A_48], %div3A {strides = array<i32>} : memref<81x128xf32, #tpu.memory_space<vmem>>, vector<16xf32>,
      %get3A_50 = arith.constant 0 : i32
      %get3A_51 = arith.index_cast %scan3A_15 : i32 to index
      %get3A_52 = arith.index_cast %get3A_50 : i32 to index
      %get3A_53 = arith.constant 16 : index
      %get3A_54 = tpu.vector_load %arg11[%get3A_51, %get3A_52, %get3A_53] {strides = array<i32>} : memref<81x2x128xi32, #tpu.memory_space<vmem>>, vector<16xi32>,
      %get3A_55 = arith.constant 1 : i32
      %get3A_56 = arith.index_cast %scan3A_15 : i32 to index
      %get3A_57 = arith.index_cast %get3A_55 : i32 to index
      %get3A_58 = arith.constant 16 : index
      %get3A_59 = tpu.vector_load %arg11[%get3A_56, %get3A_57, %get3A_58] {strides = array<i32>} : memref<81x2x128xi32, #tpu.memory_space<vmem>>, vector<16xi32>,
      %gather3A_60 = tpu.vector_load_idx %arg7[%get3A_54] : memref<10240xf32, #tpu.memory_space<vmem>>[vector<16xi32>], vector<16xf32>,
      %gather3A_61 = tpu.vector_load_idx %arg8[%get3A_59] : memref<10240xf32, #tpu.memory_space<vmem>>[vector<16xi32>], vector<16xf32>,
      %add3A_62 = arith.addf %gather3A_60, %gather3A_61 : vector<16xf32>
      %ge3A_63 = arith.constant 0.000000e+00 : f32
      %ge3A_64 = vector.broadcast %ge3A_63 : f32 to vector<16xf32>
      %ge3A_65 = arith.cmpf oge, %add3A_62, %ge3A_64 : vector<16xf32>
      %mul3A_66 = arith.constant 2.000000e-01 : f32
      %mul3A_67 = vector.broadcast %mul3A_66 : f32 to vector<16xf32>
      %mul3A_68 = arith.mulf %add3A_62, %mul3A_67 : vector<16xf32>
      %select_n3A_69 = arith.select %ge3A_65, %add3A_62, %mul3A_68 : vector<16xi1>, vector<16xf32>
      %exp3A_70 = math.exp %select_n3A_69 : vector<16xf32>
      %mul3A_71 = arith.constant 10368 : i32
      %mul3A_72 = arith.muli %add3A, %mul3A_71 : i32
      %mul3A_73 = arith.constant 128 : i32
      %mul3A_74 = arith.muli %scan3A_15, %mul3A_73 : i32
      %add3A_75 = arith.addi %mul3A_72, %mul3A_74 : i32
      %add3A_76 = arith.constant 16 : i32
      %add3A_77 = arith.addi %add3A_75, %add3A_76 : i32
      %iota3A_78 = tpu.iota {dimensions = array<i32: 0>} : vector<16xi32>
      %add3A_79 = vector.broadcast %add3A_77 : i32 to vector<16xi32>
      %add3A_80 = arith.addi %add3A_79, %iota3A_78 : vector<16xi32>
      %lt3A_81 = arith.constant 330000 : i32
      %lt3A_82 = vector.broadcast %lt3A_81 : i32 to vector<16xi32>
      %lt3A_83 = arith.cmpi slt, %add3A_80, %lt3A_82 : vector<16xi32>
      %jit3A_84 = arith.constant 0.000000e+00 : f32
      %broadcast_in_dim3A_85 = vector.broadcast %jit3A_84 : f32 to vector<16xf32>
      %select_n3A_86 = arith.select %lt3A_83, %exp3A_70, %broadcast_in_dim3A_85 : vector<16xi1>, vector<16xf32>
      %gather3A_87 = tpu.vector_load_idx %arg9[%get3A_59] : memref<10240xf32, #tpu.memory_space<vmem>>[vector<16xi32>], vector<16xf32>,
      %add3A_88 = arith.constant 1.000000e-16 : f32
      %add3A_89 = vector.broadcast %add3A_88 : f32 to vector<16xf32>
      %add3A_90 = arith.addf %gather3A_87, %add3A_89 : vector<16xf32>
      %div3A_91 = arith.divf %select_n3A_86, %add3A_90 : vector<16xf32>
      %swap3A_92 = arith.index_cast %scan3A_15 : i32 to index
      %swap3A_93 = arith.constant 16 : index
      %swap3A_94 = tpu.vector_load %arg12[%swap3A_92, %swap3A_93] {strides = array<i32>} : memref<81x128xf32, #tpu.memory_space<vmem>>, vector<16xf32>,
      tpu.vector_store %arg12[%swap3A_92, %swap3A_93], %div3A_91 {strides = array<i32>} : memref<81x128xf32, #tpu.memory_space<vmem>>, vector<16xf32>,
      %get3A_95 = arith.constant 0 : i32
      %get3A_96 = arith.index_cast %scan3A_15 : i32 to index
      %get3A_97 = arith.index_cast %get3A_95 : i32 to index
      %get3A_98 = arith.constant 32 : index
      %get3A_99 = tpu.vector_load %arg11[%get3A_96, %get3A_97, %get3A_98] {strides = array<i32>} : memref<81x2x128xi32, #tpu.memory_space<vmem>>, vector<16xi32>,
      %get3A_100 = arith.constant 1 : i32
      %get3A_101 = arith.index_cast %scan3A_15 : i32 to index
      %get3A_102 = arith.index_cast %get3A_100 : i32 to index
      %get3A_103 = arith.constant 32 : index
      %get3A_104 = tpu.vector_load %arg11[%get3A_101, %get3A_102, %get3A_103] {strides = array<i32>} : memref<81x2x128xi32, #tpu.memory_space<vmem>>, vector<16xi32>,
      %gather3A_105 = tpu.vector_load_idx %arg7[%get3A_99] : memref<10240xf32, #tpu.memory_space<vmem>>[vector<16xi32>], vector<16xf32>,
      %gather3A_106 = tpu.vector_load_idx %arg8[%get3A_104] : memref<10240xf32, #tpu.memory_space<vmem>>[vector<16xi32>], vector<16xf32>,
      %add3A_107 = arith.addf %gather3A_105, %gather3A_106 : vector<16xf32>
      %ge3A_108 = arith.constant 0.000000e+00 : f32
      %ge3A_109 = vector.broadcast %ge3A_108 : f32 to vector<16xf32>
      %ge3A_110 = arith.cmpf oge, %add3A_107, %ge3A_109 : vector<16xf32>
      %mul3A_111 = arith.constant 2.000000e-01 : f32
      %mul3A_112 = vector.broadcast %mul3A_111 : f32 to vector<16xf32>
      %mul3A_113 = arith.mulf %add3A_107, %mul3A_112 : vector<16xf32>
      %select_n3A_114 = arith.select %ge3A_110, %add3A_107, %mul3A_113 : vector<16xi1>, vector<16xf32>
      %exp3A_115 = math.exp %select_n3A_114 : vector<16xf32>
      %mul3A_116 = arith.constant 10368 : i32
      %mul3A_117 = arith.muli %add3A, %mul3A_116 : i32
      %mul3A_118 = arith.constant 128 : i32
      %mul3A_119 = arith.muli %scan3A_15, %mul3A_118 : i32
      %add3A_120 = arith.addi %mul3A_117, %mul3A_119 : i32
      %add3A_121 = arith.constant 32 : i32
      %add3A_122 = arith.addi %add3A_120, %add3A_121 : i32
      %iota3A_123 = tpu.iota {dimensions = array<i32: 0>} : vector<16xi32>
      %add3A_124 = vector.broadcast %add3A_122 : i32 to vector<16xi32>
      %add3A_125 = arith.addi %add3A_124, %iota3A_123 : vector<16xi32>
      %lt3A_126 = arith.constant 330000 : i32
      %lt3A_127 = vector.broadcast %lt3A_126 : i32 to vector<16xi32>
      %lt3A_128 = arith.cmpi slt, %add3A_125, %lt3A_127 : vector<16xi32>
      %jit3A_129 = arith.constant 0.000000e+00 : f32
      %broadcast_in_dim3A_130 = vector.broadcast %jit3A_129 : f32 to vector<16xf32>
      %select_n3A_131 = arith.select %lt3A_128, %exp3A_115, %broadcast_in_dim3A_130 : vector<16xi1>, vector<16xf32>
      %gather3A_132 = tpu.vector_load_idx %arg9[%get3A_104] : memref<10240xf32, #tpu.memory_space<vmem>>[vector<16xi32>], vector<16xf32>,
      %add3A_133 = arith.constant 1.000000e-16 : f32
      %add3A_134 = vector.broadcast %add3A_133 : f32 to vector<16xf32>
      %add3A_135 = arith.addf %gather3A_132, %add3A_134 : vector<16xf32>
      %div3A_136 = arith.divf %select_n3A_131, %add3A_135 : vector<16xf32>
      %swap3A_137 = arith.index_cast %scan3A_15 : i32 to index
      %swap3A_138 = arith.constant 32 : index
      %swap3A_139 = tpu.vector_load %arg12[%swap3A_137, %swap3A_138] {strides = array<i32>} : memref<81x128xf32, #tpu.memory_space<vmem>>, vector<16xf32>,
      tpu.vector_store %arg12[%swap3A_137, %swap3A_138], %div3A_136 {strides = array<i32>} : memref<81x128xf32, #tpu.memory_space<vmem>>, vector<16xf32>,
      %get3A_140 = arith.constant 0 : i32
      %get3A_141 = arith.index_cast %scan3A_15 : i32 to index
      %get3A_142 = arith.index_cast %get3A_140 : i32 to index
      %get3A_143 = arith.constant 48 : index
      %get3A_144 = tpu.vector_load %arg11[%get3A_141, %get3A_142, %get3A_143] {strides = array<i32>} : memref<81x2x128xi32, #tpu.memory_space<vmem>>, vector<16xi32>,
      %get3A_145 = arith.constant 1 : i32
      %get3A_146 = arith.index_cast %scan3A_15 : i32 to index
      %get3A_147 = arith.index_cast %get3A_145 : i32 to index
      %get3A_148 = arith.constant 48 : index
      %get3A_149 = tpu.vector_load %arg11[%get3A_146, %get3A_147, %get3A_148] {strides = array<i32>} : memref<81x2x128xi32, #tpu.memory_space<vmem>>, vector<16xi32>,
      %gather3A_150 = tpu.vector_load_idx %arg7[%get3A_144] : memref<10240xf32, #tpu.memory_space<vmem>>[vector<16xi32>], vector<16xf32>,
      %gather3A_151 = tpu.vector_load_idx %arg8[%get3A_149] : memref<10240xf32, #tpu.memory_space<vmem>>[vector<16xi32>], vector<16xf32>,
      %add3A_152 = arith.addf %gather3A_150, %gather3A_151 : vector<16xf32>
      %ge3A_153 = arith.constant 0.000000e+00 : f32
      %ge3A_154 = vector.broadcast %ge3A_153 : f32 to vector<16xf32>
      %ge3A_155 = arith.cmpf oge, %add3A_152, %ge3A_154 : vector<16xf32>
      %mul3A_156 = arith.constant 2.000000e-01 : f32
      %mul3A_157 = vector.broadcast %mul3A_156 : f32 to vector<16xf32>
      %mul3A_158 = arith.mulf %add3A_152, %mul3A_157 : vector<16xf32>
      %select_n3A_159 = arith.select %ge3A_155, %add3A_152, %mul3A_158 : vector<16xi1>, vector<16xf32>
      %exp3A_160 = math.exp %select_n3A_159 : vector<16xf32>
      %mul3A_161 = arith.constant 10368 : i32
      %mul3A_162 = arith.muli %add3A, %mul3A_161 : i32
      %mul3A_163 = arith.constant 128 : i32
      %mul3A_164 = arith.muli %scan3A_15, %mul3A_163 : i32
      %add3A_165 = arith.addi %mul3A_162, %mul3A_164 : i32
      %add3A_166 = arith.constant 48 : i32
      %add3A_167 = arith.addi %add3A_165, %add3A_166 : i32
      %iota3A_168 = tpu.iota {dimensions = array<i32: 0>} : vector<16xi32>
      %add3A_169 = vector.broadcast %add3A_167 : i32 to vector<16xi32>
      %add3A_170 = arith.addi %add3A_169, %iota3A_168 : vector<16xi32>
      %lt3A_171 = arith.constant 330000 : i32
      %lt3A_172 = vector.broadcast %lt3A_171 : i32 to vector<16xi32>
      %lt3A_173 = arith.cmpi slt, %add3A_170, %lt3A_172 : vector<16xi32>
      %jit3A_174 = arith.constant 0.000000e+00 : f32
      %broadcast_in_dim3A_175 = vector.broadcast %jit3A_174 : f32 to vector<16xf32>
      %select_n3A_176 = arith.select %lt3A_173, %exp3A_160, %broadcast_in_dim3A_175 : vector<16xi1>, vector<16xf32>
      %gather3A_177 = tpu.vector_load_idx %arg9[%get3A_149] : memref<10240xf32, #tpu.memory_space<vmem>>[vector<16xi32>], vector<16xf32>,
      %add3A_178 = arith.constant 1.000000e-16 : f32
      %add3A_179 = vector.broadcast %add3A_178 : f32 to vector<16xf32>
      %add3A_180 = arith.addf %gather3A_177, %add3A_179 : vector<16xf32>
      %div3A_181 = arith.divf %select_n3A_176, %add3A_180 : vector<16xf32>
      %swap3A_182 = arith.index_cast %scan3A_15 : i32 to index
      %swap3A_183 = arith.constant 48 : index
      %swap3A_184 = tpu.vector_load %arg12[%swap3A_182, %swap3A_183] {strides = array<i32>} : memref<81x128xf32, #tpu.memory_space<vmem>>, vector<16xf32>,
      tpu.vector_store %arg12[%swap3A_182, %swap3A_183], %div3A_181 {strides = array<i32>} : memref<81x128xf32, #tpu.memory_space<vmem>>, vector<16xf32>,
      %get3A_185 = arith.constant 0 : i32
      %get3A_186 = arith.index_cast %scan3A_15 : i32 to index
      %get3A_187 = arith.index_cast %get3A_185 : i32 to index
      %get3A_188 = arith.constant 64 : index
      %get3A_189 = tpu.vector_load %arg11[%get3A_186, %get3A_187, %get3A_188] {strides = array<i32>} : memref<81x2x128xi32, #tpu.memory_space<vmem>>, vector<16xi32>,
      %get3A_190 = arith.constant 1 : i32
      %get3A_191 = arith.index_cast %scan3A_15 : i32 to index
      %get3A_192 = arith.index_cast %get3A_190 : i32 to index
      %get3A_193 = arith.constant 64 : index
      %get3A_194 = tpu.vector_load %arg11[%get3A_191, %get3A_192, %get3A_193] {strides = array<i32>} : memref<81x2x128xi32, #tpu.memory_space<vmem>>, vector<16xi32>,
      %gather3A_195 = tpu.vector_load_idx %arg7[%get3A_189] : memref<10240xf32, #tpu.memory_space<vmem>>[vector<16xi32>], vector<16xf32>,
      %gather3A_196 = tpu.vector_load_idx %arg8[%get3A_194] : memref<10240xf32, #tpu.memory_space<vmem>>[vector<16xi32>], vector<16xf32>,
      %add3A_197 = arith.addf %gather3A_195, %gather3A_196 : vector<16xf32>
      %ge3A_198 = arith.constant 0.000000e+00 : f32
      %ge3A_199 = vector.broadcast %ge3A_198 : f32 to vector<16xf32>
      %ge3A_200 = arith.cmpf oge, %add3A_197, %ge3A_199 : vector<16xf32>
      %mul3A_201 = arith.constant 2.000000e-01 : f32
      %mul3A_202 = vector.broadcast %mul3A_201 : f32 to vector<16xf32>
      %mul3A_203 = arith.mulf %add3A_197, %mul3A_202 : vector<16xf32>
      %select_n3A_204 = arith.select %ge3A_200, %add3A_197, %mul3A_203 : vector<16xi1>, vector<16xf32>
      %exp3A_205 = math.exp %select_n3A_204 : vector<16xf32>
      %mul3A_206 = arith.constant 10368 : i32
      %mul3A_207 = arith.muli %add3A, %mul3A_206 : i32
      %mul3A_208 = arith.constant 128 : i32
      %mul3A_209 = arith.muli %scan3A_15, %mul3A_208 : i32
      %add3A_210 = arith.addi %mul3A_207, %mul3A_209 : i32
      %add3A_211 = arith.constant 64 : i32
      %add3A_212 = arith.addi %add3A_210, %add3A_211 : i32
      %iota3A_213 = tpu.iota {dimensions = array<i32: 0>} : vector<16xi32>
      %add3A_214 = vector.broadcast %add3A_212 : i32 to vector<16xi32>
      %add3A_215 = arith.addi %add3A_214, %iota3A_213 : vector<16xi32>
      %lt3A_216 = arith.constant 330000 : i32
      %lt3A_217 = vector.broadcast %lt3A_216 : i32 to vector<16xi32>
      %lt3A_218 = arith.cmpi slt, %add3A_215, %lt3A_217 : vector<16xi32>
      %jit3A_219 = arith.constant 0.000000e+00 : f32
      %broadcast_in_dim3A_220 = vector.broadcast %jit3A_219 : f32 to vector<16xf32>
      %select_n3A_221 = arith.select %lt3A_218, %exp3A_205, %broadcast_in_dim3A_220 : vector<16xi1>, vector<16xf32>
      %gather3A_222 = tpu.vector_load_idx %arg9[%get3A_194] : memref<10240xf32, #tpu.memory_space<vmem>>[vector<16xi32>], vector<16xf32>,
      %add3A_223 = arith.constant 1.000000e-16 : f32
      %add3A_224 = vector.broadcast %add3A_223 : f32 to vector<16xf32>
      %add3A_225 = arith.addf %gather3A_222, %add3A_224 : vector<16xf32>
      %div3A_226 = arith.divf %select_n3A_221, %add3A_225 : vector<16xf32>
      %swap3A_227 = arith.index_cast %scan3A_15 : i32 to index
      %swap3A_228 = arith.constant 64 : index
      %swap3A_229 = tpu.vector_load %arg12[%swap3A_227, %swap3A_228] {strides = array<i32>} : memref<81x128xf32, #tpu.memory_space<vmem>>, vector<16xf32>,
      tpu.vector_store %arg12[%swap3A_227, %swap3A_228], %div3A_226 {strides = array<i32>} : memref<81x128xf32, #tpu.memory_space<vmem>>, vector<16xf32>,
      %get3A_230 = arith.constant 0 : i32
      %get3A_231 = arith.index_cast %scan3A_15 : i32 to index
      %get3A_232 = arith.index_cast %get3A_230 : i32 to index
      %get3A_233 = arith.constant 80 : index
      %get3A_234 = tpu.vector_load %arg11[%get3A_231, %get3A_232, %get3A_233] {strides = array<i32>} : memref<81x2x128xi32, #tpu.memory_space<vmem>>, vector<16xi32>,
      %get3A_235 = arith.constant 1 : i32
      %get3A_236 = arith.index_cast %scan3A_15 : i32 to index
      %get3A_237 = arith.index_cast %get3A_235 : i32 to index
      %get3A_238 = arith.constant 80 : index
      %get3A_239 = tpu.vector_load %arg11[%get3A_236, %get3A_237, %get3A_238] {strides = array<i32>} : memref<81x2x128xi32, #tpu.memory_space<vmem>>, vector<16xi32>,
      %gather3A_240 = tpu.vector_load_idx %arg7[%get3A_234] : memref<10240xf32, #tpu.memory_space<vmem>>[vector<16xi32>], vector<16xf32>,
      %gather3A_241 = tpu.vector_load_idx %arg8[%get3A_239] : memref<10240xf32, #tpu.memory_space<vmem>>[vector<16xi32>], vector<16xf32>,
      %add3A_242 = arith.addf %gather3A_240, %gather3A_241 : vector<16xf32>
      %ge3A_243 = arith.constant 0.000000e+00 : f32
      %ge3A_244 = vector.broadcast %ge3A_243 : f32 to vector<16xf32>
      %ge3A_245 = arith.cmpf oge, %add3A_242, %ge3A_244 : vector<16xf32>
      %mul3A_246 = arith.constant 2.000000e-01 : f32
      %mul3A_247 = vector.broadcast %mul3A_246 : f32 to vector<16xf32>
      %mul3A_248 = arith.mulf %add3A_242, %mul3A_247 : vector<16xf32>
      %select_n3A_249 = arith.select %ge3A_245, %add3A_242, %mul3A_248 : vector<16xi1>, vector<16xf32>
      %exp3A_250 = math.exp %select_n3A_249 : vector<16xf32>
      %mul3A_251 = arith.constant 10368 : i32
      %mul3A_252 = arith.muli %add3A, %mul3A_251 : i32
      %mul3A_253 = arith.constant 128 : i32
      %mul3A_254 = arith.muli %scan3A_15, %mul3A_253 : i32
      %add3A_255 = arith.addi %mul3A_252, %mul3A_254 : i32
      %add3A_256 = arith.constant 80 : i32
      %add3A_257 = arith.addi %add3A_255, %add3A_256 : i32
      %iota3A_258 = tpu.iota {dimensions = array<i32: 0>} : vector<16xi32>
      %add3A_259 = vector.broadcast %add3A_257 : i32 to vector<16xi32>
      %add3A_260 = arith.addi %add3A_259, %iota3A_258 : vector<16xi32>
      %lt3A_261 = arith.constant 330000 : i32
      %lt3A_262 = vector.broadcast %lt3A_261 : i32 to vector<16xi32>
      %lt3A_263 = arith.cmpi slt, %add3A_260, %lt3A_262 : vector<16xi32>
      %jit3A_264 = arith.constant 0.000000e+00 : f32
      %broadcast_in_dim3A_265 = vector.broadcast %jit3A_264 : f32 to vector<16xf32>
      %select_n3A_266 = arith.select %lt3A_263, %exp3A_250, %broadcast_in_dim3A_265 : vector<16xi1>, vector<16xf32>
      %gather3A_267 = tpu.vector_load_idx %arg9[%get3A_239] : memref<10240xf32, #tpu.memory_space<vmem>>[vector<16xi32>], vector<16xf32>,
      %add3A_268 = arith.constant 1.000000e-16 : f32
      %add3A_269 = vector.broadcast %add3A_268 : f32 to vector<16xf32>
      %add3A_270 = arith.addf %gather3A_267, %add3A_269 : vector<16xf32>
      %div3A_271 = arith.divf %select_n3A_266, %add3A_270 : vector<16xf32>
      %swap3A_272 = arith.index_cast %scan3A_15 : i32 to index
      %swap3A_273 = arith.constant 80 : index
      %swap3A_274 = tpu.vector_load %arg12[%swap3A_272, %swap3A_273] {strides = array<i32>} : memref<81x128xf32, #tpu.memory_space<vmem>>, vector<16xf32>,
      tpu.vector_store %arg12[%swap3A_272, %swap3A_273], %div3A_271 {strides = array<i32>} : memref<81x128xf32, #tpu.memory_space<vmem>>, vector<16xf32>,
      %get3A_275 = arith.constant 0 : i32
      %get3A_276 = arith.index_cast %scan3A_15 : i32 to index
      %get3A_277 = arith.index_cast %get3A_275 : i32 to index
      %get3A_278 = arith.constant 96 : index
      %get3A_279 = tpu.vector_load %arg11[%get3A_276, %get3A_277, %get3A_278] {strides = array<i32>} : memref<81x2x128xi32, #tpu.memory_space<vmem>>, vector<16xi32>,
      %get3A_280 = arith.constant 1 : i32
      %get3A_281 = arith.index_cast %scan3A_15 : i32 to index
      %get3A_282 = arith.index_cast %get3A_280 : i32 to index
      %get3A_283 = arith.constant 96 : index
      %get3A_284 = tpu.vector_load %arg11[%get3A_281, %get3A_282, %get3A_283] {strides = array<i32>} : memref<81x2x128xi32, #tpu.memory_space<vmem>>, vector<16xi32>,
      %gather3A_285 = tpu.vector_load_idx %arg7[%get3A_279] : memref<10240xf32, #tpu.memory_space<vmem>>[vector<16xi32>], vector<16xf32>,
      %gather3A_286 = tpu.vector_load_idx %arg8[%get3A_284] : memref<10240xf32, #tpu.memory_space<vmem>>[vector<16xi32>], vector<16xf32>,
      %add3A_287 = arith.addf %gather3A_285, %gather3A_286 : vector<16xf32>
      %ge3A_288 = arith.constant 0.000000e+00 : f32
      %ge3A_289 = vector.broadcast %ge3A_288 : f32 to vector<16xf32>
      %ge3A_290 = arith.cmpf oge, %add3A_287, %ge3A_289 : vector<16xf32>
      %mul3A_291 = arith.constant 2.000000e-01 : f32
      %mul3A_292 = vector.broadcast %mul3A_291 : f32 to vector<16xf32>
      %mul3A_293 = arith.mulf %add3A_287, %mul3A_292 : vector<16xf32>
      %select_n3A_294 = arith.select %ge3A_290, %add3A_287, %mul3A_293 : vector<16xi1>, vector<16xf32>
      %exp3A_295 = math.exp %select_n3A_294 : vector<16xf32>
      %mul3A_296 = arith.constant 10368 : i32
      %mul3A_297 = arith.muli %add3A, %mul3A_296 : i32
      %mul3A_298 = arith.constant 128 : i32
      %mul3A_299 = arith.muli %scan3A_15, %mul3A_298 : i32
      %add3A_300 = arith.addi %mul3A_297, %mul3A_299 : i32
      %add3A_301 = arith.constant 96 : i32
      %add3A_302 = arith.addi %add3A_300, %add3A_301 : i32
      %iota3A_303 = tpu.iota {dimensions = array<i32: 0>} : vector<16xi32>
      %add3A_304 = vector.broadcast %add3A_302 : i32 to vector<16xi32>
      %add3A_305 = arith.addi %add3A_304, %iota3A_303 : vector<16xi32>
      %lt3A_306 = arith.constant 330000 : i32
      %lt3A_307 = vector.broadcast %lt3A_306 : i32 to vector<16xi32>
      %lt3A_308 = arith.cmpi slt, %add3A_305, %lt3A_307 : vector<16xi32>
      %jit3A_309 = arith.constant 0.000000e+00 : f32
      %broadcast_in_dim3A_310 = vector.broadcast %jit3A_309 : f32 to vector<16xf32>
      %select_n3A_311 = arith.select %lt3A_308, %exp3A_295, %broadcast_in_dim3A_310 : vector<16xi1>, vector<16xf32>
      %gather3A_312 = tpu.vector_load_idx %arg9[%get3A_284] : memref<10240xf32, #tpu.memory_space<vmem>>[vector<16xi32>], vector<16xf32>,
      %add3A_313 = arith.constant 1.000000e-16 : f32
      %add3A_314 = vector.broadcast %add3A_313 : f32 to vector<16xf32>
      %add3A_315 = arith.addf %gather3A_312, %add3A_314 : vector<16xf32>
      %div3A_316 = arith.divf %select_n3A_311, %add3A_315 : vector<16xf32>
      %swap3A_317 = arith.index_cast %scan3A_15 : i32 to index
      %swap3A_318 = arith.constant 96 : index
      %swap3A_319 = tpu.vector_load %arg12[%swap3A_317, %swap3A_318] {strides = array<i32>} : memref<81x128xf32, #tpu.memory_space<vmem>>, vector<16xf32>,
      tpu.vector_store %arg12[%swap3A_317, %swap3A_318], %div3A_316 {strides = array<i32>} : memref<81x128xf32, #tpu.memory_space<vmem>>, vector<16xf32>,
      %get3A_320 = arith.constant 0 : i32
      %get3A_321 = arith.index_cast %scan3A_15 : i32 to index
      %get3A_322 = arith.index_cast %get3A_320 : i32 to index
      %get3A_323 = arith.constant 112 : index
      %get3A_324 = tpu.vector_load %arg11[%get3A_321, %get3A_322, %get3A_323] {strides = array<i32>} : memref<81x2x128xi32, #tpu.memory_space<vmem>>, vector<16xi32>,
      %get3A_325 = arith.constant 1 : i32
      %get3A_326 = arith.index_cast %scan3A_15 : i32 to index
      %get3A_327 = arith.index_cast %get3A_325 : i32 to index
      %get3A_328 = arith.constant 112 : index
      %get3A_329 = tpu.vector_load %arg11[%get3A_326, %get3A_327, %get3A_328] {strides = array<i32>} : memref<81x2x128xi32, #tpu.memory_space<vmem>>, vector<16xi32>,
      %gather3A_330 = tpu.vector_load_idx %arg7[%get3A_324] : memref<10240xf32, #tpu.memory_space<vmem>>[vector<16xi32>], vector<16xf32>,
      %gather3A_331 = tpu.vector_load_idx %arg8[%get3A_329] : memref<10240xf32, #tpu.memory_space<vmem>>[vector<16xi32>], vector<16xf32>,
      %add3A_332 = arith.addf %gather3A_330, %gather3A_331 : vector<16xf32>
      %ge3A_333 = arith.constant 0.000000e+00 : f32
      %ge3A_334 = vector.broadcast %ge3A_333 : f32 to vector<16xf32>
      %ge3A_335 = arith.cmpf oge, %add3A_332, %ge3A_334 : vector<16xf32>
      %mul3A_336 = arith.constant 2.000000e-01 : f32
      %mul3A_337 = vector.broadcast %mul3A_336 : f32 to vector<16xf32>
      %mul3A_338 = arith.mulf %add3A_332, %mul3A_337 : vector<16xf32>
      %select_n3A_339 = arith.select %ge3A_335, %add3A_332, %mul3A_338 : vector<16xi1>, vector<16xf32>
      %exp3A_340 = math.exp %select_n3A_339 : vector<16xf32>
      %mul3A_341 = arith.constant 10368 : i32
      %mul3A_342 = arith.muli %add3A, %mul3A_341 : i32
      %mul3A_343 = arith.constant 128 : i32
      %mul3A_344 = arith.muli %scan3A_15, %mul3A_343 : i32
      %add3A_345 = arith.addi %mul3A_342, %mul3A_344 : i32
      %add3A_346 = arith.constant 112 : i32
      %add3A_347 = arith.addi %add3A_345, %add3A_346 : i32
      %iota3A_348 = tpu.iota {dimensions = array<i32: 0>} : vector<16xi32>
      %add3A_349 = vector.broadcast %add3A_347 : i32 to vector<16xi32>
      %add3A_350 = arith.addi %add3A_349, %iota3A_348 : vector<16xi32>
      %lt3A_351 = arith.constant 330000 : i32
      %lt3A_352 = vector.broadcast %lt3A_351 : i32 to vector<16xi32>
      %lt3A_353 = arith.cmpi slt, %add3A_350, %lt3A_352 : vector<16xi32>
      %jit3A_354 = arith.constant 0.000000e+00 : f32
      %broadcast_in_dim3A_355 = vector.broadcast %jit3A_354 : f32 to vector<16xf32>
      %select_n3A_356 = arith.select %lt3A_353, %exp3A_340, %broadcast_in_dim3A_355 : vector<16xi1>, vector<16xf32>
      %gather3A_357 = tpu.vector_load_idx %arg9[%get3A_329] : memref<10240xf32, #tpu.memory_space<vmem>>[vector<16xi32>], vector<16xf32>,
      %add3A_358 = arith.constant 1.000000e-16 : f32
      %add3A_359 = vector.broadcast %add3A_358 : f32 to vector<16xf32>
      %add3A_360 = arith.addf %gather3A_357, %add3A_359 : vector<16xf32>
      %div3A_361 = arith.divf %select_n3A_356, %add3A_360 : vector<16xf32>
      %swap3A_362 = arith.index_cast %scan3A_15 : i32 to index
      %swap3A_363 = arith.constant 112 : index
      %swap3A_364 = tpu.vector_load %arg12[%swap3A_362, %swap3A_363] {strides = array<i32>} : memref<81x128xf32, #tpu.memory_space<vmem>>, vector<16xf32>,
      tpu.vector_store %arg12[%swap3A_362, %swap3A_363], %div3A_361 {strides = array<i32>} : memref<81x128xf32, #tpu.memory_space<vmem>>, vector<16xf32>,
    }
    %scan3A_12 = arith.constant 81 : i32
    %mul3A_13 = arith.constant 81 : i32
    %mul3A_14 = arith.muli %add3A, %mul3A_13 : i32
    "tpu.region"() ({
      %run_scoped3A_15 = tpu.sem_alloc : memref<!tpu.dma_semaphore, #tpu.memory_space<semaphore_mem>>
      %dma_start3A = arith.constant 0 : i32
      %dma_start3A_16 = tpu.memref_slice %arg6[%mul3A_14, %dma_start3A] : memref<2592x128xf32, #tpu.memory_space<hbm>> -> memref<81x128xf32, #tpu.memory_space<hbm>>
      %dma_start3A_17 = arith.constant 0 : i32
      %dma_start3A_18 = tpu.memref_slice %arg6[%mul3A_14, %dma_start3A_17] : memref<2592x128xf32, #tpu.memory_space<hbm>> -> memref<81x128xf32, #tpu.memory_space<hbm>>
      tpu.enqueue_dma source(%arg12 : memref<81x128xf32, #tpu.memory_space<vmem>>) target(%dma_start3A_18 : memref<81x128xf32, #tpu.memory_space<hbm>>) target_semaphore(%run_scoped3A_15 : memref<!tpu.dma_semaphore, #tpu.memory_space<semaphore_mem>>)
      %dma_wait3A = arith.constant 0 : i32
      %dma_wait3A_19 = tpu.memref_slice %arg6[%mul3A_14, %dma_wait3A] : memref<2592x128xf32, #tpu.memory_space<hbm>> -> memref<81x128xf32, #tpu.memory_space<hbm>>
      %dma_wait3A_20 = arith.constant 0 : i32
      %dma_wait3A_21 = tpu.memref_slice %arg6[%mul3A_14, %dma_wait3A_20] : memref<2592x128xf32, #tpu.memory_space<hbm>> -> memref<81x128xf32, #tpu.memory_space<hbm>>
      tpu.wait_dma2 semaphore(%run_scoped3A_15 : memref<!tpu.dma_semaphore, #tpu.memory_space<semaphore_mem>>) src(%arg12 : memref<81x128xf32, #tpu.memory_space<vmem>>) dst(%dma_wait3A_21 : memref<81x128xf32, #tpu.memory_space<hbm>>)
      tpu.yield
    }) : () -> ()
    return
  }
}

module attributes {stable_mosaic.version = 14 : i64} {
  func.func @_pre_body(%arg0: i32, %arg1: memref<1000x128xf32, #tpu.memory_space<vmem>>, %arg2: memref<128x128xf32, #tpu.memory_space<vmem>>, %arg3: memref<128x1xf32, #tpu.memory_space<vmem>>, %arg4: memref<128x1xf32, #tpu.memory_space<vmem>>, %arg5: memref<1000x128xf32, #tpu.memory_space<vmem>>, %arg6: memref<1000x1xf32, #tpu.memory_space<vmem>>, %arg7: memref<1000x1xf32, #tpu.memory_space<vmem>>) attributes {dimension_semantics = [#tpu.dimension_semantics<arbitrary>], iteration_bounds = array<i64: 10>, scalar_prefetch = 0 : i64, scratch_operands = 0 : i64, tpu.core_type = #tpu.core_type<tc>, window_params = [{transform_indices = @transform_0, window_bounds = array<i64: 1000, 128>}, {pipeline_mode = #tpu.pipeline_mode<synchronous>, transform_indices = @transform_1, window_bounds = array<i64: 128, 128>}, {pipeline_mode = #tpu.pipeline_mode<synchronous>, transform_indices = @transform_2, window_bounds = array<i64: 128, 1>}, {pipeline_mode = #tpu.pipeline_mode<synchronous>, transform_indices = @transform_3, window_bounds = array<i64: 128, 1>}, {transform_indices = @transform_4, window_bounds = array<i64: 1000, 128>}, {transform_indices = @transform_5, window_bounds = array<i64: 1000, 1>}, {transform_indices = @transform_6, window_bounds = array<i64: 1000, 1>}]} {
    %get3A = arith.constant 0 : index
    %get3A_0 = arith.constant 0 : index
    %get3A_1 = vector.load %arg1[%get3A, %get3A_0] : memref<1000x128xf32, #tpu.memory_space<vmem>>, vector<1000x128xf32>
    %get3A_2 = arith.constant 0 : index
    %get3A_3 = arith.constant 0 : index
    %get3A_4 = vector.load %arg2[%get3A_2, %get3A_3] : memref<128x128xf32, #tpu.memory_space<vmem>>, vector<128x128xf32>
    %dot_general3A = arith.constant dense<0.000000e+00> : vector<1000x128xf32>
    %dot_general3A_5 = tpu.matmul %get3A_1, %get3A_4, %dot_general3A {dimension_numbers = #tpu.dot_dimension_numbers<[1], [0], [0], [1], [0, 0, 1, 1], [], []>, transpose_lhs_hint = false} : vector<1000x128xf32>, vector<128x128xf32>, vector<1000x128xf32> -> vector<1000x128xf32>
    %swap3A = arith.constant 0 : index
    %swap3A_6 = arith.constant 0 : index
    %swap3A_7 = vector.load %arg5[%swap3A, %swap3A_6] : memref<1000x128xf32, #tpu.memory_space<vmem>>, vector<1000x128xf32>
    tpu.vector_store %arg5[%swap3A, %swap3A_6], %dot_general3A_5 {strides = array<i32>} : memref<1000x128xf32, #tpu.memory_space<vmem>>, vector<1000x128xf32>,
    %get3A_8 = arith.constant 0 : index
    %get3A_9 = arith.constant 0 : index
    %get3A_10 = vector.load %arg3[%get3A_8, %get3A_9] : memref<128x1xf32, #tpu.memory_space<vmem>>, vector<128x1xf32>
    %dot_general3A_11 = arith.constant dense<0.000000e+00> : vector<1000x1xf32>
    %dot_general3A_12 = tpu.matmul %dot_general3A_5, %get3A_10, %dot_general3A_11 {dimension_numbers = #tpu.dot_dimension_numbers<[1], [0], [0], [1], [0, 0, 1, 1], [], []>, transpose_lhs_hint = false} : vector<1000x128xf32>, vector<128x1xf32>, vector<1000x1xf32> -> vector<1000x1xf32>
    %swap3A_13 = arith.constant 0 : index
    %swap3A_14 = arith.constant 0 : index
    %swap3A_15 = vector.load %arg6[%swap3A_13, %swap3A_14] : memref<1000x1xf32, #tpu.memory_space<vmem>>, vector<1000x1xf32>
    tpu.vector_store %arg6[%swap3A_13, %swap3A_14], %dot_general3A_12 {strides = array<i32>} : memref<1000x1xf32, #tpu.memory_space<vmem>>, vector<1000x1xf32>,
    %get3A_16 = arith.constant 0 : index
    %get3A_17 = arith.constant 0 : index
    %get3A_18 = vector.load %arg4[%get3A_16, %get3A_17] : memref<128x1xf32, #tpu.memory_space<vmem>>, vector<128x1xf32>
    %dot_general3A_19 = arith.constant dense<0.000000e+00> : vector<1000x1xf32>
    %dot_general3A_20 = tpu.matmul %dot_general3A_5, %get3A_18, %dot_general3A_19 {dimension_numbers = #tpu.dot_dimension_numbers<[1], [0], [0], [1], [0, 0, 1, 1], [], []>, transpose_lhs_hint = false} : vector<1000x128xf32>, vector<128x1xf32>, vector<1000x1xf32> -> vector<1000x1xf32>
    %swap3A_21 = arith.constant 0 : index
    %swap3A_22 = arith.constant 0 : index
    %swap3A_23 = vector.load %arg7[%swap3A_21, %swap3A_22] : memref<1000x1xf32, #tpu.memory_space<vmem>>, vector<1000x1xf32>
    tpu.vector_store %arg7[%swap3A_21, %swap3A_22], %dot_general3A_20 {strides = array<i32>} : memref<1000x1xf32, #tpu.memory_space<vmem>>, vector<1000x1xf32>,
    return
  }
  func.func @transform_0(%arg0: i32) -> (i32, i32) {
    %c0_i32 = arith.constant 0 : i32
    %c0_i32_0 = arith.constant 0 : i32
    return %arg0, %c0_i32 : i32, i32
  }
  func.func @transform_1(%arg0: i32) -> (i32, i32) {
    %c0_i32 = arith.constant 0 : i32
    %c0_i32_0 = arith.constant 0 : i32
    %c0_i32_1 = arith.constant 0 : i32
    return %c0_i32, %c0_i32_0 : i32, i32
  }
  func.func @transform_2(%arg0: i32) -> (i32, i32) {
    %c0_i32 = arith.constant 0 : i32
    %c0_i32_0 = arith.constant 0 : i32
    %c0_i32_1 = arith.constant 0 : i32
    return %c0_i32, %c0_i32_0 : i32, i32
  }
  func.func @transform_3(%arg0: i32) -> (i32, i32) {
    %c0_i32 = arith.constant 0 : i32
    %c0_i32_0 = arith.constant 0 : i32
    %c0_i32_1 = arith.constant 0 : i32
    return %c0_i32, %c0_i32_0 : i32, i32
  }
  func.func @transform_4(%arg0: i32) -> (i32, i32) {
    %c0_i32 = arith.constant 0 : i32
    %c0_i32_0 = arith.constant 0 : i32
    return %arg0, %c0_i32 : i32, i32
  }
  func.func @transform_5(%arg0: i32) -> (i32, i32) {
    %c0_i32 = arith.constant 0 : i32
    %c0_i32_0 = arith.constant 0 : i32
    return %arg0, %c0_i32 : i32, i32
  }
  func.func @transform_6(%arg0: i32) -> (i32, i32) {
    %c0_i32 = arith.constant 0 : i32
    %c0_i32_0 = arith.constant 0 : i32
    return %arg0, %c0_i32 : i32, i32
  }
}

module attributes {stable_mosaic.version = 14 : i64} {
  func.func @_post_body(%arg0: i32, %arg1: memref<2x1000x128xf32, #tpu.memory_space<vmem>>, %arg2: memref<2x1000x1xf32, #tpu.memory_space<vmem>>, %arg3: memref<1x128xf32, #tpu.memory_space<vmem>>, %arg4: memref<1x128xf32, #tpu.memory_space<vmem>>, %arg5: memref<1x128xf32, #tpu.memory_space<vmem>>, %arg6: memref<1000x128xf32, #tpu.memory_space<vmem>>) attributes {dimension_semantics = [#tpu.dimension_semantics<arbitrary>], iteration_bounds = array<i64: 10>, scalar_prefetch = 0 : i64, scratch_operands = 0 : i64, tpu.core_type = #tpu.core_type<tc>, window_params = [{transform_indices = @transform_0, window_bounds = array<i64: 2, 1000, 128>}, {transform_indices = @transform_1, window_bounds = array<i64: 2, 1000, 1>}, {pipeline_mode = #tpu.pipeline_mode<synchronous>, transform_indices = @transform_2, window_bounds = array<i64: 1, 128>}, {pipeline_mode = #tpu.pipeline_mode<synchronous>, transform_indices = @transform_3, window_bounds = array<i64: 1, 128>}, {pipeline_mode = #tpu.pipeline_mode<synchronous>, transform_indices = @transform_4, window_bounds = array<i64: 1, 128>}, {transform_indices = @transform_5, window_bounds = array<i64: 1000, 128>}]} {
    %get3A = arith.constant 0 : index
    %get3A_0 = arith.constant 0 : index
    %get3A_1 = arith.constant 0 : index
    %get3A_2 = vector.load %arg2[%get3A, %get3A_0, %get3A_1] : memref<2x1000x1xf32, #tpu.memory_space<vmem>>, vector<1x1000x1xf32>
    %get3A_3 = vector.shape_cast %get3A_2 : vector<1x1000x1xf32> to vector<1000x1xf32>
    %get3A_4 = arith.constant 1 : index
    %get3A_5 = arith.constant 0 : index
    %get3A_6 = arith.constant 0 : index
    %get3A_7 = vector.load %arg2[%get3A_4, %get3A_5, %get3A_6] : memref<2x1000x1xf32, #tpu.memory_space<vmem>>, vector<1x1000x1xf32>
    %get3A_8 = vector.shape_cast %get3A_7 : vector<1x1000x1xf32> to vector<1000x1xf32>
    %add3A = arith.addf %get3A_3, %get3A_8 : vector<1000x1xf32>
    %add3A_9 = arith.constant 1.000000e-16 : f32
    %add3A_10 = vector.broadcast %add3A_9 : f32 to vector<1000x1xf32>
    %add3A_11 = arith.addf %add3A, %add3A_10 : vector<1000x1xf32>
    %get3A_12 = arith.constant 0 : index
    %get3A_13 = arith.constant 0 : index
    %get3A_14 = arith.constant 0 : index
    %get3A_15 = vector.load %arg1[%get3A_12, %get3A_13, %get3A_14] : memref<2x1000x128xf32, #tpu.memory_space<vmem>>, vector<1x1000x128xf32>
    %get3A_16 = vector.shape_cast %get3A_15 : vector<1x1000x128xf32> to vector<1000x128xf32>
    %get3A_17 = arith.constant 1 : index
    %get3A_18 = arith.constant 0 : index
    %get3A_19 = arith.constant 0 : index
    %get3A_20 = vector.load %arg1[%get3A_17, %get3A_18, %get3A_19] : memref<2x1000x128xf32, #tpu.memory_space<vmem>>, vector<1x1000x128xf32>
    %get3A_21 = vector.shape_cast %get3A_20 : vector<1x1000x128xf32> to vector<1000x128xf32>
    %add3A_22 = arith.addf %get3A_16, %get3A_21 : vector<1000x128xf32>
    %div3A = vector.broadcast %add3A_11 : vector<1000x1xf32> to vector<1000x128xf32>
    %div3A_23 = arith.divf %add3A_22, %div3A : vector<1000x128xf32>
    %get3A_24 = arith.constant 0 : index
    %get3A_25 = arith.constant 0 : index
    %get3A_26 = vector.load %arg3[%get3A_24, %get3A_25] : memref<1x128xf32, #tpu.memory_space<vmem>>, vector<1x128xf32>
    %add3A_27 = vector.broadcast %get3A_26 : vector<1x128xf32> to vector<1000x128xf32>
    %add3A_28 = arith.addf %div3A_23, %add3A_27 : vector<1000x128xf32>
    %reduce_sum3A = arith.constant dense<0.000000e+00> : vector<1000xf32>
    %reduce_sum3A_29 = vector.multi_reduction <add>, %add3A_28, %reduce_sum3A [1] : vector<1000x128xf32> to vector<1000xf32>
    %broadcast_in_dim3A = vector.shape_cast %reduce_sum3A_29 : vector<1000xf32> to vector<1000x1xf32>
    %div3A_30 = arith.constant 1.280000e+02 : f32
    %div3A_31 = vector.broadcast %div3A_30 : f32 to vector<1000x1xf32>
    %div3A_32 = arith.divf %broadcast_in_dim3A, %div3A_31 : vector<1000x1xf32>
    %sub3A = vector.broadcast %div3A_32 : vector<1000x1xf32> to vector<1000x128xf32>
    %sub3A_33 = arith.subf %add3A_28, %sub3A : vector<1000x128xf32>
    %sub3A_34 = vector.broadcast %div3A_32 : vector<1000x1xf32> to vector<1000x128xf32>
    %sub3A_35 = arith.subf %add3A_28, %sub3A_34 : vector<1000x128xf32>
    %mul3A = arith.mulf %sub3A_33, %sub3A_35 : vector<1000x128xf32>
    %reduce_sum3A_36 = arith.constant dense<0.000000e+00> : vector<1000xf32>
    %reduce_sum3A_37 = vector.multi_reduction <add>, %mul3A, %reduce_sum3A_36 [1] : vector<1000x128xf32> to vector<1000xf32>
    %broadcast_in_dim3A_38 = vector.shape_cast %reduce_sum3A_37 : vector<1000xf32> to vector<1000x1xf32>
    %div3A_39 = arith.constant 1.280000e+02 : f32
    %div3A_40 = vector.broadcast %div3A_39 : f32 to vector<1000x1xf32>
    %div3A_41 = arith.divf %broadcast_in_dim3A_38, %div3A_40 : vector<1000x1xf32>
    %sub3A_42 = vector.broadcast %div3A_32 : vector<1000x1xf32> to vector<1000x128xf32>
    %sub3A_43 = arith.subf %add3A_28, %sub3A_42 : vector<1000x128xf32>
    %add3A_44 = arith.constant 9.99999974E-6 : f32
    %add3A_45 = vector.broadcast %add3A_44 : f32 to vector<1000x1xf32>
    %add3A_46 = arith.addf %div3A_41, %add3A_45 : vector<1000x1xf32>
    %rsqrt3A = math.rsqrt %add3A_46 : vector<1000x1xf32>
    %mul3A_47 = vector.broadcast %rsqrt3A : vector<1000x1xf32> to vector<1000x128xf32>
    %mul3A_48 = arith.mulf %sub3A_43, %mul3A_47 : vector<1000x128xf32>
    %get3A_49 = arith.constant 0 : index
    %get3A_50 = arith.constant 0 : index
    %get3A_51 = vector.load %arg4[%get3A_49, %get3A_50] : memref<1x128xf32, #tpu.memory_space<vmem>>, vector<1x128xf32>
    %mul3A_52 = vector.broadcast %get3A_51 : vector<1x128xf32> to vector<1000x128xf32>
    %mul3A_53 = arith.mulf %mul3A_48, %mul3A_52 : vector<1000x128xf32>
    %get3A_54 = arith.constant 0 : index
    %get3A_55 = arith.constant 0 : index
    %get3A_56 = vector.load %arg5[%get3A_54, %get3A_55] : memref<1x128xf32, #tpu.memory_space<vmem>>, vector<1x128xf32>
    %add3A_57 = vector.broadcast %get3A_56 : vector<1x128xf32> to vector<1000x128xf32>
    %add3A_58 = arith.addf %mul3A_53, %add3A_57 : vector<1000x128xf32>
    %swap3A = arith.constant 0 : index
    %swap3A_59 = arith.constant 0 : index
    %swap3A_60 = vector.load %arg6[%swap3A, %swap3A_59] : memref<1000x128xf32, #tpu.memory_space<vmem>>, vector<1000x128xf32>
    tpu.vector_store %arg6[%swap3A, %swap3A_59], %add3A_58 {strides = array<i32>} : memref<1000x128xf32, #tpu.memory_space<vmem>>, vector<1000x128xf32>,
    return
  }
  func.func @transform_0(%arg0: i32) -> (i32, i32, i32) {
    %c0_i32 = arith.constant 0 : i32
    %c0_i32_0 = arith.constant 0 : i32
    %c0_i32_1 = arith.constant 0 : i32
    return %c0_i32, %arg0, %c0_i32_0 : i32, i32, i32
  }
  func.func @transform_1(%arg0: i32) -> (i32, i32, i32) {
    %c0_i32 = arith.constant 0 : i32
    %c0_i32_0 = arith.constant 0 : i32
    %c0_i32_1 = arith.constant 0 : i32
    return %c0_i32, %arg0, %c0_i32_0 : i32, i32, i32
  }
  func.func @transform_2(%arg0: i32) -> (i32, i32) {
    %c0_i32 = arith.constant 0 : i32
    %c0_i32_0 = arith.constant 0 : i32
    %c0_i32_1 = arith.constant 0 : i32
    return %c0_i32, %c0_i32_0 : i32, i32
  }
  func.func @transform_3(%arg0: i32) -> (i32, i32) {
    %c0_i32 = arith.constant 0 : i32
    %c0_i32_0 = arith.constant 0 : i32
    %c0_i32_1 = arith.constant 0 : i32
    return %c0_i32, %c0_i32_0 : i32, i32
  }
  func.func @transform_4(%arg0: i32) -> (i32, i32) {
    %c0_i32 = arith.constant 0 : i32
    %c0_i32_0 = arith.constant 0 : i32
    %c0_i32_1 = arith.constant 0 : i32
    return %c0_i32, %c0_i32_0 : i32, i32
  }
  func.func @transform_5(%arg0: i32) -> (i32, i32) {
    %c0_i32 = arith.constant 0 : i32
    %c0_i32_0 = arith.constant 0 : i32
    return %arg0, %c0_i32 : i32, i32
  }
}

</mosaic_0001>

<sc_bundles>
// kernel: kernel.6.cloned.1.call-start
scs
__scs_entry_jumppad:
0x0: {  	(pc) =	sbr.rel $0x88, $3  }
0x1: {  	(tag) =	ssettag $0x0;
	lr =	simm.s32 $0x1  }
0x2: {  	[smem:$0x3F98] =	sst lr;
	_ =	strace $0xD0000000  }
0x3: {  	_ = 	snop  }
0x4: {  	_ = 	snop  }
0x5: {  	_ = 	snop  }
0x6: {  	_ = 	snop  }
0x7: {  	_ = 	snop  }
__scs_overlays_trampoline_lowered:
0x8: {  	[smem:$0x3FA7] =	sst s0  }
0x9: {  	[smem:$0x3FA8] =	sst s1  }
0xa: {  	[smem:$0x3FA9] =	sst s2  }
0xb: {  	[smem:$0x3FAA] =	sst s3  }
0xc: {  	[smem:$0x3FAB] =	sst s4  }
0xd: {  	[smem:$0x3FAC] =	sst s5  }
0xe: {  	[smem:$0x3FAD] =	sst s6  }
0xf: {  	[smem:$0x3FAE] =	sst s7  }
0x10: {  	[smem:$0x3FAF] =	sst s8  }
0x11: {  	[smem:$0x3FB0] =	sst s9;
	s0 =	simm.s32 @!p0 $0x0  }
0x12: {  	s1 =	sld [smem:$0x3F96];
	s0 =	simm.s32 @p0 $0x1  }
0x13: {  	[smem:$0x3FB1] =	sst s0;
	s0 =	simm.s32 @!p1 $0x0  }
0x14: {  	s2 =	sld [smem:$0x3F95];
	s0 =	simm.s32 @p1 $0x1  }
0x15: {  	[smem:$0x3FB2] =	sst s0;
	s0 =	simm.s32 @!p2 $0x0  }
0x16: {  	s3 =	sld [smem:$0x3FDB];
	s0 =	simm.s32 @p2 $0x1  }
0x17: {  	s4 =	simm.s32 $0x1BF5;
	[smem:$0x3FB4] =	sst s0  }
0x18: {  	s0 =	sld [smem:$0x3F97];
	_ =	swait.ge [sflag:s4], $0x0  }
0x19: {  	s7 =	sld [smem:$0x3F98]  }
0x1a: {  	s8 =	sadd.s32 $0xFFFFE003, lr  }
0x1b: {  	s9 =	sadd.s32 $0xFFFFFEF7, lr;
	s5 =	simm.s32 $0xFFFFFFFF;
	p2 =	slt.u32 s8, $0xFFFFF086  }
0x1c: {  	p1 =	slt.u32 s9, $0xF7A;
	s5 =	simm.s32 @!p2 $0x0  }
0x1d: {  	s5 =	simm.s32 @p1 $0x1;
	p0 =	seq.s32 s7, s2  }
0x1e: {  	s7 =	smul.u32 @!p0 $0xF7A, s2;
	p2 =	seq.s32 @!p0 s5, $0x0  }
0x1f: {  	s9 =	smul.u32 $0xF7A, s1;
	s8 =	simm.s32 @!p0 $0x1BF5;
	p2 =	por !p2, p0  }
0x20: {  	[sflag:s8] =	ssyncset.s32 @!p0 $0xFFFFF086;
	s6 =	sadd.s32 @!p0 s3, s7;
	s7 =	simm.s32 @!p0 $0x108  }
0x21: {  	s3 =	sadd.s32 s3, s9;
	s6 =	sadd.s32 @!p0 $0x88, s6;
	s7 =	simm.s32 @p2 $0x1082  }
0x22: {  	[simem:s7], [sflag:s8] =	dma.local @!p0 [hbm:s6], $0xF7A  }
0x23: {  	s9 =	sor.u32 $0xD0000000, s2;
	s6 =	simm.s32 $0x108;
	_ =	swait.ge @!p0 [sflag:s8], $0x0  }
0x24: {  	s3 =	sadd.s32 $0x88, s3;
	s6 =	simm.s32 @!p1 $0x1082;
	[sflag:s4] =	ssyncset.s32 $0xFFFFF086  }
0x25: {  	[simem:s6], [sflag:s4] =	dma.local [hbm:s3], $0xF7A  }
0x26: {  	[smem:$0x3F98] =	sst s1;
	(tag) =	ssettag s2;
	_ =	strace s9  }
0x27: {  	s1 =	sld [smem:$0x3FA8]  }
0x28: {  	s2 =	sld [smem:$0x3FA9]  }
0x29: {  	s4 =	sld [smem:$0x3FAB]  }
0x2a: {  	p0 =	seq.s32 s5, $0x0;
	s5 =	sld [smem:$0x3FAC]  }
0x2b: {  	s6 =	sld [smem:$0x3FAD]  }
0x2c: {  	s7 =	sld [smem:$0x3FAE]  }
0x2d: {  	s3 =	simm.s32 $0x108;
	s8 =	sld [smem:$0x3FAF]  }
0x2e: {  	s3 =	simm.s32 @!p0 $0x1082;
	s9 =	sld [smem:$0x3FB0]  }
0x2f: {  	lr =	sadd.s32 s0, s3;
	s0 =	sld [smem:$0x3FA7]  }
0x30: {  	s3 =	sld [smem:$0x3FAA]  }
0x31: {  	[smem:$0x3FB3] =	sst s10  }
0x32: {  	s10 =	sld [smem:$0x3FB1];
	_ =	sdelay $0x3  }
0x33: {  	p0 =	seq.s32 s10, $0x1;
	s10 =	sld [smem:$0x3FB3];
	_ =	sdelay $0x3  }
0x34: {  	[smem:$0x3FB3] =	sst s10  }
0x35: {  	s10 =	sld [smem:$0x3FB2];
	_ =	sdelay $0x3  }
0x36: {  	p1 =	seq.s32 s10, $0x1;
	s10 =	sld [smem:$0x3FB3];
	_ =	sdelay $0x3  }
0x37: {  	[smem:$0x3FB3] =	sst s10  }
0x38: {  	s10 =	sld [smem:$0x3FB4]  }
0x39: {  	_ = 	snop;
	(pc) =	sbr.ind lr, $3  }
0x3a: {  	_ = 	snop  }
0x3b: {  	_ = 	snop  }
0x3c: {  	p2 =	seq.s32 s10, $0x1;
	s10 =	sld [smem:$0x3FB3]  }
0x3d: {  	_ =	shalt  }
0x3e: {  	_ =	shalt  }
0x3f: {  	_ =	shalt  }
0x40: {  	_ =	shalt  }
0x41: {  	_ =	shalt  }
0x42: {  	_ =	shalt  }
0x43: {  	_ =	shalt  }
0x44: {  	_ =	shalt  }
0x45: {  	_ =	shalt  }
0x46: {  	_ =	shalt  }
0x47: {  	_ =	shalt  }
0x48: {  	_ =	shalt  }
0x49: {  	_ =	shalt  }
0x4a: {  	_ =	shalt  }
0x4b: {  	_ =	shalt  }
0x4c: {  	_ =	shalt  }
0x4d: {  	_ =	shalt  }
0x4e: {  	_ =	shalt  }
0x4f: {  	_ =	shalt  }
0x50: {  	_ =	shalt  }
0x51: {  	_ =	shalt  }
0x52: {  	_ =	shalt  }
0x53: {  	_ =	shalt  }
0x54: {  	_ =	shalt  }
0x55: {  	_ =	shalt  }
0x56: {  	_ =	shalt  }
0x57: {  	_ =	shalt  }
0x58: {  	_ =	shalt  }
0x59: {  	_ =	shalt  }
0x5a: {  	_ =	shalt  }
0x5b: {  	_ =	shalt  }
0x5c: {  	_ =	shalt  }
0x5d: {  	_ =	shalt  }
0x5e: {  	_ =	shalt  }
0x5f: {  	_ =	shalt  }
0x60: {  	_ =	shalt  }
0x61: {  	_ =	shalt  }
0x62: {  	_ =	shalt  }
0x63: {  	_ =	shalt  }
0x64: {  	_ =	shalt  }
0x65: {  	_ =	shalt  }
0x66: {  	_ =	shalt  }
0x67: {  	_ =	shalt  }
0x68: {  	_ =	shalt  }
0x69: {  	_ =	shalt  }
0x6a: {  	_ =	shalt  }
0x6b: {  	_ =	shalt  }
0x6c: {  	_ =	shalt  }
0x6d: {  	_ =	shalt  }
0x6e: {  	_ =	shalt  }
0x6f: {  	_ =	shalt  }
0x70: {  	_ =	shalt  }
0x71: {  	_ =	shalt  }
0x72: {  	_ =	shalt  }
0x73: {  	_ =	shalt  }
0x74: {  	_ =	shalt  }
0x75: {  	_ =	shalt  }
0x76: {  	_ =	shalt  }
0x77: {  	_ =	shalt  }
0x78: {  	_ =	shalt  }
0x79: {  	_ =	shalt  }
0x7a: {  	_ =	shalt  }
0x7b: {  	_ =	shalt  }
0x7c: {  	_ =	shalt  }
0x7d: {  	_ =	shalt  }
0x7e: {  	_ =	shalt  }
0x7f: {  	_ =	shalt  }
0x80: {  	_ =	shalt  }
0x81: {  	_ =	shalt  }
0x82: {  	_ =	shalt  }
0x83: {  	_ =	shalt  }
0x84: {  	_ =	shalt  }
0x85: {  	_ =	shalt  }
0x86: {  	_ =	shalt  }
0x87: {  	_ =	shalt  }
.Lfunc_end0:
.L_simem_size_0:
called_computation_lowered:
.L_overlay_start_0:
0x88: {  	s2 =	sld [smem:$0x3FD9]  }
0x89: {  	s3 =	sld [smem:$0x3FFE];
	_ =	sdelay $0x1  }
0x8a: {  	s1 =	srdreg.scid  }
0x8b: {  	s0 =	sand.u32 $0x1, s1  }
0x8c: {  	s14 =	sshll.u32 s0, $0xA;
	s2 =	sadd.s32 s3, s2  }
0x8d: {  	s2 =	sadd.s32 s2, s14  }
0x8e: {  	[smem:$0x3FBF] =	sst s2  }
0x8f: {  	_ = 	snop  }
0x90: {  	s2 =	sld [smem:$0x3FD0];
	_ =	sdelay $0x2  }
0x91: {  	s15 =	simm.s32 $0xA;
	s4 =	simm.s32 $0x10  }
0x92: {  	[smem:s4], [sflag:s15] =	dma.local [hbm:s2], $0x1  }
0x93: {  	_ =	swait.eq [sflag:s15], $0x1  }
0x94: {  	[sflag:s15] =	ssyncset.done $0x0  }
0x95: {  	s16 =	sld [smem:$0x12];
	[sflag:s15] =	ssyncadd.s32 $0xFFFFFFFF  }
0x96: {  	s17 =	sld [smem:$0x14];
	(tm) =	ssettm $0x1  }
0x97: {  	s18 =	sld [smem:$0x3FFB];
	_ =	sdelay $0x3  }
0x98: {  	_ =	strace s18  }
0x99: {  	s4 =	sld [smem:$0x3FFC];
	_ =	sdelay $0x3  }
0x9a: {  	_ =	strace s4  }
0x9b: {  	s4 =	sld [smem:$0x3FFD];
	_ =	sdelay $0x3  }
0x9c: {  	_ =	strace s4  }
0x9d: {  	_ =	strace $0x8FFFFFFF  }
0x9e: {  	s19 =	sld [smem:$0x3FDB];
	_ =	sdelay $0x1  }
0x9f: {  	s5 =	simm.s32 $_scs_section_size  }
0xa0: {  	s6 =	simm.s32 $_size__tile_overlayer_lowered;
	s7 =	simm.s32 $_tile_overlayer_lowered  }
0xa1: {  	s22 =	simm.s32 $0x1BFF;
	s21 =	sshll.u32 s7, $0x1;
	s4 =	sadd.s32 s5, s19  }
0xa2: {  	s8 =	simm.s32 $0x0;
	s20 =	sshll.u32 s6, $0x1;
	s6 =	sadd.s32 s21, s4  }
0xa3: {  	[timem:s8], [sflag:s22] =	dma.local [hbm:s6], s20  }
0xa4: {  	_ =	swait.ge [sflag:s22], s20  }
0xa5: {  	s5 =	ssub.s32 $0x0, s20;
	[sflag:s22] =	ssyncset.done $0x0  }
0xa6: {  	[sflag:s22] =	ssyncadd.s32 s5;
	_ =	sdelay $0x1  }
0xa7: {  	s23 =	simm.s32 $0x1B8B  }
0xa8: {  	_ =	swait.ge [sflag:s23], $0x1  }
0xa9: {  	[sflag:s23] =	ssyncset.done $0x0  }
0xaa: {  	s25 =	simm.s32 $0x1B8E;
	s24 =	sld [smem:$0x3FFE];
	[sflag:s23] =	ssyncadd.s32 $0xFFFFFFFF  }
0xab: {  	s26 =	simm.s32 $execute0_lowered;
	[smem:$0x3FD2] =	sst s25  }
0xac: {  	s6 =	sshll.u32 s26, $0x1;
	_ =	strace $0x80000046;
	[dreg:$0x1] =	wrdreg $0xFFFFFFFF  }
0xad: {  	s28 =	simm.s32 $_size_execute0_lowered;
	s4 =	sadd.s32 s4, s6;
	[dreg:$0x0] =	wrdreg $0x0  }
0xae: {  	s6 =	sshll.u32 s28, $0x1;
	[dreg:$0x2] =	wrdreg s4  }
0xaf: {  	[dreg:$0x3] =	wrdreg s6  }
0xb0: {  	[dreg:$0x4] =	wrdreg $0xC0  }
0xb1: {  	_ =	task [dreg:s8], $0x5FFFF  }
0xb2: {  	[dreg:$0x1] =	wrdreg $0xFFFFFFFF  }
0xb3: {  	[dreg:$0x0] =	wrdreg $0x60  }
0xb4: {  	[dreg:$0x2] =	wrdreg s24  }
0xb5: {  	[dreg:$0x3] =	wrdreg s17  }
0xb6: {  	[dreg:$0x4] =	wrdreg s16  }
0xb7: {  	[dreg:$0x5] =	wrdreg $0x87800  }
0xb8: {  	[dreg:$0x6] =	wrdreg $0x1C7800  }
0xb9: {  	[dreg:$0x7] =	wrdreg $0x9  }
0xba: {  	_ =	task.clear_ibuf [dreg:s8], $0x8FFFF;
	_ =	strace $0x90000046  }
0xbb: {  	s29 =	simm.s32 $0x9;
	_ =	strace $0x80000048  }
0xbc: {  	_ =	swait.ge [sflag:s29], $0x1  }
0xbd: {  	[sflag:s29] =	ssyncadd.s32 $0xFFFFFFFF  }
0xbe: {  	_ =	strace $0x90000048  }
0xbf: {  	_ =	sfence  }
0xc0: {  	s30 =	sld [smem:$0x0];
	_ =	sdelay $0x2  }
0xc1: {  	s31 =	sshll.u32 s1, $0xD;
	s1 =	sshrl.u32 s1, $0x2  }
0xc2: {  	s3 =	sand.u32 $0x4000, s31;
	s1 =	sadd.s32 s1, s30  }
0xc3: {  	s0 =	sor.u32 s3, s0;
	s1 =	sshll.u32 s1, $0x11  }
0xc4: {  	s0 =	sor.u32 s1, s0  }
0xc5: {  	s0 =	sadd.s32 $0x8F2B, s0  }
0xc6: {  	[sflag:s0] =	ssyncadd.remote.s32 $0x1  }
0xc7: {  	_ =	sfence.sel $0xFFFF  }
0xc8: {  	[dreg:$0x0] =	wrdreg $0xFFFFFFFF;
	(pc) =	sbr.abs _section_cstart, $3  }
0xc9: {  	[dreg:$0x1] =	wrdreg $0xFFFFFFFF  }
0xca: {  	_ =	task.clear_ibuf [dreg:s8], $0x2FFFF;
	_ =	strace $0x9FFFFFFF  }
0xcb: {  	(tm) =	ssettm $0x7FFFFFFF  }
tec
execute0_lowered:
.L_overlay_start_1:
0x0: {  	(tag) =	ssettag $0x1  }
0x1: {  	s0 =	rddreg [dreg:$0x0]  }
0x2: {  	s4 =	rddreg [dreg:$0x1]  }
0x3: {  	s11 =	rddreg [dreg:$0x2]  }
0x4: {  	s1 =	rddreg [dreg:$0x3]  }
0x5: {  	s2 =	rddreg [dreg:$0x4]  }
0x6: {  	s3 =	simm.s32 $0x0;
	s5 =	srdreg.scid;
	s16 =	stileid.u32  }
0x7: {  	s29 =	simm.s32 $0x80;
	s30 =	simm.s32 $0x400;
	s31 =	simm.s32 $0x3  }
0x8: {  	[smem:$0x7FF] =	sst s3;
	s14 =	sand.u32 $0x1, s5;
	s5 =	simm.s32 $0x64  }
0x9: {  	s6 =	sadd.s32 $0x1800, s0;
	s7 =	sadd.s32 $0x29E00, s0;
	s17 =	smul.u32 $0x14000, s16  }
0xa: {  	s8 =	sadd.s32 $0x29800, s0;
	s9 =	sadd.s32 $0x2A400, s0;
	s10 =	smul.u32 $0x640, s14  }
0xb: {  	_ =	strace $0x80000047;
	p0 =	seq.s32 s14, $0x0;
	s25 =	smul.u32 $0x500, s14  }
0xc: {  	s12 =	ssub.s32 $0x2, s14;
	s21 =	smul.u32 $0x28000, s14;
	s5 =	simm.s32 @!p0 $0x3E  }
0xd: {  	s15 =	sshrl.u32 s12, $0x1;
	s23 =	sadd.s32 s17, s1;
	s18 =	sadd.s32 $0x4000, s17  }
0xe: {  	s19 =	sadd.s32 $0x8000, s17;
	s20 =	sadd.s32 $0xC000, s17;
	s13 =	smul.u32 s16, s5  }
0xf: {  	s22 =	sadd.s32 $0x10000, s17;
	s0 =	ssub.s32 s12, s15;
	s16 =	smul.u32 $0x280, s16  }
0x10: {  	s24 =	sadd.s32 s18, s1;
	s28 =	sadd.s32 s19, s1;
	s26 =	sadd.s32 s20, s1  }
0x11: {  	s4 =	sadd.s32 s4, s25;
	s15 =	sadd.s32 s22, s1;
	s11 =	sadd.s32 s11, s21  }
0x12: {  	s21 =	sshrl.u32 s17, $0x3;
	[dreg:$0x6] =	wrdreg s26;
	s26 =	sshrl.u32 s19, $0x3  }
0x13: {  	s0 =	smax.u32 s0, $0x1;
	s10 =	sadd.s32 s10, s13;
	s13 =	sshrl.u32 s16, $0x3  }
0x14: {  	[dreg:$0x9] =	wrdreg s0;
	s4 =	sadd.s32 s13, s4;
	s14 =	sshll.u32 s10, $0x5  }
0x15: {  	s13 =	sshrl.u32 s22, $0x3;
	s22 =	sadd.s32 s26, s11;
	[dreg:$0x7] =	wrdreg s4  }
0x16: {  	s25 =	sshrl.u32 s18, $0x3;
	s4 =	sadd.s32 s9, s14;
	[dreg:$0xc] =	wrdreg s22  }
0x17: {  	s12 =	sshrl.u32 s20, $0x3;
	s14 =	sadd.s32 s21, s11;
	[dreg:$0x8] =	wrdreg s4  }
0x18: {  	s17 =	simm.s32 $0x4;
	s21 =	sadd.s32 s25, s11;
	[dreg:$0xa] =	wrdreg s14  }
0x19: {  	v0 =	vlaneseq.u32;
	s18 =	simm.s32 $0x0;
	s25 =	sadd.s32 s12, s11;
	[dreg:$0xb] =	wrdreg s21  }
0x1a: {  	v1 =	vmul.u32 $0xFFFFFFFF, v0;
	s16 =	sadd.s32 s16, s2;
	s26 =	sadd.s32 s13, s11;
	[dreg:$0xd] =	wrdreg s25  }
0x1b: {  	s0 =	simm.s32 $0x1;
	[dreg:$0xe] =	wrdreg s26;
	s25 =	simm.s32 $0x780  }
0x1c: {  	v0 =	vimm.f32 $0.0e+00;
	v1 =	vadd.s32 $0x50910, v1;
	s26 =	simm.s32 $0x5;
	s21 =	simm.s32 $0x500;
	s4 =	simm.s32 $0x2  }
.LBB2_1:
0x1d: {  	s19 =	simm.s32 $0x0;
	s20 =	simm.s32 $0x200  }
.LBB2_2:
0x1e: {  	p0 =	sne.s32 s20, $0xFE00;
	[tilespmem:s19+$0x7F0] =	vst v0  }
0x1f: {  	[tilespmem:s19+$0x780] =	vst v0  }
0x20: {  	[tilespmem:s19+$0x790] =	vst v0  }
.Ltmp0:
0x21: {  	[tilespmem:s19+$0x7A0] =	vst v0;
	(pc) =	sbr.rel @p0 .LBB2_2-.Ltmp0, $4  }
0x22: {  	[tilespmem:s19+$0x7B0] =	vst v0  }
0x23: {  	[tilespmem:s19+$0x7C0] =	vst v0  }
0x24: {  	[tilespmem:s19+$0x7D0] =	vst v0  }
0x25: {  	[tilespmem:s19+$0x7E0] =	vst v0;
	s19 =	sshra.s32 s20, $0x2;
	s20 =	sadd.s32 $0x200, s20  }
0x26: {  	[tilespmem:s19+$0x7F0] =	vst v0  }
0x27: {  	[tilespmem:s19+$0x780] =	vst v0  }
0x28: {  	[tilespmem:s19+$0x790] =	vst v0  }
0x29: {  	[tilespmem:s19+$0x7A0] =	vst v0  }
0x2a: {  	[tilespmem:s19+$0x7B0] =	vst v0  }
0x2b: {  	[tilespmem:s19+$0x7C0] =	vst v0  }
0x2c: {  	[tilespmem:s19+$0x7D0] =	vst v0  }
0x2d: {  	[tilespmem:s19+$0x7E0] =	vst v0  }
0x2e: {  	[spmem:s23] =	stream.linear.scatter [tilespmem:s25], [sflag:$0x5], $0x4000, $0x38;
	[tilespmem:$0x1CA00] =	vst v63  }
0x2f: {  	_ =	swait.ge [sflag:s26], $0x4000  }
0x30: {  	[sflag:s26] =	ssyncset.done $0x0  }
0x31: {  	[sflag:s26] =	ssyncadd.s32 $0xFFFFC000  }
0x32: {  	[spmem:s24] =	stream.linear.scatter [tilespmem:s25], [sflag:$0x5], $0x4000, $0x38;
	[tilespmem:$0x1CA00] =	vst v63  }
0x33: {  	_ =	swait.ge [sflag:s26], $0x4000  }
0x34: {  	[sflag:s26] =	ssyncset.done $0x0  }
0x35: {  	[sflag:s26] =	ssyncadd.s32 $0xFFFFC000  }
0x36: {  	[spmem:s28] =	stream.linear.scatter [tilespmem:s25], [sflag:$0x5], $0x4000, $0x38;
	[tilespmem:$0x1CA00] =	vst v63  }
0x37: {  	_ =	swait.ge [sflag:s26], $0x4000  }
0x38: {  	[sflag:s26] =	ssyncset.done $0x0  }
0x39: {  	s11 =	rddreg [dreg:$0x6];
	[sflag:s26] =	ssyncadd.s32 $0xFFFFC000  }
0x3a: {  	[spmem:s11] =	stream.linear.scatter [tilespmem:s25], [sflag:$0x5], $0x4000, $0x38;
	[tilespmem:$0x1CA00] =	vst v63  }
0x3b: {  	_ =	swait.ge [sflag:s26], $0x4000  }
0x3c: {  	[sflag:s26] =	ssyncset.done $0x0  }
0x3d: {  	[sflag:s26] =	ssyncadd.s32 $0xFFFFC000  }
0x3e: {  	[spmem:s15] =	stream.linear.scatter [tilespmem:s25], [sflag:$0x5], $0x4000, $0x38;
	[tilespmem:$0x1CA00] =	vst v63  }
0x3f: {  	_ =	swait.ge [sflag:s26], $0x4000  }
0x40: {  	[sflag:s26] =	ssyncset.done $0x0  }
0x41: {  	[sflag:s26] =	ssyncadd.s32 $0xFFFFC000  }
0x42: {  	[tilespmem:$0x500] =	vst v0  }
0x43: {  	[tilespmem:$0x510] =	vst v0  }
0x44: {  	[tilespmem:$0x520] =	vst v0  }
0x45: {  	[tilespmem:$0x530] =	vst v0  }
0x46: {  	[tilespmem:$0x540] =	vst v0  }
0x47: {  	[tilespmem:$0x550] =	vst v0  }
0x48: {  	[tilespmem:$0x560] =	vst v0  }
0x49: {  	[tilespmem:$0x570] =	vst v0  }
0x4a: {  	[tilespmem:$0x580] =	vst v0  }
0x4b: {  	[tilespmem:$0x590] =	vst v0  }
0x4c: {  	[tilespmem:$0x5A0] =	vst v0  }
0x4d: {  	[tilespmem:$0x5B0] =	vst v0  }
0x4e: {  	[tilespmem:$0x5C0] =	vst v0  }
0x4f: {  	[tilespmem:$0x5D0] =	vst v0  }
0x50: {  	[tilespmem:$0x5E0] =	vst v0  }
0x51: {  	[tilespmem:$0x5F0] =	vst v0  }
0x52: {  	[tilespmem:$0x600] =	vst v0  }
0x53: {  	[tilespmem:$0x610] =	vst v0  }
0x54: {  	[tilespmem:$0x620] =	vst v0  }
0x55: {  	[tilespmem:$0x630] =	vst v0  }
0x56: {  	[tilespmem:$0x640] =	vst v0  }
0x57: {  	[tilespmem:$0x650] =	vst v0  }
0x58: {  	[tilespmem:$0x660] =	vst v0  }
0x59: {  	[tilespmem:$0x670] =	vst v0  }
0x5a: {  	[tilespmem:$0x680] =	vst v0  }
0x5b: {  	[tilespmem:$0x690] =	vst v0  }
0x5c: {  	[tilespmem:$0x6A0] =	vst v0  }
0x5d: {  	[tilespmem:$0x6B0] =	vst v0  }
0x5e: {  	[tilespmem:$0x6C0] =	vst v0  }
0x5f: {  	[tilespmem:$0x6D0] =	vst v0  }
0x60: {  	[tilespmem:$0x6E0] =	vst v0  }
0x61: {  	[tilespmem:$0x6F0] =	vst v0  }
0x62: {  	[tilespmem:$0x700] =	vst v0  }
0x63: {  	[tilespmem:$0x710] =	vst v0  }
0x64: {  	[tilespmem:$0x720] =	vst v0  }
0x65: {  	[tilespmem:$0x730] =	vst v0  }
0x66: {  	[tilespmem:$0x740] =	vst v0  }
0x67: {  	[tilespmem:$0x750] =	vst v0  }
0x68: {  	[tilespmem:$0x760] =	vst v0  }
0x69: {  	[tilespmem:$0x770] =	vst v0  }
0x6a: {  	[spmem:s16] =	stream.linear.scatter [tilespmem:s21], [sflag:$0x5], $0x280, $0x38;
	[tilespmem:$0x1CA00] =	vst v63  }
0x6b: {  	_ =	swait.ge [sflag:s26], $0x280  }
0x6c: {  	[sflag:s26] =	ssyncset.done $0x0  }
0x6d: {  	[sflag:s26] =	ssyncadd.s32 $0xFFFFFD80  }
0x6e: {  	[bflag:$0x0] =	sbarrier.arrive $0xFFFF  }
0x6f: {  	s12 =	smov.u32 s23;
	s19 =	simm.s32 $0x0;
	s23 =	rddreg [dreg:$0x8]  }
0x70: {  	[tilespmem:s19], [sflag:$0x5] =	stream.linear.gather [hbm4b:s23+s19], $0x100, $0x38;
	[tilespmem:$0x1CA00] =	vst v63  }
0x71: {  	_ =	swait.ge [sflag:s26], $0x100  }
0x72: {  	[sflag:s26] =	ssyncset.done $0x0  }
0x73: {  	s13 =	smov.u32 s24;
	s24 =	simm.s32 $0x200;
	[sflag:s26] =	ssyncadd.s32 $0xFFFFFF00  }
0x74: {  	[tilespmem:s24], [sflag:$0x2] =	stream.indirect.gather [hbm4b:s7+s29], $0x1, s19, s29, $0xb8;
	[tilespmem:$0x1CA00] =	vst v63  }
0x75: {  	s14 =	smov.u32 s28;
	s28 =	simm.s32 $0x300  }
0x76: {  	[tilespmem:s28], [sflag:$0x2] =	stream.indirect.gather [hbm4b:s8+s29], $0x1, s29, s29, $0xb8;
	[tilespmem:$0x1CA00] =	vst v63  }
0x77: {  	p0 =	por $0x0, $0x0;
	s20 =	simm.s32 $0x0  }
0x78: {  	[tilespmem:s25], [sflag:$0x1] =	stream.indirect.gather [hbm4b:s6+s29], $0x80, s19, s29, $0xb8;
	[tilespmem:$0x1CA00] =	vst v63  }
.LBB2_4:
0x79: {  	s23 =	smov.u32 s20;
	s20 =	sadd.s32 $0x1, s20  }
0x7a: {  	p1 =	sge.u32 s20, s5  }
0x7b: {  	p2 =	seq.s32 @!p1 s23, $0x0  }
0x7c: {  	p2 =	por p2, p1  }
0x7d: {  	s11 =	simm.s32 @!p2 $0x3  }
0x7e: {  	_ =	swait.ge @!p2 [sflag:s11], $0x4000  }
0x7f: {  	[sflag:s11] =	ssyncset.done @!p2 $0x0  }
0x80: {  	[sflag:s11] =	ssyncadd.s32 @!p2 $0xFFFFC000;
	s11 =	simm.s32 @!p2 $0x4  }
0x81: {  	s21 =	sadd.s32 @!p1 s10, s20;
	_ =	swait.ge @!p2 [sflag:s11], $0x80  }
0x82: {  	s21 =	sshll.u32 @!p1 s21, $0x5;
	[sflag:s11] =	ssyncset.done @!p2 $0x0  }
0x83: {  	s22 =	sand.u32 $0x1, s20;
	[sflag:s11] =	ssyncadd.s32 @!p2 $0xFFFFFF80;
	s11 =	sand.u32 @!p1 $0x1FFFFFE0, s21  }
0x84: {  	s24 =	simm.s32 @!p1 $0x0;
	s21 =	sshll.u32 @!p1 s22, $0x8;
	s11 =	sadd.s32 @!p1 s9, s11  }
0x85: {  	[tilespmem:s21], [sflag:$0x5] =	stream.linear.gather @!p1 [hbm4b:s11+s24], $0x100, $0x38;
	[tilespmem:$0x1CA00] =	vst v63  }
0x86: {  	s11 =	simm.s32 @!p1 $0x5  }
0x87: {  	_ =	swait.ge @!p1 [sflag:s11], $0x100  }
0x88: {  	s24 =	sshll.u32 @!p1 s22, $0x7;
	[sflag:s11] =	ssyncset.done @!p1 $0x0  }
0x89: {  	s28 =	simm.s32 @!p1 $0x80;
	[sflag:s11] =	ssyncadd.s32 @!p1 $0xFFFFFF00;
	s11 =	sor.u32 @!p1 $0x200, s24  }
0x8a: {  	[tilespmem:s11], [sflag:$0x2] =	stream.indirect.gather @!p1 [hbm4b:s7+s28], $0x1, s21, s28, $0xb8;
	[tilespmem:$0x1CA00] =	vst v63  }
0x8b: {  	s11 =	sor.u32 @!p1 $0x300, s24;
	s24 =	sor.u32 @!p1 $0x80, s21  }
0x8c: {  	[tilespmem:s11], [sflag:$0x2] =	stream.indirect.gather @!p1 [hbm4b:s8+s28], $0x1, s24, s28, $0xb8;
	[tilespmem:$0x1CA00] =	vst v63  }
0x8d: {  	s11 =	sshll.u32 @!p1 s22, $0xE  }
0x8e: {  	s11 =	sor.u32 @!p1 $0x780, s11  }
0x8f: {  	[tilespmem:s11], [sflag:$0x1] =	stream.indirect.gather @!p1 [hbm4b:s6+s28], $0x80, s21, s28, $0xb8;
	[tilespmem:$0x1CA00] =	vst v63  }
0x90: {  	_ =	swait.ge [sflag:s4], $0x80  }
0x91: {  	[sflag:s4] =	ssyncset.done $0x0  }
0x92: {  	[sflag:s4] =	ssyncadd.s32 $0xFFFFFF80  }
0x93: {  	_ =	swait.ge [sflag:s4], $0x80  }
0x94: {  	[sflag:s4] =	ssyncset.done $0x0  }
0x95: {  	[sflag:s4] =	ssyncadd.s32 $0xFFFFFF80  }
0x96: {  	_ =	swait.ge [sflag:s0], $0x4000  }
0x97: {  	s22 =	sand.u32 $0x1, s23;
	[sflag:s0] =	ssyncset.done $0x0  }
0x98: {  	s21 =	sshll.u32 s22, $0x7;
	[sflag:s0] =	ssyncadd.s32 $0xFFFFC000  }
0x99: {  	v2 =	vld [tilespmem:s21+$0x200]  }
0x9a: {  	v3 =	vld [tilespmem:s21+$0x300]  }
0x9b: {  	v4 =	vld [tilespmem:s21+$0x210]  }
0x9c: {  	v5 =	vld [tilespmem:s21+$0x310]  }
0x9d: {  	v6 =	vld [tilespmem:s21+$0x220]  }
0x9e: {  	v7 =	vld [tilespmem:s21+$0x320]  }
0x9f: {  	v8 =	vld [tilespmem:s21+$0x230]  }
0xa0: {  	v10 =	vld [tilespmem:s21+$0x340];
	v2 =	vadd.f32 v3, v2  }
0xa1: {  	v3 =	vld [tilespmem:s21+$0x330];
	v4 =	vadd.f32 v5, v4  }
0xa2: {  	v5 =	vld [tilespmem:s21+$0x240];
	v9 =	vmul.f32 $2.000000030e-01, v2  }
0xa3: {  	vm0 =	vge.f32 v2, $0.0e+00;
	v11 =	vmul.f32 $2.000000030e-01, v4  }
0xa4: {  	v6 =	vadd.f32 v7, v6;
	v7 =	vld [tilespmem:s21+$0x250];
	vm13 =	vge.f32 v4, $0.0e+00;
	v2 =	vsel vm0, v2, v9  }
0xa5: {  	v4 =	vsel vm13, v4, v11;
	v9 =	vld [tilespmem:s21+$0x350];
	v2 =	vmul.f32 $1.442695020e+00, v2  }
0xa6: {  	v12 =	vld [tilespmem:s21+$0x370];
	v11 =	vmul.f32 $2.000000030e-01, v6;
	v4 =	vmul.f32 $1.442695020e+00, v4;
	v3 =	vadd.f32 v3, v8  }
0xa7: {  	vm14 =	vge.f32 v6, $0.0e+00;
	v8 =	vld [tilespmem:s21+$0x260];
	(erf) = vpow2.f32 v2;
	v2 =	vadd.f32 v10, v5  }
0xa8: {  	v5 =	vld [tilespmem:s21+$0x360];
	(erf) = vpow2.f32 v4;
	v4 =	vsel vm14, v6, v11;
	v6 =	vmul.f32 $2.000000030e-01, v3  }
0xa9: {  	v10 =	vld [tilespmem:s21+$0x270];
	vm15 =	vge.f32 v3, $0.0e+00;
	v4 =	vmul.f32 $1.442695020e+00, v4;
	v11 =	vmul.f32 $2.000000030e-01, v2  }
0xaa: {  	vm4 =	vge.f32 v2, $0.0e+00;
	v3 =	vsel vm15, v3, v6;
	v6 =	vadd.f32 v9, v7  }
0xab: {  	(erf) = vpow2.f32 v4;
	v3 =	vmul.f32 $1.442695020e+00, v3;
	v2 =	vsel vm4, v2, v11  }
0xac: {  	v2 =	vmul.f32 $1.442695020e+00, v2;
	v4 =	vmul.f32 $2.000000030e-01, v6  }
0xad: {  	vm5 =	vge.f32 v6, $0.0e+00;
	(erf) = vpow2.f32 v3;
	v3 =	vadd.f32 v5, v8  }
0xae: {  	(erf) = vpow2.f32 v2;
	v2 =	vsel vm5, v6, v4;
	v4 =	vadd.f32 v12, v10  }
0xaf: {  	v2 =	vmul.f32 $1.442695020e+00, v2;
	v5 =	vmul.f32 $2.000000030e-01, v3  }
0xb0: {  	s23 =	sadd.s32 s10, s23;
	vm6 =	vge.f32 v3, $0.0e+00;
	v6 =	vmul.f32 $2.000000030e-01, v4  }
0xb1: {  	s11 =	sshll.u32 s23, $0x7;
	vm7 =	vge.f32 v4, $0.0e+00;
	(erf) = vpow2.f32 v2;
	v2 =	vsel vm6, v3, v5  }
0xb2: {  	v3 =	vmov s11;
	v2 =	vmul.f32 $1.442695020e+00, v2;
	v4 =	vsel vm7, v4, v6  }
0xb3: {  	s24 =	sor.u32 $0x10, s11;
	vm8 =	vlt.s32 v3, v1;
	v5 =	vpop (erf);
	v3 =	vmul.f32 $1.442695020e+00, v4  }
0xb4: {  	v4 =	vnsel vm8, $0x0, v5;
	v5 =	vmov s24;
	s24 =	sor.u32 $0x20, s11  }
0xb5: {  	(erf) = vpow2.f32 v2;
	vm9 =	vlt.s32 v5, v1;
	v5 =	vmov s24;
	s24 =	sor.u32 $0x30, s11  }
0xb6: {  	v2 =	vpop (erf);
	(erf) = vpow2.f32 v3;
	vm10 =	vlt.s32 v5, v1;
	v5 =	vmov s24;
	s24 =	sor.u32 $0x40, s11  }
0xb7: {  	v3 =	vpop (erf);
	vm11 =	vlt.s32 v5, v1;
	v5 =	vmov s24;
	s24 =	sor.u32 $0x50, s11  }
0xb8: {  	v2 =	vnsel vm9, $0x0, v2;
	v6 =	vpop (erf);
	vm12 =	vlt.s32 v5, v1;
	v5 =	vmov s24  }
0xb9: {  	v3 =	vnsel vm10, $0x0, v3;
	s24 =	simm.s32 $0x3;
	[tilespmem:s21+$0x410] =	vst v2;
	v2 =	vmov s21;
	v7 =	vpop (erf);
	vm13 =	vlt.s32 v5, v1  }
0xba: {  	[tilespmem:s21+$0x400] =	vst v4;
	v5 =	vmov s19;
	v8 =	vmov s24;
	v4 =	vnsel vm12, $0x0, v7;
	v7 =	vpop (erf)  }
0xbb: {  	[tilespmem:s21+$0x420] =	vst v3;
	v5 =	vand.u32 $0x7C, v5;
	v3 =	vnsel vm13, $0x0, v7;
	v7 =	vand.u32 $0x7F, v8  }
0xbc: {  	v6 =	vnsel vm11, $0x0, v6;
	s24 =	sor.u32 $0x60, s11;
	v5 =	vor.u32 v2, v5;
	v7 =	vor.u32 v2, v7  }
0xbd: {  	s11 =	sor.u32 $0x70, s11;
	[tilespmem:s21+$0x430] =	vst v6;
	v6 =	vmov s24;
	v5 =	vbroadcast v5, $0x0  }
0xbe: {  	[tilespmem:s21+$0x440] =	vst v4;
	vm14 =	vlt.s32 v6, v1;
	v4 =	vmov s11;
	v8 =	vpop (erf);
	v6 =	vbroadcast v7, $0x0  }
0xbf: {  	[tilespmem:s21+$0x450] =	vst v3;
	vm15 =	vlt.s32 v4, v1;
	v3 =	vnsel vm14, $0x0, v8;
	v7 =	vpop (erf)  }
0xc0: {  	s23 =	sshll.u32 s22, $0x8;
	s11 =	simm.s32 $0x1;
	[tilespmem:s21+$0x460] =	vst v3;
	v3 =	vnsel vm15, $0x0, v7  }
0xc1: {  	s24 =	sor.u32 $0x400, s21;
	s11 =	simm.s32 @!p0 $0x0;
	[tilespmem:s21+$0x470] =	vst v3;
	s21 =	sor.u32 $0x80, s23  }
0xc2: {  	[spmem:s2] =	stream.indirect.scatter.add.f32 [tilespmem:s24], [sflag:$0x4], $0x1, s21, s29, $0xb8;
	[tilespmem:$0x1CA00] =	vst v63  }
0xc3: {  	s11 =	sshll.u32 s11, $0xE;
	v4 =	vld.idx.msk [tilespmem:v5+s30+$0x0], $0xffff  }
0xc4: {  	s23 =	sor.u32 $0x880, s11;
	s24 =	simm.s32 $0x1;
	v3 =	vld.idx.msk [tilespmem:v6+s30+$0x0], $0xffff  }
0xc5: {  	v5 =	vmov s24;
	v6 =	vld [tilespmem:s23+$0xF0]  }
0xc6: {  	v7 =	vld [tilespmem:s23+$0xFFFFFF00];
	v5 =	vand.u32 $0x7D, v5  }
0xc7: {  	v8 =	vld [tilespmem:s23+$0xFFFFFF10];
	v5 =	vor.u32 v2, v5  }
0xc8: {  	v9 =	vld [tilespmem:s23+$0xFFFFFF20];
	v5 =	vbroadcast v5, $0x0  }
0xc9: {  	v10 =	vld [tilespmem:s23+$0xFFFFFF30]  }
0xca: {  	v11 =	vld [tilespmem:s23+$0xFFFFFF40]  }
0xcb: {  	v12 =	vld [tilespmem:s23+$0xFFFFFF50];
	v7 =	vmul.f32 v7, v4  }
0xcc: {  	v13 =	vld [tilespmem:s23+$0xFFFFFF60]  }
0xcd: {  	s24 =	simm.s32 $0x2;
	v8 =	vmul.f32 v8, v4;
	[tilespmem:s23+$0xFFFFFF00] =	vst v7;
	v7 =	vld [tilespmem:s23+$0xFFFFFF70]  }
0xce: {  	v14 =	vmov s24;
	v6 =	vmul.f32 v6, v3;
	v15 =	vld.idx.msk [tilespmem:v5+s30+$0x0], $0xffff  }
0xcf: {  	[tilespmem:s23+$0xFFFFFF10] =	vst v8;
	v8 =	vmul.f32 v10, v4;
	v5 =	vand.u32 $0x7E, v14;
	v14 =	vld [tilespmem:s23+$0xFFFFFF80]  }
0xd0: {  	[tilespmem:s23+$0xF0] =	vst v6;
	v6 =	vmul.f32 v9, v4;
	v9 =	vld [tilespmem:s23+$0xFFFFFF90];
	v5 =	vor.u32 v2, v5  }
0xd1: {  	v10 =	vld [tilespmem:s23+$0xFFFFFFA0];
	[tilespmem:s23+$0xFFFFFF30] =	vst v8;
	v8 =	vmul.f32 v12, v4;
	v5 =	vbroadcast v5, $0x0  }
0xd2: {  	[tilespmem:s23+$0xFFFFFF20] =	vst v6;
	v6 =	vmul.f32 v11, v4;
	v11 =	vld [tilespmem:s23+$0xFFFFFFB0]  }
0xd3: {  	[tilespmem:s23+$0xFFFFFF50] =	vst v8;
	v8 =	vld [tilespmem:s23+$0xFFFFFFE0];
	v7 =	vmul.f32 v7, v4  }
0xd4: {  	v12 =	vld [tilespmem:s23+$0xFFFFFFC0];
	[tilespmem:s23+$0xFFFFFF40] =	vst v6;
	v6 =	vmul.f32 v14, v15  }
0xd5: {  	v13 =	vmul.f32 v13, v4;
	v14 =	vld [tilespmem:s23+$0xFFFFFFD0];
	[tilespmem:s23+$0xFFFFFF70] =	vst v7  }
0xd6: {  	v7 =	vld [tilespmem:s23+$0x0];
	[tilespmem:s23+$0xFFFFFF80] =	vst v6;
	v6 =	vmul.f32 v10, v15  }
0xd7: {  	[tilespmem:s23+$0xFFFFFF60] =	vst v13;
	v4 =	vld.idx.msk [tilespmem:v5+s30+$0x0], $0xffff;
	v5 =	vmul.f32 v9, v15  }
0xd8: {  	v8 =	vmul.f32 v8, v15;
	v9 =	vld [tilespmem:s23+$0xFFFFFFF0];
	[tilespmem:s23+$0xFFFFFFA0] =	vst v6  }
0xd9: {  	v10 =	vld [tilespmem:s23+$0x10];
	[tilespmem:s23+$0xFFFFFF90] =	vst v5;
	v5 =	vmul.f32 v11, v15  }
0xda: {  	s24 =	simm.s32 $0x4;
	v6 =	vmul.f32 v12, v15;
	[tilespmem:s23+$0xFFFFFFE0] =	vst v8;
	v11 =	vld [tilespmem:s23+$0x20];
	v12 =	vmul.f32 v14, v15  }
0xdb: {  	v16 =	vld [tilespmem:s23+$0x30];
	v13 =	vmov s24;
	[tilespmem:s23+$0xFFFFFFB0] =	vst v5  }
0xdc: {  	v13 =	vand.u32 $0x7C, v13;
	v5 =	vld [tilespmem:s23+$0x40];
	[tilespmem:s23+$0xFFFFFFD0] =	vst v12;
	v12 =	vmul.f32 v7, v4  }
0xdd: {  	s24 =	simm.s32 $0x5;
	v8 =	vor.u32 v2, v13;
	[tilespmem:s23+$0xFFFFFFC0] =	vst v6;
	v6 =	vld [tilespmem:s23+$0x50];
	v9 =	vmul.f32 v9, v15  }
0xde: {  	v14 =	vmov s24;
	s24 =	simm.s32 $0x6;
	v8 =	vbroadcast v8, $0x0;
	v7 =	vld [tilespmem:s23+$0x60];
	v10 =	vmul.f32 v10, v4;
	[tilespmem:s23+$0x0] =	vst v12  }
0xdf: {  	s28 =	simm.s32 $0x8;
	v14 =	vand.u32 $0x7D, v14;
	v12 =	vmov s24;
	s24 =	sshll.u32 s22, $0xE;
	[tilespmem:s23+$0xFFFFFFF0] =	vst v9;
	v11 =	vmul.f32 v11, v4;
	v9 =	vld [tilespmem:s23+$0x70]  }
0xe0: {  	s11 =	simm.s32 $0x7;
	v14 =	vor.u32 v2, v14;
	[tilespmem:s23+$0x10] =	vst v10;
	v10 =	vld [tilespmem:s23+$0x80];
	v13 =	vand.u32 $0x7E, v12;
	s22 =	sor.u32 $0x780, s24;
	v12 =	vmul.f32 v16, v4;
	s24 =	smov.u32 s23  }
.LBB2_5:
0xe1: {  	p1 =	slt.u32 s28, $0x7C;
	v13 =	vor.u32 v2, v13;
	v15 =	vmov s11;
	[tilespmem:s23+$0x20] =	vst v11;
	v5 =	vmul.f32 v5, v4;
	v11 =	vld [tilespmem:s23+$0x90]  }
0xe2: {  	v14 =	vbroadcast v14, $0x0;
	v15 =	vand.u32 $0x7F, v15;
	[tilespmem:s23+$0x30] =	vst v12;
	v6 =	vmul.f32 v6, v4;
	v12 =	vld [tilespmem:s23+$0xA0]  }
0xe3: {  	v13 =	vbroadcast v13, $0x0;
	v15 =	vor.u32 v2, v15;
	[tilespmem:s23+$0x40] =	vst v5;
	v5 =	vmul.f32 v7, v4;
	v7 =	vld [tilespmem:s23+$0xB0]  }
0xe4: {  	v15 =	vbroadcast v15, $0x0;
	[tilespmem:s23+$0x50] =	vst v6;
	v4 =	vmul.f32 v9, v4;
	v6 =	vld [tilespmem:s23+$0xC0]  }
0xe5: {  	[tilespmem:s23+$0x60] =	vst v5;
	v5 =	vmul.f32 v10, v3;
	v9 =	vld [tilespmem:s23+$0xD0]  }
0xe6: {  	[tilespmem:s23+$0x70] =	vst v4;
	v4 =	vmul.f32 v11, v3;
	v10 =	vld [tilespmem:s23+$0xE0]  }
0xe7: {  	v8 =	vld.idx.msk [tilespmem:v8+s30+$0x0], $0xffff;
	[tilespmem:s23+$0x80] =	vst v5;
	v5 =	vmul.f32 v12, v3  }
0xe8: {  	v11 =	vld.idx.msk [tilespmem:v14+s30+$0x0], $0xffff;
	[tilespmem:s23+$0x90] =	vst v4;
	v7 =	vmul.f32 v7, v3  }
0xe9: {  	v4 =	vld.idx.msk [tilespmem:v13+s30+$0x0], $0xffff;
	[tilespmem:s23+$0xA0] =	vst v5;
	v5 =	vmul.f32 v6, v3  }
0xea: {  	s23 =	sadd.s32 $0x200, s23;
	v6 =	vld.idx.msk [tilespmem:v15+s30+$0x0], $0xffff;
	[tilespmem:s24+$0xB0] =	vst v7;
	v7 =	vmul.f32 v9, v3  }
0xeb: {  	v9 =	vld [tilespmem:s23+$0xF0];
	[tilespmem:s24+$0xC0] =	vst v5;
	v3 =	vmul.f32 v10, v3  }
0xec: {  	v5 =	vld [tilespmem:s23+$0xFFFFFF00];
	[tilespmem:s24+$0xD0] =	vst v7  }
0xed: {  	v7 =	vld [tilespmem:s23+$0xFFFFFF10];
	[tilespmem:s24+$0xE0] =	vst v3;
	s24 =	smov.u32 s23  }
0xee: {  	v10 =	vld [tilespmem:s23+$0xFFFFFF20]  }
0xef: {  	v12 =	vld [tilespmem:s23+$0xFFFFFF30]  }
0xf0: {  	v3 =	vmov v6;
	v13 =	vld [tilespmem:s23+$0xFFFFFF40];
	v9 =	vmul.f32 v9, v6  }
0xf1: {  	v5 =	vmul.f32 v5, v8;
	v6 =	vld [tilespmem:s23+$0xFFFFFF50]  }
0xf2: {  	v7 =	vmul.f32 v7, v8;
	v14 =	vld [tilespmem:s23+$0xFFFFFF60];
	[tilespmem:s23+$0xF0] =	vst v9  }
0xf3: {  	[tilespmem:s23+$0xFFFFFF00] =	vst v5;
	v5 =	vmul.f32 v10, v8;
	v9 =	vld [tilespmem:s23+$0xFFFFFF70]  }
0xf4: {  	[tilespmem:s23+$0xFFFFFF10] =	vst v7;
	v7 =	vmul.f32 v12, v8;
	v10 =	vld [tilespmem:s23+$0xFFFFFF80]  }
0xf5: {  	[tilespmem:s23+$0xFFFFFF20] =	vst v5;
	v5 =	vmul.f32 v13, v8;
	v12 =	vld [tilespmem:s23+$0xFFFFFF90]  }
0xf6: {  	[tilespmem:s23+$0xFFFFFF30] =	vst v7;
	v6 =	vmul.f32 v6, v8;
	v7 =	vld [tilespmem:s23+$0xFFFFFFA0]  }
0xf7: {  	[tilespmem:s23+$0xFFFFFF40] =	vst v5;
	v5 =	vmul.f32 v14, v8;
	v13 =	vld [tilespmem:s23+$0xFFFFFFB0]  }
0xf8: {  	[tilespmem:s23+$0xFFFFFF50] =	vst v6;
	v6 =	vmul.f32 v9, v8;
	v8 =	vld [tilespmem:s23+$0xFFFFFFC0]  }
0xf9: {  	[tilespmem:s23+$0xFFFFFF60] =	vst v5;
	v5 =	vmul.f32 v10, v11;
	v9 =	vld [tilespmem:s23+$0xFFFFFFD0]  }
0xfa: {  	[tilespmem:s23+$0xFFFFFF70] =	vst v6;
	v6 =	vmul.f32 v12, v11;
	v10 =	vld [tilespmem:s23+$0xFFFFFFE0]  }
0xfb: {  	[tilespmem:s23+$0xFFFFFF80] =	vst v5;
	v5 =	vmul.f32 v7, v11;
	v7 =	vld [tilespmem:s23+$0xFFFFFFF0]  }
0xfc: {  	[tilespmem:s23+$0xFFFFFF90] =	vst v6;
	v6 =	vmul.f32 v13, v11;
	v12 =	vld [tilespmem:s23+$0x0]  }
0xfd: {  	[tilespmem:s23+$0xFFFFFFA0] =	vst v5;
	v5 =	vmul.f32 v8, v11;
	v8 =	vld [tilespmem:s23+$0x10]  }
0xfe: {  	[tilespmem:s23+$0xFFFFFFB0] =	vst v6;
	v6 =	vmul.f32 v9, v11;
	v9 =	vld [tilespmem:s23+$0x20]  }
0xff: {  	[tilespmem:s23+$0xFFFFFFC0] =	vst v5;
	v10 =	vmul.f32 v10, v11;
	v15 =	vld [tilespmem:s23+$0x30]  }
.Ltmp1:
0x100: {  	s11 =	sadd.s32 $0x1, s28;
	v13 =	vmov s28;
	[tilespmem:s23+$0xFFFFFFD0] =	vst v6;
	v7 =	vmul.f32 v7, v11;
	v5 =	vld [tilespmem:s23+$0x40];
	(pc) =	sbr.rel @p1 .LBB2_5-.Ltmp1, $4  }
0x101: {  	v11 =	vand.u32 $0x7C, v13;
	v13 =	vmov s11;
	s11 =	sadd.s32 $0x2, s28;
	[tilespmem:s23+$0xFFFFFFE0] =	vst v10;
	v10 =	vmul.f32 v12, v4;
	v6 =	vld [tilespmem:s23+$0x50]  }
0x102: {  	v12 =	vor.u32 v2, v11;
	v11 =	vmov s11;
	[tilespmem:s23+$0xFFFFFFF0] =	vst v7;
	v16 =	vmul.f32 v8, v4;
	v7 =	vld [tilespmem:s23+$0x60]  }
0x103: {  	v14 =	vand.u32 $0x7D, v13;
	v13 =	vand.u32 $0x7E, v11;
	[tilespmem:s23+$0x0] =	vst v10;
	v11 =	vmul.f32 v9, v4;
	v9 =	vld [tilespmem:s23+$0x70]  }
0x104: {  	s11 =	sadd.s32 $0x3, s28;
	s28 =	sadd.s32 $0x4, s28;
	v8 =	vbroadcast v12, $0x0;
	v14 =	vor.u32 v2, v14;
	[tilespmem:s23+$0x10] =	vst v16;
	v12 =	vmul.f32 v15, v4;
	v10 =	vld [tilespmem:s23+$0x80]  }
0x105: {  	v16 =	vld [tilespmem:s23+$0x90]  }
0x106: {  	v17 =	vld [tilespmem:s23+$0xA0]  }
0x107: {  	v52 =	vld [tilespmem:s23+$0xB0]  }
0x108: {  	v18 =	vld [tilespmem:s23+$0xC0]  }
0x109: {  	[tilespmem:s23+$0x20] =	vst v11;
	v5 =	vmul.f32 v5, v4;
	v53 =	vld [tilespmem:s23+$0xD0]  }
0x10a: {  	v54 =	vld [tilespmem:s23+$0xE0];
	[tilespmem:s23+$0x30] =	vst v12;
	v6 =	vmul.f32 v6, v4  }
0x10b: {  	s28 =	sadd.s32 $0x200, s23;
	v56 =	vld.idx.msk [tilespmem:v8+s30+$0x0], $0xffff;
	[tilespmem:s23+$0x40] =	vst v5;
	v55 =	vmul.f32 v7, v4  }
0x10c: {  	v63 =	vld [tilespmem:s28+$0xF0];
	[tilespmem:s23+$0x50] =	vst v6;
	v57 =	vmul.f32 v9, v4  }
0x10d: {  	v20 =	vld [tilespmem:s28+$0xFFFFFF10];
	[tilespmem:s23+$0x60] =	vst v55;
	v59 =	vmul.f32 v10, v3  }
0x10e: {  	v22 =	vld [tilespmem:s28+$0xFFFFFF20];
	[tilespmem:s23+$0x70] =	vst v57;
	v61 =	vmul.f32 v16, v3  }
0x10f: {  	v23 =	vld [tilespmem:s28+$0xFFFFFF30];
	v62 =	vmul.f32 v17, v3;
	[tilespmem:s23+$0x80] =	vst v59  }
0x110: {  	v14 =	vbroadcast v14, $0x0;
	v24 =	vld [tilespmem:s28+$0xFFFFFF40];
	v16 =	vmul.f32 v52, v3;
	[tilespmem:s23+$0x90] =	vst v61  }
0x111: {  	v17 =	vld [tilespmem:s28+$0xFFFFFF00];
	v19 =	vmul.f32 v18, v3;
	[tilespmem:s23+$0xA0] =	vst v62  }
0x112: {  	v25 =	vld [tilespmem:s28+$0xFFFFFF50];
	v21 =	vmul.f32 v53, v3;
	[tilespmem:s24+$0xB0] =	vst v16  }
0x113: {  	v27 =	vld [tilespmem:s28+$0xFFFFFF60];
	v3 =	vmul.f32 v54, v3;
	[tilespmem:s24+$0xC0] =	vst v19  }
0x114: {  	v28 =	vld [tilespmem:s28+$0xFFFFFF70];
	v26 =	vmul.f32 v20, v56;
	[tilespmem:s24+$0xD0] =	vst v21  }
0x115: {  	v30 =	vld [tilespmem:s28+$0xFFFFFF90];
	v5 =	vmul.f32 v23, v56;
	[tilespmem:s24+$0xE0] =	vst v3  }
0x116: {  	v58 =	vld.idx.msk [tilespmem:v14+s30+$0x0], $0xffff;
	[tilespmem:s28+$0xFFFFFF10] =	vst v26;
	v3 =	vmul.f32 v17, v56  }
0x117: {  	v13 =	vor.u32 v2, v13;
	v29 =	vld [tilespmem:s28+$0xFFFFFF80];
	v31 =	vmul.f32 v25, v56;
	[tilespmem:s28+$0xFFFFFF30] =	vst v5  }
0x118: {  	v13 =	vbroadcast v13, $0x0;
	v33 =	vld [tilespmem:s28+$0xFFFFFFB0];
	[tilespmem:s28+$0xFFFFFF00] =	vst v3;
	v3 =	vmul.f32 v22, v56  }
0x119: {  	v32 =	vld [tilespmem:s28+$0xFFFFFFA0];
	v34 =	vmul.f32 v28, v56;
	[tilespmem:s28+$0xFFFFFF50] =	vst v31  }
0x11a: {  	v36 =	vld [tilespmem:s28+$0xFFFFFFD0];
	[tilespmem:s28+$0xFFFFFF20] =	vst v3;
	v3 =	vmul.f32 v24, v56  }
0x11b: {  	v35 =	vld [tilespmem:s28+$0xFFFFFFC0];
	[tilespmem:s28+$0xFFFFFF70] =	vst v34;
	v4 =	vmul.f32 v30, v58  }
0x11c: {  	v38 =	vld [tilespmem:s28+$0xFFFFFFF0];
	[tilespmem:s28+$0xFFFFFF40] =	vst v3;
	v3 =	vmul.f32 v27, v56  }
0x11d: {  	v15 =	vmov s11;
	v41 =	vld [tilespmem:s28+$0x10];
	v39 =	vmul.f32 v33, v58;
	[tilespmem:s28+$0xFFFFFF90] =	vst v4  }
0x11e: {  	v15 =	vand.u32 $0x7F, v15;
	v60 =	vld.idx.msk [tilespmem:v13+s30+$0x0], $0xffff;
	[tilespmem:s28+$0xFFFFFF60] =	vst v3;
	v3 =	vmul.f32 v29, v58  }
0x11f: {  	v37 =	vld [tilespmem:s28+$0xFFFFFFE0];
	v2 =	vor.u32 v2, v15;
	v42 =	vmul.f32 v36, v58;
	[tilespmem:s28+$0xFFFFFFB0] =	vst v39  }
0x120: {  	v44 =	vld [tilespmem:s28+$0x30];
	v2 =	vbroadcast v2, $0x0;
	[tilespmem:s28+$0xFFFFFF80] =	vst v3;
	v3 =	vmul.f32 v32, v58  }
0x121: {  	v40 =	vld [tilespmem:s28+$0x0];
	v45 =	vmul.f32 v38, v58;
	[tilespmem:s28+$0xFFFFFFD0] =	vst v42  }
0x122: {  	v47 =	vld [tilespmem:s28+$0x50];
	[tilespmem:s28+$0xFFFFFFA0] =	vst v3;
	v3 =	vmul.f32 v35, v58  }
0x123: {  	v43 =	vld [tilespmem:s28+$0x20];
	v48 =	vmul.f32 v41, v60;
	[tilespmem:s28+$0xFFFFFFF0] =	vst v45  }
0x124: {  	v50 =	vld [tilespmem:s28+$0x70];
	[tilespmem:s28+$0xFFFFFFC0] =	vst v3;
	v3 =	vmul.f32 v37, v58  }
0x125: {  	v46 =	vld [tilespmem:s28+$0x40];
	v51 =	vmul.f32 v44, v60;
	[tilespmem:s28+$0x10] =	vst v48  }
0x126: {  	v2 =	vld.idx.msk [tilespmem:v2+s30+$0x0], $0xffff;
	[tilespmem:s28+$0xFFFFFFE0] =	vst v3;
	v3 =	vmul.f32 v40, v60  }
0x127: {  	v49 =	vld [tilespmem:s28+$0x60];
	v54 =	vmul.f32 v47, v60;
	[tilespmem:s28+$0x30] =	vst v51  }
0x128: {  	v59 =	vld [tilespmem:s28+$0xD0];
	[tilespmem:s28+$0x0] =	vst v3;
	v3 =	vmul.f32 v43, v60  }
0x129: {  	v52 =	vld [tilespmem:s28+$0x80];
	v57 =	vmul.f32 v50, v60;
	[tilespmem:s28+$0x50] =	vst v54  }
0x12a: {  	v56 =	vld [tilespmem:s28+$0xB0];
	[tilespmem:s28+$0x20] =	vst v3;
	v3 =	vmul.f32 v46, v60  }
0x12b: {  	v55 =	vld [tilespmem:s28+$0xA0];
	v9 =	vmul.f32 v63, v2;
	[tilespmem:s28+$0x70] =	vst v57  }
0x12c: {  	v53 =	vld [tilespmem:s28+$0x90];
	[tilespmem:s28+$0x40] =	vst v3;
	v3 =	vmul.f32 v49, v60  }
0x12d: {  	v63 =	vmul.f32 v59, v2;
	[tilespmem:s28+$0xF0] =	vst v9;
	v58 =	vld [tilespmem:s28+$0xC0]  }
0x12e: {  	v61 =	vld [tilespmem:s28+$0xE0];
	[tilespmem:s28+$0x60] =	vst v3;
	v3 =	vmul.f32 v52, v2  }
0x12f: {  	[tilespmem:s28+$0xD0] =	vst v63;
	v62 =	vmul.f32 v56, v2  }
0x130: {  	[tilespmem:s28+$0x80] =	vst v3;
	v3 =	vmul.f32 v55, v2  }
0x131: {  	p1 =	sne.s32 s20, s5;
	[tilespmem:s28+$0xB0] =	vst v62;
	v60 =	vmul.f32 v53, v2  }
.Ltmp2:
0x132: {  	[tilespmem:s28+$0xA0] =	vst v3;
	v3 =	vmul.f32 v58, v2;
	(pc) =	sbr.rel @p1 .LBB2_4-.Ltmp2, $4  }
0x133: {  	[tilespmem:s28+$0x90] =	vst v60;
	v2 =	vmul.f32 v61, v2  }
0x134: {  	[tilespmem:s28+$0xC0] =	vst v3  }
0x135: {  	p0 =	por !p0, !p0;
	[tilespmem:s28+$0xE0] =	vst v2  }
0x136: {  	[spmem:s1] =	stream.indirect.scatter.add.f32 [tilespmem:s22], [sflag:$0x3], $0x80, s21, s29, $0xb8;
	[tilespmem:$0x1CA00] =	vst v63  }
0x137: {  	_ =	swait.ge [sflag:s31], $0x4000  }
0x138: {  	[sflag:s31] =	ssyncset.done $0x0  }
0x139: {  	[sflag:s31] =	ssyncadd.s32 $0xFFFFC000  }
0x13a: {  	_ =	swait.ge [sflag:s17], $0x80  }
0x13b: {  	[sflag:s17] =	ssyncset.done $0x0  }
0x13c: {  	[sflag:s17] =	ssyncadd.s32 $0xFFFFFF80  }
0x13d: {  	_ =	swait.ge [sflag:s31], $0x4000  }
0x13e: {  	[sflag:s31] =	ssyncset.done $0x0  }
0x13f: {  	[sflag:s31] =	ssyncadd.s32 $0xFFFFC000  }
0x140: {  	_ =	swait.ge [sflag:s17], $0x80  }
0x141: {  	[sflag:s17] =	ssyncset.done $0x0  }
0x142: {  	[sflag:s17] =	ssyncadd.s32 $0xFFFFFF80  }
0x143: {  	s21 =	simm.s32 $0x500;
	[bflag:$0x0] =	sbarrier.arrive $0xFFFF  }
0x144: {  	[tilespmem:s21], [sflag:$0x5] =	stream.linear.gather [spmem:s16], $0x280, $0x38;
	[tilespmem:$0x1CA00] =	vst v63  }
0x145: {  	_ =	swait.ge [sflag:s26], $0x280  }
0x146: {  	[sflag:s26] =	ssyncset.done $0x0  }
0x147: {  	s11 =	rddreg [dreg:$0x7];
	[sflag:s26] =	ssyncadd.s32 $0xFFFFFD80  }
0x148: {  	[hbm4b:s11+s3] =	stream.linear.scatter [tilespmem:s21], [sflag:$0x5], $0x280, $0x38;
	[tilespmem:$0x1CA00] =	vst v63  }
0x149: {  	_ =	swait.ge [sflag:s26], $0x280  }
0x14a: {  	[sflag:s26] =	ssyncset.done $0x0  }
0x14b: {  	[sflag:s26] =	ssyncadd.s32 $0xFFFFFD80  }
0x14c: {  	[tilespmem:s25], [sflag:$0x5] =	stream.linear.gather [spmem:s12], $0x4000, $0x38;
	[tilespmem:$0x1CA00] =	vst v63  }
0x14d: {  	_ =	swait.ge [sflag:s26], $0x4000  }
0x14e: {  	[sflag:s26] =	ssyncset.done $0x0  }
0x14f: {  	s24 =	rddreg [dreg:$0xa];
	[sflag:s26] =	ssyncadd.s32 $0xFFFFC000  }
0x150: {  	[hbm4b:s24+s3] =	stream.linear.scatter [tilespmem:s25], [sflag:$0x5], $0x4000, $0x38;
	[tilespmem:$0x1CA00] =	vst v63  }
0x151: {  	_ =	swait.ge [sflag:s26], $0x4000  }
0x152: {  	[sflag:s26] =	ssyncset.done $0x0  }
0x153: {  	[sflag:s26] =	ssyncadd.s32 $0xFFFFC000  }
0x154: {  	[tilespmem:s25], [sflag:$0x5] =	stream.linear.gather [spmem:s13], $0x4000, $0x38;
	[tilespmem:$0x1CA00] =	vst v63  }
0x155: {  	_ =	swait.ge [sflag:s26], $0x4000  }
0x156: {  	[sflag:s26] =	ssyncset.done $0x0  }
0x157: {  	s23 =	smov.u32 s12;
	s12 =	rddreg [dreg:$0xb];
	[sflag:s26] =	ssyncadd.s32 $0xFFFFC000  }
0x158: {  	[hbm4b:s12+s3] =	stream.linear.scatter [tilespmem:s25], [sflag:$0x5], $0x4000, $0x38;
	[tilespmem:$0x1CA00] =	vst v63  }
0x159: {  	_ =	swait.ge [sflag:s26], $0x4000  }
0x15a: {  	[sflag:s26] =	ssyncset.done $0x0  }
0x15b: {  	[sflag:s26] =	ssyncadd.s32 $0xFFFFC000  }
0x15c: {  	[tilespmem:s25], [sflag:$0x5] =	stream.linear.gather [spmem:s14], $0x4000, $0x38;
	[tilespmem:$0x1CA00] =	vst v63  }
0x15d: {  	_ =	swait.ge [sflag:s26], $0x4000  }
0x15e: {  	[sflag:s26] =	ssyncset.done $0x0  }
0x15f: {  	s24 =	smov.u32 s13;
	s13 =	rddreg [dreg:$0xc];
	[sflag:s26] =	ssyncadd.s32 $0xFFFFC000  }
0x160: {  	[hbm4b:s13+s3] =	stream.linear.scatter [tilespmem:s25], [sflag:$0x5], $0x4000, $0x38;
	[tilespmem:$0x1CA00] =	vst v63  }
0x161: {  	_ =	swait.ge [sflag:s26], $0x4000  }
0x162: {  	[sflag:s26] =	ssyncset.done $0x0  }
0x163: {  	s28 =	smov.u32 s14;
	s14 =	rddreg [dreg:$0x6];
	[sflag:s26] =	ssyncadd.s32 $0xFFFFC000  }
0x164: {  	[tilespmem:s25], [sflag:$0x5] =	stream.linear.gather [spmem:s14], $0x4000, $0x38;
	[tilespmem:$0x1CA00] =	vst v63  }
0x165: {  	_ =	swait.ge [sflag:s26], $0x4000  }
0x166: {  	[sflag:s26] =	ssyncset.done $0x0  }
0x167: {  	s19 =	rddreg [dreg:$0xd];
	[sflag:s26] =	ssyncadd.s32 $0xFFFFC000  }
0x168: {  	[hbm4b:s19+s3] =	stream.linear.scatter [tilespmem:s25], [sflag:$0x5], $0x4000, $0x38;
	[tilespmem:$0x1CA00] =	vst v63  }
0x169: {  	_ =	swait.ge [sflag:s26], $0x4000  }
0x16a: {  	[sflag:s26] =	ssyncset.done $0x0  }
0x16b: {  	[sflag:s26] =	ssyncadd.s32 $0xFFFFC000  }
0x16c: {  	[tilespmem:s25], [sflag:$0x5] =	stream.linear.gather [spmem:s15], $0x4000, $0x38;
	[tilespmem:$0x1CA00] =	vst v63  }
0x16d: {  	_ =	swait.ge [sflag:s26], $0x4000  }
0x16e: {  	[sflag:s26] =	ssyncset.done $0x0  }
0x16f: {  	s20 =	rddreg [dreg:$0xe];
	[sflag:s26] =	ssyncadd.s32 $0xFFFFC000  }
0x170: {  	[hbm4b:s20+s3] =	stream.linear.scatter [tilespmem:s25], [sflag:$0x5], $0x4000, $0x38;
	[tilespmem:$0x1CA00] =	vst v63  }
0x171: {  	_ =	swait.ge [sflag:s26], $0x4000  }
0x172: {  	s18 =	sadd.s32 $0x1, s18;
	s22 =	rddreg [dreg:$0x9]  }
0x173: {  	p0 =	sne.s32 s18, s22  }
.Ltmp3:
0x174: {  	_ = 	snop;
	(pc) =	sbr.rel @p0 .LBB2_1-.Ltmp3, $3  }
0x175: {  	_ =	sdelay $0x1  }
0x176: {  	[sflag:s26] =	ssyncset.done $0x0  }
0x177: {  	[sflag:s26] =	ssyncadd.s32 $0xFFFFC000  }
0x178: {  	_ =	sfence.sel $0x180000  }
0x179: {  	[bflag:$0x0] =	sbarrier.arrive $0xFFFF  }
0x17a: {  	_ =	strace $0x90000047  }
0x17b: {  	s0 =	stileid.u32;
	[bflag:$0x2] =	sbarrier.arrive $0xFFFF  }
0x17c: {  	p0 =	sne.s32 s0, $0x0;
	s0 =	rddreg [dreg:$0x5]  }
0x17d: {  	s0 =	sadd.s32 @!p0 $0x100000, s0  }
0x17e: {  	[sflag:s0] =	ssyncadd.tile.s32 @!p0 $0x1;
	_ =	shalt  }
.Lfunc_end2:
_tile_overlayer_lowered:
.L_overlay_start_2:
0x17f: {  	(tag) =	ssettag $0x2  }
0x180: {  	s0 =	rddreg [dreg:$0x0];
	s2 =	stileid.u32  }
0x181: {  	s1 =	rddreg [dreg:$0x1];
	p0 =	sne.s32 s2, $0x0  }
0x182: {  	s3 =	rddreg [dreg:$0x2];
	[bflag:$0x3] =	sbarrier.arrive $0xFFFF;
	s2 =	simm.s32 @!p0 $0x1C05  }
0x183: {  	[timem:s3], [sflag:s2] =	dma.local @!p0 [hbm:s0], s1  }
0x184: {  	s0 =	simm.s32 @!p0 $0x5  }
0x185: {  	_ =	swait.ge @!p0 [sflag:s0], s1  }
0x186: {  	s1 =	ssub.s32 @!p0 $0x0, s1;
	[sflag:s0] =	ssyncset.done @!p0 $0x0  }
0x187: {  	[sflag:s0] =	ssyncadd.s32 @!p0 s1  }
0x188: {  	[bflag:$0x3] =	sbarrier.arrive $0xFFFF  }
0x189: {  	_ =	shalt  }

// kernel: kernel.9.cloned.1.call-start
scs
__scs_entry_jumppad:
0x0: {  	(pc) =	sbr.rel $0x88, $3  }
0x1: {  	(tag) =	ssettag $0x0;
	lr =	simm.s32 $0x1  }
0x2: {  	[smem:$0x3F98] =	sst lr;
	_ =	strace $0xD0000000  }
0x3: {  	_ = 	snop  }
0x4: {  	_ = 	snop  }
0x5: {  	_ = 	snop  }
0x6: {  	_ = 	snop  }
0x7: {  	_ = 	snop  }
__scs_overlays_trampoline_lowered:
0x8: {  	[smem:$0x3FA7] =	sst s0  }
0x9: {  	[smem:$0x3FA8] =	sst s1  }
0xa: {  	[smem:$0x3FA9] =	sst s2  }
0xb: {  	[smem:$0x3FAA] =	sst s3  }
0xc: {  	[smem:$0x3FAB] =	sst s4  }
0xd: {  	[smem:$0x3FAC] =	sst s5  }
0xe: {  	[smem:$0x3FAD] =	sst s6  }
0xf: {  	[smem:$0x3FAE] =	sst s7  }
0x10: {  	[smem:$0x3FAF] =	sst s8  }
0x11: {  	[smem:$0x3FB0] =	sst s9;
	s0 =	simm.s32 @!p0 $0x0  }
0x12: {  	s1 =	sld [smem:$0x3F96];
	s0 =	simm.s32 @p0 $0x1  }
0x13: {  	[smem:$0x3FB1] =	sst s0;
	s0 =	simm.s32 @!p1 $0x0  }
0x14: {  	s2 =	sld [smem:$0x3F95];
	s0 =	simm.s32 @p1 $0x1  }
0x15: {  	[smem:$0x3FB2] =	sst s0;
	s0 =	simm.s32 @!p2 $0x0  }
0x16: {  	s3 =	sld [smem:$0x3FDB];
	s0 =	simm.s32 @p2 $0x1  }
0x17: {  	s4 =	simm.s32 $0x1BF5;
	[smem:$0x3FB4] =	sst s0  }
0x18: {  	s0 =	sld [smem:$0x3F97];
	_ =	swait.ge [sflag:s4], $0x0  }
0x19: {  	s7 =	sld [smem:$0x3F98]  }
0x1a: {  	s8 =	sadd.s32 $0xFFFFE003, lr  }
0x1b: {  	s9 =	sadd.s32 $0xFFFFFEF7, lr;
	s5 =	simm.s32 $0xFFFFFFFF;
	p2 =	slt.u32 s8, $0xFFFFF086  }
0x1c: {  	p1 =	slt.u32 s9, $0xF7A;
	s5 =	simm.s32 @!p2 $0x0  }
0x1d: {  	s5 =	simm.s32 @p1 $0x1;
	p0 =	seq.s32 s7, s2  }
0x1e: {  	s7 =	smul.u32 @!p0 $0xF7A, s2;
	p2 =	seq.s32 @!p0 s5, $0x0  }
0x1f: {  	s9 =	smul.u32 $0xF7A, s1;
	s8 =	simm.s32 @!p0 $0x1BF5;
	p2 =	por !p2, p0  }
0x20: {  	[sflag:s8] =	ssyncset.s32 @!p0 $0xFFFFF086;
	s6 =	sadd.s32 @!p0 s3, s7;
	s7 =	simm.s32 @!p0 $0x108  }
0x21: {  	s3 =	sadd.s32 s3, s9;
	s6 =	sadd.s32 @!p0 $0x88, s6;
	s7 =	simm.s32 @p2 $0x1082  }
0x22: {  	[simem:s7], [sflag:s8] =	dma.local @!p0 [hbm:s6], $0xF7A  }
0x23: {  	s9 =	sor.u32 $0xD0000000, s2;
	s6 =	simm.s32 $0x108;
	_ =	swait.ge @!p0 [sflag:s8], $0x0  }
0x24: {  	s3 =	sadd.s32 $0x88, s3;
	s6 =	simm.s32 @!p1 $0x1082;
	[sflag:s4] =	ssyncset.s32 $0xFFFFF086  }
0x25: {  	[simem:s6], [sflag:s4] =	dma.local [hbm:s3], $0xF7A  }
0x26: {  	[smem:$0x3F98] =	sst s1;
	(tag) =	ssettag s2;
	_ =	strace s9  }
0x27: {  	s1 =	sld [smem:$0x3FA8]  }
0x28: {  	s2 =	sld [smem:$0x3FA9]  }
0x29: {  	s4 =	sld [smem:$0x3FAB]  }
0x2a: {  	p0 =	seq.s32 s5, $0x0;
	s5 =	sld [smem:$0x3FAC]  }
0x2b: {  	s6 =	sld [smem:$0x3FAD]  }
0x2c: {  	s7 =	sld [smem:$0x3FAE]  }
0x2d: {  	s3 =	simm.s32 $0x108;
	s8 =	sld [smem:$0x3FAF]  }
0x2e: {  	s3 =	simm.s32 @!p0 $0x1082;
	s9 =	sld [smem:$0x3FB0]  }
0x2f: {  	lr =	sadd.s32 s0, s3;
	s0 =	sld [smem:$0x3FA7]  }
0x30: {  	s3 =	sld [smem:$0x3FAA]  }
0x31: {  	[smem:$0x3FB3] =	sst s10  }
0x32: {  	s10 =	sld [smem:$0x3FB1];
	_ =	sdelay $0x3  }
0x33: {  	p0 =	seq.s32 s10, $0x1;
	s10 =	sld [smem:$0x3FB3];
	_ =	sdelay $0x3  }
0x34: {  	[smem:$0x3FB3] =	sst s10  }
0x35: {  	s10 =	sld [smem:$0x3FB2];
	_ =	sdelay $0x3  }
0x36: {  	p1 =	seq.s32 s10, $0x1;
	s10 =	sld [smem:$0x3FB3];
	_ =	sdelay $0x3  }
0x37: {  	[smem:$0x3FB3] =	sst s10  }
0x38: {  	s10 =	sld [smem:$0x3FB4]  }
0x39: {  	_ = 	snop;
	(pc) =	sbr.ind lr, $3  }
0x3a: {  	_ = 	snop  }
0x3b: {  	_ = 	snop  }
0x3c: {  	p2 =	seq.s32 s10, $0x1;
	s10 =	sld [smem:$0x3FB3]  }
0x3d: {  	_ =	shalt  }
0x3e: {  	_ =	shalt  }
0x3f: {  	_ =	shalt  }
0x40: {  	_ =	shalt  }
0x41: {  	_ =	shalt  }
0x42: {  	_ =	shalt  }
0x43: {  	_ =	shalt  }
0x44: {  	_ =	shalt  }
0x45: {  	_ =	shalt  }
0x46: {  	_ =	shalt  }
0x47: {  	_ =	shalt  }
0x48: {  	_ =	shalt  }
0x49: {  	_ =	shalt  }
0x4a: {  	_ =	shalt  }
0x4b: {  	_ =	shalt  }
0x4c: {  	_ =	shalt  }
0x4d: {  	_ =	shalt  }
0x4e: {  	_ =	shalt  }
0x4f: {  	_ =	shalt  }
0x50: {  	_ =	shalt  }
0x51: {  	_ =	shalt  }
0x52: {  	_ =	shalt  }
0x53: {  	_ =	shalt  }
0x54: {  	_ =	shalt  }
0x55: {  	_ =	shalt  }
0x56: {  	_ =	shalt  }
0x57: {  	_ =	shalt  }
0x58: {  	_ =	shalt  }
0x59: {  	_ =	shalt  }
0x5a: {  	_ =	shalt  }
0x5b: {  	_ =	shalt  }
0x5c: {  	_ =	shalt  }
0x5d: {  	_ =	shalt  }
0x5e: {  	_ =	shalt  }
0x5f: {  	_ =	shalt  }
0x60: {  	_ =	shalt  }
0x61: {  	_ =	shalt  }
0x62: {  	_ =	shalt  }
0x63: {  	_ =	shalt  }
0x64: {  	_ =	shalt  }
0x65: {  	_ =	shalt  }
0x66: {  	_ =	shalt  }
0x67: {  	_ =	shalt  }
0x68: {  	_ =	shalt  }
0x69: {  	_ =	shalt  }
0x6a: {  	_ =	shalt  }
0x6b: {  	_ =	shalt  }
0x6c: {  	_ =	shalt  }
0x6d: {  	_ =	shalt  }
0x6e: {  	_ =	shalt  }
0x6f: {  	_ =	shalt  }
0x70: {  	_ =	shalt  }
0x71: {  	_ =	shalt  }
0x72: {  	_ =	shalt  }
0x73: {  	_ =	shalt  }
0x74: {  	_ =	shalt  }
0x75: {  	_ =	shalt  }
0x76: {  	_ =	shalt  }
0x77: {  	_ =	shalt  }
0x78: {  	_ =	shalt  }
0x79: {  	_ =	shalt  }
0x7a: {  	_ =	shalt  }
0x7b: {  	_ =	shalt  }
0x7c: {  	_ =	shalt  }
0x7d: {  	_ =	shalt  }
0x7e: {  	_ =	shalt  }
0x7f: {  	_ =	shalt  }
0x80: {  	_ =	shalt  }
0x81: {  	_ =	shalt  }
0x82: {  	_ =	shalt  }
0x83: {  	_ =	shalt  }
0x84: {  	_ =	shalt  }
0x85: {  	_ =	shalt  }
0x86: {  	_ =	shalt  }
0x87: {  	_ =	shalt  }
.Lfunc_end0:
.L_simem_size_0:
called_computation.1_lowered:
.L_overlay_start_0:
0x88: {  	s2 =	sld [smem:$0x3FD9]  }
0x89: {  	s3 =	sld [smem:$0x3FFE];
	_ =	sdelay $0x1  }
0x8a: {  	s1 =	srdreg.scid  }
0x8b: {  	s0 =	sand.u32 $0x1, s1  }
0x8c: {  	s14 =	sshll.u32 s0, $0xA;
	s2 =	sadd.s32 s3, s2  }
0x8d: {  	s2 =	sadd.s32 s2, s14  }
0x8e: {  	[smem:$0x3FBF] =	sst s2  }
0x8f: {  	_ = 	snop  }
0x90: {  	s2 =	sld [smem:$0x3FD0];
	_ =	sdelay $0x2  }
0x91: {  	s15 =	simm.s32 $0xA;
	s4 =	simm.s32 $0x10  }
0x92: {  	[smem:s4], [sflag:s15] =	dma.local [hbm:s2], $0x1  }
0x93: {  	_ =	swait.eq [sflag:s15], $0x1  }
0x94: {  	[sflag:s15] =	ssyncset.done $0x0  }
0x95: {  	s16 =	sld [smem:$0x11];
	[sflag:s15] =	ssyncadd.s32 $0xFFFFFFFF  }
0x96: {  	s17 =	sld [smem:$0x14];
	(tm) =	ssettm $0x1  }
0x97: {  	s18 =	sld [smem:$0x3FFB];
	_ =	sdelay $0x3  }
0x98: {  	_ =	strace s18  }
0x99: {  	s4 =	sld [smem:$0x3FFC];
	_ =	sdelay $0x3  }
0x9a: {  	_ =	strace s4  }
0x9b: {  	s4 =	sld [smem:$0x3FFD];
	_ =	sdelay $0x3  }
0x9c: {  	_ =	strace s4  }
0x9d: {  	_ =	strace $0x8FFFFFFF  }
0x9e: {  	s19 =	sld [smem:$0x3FDB];
	_ =	sdelay $0x1  }
0x9f: {  	s5 =	simm.s32 $_scs_section_size  }
0xa0: {  	s6 =	simm.s32 $_size__tile_overlayer_lowered;
	s7 =	simm.s32 $_tile_overlayer_lowered  }
0xa1: {  	s22 =	simm.s32 $0x1BFF;
	s21 =	sshll.u32 s7, $0x1;
	s4 =	sadd.s32 s5, s19  }
0xa2: {  	s8 =	simm.s32 $0x0;
	s20 =	sshll.u32 s6, $0x1;
	s6 =	sadd.s32 s21, s4  }
0xa3: {  	[timem:s8], [sflag:s22] =	dma.local [hbm:s6], s20  }
0xa4: {  	_ =	swait.ge [sflag:s22], s20  }
0xa5: {  	s5 =	ssub.s32 $0x0, s20;
	[sflag:s22] =	ssyncset.done $0x0  }
0xa6: {  	[sflag:s22] =	ssyncadd.s32 s5;
	_ =	sdelay $0x1  }
0xa7: {  	s23 =	simm.s32 $0x1B8B  }
0xa8: {  	_ =	swait.ge [sflag:s23], $0x1  }
0xa9: {  	[sflag:s23] =	ssyncset.done $0x0  }
0xaa: {  	s25 =	simm.s32 $0x1B8E;
	s24 =	sld [smem:$0x3FFE];
	[sflag:s23] =	ssyncadd.s32 $0xFFFFFFFF  }
0xab: {  	s26 =	simm.s32 $execute0_lowered;
	[smem:$0x3FD2] =	sst s25  }
0xac: {  	s6 =	sshll.u32 s26, $0x1;
	_ =	strace $0x80000049;
	[dreg:$0x1] =	wrdreg $0xFFFFFFFF  }
0xad: {  	s28 =	simm.s32 $_size_execute0_lowered;
	s4 =	sadd.s32 s4, s6;
	[dreg:$0x0] =	wrdreg $0x0  }
0xae: {  	s6 =	sshll.u32 s28, $0x1;
	[dreg:$0x2] =	wrdreg s4  }
0xaf: {  	[dreg:$0x3] =	wrdreg s6  }
0xb0: {  	[dreg:$0x4] =	wrdreg $0xC0  }
0xb1: {  	_ =	task [dreg:s8], $0x5FFFF  }
0xb2: {  	[dreg:$0x1] =	wrdreg $0xFFFFFFFF  }
0xb3: {  	[dreg:$0x0] =	wrdreg $0x60  }
0xb4: {  	[dreg:$0x2] =	wrdreg s24  }
0xb5: {  	[dreg:$0x3] =	wrdreg s17  }
0xb6: {  	[dreg:$0x4] =	wrdreg s16  }
0xb7: {  	[dreg:$0x5] =	wrdreg $0x9  }
0xb8: {  	_ =	task.clear_ibuf [dreg:s8], $0x6FFFF;
	_ =	strace $0x90000049  }
0xb9: {  	s29 =	simm.s32 $0x9;
	_ =	strace $0x8000004B  }
0xba: {  	_ =	swait.ge [sflag:s29], $0x1  }
0xbb: {  	[sflag:s29] =	ssyncadd.s32 $0xFFFFFFFF  }
0xbc: {  	_ =	strace $0x9000004B  }
0xbd: {  	_ =	sfence  }
0xbe: {  	s30 =	sld [smem:$0x0];
	_ =	sdelay $0x2  }
0xbf: {  	s31 =	sshll.u32 s1, $0xD;
	s1 =	sshrl.u32 s1, $0x2  }
0xc0: {  	s3 =	sand.u32 $0x4000, s31;
	s1 =	sadd.s32 s1, s30  }
0xc1: {  	s0 =	sor.u32 s3, s0;
	s1 =	sshll.u32 s1, $0x11  }
0xc2: {  	s0 =	sor.u32 s1, s0  }
0xc3: {  	s0 =	sadd.s32 $0x8F2B, s0  }
0xc4: {  	[sflag:s0] =	ssyncadd.remote.s32 $0x1  }
0xc5: {  	_ =	sfence.sel $0xFFFF  }
0xc6: {  	[dreg:$0x0] =	wrdreg $0xFFFFFFFF;
	(pc) =	sbr.abs _section_cstart, $3  }
0xc7: {  	[dreg:$0x1] =	wrdreg $0xFFFFFFFF  }
0xc8: {  	_ =	task.clear_ibuf [dreg:s8], $0x2FFFF;
	_ =	strace $0x9FFFFFFF  }
0xc9: {  	(tm) =	ssettm $0x7FFFFFFF  }
tec
execute0_lowered:
.L_overlay_start_1:
0x0: {  	(tag) =	ssettag $0x1  }
0x1: {  	s6 =	rddreg [dreg:$0x0]  }
0x2: {  	s2 =	rddreg [dreg:$0x1]  }
0x3: {  	s8 =	rddreg [dreg:$0x2]  }
0x4: {  	s0 =	rddreg [dreg:$0x3]  }
0x5: {  	s4 =	srdreg.scid;
	s1 =	stileid.u32;
	s3 =	simm.s32 $0x0  }
0x6: {  	s14 =	simm.s32 $0x7800;
	s15 =	simm.s32 $0xA000;
	s16 =	simm.s32 $0xF100  }
0x7: {  	s17 =	simm.s32 $0x0;
	s7 =	sand.u32 $0x1, s4;
	s30 =	sshll.u32 s1, $0x1  }
0x8: {  	[smem:$0x7FF] =	sst s3;
	s4 =	sadd.s32 $0x29E00, s6;
	s13 =	smul.u32 $0x5100, s1  }
0x9: {  	s5 =	sor.u32 s7, s30;
	s10 =	ssub.s32 $0x2, s7;
	s31 =	smul.u32 $0x2880, s7  }
0xa: {  	_ =	strace $0x8000004A;
	s9 =	smul.u32 $0xA20, s5;
	s12 =	sshrl.u32 s10, $0x1  }
0xb: {  	s11 =	smul.u32 $0x510, s5;
	s5 =	sadd.s32 $0x29800, s6;
	s10 =	ssub.s32 s10, s12  }
0xc: {  	s12 =	simm.s32 $0x2800;
	s9 =	sadd.s32 s9, s6;
	s6 =	sadd.s32 $0x500, s2  }
0xd: {  	s8 =	sadd.s32 s8, s11;
	s11 =	simm.s32 $0x1;
	s7 =	sadd.s32 $0x2A400, s9  }
0xe: {  	s9 =	smax.u32 s10, $0x1;
	s10 =	sadd.s32 s31, s13;
	s13 =	simm.s32 $0x5000  }
.LBB2_1:
0xf: {  	[tilespmem:s3], [sflag:$0x1] =	stream.linear.gather [hbm4b:s4+s3], $0x2800, $0x38;
	[tilespmem:$0x11980] =	vst v63  }
0x10: {  	_ =	swait.ge [sflag:s11], $0x2800  }
0x11: {  	[sflag:s11] =	ssyncset.done $0x0  }
0x12: {  	[sflag:s11] =	ssyncadd.s32 $0xFFFFD800  }
0x13: {  	[tilespmem:s12], [sflag:$0x1] =	stream.linear.gather [hbm4b:s5+s3], $0x2800, $0x38;
	[tilespmem:$0x11980] =	vst v63  }
0x14: {  	_ =	swait.ge [sflag:s11], $0x2800  }
0x15: {  	[sflag:s11] =	ssyncset.done $0x0  }
0x16: {  	[sflag:s11] =	ssyncadd.s32 $0xFFFFD800  }
0x17: {  	[tilespmem:s13], [sflag:$0x1] =	stream.linear.gather [hbm4b:s2+s3], $0x2800, $0x38;
	[tilespmem:$0x11980] =	vst v63  }
0x18: {  	_ =	swait.ge [sflag:s11], $0x2800  }
0x19: {  	[sflag:s11] =	ssyncset.done $0x0  }
0x1a: {  	[sflag:s11] =	ssyncadd.s32 $0xFFFFD800  }
0x1b: {  	[tilespmem:s14], [sflag:$0x1] =	stream.linear.gather [hbm4b:s6+s3], $0x2800, $0x38;
	[tilespmem:$0x11980] =	vst v63  }
0x1c: {  	_ =	swait.ge [sflag:s11], $0x2800  }
0x1d: {  	[sflag:s11] =	ssyncset.done $0x0  }
0x1e: {  	[sflag:s11] =	ssyncadd.s32 $0xFFFFD800  }
0x1f: {  	[tilespmem:s15], [sflag:$0x1] =	stream.linear.gather [hbm4b:s7+s3], $0x5100, $0x38;
	[tilespmem:$0x11980] =	vst v63  }
0x20: {  	_ =	swait.ge [sflag:s11], $0x5100  }
0x21: {  	[sflag:s11] =	ssyncset.done $0x0  }
0x22: {  	s18 =	simm.s32 $0x0;
	[sflag:s11] =	ssyncadd.s32 $0xFFFFAF00  }
0x23: {  	s19 =	simm.s32 $0x40;
	v0 =	vld [tilespmem:s18+$0x7800]  }
.LBB2_2:
0x24: {  	p0 =	sne.s32 s19, $0x9FC0;
	v1 =	vld [tilespmem:s18+$0x5000];
	_ =	sdelay $0x2  }
.Ltmp0:
0x25: {  	(pc) =	sbr.rel @p0 .LBB2_2-.Ltmp0, $4  }
0x26: {  	_ = 	snop  }
0x27: {  	v1 =	vadd.f32 v0, v1  }
0x28: {  	s20 =	sshra.s32 s19, $0x2  }
0x29: {  	s19 =	sadd.s32 $0x40, s19;
	v0 =	vld [tilespmem:s20+$0x7800];
	[tilespmem:s18+$0x5000] =	vst v1;
	s18 =	smov.u32 s20  }
0x2a: {  	v1 =	vld [tilespmem:s18+$0x5000];
	_ =	sdelay $0x4  }
0x2b: {  	v0 =	vadd.f32 v0, v1;
	_ =	sdelay $0x1  }
0x2c: {  	s19 =	simm.s32 $0xA080;
	s20 =	simm.s32 $0xF140;
	[tilespmem:s18+$0x5000] =	vst v0;
	s18 =	simm.s32 $0x0  }
.LBB2_4:
0x2d: {  	v0 =	vld [tilespmem:s19+$0xFFFFFF80]  }
0x2e: {  	v1 =	vld [tilespmem:s19+$0x0];
	_ =	sdelay $0x6  }
0x2f: {  	v0 =	vld.idx.msk [tilespmem:v0+s3+$0x0], $0xffff  }
0x30: {  	v2 =	vld.idx.msk [tilespmem:v1+s12+$0x0], $0xffff;
	_ =	sdelay $0x4  }
0x31: {  	v0 =	vadd.f32 v2, v0  }
0x32: {  	v1 =	vld.idx.msk [tilespmem:v1+s13+$0x0], $0xffff  }
0x33: {  	v2 =	vmul.f32 $2.000000030e-01, v0  }
0x34: {  	vm0 =	vge.f32 v0, $0.0e+00  }
0x35: {  	v0 =	vsel vm0, v0, v2  }
0x36: {  	v0 =	vmul.f32 $1.442695020e+00, v0  }
0x37: {  	v1 =	vadd.f32 $1.000000020e-16, v1  }
0x38: {  	(erf) = vpow2.f32 v0  }
0x39: {  	(erf) = vrcp.f32 v1;
	_ =	sdelay $0x6  }
0x3a: {  	s21 =	sadd.s32 s18, s10  }
0x3b: {  	p0 =	slt.u32 s21, $0x50910;
	v0 =	vpop (erf)  }
0x3c: {  	v0 =	vpsel !p0, $0x0, v0;
	v1 =	vpop (erf)  }
0x3d: {  	v0 =	vmul.f32 v0, v1;
	_ =	sdelay $0x1  }
0x3e: {  	[tilespmem:s20+$0xFFFFFFC0] =	vst v0  }
0x3f: {  	v0 =	vld [tilespmem:s19+$0xFFFFFF90]  }
0x40: {  	v50 =	vld [tilespmem:s19+$0x10];
	_ =	sdelay $0x6  }
0x41: {  	v0 =	vld.idx.msk [tilespmem:v0+s3+$0x0], $0xffff  }
0x42: {  	v51 =	vld.idx.msk [tilespmem:v50+s12+$0x0], $0xffff;
	_ =	sdelay $0x4  }
0x43: {  	v0 =	vadd.f32 v51, v0  }
0x44: {  	v1 =	vld.idx.msk [tilespmem:v50+s13+$0x0], $0xffff  }
0x45: {  	v2 =	vmul.f32 $2.000000030e-01, v0  }
0x46: {  	vm9 =	vge.f32 v0, $0.0e+00  }
0x47: {  	v0 =	vsel vm9, v0, v2  }
0x48: {  	v0 =	vmul.f32 $1.442695020e+00, v0  }
0x49: {  	v1 =	vadd.f32 $1.000000020e-16, v1  }
0x4a: {  	(erf) = vpow2.f32 v0  }
0x4b: {  	(erf) = vrcp.f32 v1;
	_ =	sdelay $0x6  }
0x4c: {  	s22 =	sadd.s32 $0x10, s21  }
0x4d: {  	p6 =	slt.u32 s22, $0x50910;
	v0 =	vpop (erf)  }
0x4e: {  	v0 =	vpsel !p6, $0x0, v0;
	v1 =	vpop (erf)  }
0x4f: {  	v0 =	vmul.f32 v0, v1;
	_ =	sdelay $0x1  }
0x50: {  	[tilespmem:s20+$0xFFFFFFD0] =	vst v0  }
0x51: {  	v0 =	vld [tilespmem:s19+$0xFFFFFFA0]  }
0x52: {  	v52 =	vld [tilespmem:s19+$0x20];
	_ =	sdelay $0x6  }
0x53: {  	v0 =	vld.idx.msk [tilespmem:v0+s3+$0x0], $0xffff  }
0x54: {  	v53 =	vld.idx.msk [tilespmem:v52+s12+$0x0], $0xffff;
	_ =	sdelay $0x4  }
0x55: {  	v0 =	vadd.f32 v53, v0  }
0x56: {  	v1 =	vld.idx.msk [tilespmem:v52+s13+$0x0], $0xffff  }
0x57: {  	v2 =	vmul.f32 $2.000000030e-01, v0  }
0x58: {  	vm10 =	vge.f32 v0, $0.0e+00  }
0x59: {  	v0 =	vsel vm10, v0, v2  }
0x5a: {  	v0 =	vmul.f32 $1.442695020e+00, v0  }
0x5b: {  	v1 =	vadd.f32 $1.000000020e-16, v1  }
0x5c: {  	(erf) = vpow2.f32 v0  }
0x5d: {  	(erf) = vrcp.f32 v1;
	_ =	sdelay $0x6  }
0x5e: {  	s26 =	sadd.s32 $0x20, s21  }
0x5f: {  	p1 =	slt.u32 s26, $0x50910;
	v0 =	vpop (erf)  }
0x60: {  	v0 =	vpsel !p1, $0x0, v0;
	v1 =	vpop (erf)  }
0x61: {  	v0 =	vmul.f32 v0, v1;
	_ =	sdelay $0x1  }
0x62: {  	[tilespmem:s20+$0xFFFFFFE0] =	vst v0  }
0x63: {  	v0 =	vld [tilespmem:s19+$0xFFFFFFB0]  }
0x64: {  	v54 =	vld [tilespmem:s19+$0x30];
	_ =	sdelay $0x6  }
0x65: {  	v0 =	vld.idx.msk [tilespmem:v0+s3+$0x0], $0xffff  }
0x66: {  	v55 =	vld.idx.msk [tilespmem:v54+s12+$0x0], $0xffff;
	_ =	sdelay $0x4  }
0x67: {  	v0 =	vadd.f32 v55, v0  }
0x68: {  	v1 =	vld.idx.msk [tilespmem:v54+s13+$0x0], $0xffff  }
0x69: {  	v2 =	vmul.f32 $2.000000030e-01, v0  }
0x6a: {  	vm11 =	vge.f32 v0, $0.0e+00  }
0x6b: {  	v0 =	vsel vm11, v0, v2  }
0x6c: {  	v0 =	vmul.f32 $1.442695020e+00, v0  }
0x6d: {  	v1 =	vadd.f32 $1.000000020e-16, v1  }
0x6e: {  	(erf) = vpow2.f32 v0  }
0x6f: {  	(erf) = vrcp.f32 v1;
	_ =	sdelay $0x6  }
0x70: {  	s28 =	sadd.s32 $0x30, s21  }
0x71: {  	p2 =	slt.u32 s28, $0x50910;
	v0 =	vpop (erf)  }
0x72: {  	v0 =	vpsel !p2, $0x0, v0;
	v1 =	vpop (erf)  }
0x73: {  	v0 =	vmul.f32 v0, v1;
	_ =	sdelay $0x1  }
0x74: {  	[tilespmem:s20+$0xFFFFFFF0] =	vst v0  }
0x75: {  	v0 =	vld [tilespmem:s19+$0xFFFFFFC0]  }
0x76: {  	v56 =	vld [tilespmem:s19+$0x40];
	_ =	sdelay $0x6  }
0x77: {  	v0 =	vld.idx.msk [tilespmem:v0+s3+$0x0], $0xffff  }
0x78: {  	v57 =	vld.idx.msk [tilespmem:v56+s12+$0x0], $0xffff;
	_ =	sdelay $0x4  }
0x79: {  	v0 =	vadd.f32 v57, v0  }
0x7a: {  	v1 =	vld.idx.msk [tilespmem:v56+s13+$0x0], $0xffff  }
0x7b: {  	v2 =	vmul.f32 $2.000000030e-01, v0  }
0x7c: {  	vm12 =	vge.f32 v0, $0.0e+00  }
0x7d: {  	v0 =	vsel vm12, v0, v2  }
0x7e: {  	v0 =	vmul.f32 $1.442695020e+00, v0  }
0x7f: {  	v1 =	vadd.f32 $1.000000020e-16, v1  }
0x80: {  	(erf) = vpow2.f32 v0  }
0x81: {  	(erf) = vrcp.f32 v1;
	_ =	sdelay $0x6  }
0x82: {  	s29 =	sadd.s32 $0x40, s21  }
0x83: {  	p3 =	slt.u32 s29, $0x50910;
	v0 =	vpop (erf)  }
0x84: {  	v0 =	vpsel !p3, $0x0, v0;
	v1 =	vpop (erf)  }
0x85: {  	v0 =	vmul.f32 v0, v1;
	_ =	sdelay $0x1  }
0x86: {  	[tilespmem:s20+$0x0] =	vst v0  }
0x87: {  	v0 =	vld [tilespmem:s19+$0xFFFFFFD0]  }
0x88: {  	v58 =	vld [tilespmem:s19+$0x50];
	_ =	sdelay $0x6  }
0x89: {  	v0 =	vld.idx.msk [tilespmem:v0+s3+$0x0], $0xffff  }
0x8a: {  	v59 =	vld.idx.msk [tilespmem:v58+s12+$0x0], $0xffff;
	_ =	sdelay $0x4  }
0x8b: {  	v0 =	vadd.f32 v59, v0  }
0x8c: {  	v1 =	vld.idx.msk [tilespmem:v58+s13+$0x0], $0xffff  }
0x8d: {  	v2 =	vmul.f32 $2.000000030e-01, v0  }
0x8e: {  	vm13 =	vge.f32 v0, $0.0e+00  }
0x8f: {  	v0 =	vsel vm13, v0, v2  }
0x90: {  	v0 =	vmul.f32 $1.442695020e+00, v0  }
0x91: {  	v1 =	vadd.f32 $1.000000020e-16, v1  }
0x92: {  	(erf) = vpow2.f32 v0  }
0x93: {  	(erf) = vrcp.f32 v1;
	_ =	sdelay $0x6  }
0x94: {  	s30 =	sadd.s32 $0x50, s21  }
0x95: {  	p4 =	slt.u32 s30, $0x50910;
	v0 =	vpop (erf)  }
0x96: {  	v0 =	vpsel !p4, $0x0, v0;
	v1 =	vpop (erf)  }
0x97: {  	v0 =	vmul.f32 v0, v1;
	_ =	sdelay $0x1  }
0x98: {  	[tilespmem:s20+$0x10] =	vst v0  }
0x99: {  	v0 =	vld [tilespmem:s19+$0xFFFFFFE0]  }
0x9a: {  	v60 =	vld [tilespmem:s19+$0x60];
	_ =	sdelay $0x6  }
0x9b: {  	v0 =	vld.idx.msk [tilespmem:v0+s3+$0x0], $0xffff  }
0x9c: {  	v61 =	vld.idx.msk [tilespmem:v60+s12+$0x0], $0xffff;
	_ =	sdelay $0x4  }
0x9d: {  	v0 =	vadd.f32 v61, v0  }
0x9e: {  	v1 =	vld.idx.msk [tilespmem:v60+s13+$0x0], $0xffff  }
0x9f: {  	v2 =	vmul.f32 $2.000000030e-01, v0  }
0xa0: {  	vm14 =	vge.f32 v0, $0.0e+00  }
0xa1: {  	v0 =	vsel vm14, v0, v2  }
0xa2: {  	v0 =	vmul.f32 $1.442695020e+00, v0  }
0xa3: {  	v1 =	vadd.f32 $1.000000020e-16, v1  }
0xa4: {  	(erf) = vpow2.f32 v0  }
0xa5: {  	(erf) = vrcp.f32 v1;
	_ =	sdelay $0x6  }
0xa6: {  	s31 =	sadd.s32 $0x60, s21  }
0xa7: {  	p5 =	slt.u32 s31, $0x50910;
	v0 =	vpop (erf)  }
0xa8: {  	v0 =	vpsel !p5, $0x0, v0;
	v1 =	vpop (erf)  }
0xa9: {  	v0 =	vmul.f32 v0, v1;
	_ =	sdelay $0x1  }
0xaa: {  	[tilespmem:s20+$0x20] =	vst v0  }
0xab: {  	v0 =	vld [tilespmem:s19+$0xFFFFFFF0]  }
0xac: {  	v62 =	vld [tilespmem:s19+$0x70];
	_ =	sdelay $0x6  }
0xad: {  	v0 =	vld.idx.msk [tilespmem:v0+s3+$0x0], $0xffff  }
0xae: {  	v63 =	vld.idx.msk [tilespmem:v62+s12+$0x0], $0xffff;
	_ =	sdelay $0x4  }
0xaf: {  	v0 =	vadd.f32 v63, v0  }
0xb0: {  	v1 =	vld.idx.msk [tilespmem:v62+s13+$0x0], $0xffff  }
0xb1: {  	v2 =	vmul.f32 $2.000000030e-01, v0  }
0xb2: {  	vm15 =	vge.f32 v0, $0.0e+00  }
0xb3: {  	v0 =	vsel vm15, v0, v2  }
0xb4: {  	v0 =	vmul.f32 $1.442695020e+00, v0  }
0xb5: {  	v1 =	vadd.f32 $1.000000020e-16, v1  }
0xb6: {  	(erf) = vpow2.f32 v0  }
0xb7: {  	(erf) = vrcp.f32 v1;
	_ =	sdelay $0x6  }
0xb8: {  	s21 =	sadd.s32 $0x70, s21;
	p0 =	sne.s32 s18, $0x2800  }
.Ltmp1:
0xb9: {  	p6 =	slt.u32 s21, $0x50910;
	v0 =	vpop (erf);
	(pc) =	sbr.rel @p0 .LBB2_4-.Ltmp1, $3  }
0xba: {  	v0 =	vpsel !p6, $0x0, v0;
	v1 =	vpop (erf)  }
0xbb: {  	v0 =	vmul.f32 v0, v1;
	_ =	sdelay $0x1  }
0xbc: {  	s18 =	sadd.s32 $0x80, s18;
	s19 =	sadd.s32 $0x100, s19;
	[tilespmem:s20+$0x30] =	vst v0;
	s20 =	sadd.s32 $0x80, s20  }
0xbd: {  	s17 =	sadd.s32 $0x1, s17  }
0xbe: {  	p0 =	sne.s32 s17, s9  }
.Ltmp2:
0xbf: {  	_ = 	snop;
	(pc) =	sbr.rel @p0 .LBB2_1-.Ltmp2, $4  }
0xc0: {  	[hbm4b:s8+s3] =	stream.linear.scatter [tilespmem:s16], [sflag:$0x1], $0x2880, $0x38;
	[tilespmem:$0x11980] =	vst v63  }
0xc1: {  	_ =	swait.ge [sflag:s11], $0x2880  }
0xc2: {  	[sflag:s11] =	ssyncset.done $0x0  }
0xc3: {  	[sflag:s11] =	ssyncadd.s32 $0xFFFFD780  }
0xc4: {  	_ =	sfence.sel $0x180000  }
0xc5: {  	[bflag:$0x0] =	sbarrier.arrive $0xFFFF  }
0xc6: {  	p0 =	sne.s32 s1, $0x0;
	_ =	strace $0x9000004A  }
0xc7: {  	s0 =	sadd.s32 @!p0 $0x100000, s0;
	[bflag:$0x2] =	sbarrier.arrive $0xFFFF  }
0xc8: {  	[sflag:s0] =	ssyncadd.tile.s32 @!p0 $0x1;
	_ =	shalt  }
.Lfunc_end2:
_tile_overlayer_lowered:
.L_overlay_start_2:
0xc9: {  	(tag) =	ssettag $0x2  }
0xca: {  	s0 =	rddreg [dreg:$0x0];
	s2 =	stileid.u32  }
0xcb: {  	s1 =	rddreg [dreg:$0x1];
	p0 =	sne.s32 s2, $0x0  }
0xcc: {  	s3 =	rddreg [dreg:$0x2];
	[bflag:$0x3] =	sbarrier.arrive $0xFFFF;
	s2 =	simm.s32 @!p0 $0x1C01  }
0xcd: {  	[timem:s3], [sflag:s2] =	dma.local @!p0 [hbm:s0], s1  }
0xce: {  	s0 =	simm.s32 @!p0 $0x1  }
0xcf: {  	_ =	swait.ge @!p0 [sflag:s0], s1  }
0xd0: {  	s1 =	ssub.s32 @!p0 $0x0, s1;
	[sflag:s0] =	ssyncset.done @!p0 $0x0  }
0xd1: {  	[sflag:s0] =	ssyncadd.s32 @!p0 s1  }
0xd2: {  	[bflag:$0x3] =	sbarrier.arrive $0xFFFF  }
0xd3: {  	_ =	shalt  }

</sc_bundles>
